<compile_context>
chip_gen: v7x
topology: tpu7x:2x2x1
jax: 0.10.2.dev20260603
libtpu: 0.0.44.dev20260713+nightly
codegen_flags: <defaults>
</compile_context>

<pallas_src>
import functools

import jax
import jax.numpy as jnp
from jax.experimental import pallas as pl
from jax.experimental.pallas import tpu as pltpu
from jax.experimental.pallas import tpu_sc as plsc

N = 10000
E = 320000
D = 128
H = 4
R = 64
B = 1024

NC = 2
NS = 16
NW = NC * NS

EPW = E // NW
KE = 80
NCH_E = EPW // KE

KN = 80
NCH_N = N // KN
BPT = B // NS

_mesh = plsc.VectorSubcoreMesh(
    core_axis_name="c", subcore_axis_name="s", num_cores=NC, num_subcores=NS
)


def _worker_id():
    return jax.lax.axis_index("s") * NC + jax.lax.axis_index("c")


def _zero_buf(zbuf, rows):
    def body(i, _):
        for j in range(D // 16):
            zbuf[i, pl.ds(j * 16, 16)] = jnp.zeros((16,), jnp.float32)
        return 0
    jax.lax.fori_loop(0, rows, body, 0)


@functools.partial(
    pl.kernel,
    out_type=jax.ShapeDtypeStruct((N, D), jnp.float32),
    mesh=_mesh,
    scratch_types=[
        pltpu.VMEM((KN,), jnp.int32),
        pltpu.VMEM((KN, D), jnp.float32),
    ],
)
def _gather_x(ent_hbm, nidx_hbm, x_hbm, idx_v, rows_v):
    w = _worker_id()

    def chunk(k, _):
        ci = w + NW * k

        @pl.when(ci < NCH_N)
        def _():
            r0 = ci * KN
            pltpu.sync_copy(nidx_hbm.at[pl.ds(r0, KN)], idx_v)
            pltpu.sync_copy(ent_hbm.at[idx_v], rows_v)
            pltpu.sync_copy(rows_v, x_hbm.at[pl.ds(r0, KN)])
        return 0

    jax.lax.fori_loop(0, (NCH_N + NW - 1) // NW, chunk, 0)


def _make_edge_pass(hp_count):
    @functools.partial(
        pl.kernel,
        out_type=jax.ShapeDtypeStruct((hp_count, NC, N, D), jnp.float32),
        mesh=_mesh,
        scratch_types=[
            pltpu.VMEM((KE,), jnp.int32),
            pltpu.VMEM((KE,), jnp.int32),
            pltpu.VMEM((KE,), jnp.int32),
            pltpu.VMEM((KE, D), jnp.float32),
            pltpu.VMEM((KE, D), jnp.float32),
            pltpu.VMEM((KN, D), jnp.float32),
            pltpu.VMEM_SHARED((N, D), jnp.float32),
            pltpu.VMEM_SHARED((R, D), jnp.float32),
        ],
    )
    def edge_pass(*refs):
        h_hbms = refs[:hp_count]
        src_hbm, dst_hbm, typ_hbm, rel_hbm, out_hbm = refs[hp_count:hp_count + 5]
        (src_v, dst_v, typ_v, rows_v, rel_v, zbuf, agg_sh, rel_sh) = refs[hp_count + 5:]

        cid = jax.lax.axis_index("c")
        sid = jax.lax.axis_index("s")
        w = _worker_id()

        _zero_buf(zbuf, KN)

        @pl.when(sid == 0)
        def _():
            pltpu.sync_copy(rel_hbm, rel_sh)

        for hp in range(hp_count):
            def zero_chunk(k, _):
                ci = sid + NS * k

                @pl.when(ci < NCH_N)
                def _():
                    pltpu.sync_copy(zbuf, agg_sh.at[pl.ds(ci * KN, KN)])
                return 0
            jax.lax.fori_loop(0, (NCH_N + NS - 1) // NS, zero_chunk, 0)
            plsc.subcore_barrier()

            def chunk(ci, _):
                base = w * EPW + ci * KE
                pltpu.sync_copy(src_hbm.at[pl.ds(base, KE)], src_v)
                pltpu.sync_copy(typ_hbm.at[pl.ds(base, KE)], typ_v)
                pltpu.sync_copy(dst_hbm.at[pl.ds(base, KE)], dst_v)
                pltpu.sync_copy(h_hbms[hp].at[src_v], rows_v)
                pltpu.sync_copy(rel_sh.at[typ_v], rel_v)

                def mul(e, _):
                    for j in range(D // 16):
                        sl = pl.ds(j * 16, 16)
                        rows_v[e, sl] = rows_v[e, sl] * rel_v[e, sl]
                    return 0
                jax.lax.fori_loop(0, KE, mul, 0)

                pltpu.sync_copy(rows_v, agg_sh.at[dst_v], add=True)
                return 0
            jax.lax.fori_loop(0, NCH_E, chunk, 0)
            plsc.subcore_barrier()

            def out_chunk(k, _):
                ci = sid + NS * k

                @pl.when(ci < NCH_N)
                def _():
                    r0 = ci * KN
                    pltpu.sync_copy(
                        agg_sh.at[pl.ds(r0, KN)], out_hbm.at[hp, cid, pl.ds(r0, KN)]
                    )
                return 0
            jax.lax.fori_loop(0, (NCH_N + NS - 1) // NS, out_chunk, 0)
            plsc.subcore_barrier()

    return edge_pass


_edge_pass_1 = _make_edge_pass(1)
_edge_pass_4 = _make_edge_pass(4)


BN = 1000


def _linear_body(hp_in, p_ref, w_ref, b_ref, o_ref):
    for hp in range(H):
        a = p_ref[min(hp, hp_in - 1), 0] + p_ref[min(hp, hp_in - 1), 1]
        y = jnp.dot(a, w_ref[hp], preferred_element_type=jnp.float32)
        y = y + b_ref[hp][None, :]
        o_ref[hp] = jnp.maximum(y, 0.0)


def _linear(p, w_l, b_l):
    hp_in = p.shape[0]
    return pl.pallas_call(
        functools.partial(_linear_body, hp_in),
        grid=(N // BN,),
        in_specs=[
            pl.BlockSpec((hp_in, NC, BN, D), lambda i: (0, 0, i, 0)),
            pl.BlockSpec((H, D, D), lambda i: (0, 0, 0)),
            pl.BlockSpec((H, D), lambda i: (0, 0)),
        ],
        out_specs=pl.BlockSpec((H, BN, D), lambda i: (0, i, 0)),
        out_shape=jax.ShapeDtypeStruct((H, N, D), jnp.float32),
    )(p, w_l, b_l)


@functools.partial(
    pl.kernel,
    out_type=jax.ShapeDtypeStruct((H, NC, B, D), jnp.float32),
    mesh=_mesh,
    scratch_types=[
        pltpu.VMEM((KN,), jnp.int32),
        pltpu.VMEM((KN, D), jnp.float32),
        pltpu.VMEM((BPT, D), jnp.float32),
        pltpu.VMEM_SHARED((B, D), jnp.float32),
    ],
)
def _readout(h0, h1, h2, h3, bidx_hbm, out_hbm, idx_v, rows_v, zbuf, acc_sh):
    h_hbms = (h0, h1, h2, h3)
    cid = jax.lax.axis_index("c")
    sid = jax.lax.axis_index("s")
    w = _worker_id()

    _zero_buf(zbuf, BPT)

    for hp in range(H):
        pltpu.sync_copy(zbuf, acc_sh.at[pl.ds(sid * BPT, BPT)])
        plsc.subcore_barrier()

        def chunk(k, _):
            ci = w + NW * k

            @pl.when(ci < NCH_N)
            def _():
                r0 = ci * KN
                pltpu.sync_copy(h_hbms[hp].at[pl.ds(r0, KN)], rows_v)
                pltpu.sync_copy(bidx_hbm.at[pl.ds(r0, KN)], idx_v)
                pltpu.sync_copy(rows_v, acc_sh.at[idx_v], add=True)
            return 0
        jax.lax.fori_loop(0, (NCH_N + NW - 1) // NW, chunk, 0)
        plsc.subcore_barrier()

        pltpu.sync_copy(
            acc_sh.at[pl.ds(sid * BPT, BPT)],
            out_hbm.at[hp, cid, pl.ds(sid * BPT, BPT)],
        )
        plsc.subcore_barrier()


def kernel(ent_table, rel_table, W, b, node_idx, edge_index, edge_type, batch_idx):
    node_idx = node_idx.astype(jnp.int32)
    src = edge_index[0].astype(jnp.int32)
    dst = edge_index[1].astype(jnp.int32)
    edge_type = edge_type.astype(jnp.int32)
    batch_idx = batch_idx.astype(jnp.int32)

    x = _gather_x(ent_table, node_idx)

    p0 = _edge_pass_1(x, src, dst, edge_type, rel_table)
    h1 = _linear(p0, W[:, 0], b[:, 0])

    p1 = _edge_pass_4(h1[0], h1[1], h1[2], h1[3], src, dst, edge_type, rel_table)
    h2 = _linear(p1, W[:, 1], b[:, 1])

    ro = _readout(h2[0], h2[1], h2[2], h2[3], batch_idx)
    out = ro.sum(axis=1)
    return jnp.transpose(out, (1, 0, 2)).reshape(B, H * D)

# --- scband reference (transcript-rebuilt; emitter-appended) ---
"""Pipeline reference for scband-meta-model-5832565588115 (READ-ONLY COPY).

The authoritative reference and input builder live on the scoring server;
editing this copy changes nothing except your own understanding.
"""

import jax, jax.numpy as jnp
import numpy as np

N = 10000   # num nodes
E = 320000  # num edges
D = 128     # embed_dim
H = 4       # num_hyperplanes (submodels)
L = 2       # gcn_layers
R = 64      # num relation types
B = 1024    # batch of queries (graphs) for readout


def setup_inputs(seed: int = 0) -> dict:
    key = jax.random.key(seed)
    ks = jax.random.split(key, 8)
    ent_table = jax.random.normal(ks[0], (N + 1, D), dtype=jnp.float32) * (1.0 / D)
    rel_table = jax.random.normal(ks[1], (R, D), dtype=jnp.float32) * (1.0 / D)
    W = jax.random.normal(ks[2], (H, L, D, D), dtype=jnp.float32) * 0.05
    b = jax.random.normal(ks[3], (H, L, D), dtype=jnp.float32) * 0.05
    node_idx = jax.random.randint(ks[4], (N,), 0, N + 1)
    edge_index = jax.random.randint(ks[5], (2, E), 0, N)
    edge_type = jax.random.randint(ks[6], (E,), 0, R)
    batch_idx = jnp.sort(jax.random.randint(ks[7], (N,), 0, B))
    return {
        "ent_table": ent_table,
        "rel_table": rel_table,
        "W": W,
        "b": b,
        "node_idx": node_idx,
        "edge_index": edge_index,
        "edge_type": edge_type,
        "batch_idx": batch_idx,
    }


def reference(ent_table, rel_table, W, b, node_idx, edge_index, edge_type, batch_idx):
    # embed_ents: entity embedding lookup (node_maps indirection folded into node_idx)
    x = jnp.take(ent_table, node_idx, axis=0)  # [N, D]
    src = edge_index[0]
    dst = edge_index[1]
    # embed_rels: relation embedding lookup per edge
    rel_e = jnp.take(rel_table, edge_type, axis=0)  # [E, D]
    outs = []
    for hp in range(H):  # num_hyperplanes independent GCN submodels
        h = x
        for l in range(L):  # gcn_layers of CompGCN-style message passing
            msg = jnp.take(h, src, axis=0) * rel_e            # opn='mult' composition
            agg = jax.ops.segment_sum(msg, dst, num_segments=N)  # scatter-add to dst
            h = jax.nn.relu(agg @ W[hp, l] + b[hp, l])           # linear + bias
        # readout='sum': per-query-graph sum pooling
        readout = jax.ops.segment_sum(h, batch_idx, num_segments=B)  # [B, D]
        outs.append(readout)
    # torch.cat([gcn(data) for gcn in self.submodels], dim=1)
    return jnp.concatenate(outs, axis=1)  # [B, H*D]

if __name__ == "__main__":
    import jax
    _d = setup_inputs()
    print(jax.jit(kernel)(*tuple(_d.values())))

</pallas_src>

<mosaic_0001>
#map = affine_map<(d0, d1) -> (0, 0)>
#map1 = affine_map<(d0, d1) -> (0)>
#map2 = affine_map<(d0, d1) -> (0, 0, 0, 0)>
module attributes {stable_mosaic.version = 14 : i64} {
  func.func @edge_pass(%arg0: i32, %arg1: i32, %arg2: memref<10000x128xf32, #tpu.memory_space<hbm>>, %arg3: memref<320000xi32, #tpu.memory_space<hbm>>, %arg4: memref<320000xi32, #tpu.memory_space<hbm>>, %arg5: memref<320000xi32, #tpu.memory_space<hbm>>, %arg6: memref<64x128xf32, #tpu.memory_space<hbm>>, %arg7: memref<1x2x10000x128xf32, #tpu.memory_space<hbm>>, %arg8: memref<80xi32, #tpu.memory_space<vmem>>, %arg9: memref<80xi32, #tpu.memory_space<vmem>>, %arg10: memref<80xi32, #tpu.memory_space<vmem>>, %arg11: memref<80x128xf32, #tpu.memory_space<vmem>>, %arg12: memref<80x128xf32, #tpu.memory_space<vmem>>, %arg13: memref<80x128xf32, #tpu.memory_space<vmem>>, %arg14: memref<10000x128xf32, #tpu.memory_space<vmem_shared>>, %arg15: memref<64x128xf32, #tpu.memory_space<vmem_shared>>) attributes {dimension_semantics = [#tpu.dimension_semantics<core_parallel>, #tpu.dimension_semantics<subcore_parallel>], iteration_bounds = array<i64: 2, 16>, scalar_prefetch = 0 : i64, scratch_operands = 8 : i64, tpu.core_type = #tpu.core_type<sc_vector_subcore>, window_params = [{transform_indices = #map}, {transform_indices = #map1}, {transform_indices = #map1}, {transform_indices = #map1}, {transform_indices = #map}, {transform_indices = #map2}]} {
    %mul3A = arith.constant 2 : i32
    %mul3A_0 = arith.muli %arg1, %mul3A : i32
    %add3A = arith.addi %mul3A_0, %arg0 : i32
    %scan3A = arith.constant 0 : i32
    %scan3A_1 = arith.constant 0 : i32
    %scan3A_2 = arith.constant 80 : i32
    %scan3A_3 = arith.addi %scan3A_1, %scan3A_2 : i32
    %scan3A_4 = arith.constant 1 : i32
    %scan3A_5 = scf.for %scan3A_32 = %scan3A_1 to %scan3A_3 step %scan3A_4 iter_args(%scan3A_33 = %scan3A) -> (i32)  : i32 {
      %broadcast_in_dim3A = arith.constant 0.000000e+00 : f32
      %broadcast_in_dim3A_34 = vector.broadcast %broadcast_in_dim3A : f32 to vector<16xf32>
      %swap3A = arith.index_cast %scan3A_32 : i32 to index
      %swap3A_35 = arith.constant 0 : index
      %swap3A_36 = tpu.vector_load %arg13[%swap3A, %swap3A_35] {strides = array<i32>} : memref<80x128xf32, #tpu.memory_space<vmem>>, vector<1x16xf32>,
      %swap3A_37 = vector.shape_cast %swap3A_36 : vector<1x16xf32> to vector<16xf32>
      %swap3A_38 = vector.shape_cast %broadcast_in_dim3A_34 : vector<16xf32> to vector<1x16xf32>
      tpu.vector_store %arg13[%swap3A, %swap3A_35], %swap3A_38 {strides = array<i32>} : memref<80x128xf32, #tpu.memory_space<vmem>>, vector<1x16xf32>,
      %broadcast_in_dim3A_39 = arith.constant 0.000000e+00 : f32
      %broadcast_in_dim3A_40 = vector.broadcast %broadcast_in_dim3A_39 : f32 to vector<16xf32>
      %swap3A_41 = arith.index_cast %scan3A_32 : i32 to index
      %swap3A_42 = arith.constant 16 : index
      %swap3A_43 = tpu.vector_load %arg13[%swap3A_41, %swap3A_42] {strides = array<i32>} : memref<80x128xf32, #tpu.memory_space<vmem>>, vector<1x16xf32>,
      %swap3A_44 = vector.shape_cast %swap3A_43 : vector<1x16xf32> to vector<16xf32>
      %swap3A_45 = vector.shape_cast %broadcast_in_dim3A_40 : vector<16xf32> to vector<1x16xf32>
      tpu.vector_store %arg13[%swap3A_41, %swap3A_42], %swap3A_45 {strides = array<i32>} : memref<80x128xf32, #tpu.memory_space<vmem>>, vector<1x16xf32>,
      %broadcast_in_dim3A_46 = arith.constant 0.000000e+00 : f32
      %broadcast_in_dim3A_47 = vector.broadcast %broadcast_in_dim3A_46 : f32 to vector<16xf32>
      %swap3A_48 = arith.index_cast %scan3A_32 : i32 to index
      %swap3A_49 = arith.constant 32 : index
      %swap3A_50 = tpu.vector_load %arg13[%swap3A_48, %swap3A_49] {strides = array<i32>} : memref<80x128xf32, #tpu.memory_space<vmem>>, vector<1x16xf32>,
      %swap3A_51 = vector.shape_cast %swap3A_50 : vector<1x16xf32> to vector<16xf32>
      %swap3A_52 = vector.shape_cast %broadcast_in_dim3A_47 : vector<16xf32> to vector<1x16xf32>
      tpu.vector_store %arg13[%swap3A_48, %swap3A_49], %swap3A_52 {strides = array<i32>} : memref<80x128xf32, #tpu.memory_space<vmem>>, vector<1x16xf32>,
      %broadcast_in_dim3A_53 = arith.constant 0.000000e+00 : f32
      %broadcast_in_dim3A_54 = vector.broadcast %broadcast_in_dim3A_53 : f32 to vector<16xf32>
      %swap3A_55 = arith.index_cast %scan3A_32 : i32 to index
      %swap3A_56 = arith.constant 48 : index
      %swap3A_57 = tpu.vector_load %arg13[%swap3A_55, %swap3A_56] {strides = array<i32>} : memref<80x128xf32, #tpu.memory_space<vmem>>, vector<1x16xf32>,
      %swap3A_58 = vector.shape_cast %swap3A_57 : vector<1x16xf32> to vector<16xf32>
      %swap3A_59 = vector.shape_cast %broadcast_in_dim3A_54 : vector<16xf32> to vector<1x16xf32>
      tpu.vector_store %arg13[%swap3A_55, %swap3A_56], %swap3A_59 {strides = array<i32>} : memref<80x128xf32, #tpu.memory_space<vmem>>, vector<1x16xf32>,
      %broadcast_in_dim3A_60 = arith.constant 0.000000e+00 : f32
      %broadcast_in_dim3A_61 = vector.broadcast %broadcast_in_dim3A_60 : f32 to vector<16xf32>
      %swap3A_62 = arith.index_cast %scan3A_32 : i32 to index
      %swap3A_63 = arith.constant 64 : index
      %swap3A_64 = tpu.vector_load %arg13[%swap3A_62, %swap3A_63] {strides = array<i32>} : memref<80x128xf32, #tpu.memory_space<vmem>>, vector<1x16xf32>,
      %swap3A_65 = vector.shape_cast %swap3A_64 : vector<1x16xf32> to vector<16xf32>
      %swap3A_66 = vector.shape_cast %broadcast_in_dim3A_61 : vector<16xf32> to vector<1x16xf32>
      tpu.vector_store %arg13[%swap3A_62, %swap3A_63], %swap3A_66 {strides = array<i32>} : memref<80x128xf32, #tpu.memory_space<vmem>>, vector<1x16xf32>,
      %broadcast_in_dim3A_67 = arith.constant 0.000000e+00 : f32
      %broadcast_in_dim3A_68 = vector.broadcast %broadcast_in_dim3A_67 : f32 to vector<16xf32>
      %swap3A_69 = arith.index_cast %scan3A_32 : i32 to index
      %swap3A_70 = arith.constant 80 : index
      %swap3A_71 = tpu.vector_load %arg13[%swap3A_69, %swap3A_70] {strides = array<i32>} : memref<80x128xf32, #tpu.memory_space<vmem>>, vector<1x16xf32>,
      %swap3A_72 = vector.shape_cast %swap3A_71 : vector<1x16xf32> to vector<16xf32>
      %swap3A_73 = vector.shape_cast %broadcast_in_dim3A_68 : vector<16xf32> to vector<1x16xf32>
      tpu.vector_store %arg13[%swap3A_69, %swap3A_70], %swap3A_73 {strides = array<i32>} : memref<80x128xf32, #tpu.memory_space<vmem>>, vector<1x16xf32>,
      %broadcast_in_dim3A_74 = arith.constant 0.000000e+00 : f32
      %broadcast_in_dim3A_75 = vector.broadcast %broadcast_in_dim3A_74 : f32 to vector<16xf32>
      %swap3A_76 = arith.index_cast %scan3A_32 : i32 to index
      %swap3A_77 = arith.constant 96 : index
      %swap3A_78 = tpu.vector_load %arg13[%swap3A_76, %swap3A_77] {strides = array<i32>} : memref<80x128xf32, #tpu.memory_space<vmem>>, vector<1x16xf32>,
      %swap3A_79 = vector.shape_cast %swap3A_78 : vector<1x16xf32> to vector<16xf32>
      %swap3A_80 = vector.shape_cast %broadcast_in_dim3A_75 : vector<16xf32> to vector<1x16xf32>
      tpu.vector_store %arg13[%swap3A_76, %swap3A_77], %swap3A_80 {strides = array<i32>} : memref<80x128xf32, #tpu.memory_space<vmem>>, vector<1x16xf32>,
      %broadcast_in_dim3A_81 = arith.constant 0.000000e+00 : f32
      %broadcast_in_dim3A_82 = vector.broadcast %broadcast_in_dim3A_81 : f32 to vector<16xf32>
      %swap3A_83 = arith.index_cast %scan3A_32 : i32 to index
      %swap3A_84 = arith.constant 112 : index
      %swap3A_85 = tpu.vector_load %arg13[%swap3A_83, %swap3A_84] {strides = array<i32>} : memref<80x128xf32, #tpu.memory_space<vmem>>, vector<1x16xf32>,
      %swap3A_86 = vector.shape_cast %swap3A_85 : vector<1x16xf32> to vector<16xf32>
      %swap3A_87 = vector.shape_cast %broadcast_in_dim3A_82 : vector<16xf32> to vector<1x16xf32>
      tpu.vector_store %arg13[%swap3A_83, %swap3A_84], %swap3A_87 {strides = array<i32>} : memref<80x128xf32, #tpu.memory_space<vmem>>, vector<1x16xf32>,
      %scan3A_88 = arith.constant 0 : i32
      scf.yield %scan3A_88 : i32
    }
    %scan3A_6 = arith.constant 80 : i32
    %eq3A = arith.constant 0 : i32
    %eq3A_7 = arith.cmpi eq, %arg1, %eq3A : i32
    %convert_element_type3A = arith.extui %eq3A_7 : i1 to i32
    %cond3A = arith.constant 0 : i32
    %cond3A_8 = arith.cmpi ne, %convert_element_type3A, %cond3A : i32
    scf.if %cond3A_8 {
      "tpu.region"() ({
        %run_scoped3A = tpu.sem_alloc : memref<!tpu.dma_semaphore, #tpu.memory_space<semaphore_mem>>
        tpu.enqueue_dma source(%arg6 : memref<64x128xf32, #tpu.memory_space<hbm>>) target(%arg15 : memref<64x128xf32, #tpu.memory_space<vmem_shared>>) target_semaphore(%run_scoped3A : memref<!tpu.dma_semaphore, #tpu.memory_space<semaphore_mem>>)
        tpu.wait_dma2 semaphore(%run_scoped3A : memref<!tpu.dma_semaphore, #tpu.memory_space<semaphore_mem>>) src(%arg6 : memref<64x128xf32, #tpu.memory_space<hbm>>) dst(%arg15 : memref<64x128xf32, #tpu.memory_space<vmem_shared>>)
        tpu.yield
      }) : () -> ()
    } else {
    }
    %scan3A_9 = arith.constant 0 : i32
    %scan3A_10 = arith.constant 0 : i32
    %scan3A_11 = arith.constant 8 : i32
    %scan3A_12 = arith.addi %scan3A_10, %scan3A_11 : i32
    %scan3A_13 = arith.constant 1 : i32
    %scan3A_14 = scf.for %scan3A_32 = %scan3A_10 to %scan3A_12 step %scan3A_13 iter_args(%scan3A_33 = %scan3A_9) -> (i32)  : i32 {
      %mul3A_34 = arith.constant 16 : i32
      %mul3A_35 = arith.muli %mul3A_34, %scan3A_32 : i32
      %add3A_36 = arith.addi %arg1, %mul3A_35 : i32
      %lt3A = arith.constant 125 : i32
      %lt3A_37 = arith.cmpi slt, %add3A_36, %lt3A : i32
      %convert_element_type3A_38 = arith.extui %lt3A_37 : i1 to i32
      %cond3A_39 = arith.constant 0 : i32
      %cond3A_40 = arith.cmpi ne, %convert_element_type3A_38, %cond3A_39 : i32
      scf.if %cond3A_40 {
        %mul3A_42 = arith.constant 80 : i32
        %mul3A_43 = arith.muli %add3A_36, %mul3A_42 : i32
        "tpu.region"() ({
          %run_scoped3A = tpu.sem_alloc : memref<!tpu.dma_semaphore, #tpu.memory_space<semaphore_mem>>
          %dma_start3A = arith.constant 0 : i32
          %dma_start3A_44 = tpu.memref_slice %arg14[%mul3A_43, %dma_start3A] : memref<10000x128xf32, #tpu.memory_space<vmem_shared>> -> memref<80x128xf32, #tpu.memory_space<vmem_shared>>
          %dma_start3A_45 = arith.constant 0 : i32
          %dma_start3A_46 = tpu.memref_slice %arg14[%mul3A_43, %dma_start3A_45] : memref<10000x128xf32, #tpu.memory_space<vmem_shared>> -> memref<80x128xf32, #tpu.memory_space<vmem_shared>>
          tpu.enqueue_dma source(%arg13 : memref<80x128xf32, #tpu.memory_space<vmem>>) target(%dma_start3A_46 : memref<80x128xf32, #tpu.memory_space<vmem_shared>>) target_semaphore(%run_scoped3A : memref<!tpu.dma_semaphore, #tpu.memory_space<semaphore_mem>>)
          %dma_wait3A = arith.constant 0 : i32
          %dma_wait3A_47 = tpu.memref_slice %arg14[%mul3A_43, %dma_wait3A] : memref<10000x128xf32, #tpu.memory_space<vmem_shared>> -> memref<80x128xf32, #tpu.memory_space<vmem_shared>>
          %dma_wait3A_48 = arith.constant 0 : i32
          %dma_wait3A_49 = tpu.memref_slice %arg14[%mul3A_43, %dma_wait3A_48] : memref<10000x128xf32, #tpu.memory_space<vmem_shared>> -> memref<80x128xf32, #tpu.memory_space<vmem_shared>>
          tpu.wait_dma2 semaphore(%run_scoped3A : memref<!tpu.dma_semaphore, #tpu.memory_space<semaphore_mem>>) src(%arg13 : memref<80x128xf32, #tpu.memory_space<vmem>>) dst(%dma_wait3A_49 : memref<80x128xf32, #tpu.memory_space<vmem_shared>>)
          tpu.yield
        }) : () -> ()
      } else {
      }
      %scan3A_41 = arith.constant 0 : i32
      scf.yield %scan3A_41 : i32
    }
    %scan3A_15 = arith.constant 8 : i32
    %barrier3A = arith.constant 0 : index
    tpu.barrier barrier_id(%barrier3A)
    %scan3A_16 = arith.constant 0 : i32
    %scan3A_17 = arith.constant 0 : i32
    %scan3A_18 = arith.constant 125 : i32
    %scan3A_19 = arith.addi %scan3A_17, %scan3A_18 : i32
    %scan3A_20 = arith.constant 1 : i32
    %scan3A_21 = scf.for %scan3A_32 = %scan3A_17 to %scan3A_19 step %scan3A_20 iter_args(%scan3A_33 = %scan3A_16) -> (i32)  : i32 {
      %mul3A_34 = arith.constant 10000 : i32
      %mul3A_35 = arith.muli %add3A, %mul3A_34 : i32
      %mul3A_36 = arith.constant 80 : i32
      %mul3A_37 = arith.muli %scan3A_32, %mul3A_36 : i32
      %add3A_38 = arith.addi %mul3A_35, %mul3A_37 : i32
      "tpu.region"() ({
        %run_scoped3A = tpu.sem_alloc : memref<!tpu.dma_semaphore, #tpu.memory_space<semaphore_mem>>
        %dma_start3A = tpu.memref_slice %arg3[%add3A_38] : memref<320000xi32, #tpu.memory_space<hbm>> -> memref<80xi32, #tpu.memory_space<hbm>>
        %dma_start3A_47 = tpu.memref_slice %arg3[%add3A_38] : memref<320000xi32, #tpu.memory_space<hbm>> -> memref<80xi32, #tpu.memory_space<hbm>>
        tpu.enqueue_dma source(%dma_start3A_47 : memref<80xi32, #tpu.memory_space<hbm>>) target(%arg8 : memref<80xi32, #tpu.memory_space<vmem>>) target_semaphore(%run_scoped3A : memref<!tpu.dma_semaphore, #tpu.memory_space<semaphore_mem>>)
        %dma_wait3A = tpu.memref_slice %arg3[%add3A_38] : memref<320000xi32, #tpu.memory_space<hbm>> -> memref<80xi32, #tpu.memory_space<hbm>>
        %dma_wait3A_48 = tpu.memref_slice %arg3[%add3A_38] : memref<320000xi32, #tpu.memory_space<hbm>> -> memref<80xi32, #tpu.memory_space<hbm>>
        tpu.wait_dma2 semaphore(%run_scoped3A : memref<!tpu.dma_semaphore, #tpu.memory_space<semaphore_mem>>) src(%dma_wait3A_48 : memref<80xi32, #tpu.memory_space<hbm>>) dst(%arg8 : memref<80xi32, #tpu.memory_space<vmem>>)
        tpu.yield
      }) : () -> ()
      "tpu.region"() ({
        %run_scoped3A = tpu.sem_alloc : memref<!tpu.dma_semaphore, #tpu.memory_space<semaphore_mem>>
        %dma_start3A = tpu.memref_slice %arg5[%add3A_38] : memref<320000xi32, #tpu.memory_space<hbm>> -> memref<80xi32, #tpu.memory_space<hbm>>
        %dma_start3A_47 = tpu.memref_slice %arg5[%add3A_38] : memref<320000xi32, #tpu.memory_space<hbm>> -> memref<80xi32, #tpu.memory_space<hbm>>
        tpu.enqueue_dma source(%dma_start3A_47 : memref<80xi32, #tpu.memory_space<hbm>>) target(%arg10 : memref<80xi32, #tpu.memory_space<vmem>>) target_semaphore(%run_scoped3A : memref<!tpu.dma_semaphore, #tpu.memory_space<semaphore_mem>>)
        %dma_wait3A = tpu.memref_slice %arg5[%add3A_38] : memref<320000xi32, #tpu.memory_space<hbm>> -> memref<80xi32, #tpu.memory_space<hbm>>
        %dma_wait3A_48 = tpu.memref_slice %arg5[%add3A_38] : memref<320000xi32, #tpu.memory_space<hbm>> -> memref<80xi32, #tpu.memory_space<hbm>>
        tpu.wait_dma2 semaphore(%run_scoped3A : memref<!tpu.dma_semaphore, #tpu.memory_space<semaphore_mem>>) src(%dma_wait3A_48 : memref<80xi32, #tpu.memory_space<hbm>>) dst(%arg10 : memref<80xi32, #tpu.memory_space<vmem>>)
        tpu.yield
      }) : () -> ()
      "tpu.region"() ({
        %run_scoped3A = tpu.sem_alloc : memref<!tpu.dma_semaphore, #tpu.memory_space<semaphore_mem>>
        %dma_start3A = tpu.memref_slice %arg4[%add3A_38] : memref<320000xi32, #tpu.memory_space<hbm>> -> memref<80xi32, #tpu.memory_space<hbm>>
        %dma_start3A_47 = tpu.memref_slice %arg4[%add3A_38] : memref<320000xi32, #tpu.memory_space<hbm>> -> memref<80xi32, #tpu.memory_space<hbm>>
        tpu.enqueue_dma source(%dma_start3A_47 : memref<80xi32, #tpu.memory_space<hbm>>) target(%arg9 : memref<80xi32, #tpu.memory_space<vmem>>) target_semaphore(%run_scoped3A : memref<!tpu.dma_semaphore, #tpu.memory_space<semaphore_mem>>)
        %dma_wait3A = tpu.memref_slice %arg4[%add3A_38] : memref<320000xi32, #tpu.memory_space<hbm>> -> memref<80xi32, #tpu.memory_space<hbm>>
        %dma_wait3A_48 = tpu.memref_slice %arg4[%add3A_38] : memref<320000xi32, #tpu.memory_space<hbm>> -> memref<80xi32, #tpu.memory_space<hbm>>
        tpu.wait_dma2 semaphore(%run_scoped3A : memref<!tpu.dma_semaphore, #tpu.memory_space<semaphore_mem>>) src(%dma_wait3A_48 : memref<80xi32, #tpu.memory_space<hbm>>) dst(%arg9 : memref<80xi32, #tpu.memory_space<vmem>>)
        tpu.yield
      }) : () -> ()
      "tpu.region"() ({
        %run_scoped3A = tpu.sem_alloc : memref<!tpu.dma_semaphore, #tpu.memory_space<semaphore_mem>>
        %dma_start3A = arith.constant 0 : i32
        %dma_start3A_47 = arith.constant 0 : i32
        %dma_start3A_48 = tpu.memref_slice %arg2[%dma_start3A, %dma_start3A_47] : memref<10000x128xf32, #tpu.memory_space<hbm>> -> memref<10000x128xf32, #tpu.memory_space<hbm>>
        tpu.enqueue_indirect_dma source(%dma_start3A_48 : memref<10000x128xf32, #tpu.memory_space<hbm>>) target(%arg11 : memref<80x128xf32, #tpu.memory_space<vmem>>) offsets(%arg8 : memref<80xi32, #tpu.memory_space<vmem>>) semaphore(%run_scoped3A : memref<!tpu.dma_semaphore, #tpu.memory_space<semaphore_mem>>)
        %dma_wait3A = arith.constant 0 : i32
        %dma_wait3A_49 = arith.constant 0 : i32
        %dma_wait3A_50 = tpu.memref_slice %arg2[%dma_wait3A, %dma_wait3A_49] : memref<10000x128xf32, #tpu.memory_space<hbm>> -> memref<10000x128xf32, #tpu.memory_space<hbm>>
        tpu.wait_indirect_dma semaphore(%run_scoped3A : memref<!tpu.dma_semaphore, #tpu.memory_space<semaphore_mem>>) src(%dma_wait3A_50 : memref<10000x128xf32, #tpu.memory_space<hbm>>) dst(%arg11 : memref<80x128xf32, #tpu.memory_space<vmem>>)
        tpu.yield
      }) : () -> ()
      "tpu.region"() ({
        %run_scoped3A = tpu.sem_alloc : memref<!tpu.dma_semaphore, #tpu.memory_space<semaphore_mem>>
        %dma_start3A = arith.constant 0 : i32
        %dma_start3A_47 = arith.constant 0 : i32
        %dma_start3A_48 = tpu.memref_slice %arg15[%dma_start3A, %dma_start3A_47] : memref<64x128xf32, #tpu.memory_space<vmem_shared>> -> memref<64x128xf32, #tpu.memory_space<vmem_shared>>
        tpu.enqueue_indirect_dma source(%dma_start3A_48 : memref<64x128xf32, #tpu.memory_space<vmem_shared>>) target(%arg12 : memref<80x128xf32, #tpu.memory_space<vmem>>) offsets(%arg10 : memref<80xi32, #tpu.memory_space<vmem>>) semaphore(%run_scoped3A : memref<!tpu.dma_semaphore, #tpu.memory_space<semaphore_mem>>)
        %dma_wait3A = arith.constant 0 : i32
        %dma_wait3A_49 = arith.constant 0 : i32
        %dma_wait3A_50 = tpu.memref_slice %arg15[%dma_wait3A, %dma_wait3A_49] : memref<64x128xf32, #tpu.memory_space<vmem_shared>> -> memref<64x128xf32, #tpu.memory_space<vmem_shared>>
        tpu.wait_indirect_dma semaphore(%run_scoped3A : memref<!tpu.dma_semaphore, #tpu.memory_space<semaphore_mem>>) src(%dma_wait3A_50 : memref<64x128xf32, #tpu.memory_space<vmem_shared>>) dst(%arg12 : memref<80x128xf32, #tpu.memory_space<vmem>>)
        tpu.yield
      }) : () -> ()
      %scan3A_39 = arith.constant 0 : i32
      %scan3A_40 = arith.constant 0 : i32
      %scan3A_41 = arith.constant 80 : i32
      %scan3A_42 = arith.addi %scan3A_40, %scan3A_41 : i32
      %scan3A_43 = arith.constant 1 : i32
      %scan3A_44 = scf.for %scan3A_47 = %scan3A_40 to %scan3A_42 step %scan3A_43 iter_args(%scan3A_48 = %scan3A_39) -> (i32)  : i32 {
        %get3A = arith.index_cast %scan3A_47 : i32 to index
        %get3A_49 = arith.constant 0 : index
        %get3A_50 = tpu.vector_load %arg11[%get3A, %get3A_49] {strides = array<i32>} : memref<80x128xf32, #tpu.memory_space<vmem>>, vector<1x16xf32>,
        %get3A_51 = vector.shape_cast %get3A_50 : vector<1x16xf32> to vector<16xf32>
        %get3A_52 = arith.index_cast %scan3A_47 : i32 to index
        %get3A_53 = arith.constant 0 : index
        %get3A_54 = tpu.vector_load %arg12[%get3A_52, %get3A_53] {strides = array<i32>} : memref<80x128xf32, #tpu.memory_space<vmem>>, vector<1x16xf32>,
        %get3A_55 = vector.shape_cast %get3A_54 : vector<1x16xf32> to vector<16xf32>
        %mul3A_56 = arith.mulf %get3A_51, %get3A_55 : vector<16xf32>
        %swap3A = arith.index_cast %scan3A_47 : i32 to index
        %swap3A_57 = arith.constant 0 : index
        %swap3A_58 = tpu.vector_load %arg11[%swap3A, %swap3A_57] {strides = array<i32>} : memref<80x128xf32, #tpu.memory_space<vmem>>, vector<1x16xf32>,
        %swap3A_59 = vector.shape_cast %swap3A_58 : vector<1x16xf32> to vector<16xf32>
        %swap3A_60 = vector.shape_cast %mul3A_56 : vector<16xf32> to vector<1x16xf32>
        tpu.vector_store %arg11[%swap3A, %swap3A_57], %swap3A_60 {strides = array<i32>} : memref<80x128xf32, #tpu.memory_space<vmem>>, vector<1x16xf32>,
        %get3A_61 = arith.index_cast %scan3A_47 : i32 to index
        %get3A_62 = arith.constant 16 : index
        %get3A_63 = tpu.vector_load %arg11[%get3A_61, %get3A_62] {strides = array<i32>} : memref<80x128xf32, #tpu.memory_space<vmem>>, vector<1x16xf32>,
        %get3A_64 = vector.shape_cast %get3A_63 : vector<1x16xf32> to vector<16xf32>
        %get3A_65 = arith.index_cast %scan3A_47 : i32 to index
        %get3A_66 = arith.constant 16 : index
        %get3A_67 = tpu.vector_load %arg12[%get3A_65, %get3A_66] {strides = array<i32>} : memref<80x128xf32, #tpu.memory_space<vmem>>, vector<1x16xf32>,
        %get3A_68 = vector.shape_cast %get3A_67 : vector<1x16xf32> to vector<16xf32>
        %mul3A_69 = arith.mulf %get3A_64, %get3A_68 : vector<16xf32>
        %swap3A_70 = arith.index_cast %scan3A_47 : i32 to index
        %swap3A_71 = arith.constant 16 : index
        %swap3A_72 = tpu.vector_load %arg11[%swap3A_70, %swap3A_71] {strides = array<i32>} : memref<80x128xf32, #tpu.memory_space<vmem>>, vector<1x16xf32>,
        %swap3A_73 = vector.shape_cast %swap3A_72 : vector<1x16xf32> to vector<16xf32>
        %swap3A_74 = vector.shape_cast %mul3A_69 : vector<16xf32> to vector<1x16xf32>
        tpu.vector_store %arg11[%swap3A_70, %swap3A_71], %swap3A_74 {strides = array<i32>} : memref<80x128xf32, #tpu.memory_space<vmem>>, vector<1x16xf32>,
        %get3A_75 = arith.index_cast %scan3A_47 : i32 to index
        %get3A_76 = arith.constant 32 : index
        %get3A_77 = tpu.vector_load %arg11[%get3A_75, %get3A_76] {strides = array<i32>} : memref<80x128xf32, #tpu.memory_space<vmem>>, vector<1x16xf32>,
        %get3A_78 = vector.shape_cast %get3A_77 : vector<1x16xf32> to vector<16xf32>
        %get3A_79 = arith.index_cast %scan3A_47 : i32 to index
        %get3A_80 = arith.constant 32 : index
        %get3A_81 = tpu.vector_load %arg12[%get3A_79, %get3A_80] {strides = array<i32>} : memref<80x128xf32, #tpu.memory_space<vmem>>, vector<1x16xf32>,
        %get3A_82 = vector.shape_cast %get3A_81 : vector<1x16xf32> to vector<16xf32>
        %mul3A_83 = arith.mulf %get3A_78, %get3A_82 : vector<16xf32>
        %swap3A_84 = arith.index_cast %scan3A_47 : i32 to index
        %swap3A_85 = arith.constant 32 : index
        %swap3A_86 = tpu.vector_load %arg11[%swap3A_84, %swap3A_85] {strides = array<i32>} : memref<80x128xf32, #tpu.memory_space<vmem>>, vector<1x16xf32>,
        %swap3A_87 = vector.shape_cast %swap3A_86 : vector<1x16xf32> to vector<16xf32>
        %swap3A_88 = vector.shape_cast %mul3A_83 : vector<16xf32> to vector<1x16xf32>
        tpu.vector_store %arg11[%swap3A_84, %swap3A_85], %swap3A_88 {strides = array<i32>} : memref<80x128xf32, #tpu.memory_space<vmem>>, vector<1x16xf32>,
        %get3A_89 = arith.index_cast %scan3A_47 : i32 to index
        %get3A_90 = arith.constant 48 : index
        %get3A_91 = tpu.vector_load %arg11[%get3A_89, %get3A_90] {strides = array<i32>} : memref<80x128xf32, #tpu.memory_space<vmem>>, vector<1x16xf32>,
        %get3A_92 = vector.shape_cast %get3A_91 : vector<1x16xf32> to vector<16xf32>
        %get3A_93 = arith.index_cast %scan3A_47 : i32 to index
        %get3A_94 = arith.constant 48 : index
        %get3A_95 = tpu.vector_load %arg12[%get3A_93, %get3A_94] {strides = array<i32>} : memref<80x128xf32, #tpu.memory_space<vmem>>, vector<1x16xf32>,
        %get3A_96 = vector.shape_cast %get3A_95 : vector<1x16xf32> to vector<16xf32>
        %mul3A_97 = arith.mulf %get3A_92, %get3A_96 : vector<16xf32>
        %swap3A_98 = arith.index_cast %scan3A_47 : i32 to index
        %swap3A_99 = arith.constant 48 : index
        %swap3A_100 = tpu.vector_load %arg11[%swap3A_98, %swap3A_99] {strides = array<i32>} : memref<80x128xf32, #tpu.memory_space<vmem>>, vector<1x16xf32>,
        %swap3A_101 = vector.shape_cast %swap3A_100 : vector<1x16xf32> to vector<16xf32>
        %swap3A_102 = vector.shape_cast %mul3A_97 : vector<16xf32> to vector<1x16xf32>
        tpu.vector_store %arg11[%swap3A_98, %swap3A_99], %swap3A_102 {strides = array<i32>} : memref<80x128xf32, #tpu.memory_space<vmem>>, vector<1x16xf32>,
        %get3A_103 = arith.index_cast %scan3A_47 : i32 to index
        %get3A_104 = arith.constant 64 : index
        %get3A_105 = tpu.vector_load %arg11[%get3A_103, %get3A_104] {strides = array<i32>} : memref<80x128xf32, #tpu.memory_space<vmem>>, vector<1x16xf32>,
        %get3A_106 = vector.shape_cast %get3A_105 : vector<1x16xf32> to vector<16xf32>
        %get3A_107 = arith.index_cast %scan3A_47 : i32 to index
        %get3A_108 = arith.constant 64 : index
        %get3A_109 = tpu.vector_load %arg12[%get3A_107, %get3A_108] {strides = array<i32>} : memref<80x128xf32, #tpu.memory_space<vmem>>, vector<1x16xf32>,
        %get3A_110 = vector.shape_cast %get3A_109 : vector<1x16xf32> to vector<16xf32>
        %mul3A_111 = arith.mulf %get3A_106, %get3A_110 : vector<16xf32>
        %swap3A_112 = arith.index_cast %scan3A_47 : i32 to index
        %swap3A_113 = arith.constant 64 : index
        %swap3A_114 = tpu.vector_load %arg11[%swap3A_112, %swap3A_113] {strides = array<i32>} : memref<80x128xf32, #tpu.memory_space<vmem>>, vector<1x16xf32>,
        %swap3A_115 = vector.shape_cast %swap3A_114 : vector<1x16xf32> to vector<16xf32>
        %swap3A_116 = vector.shape_cast %mul3A_111 : vector<16xf32> to vector<1x16xf32>
        tpu.vector_store %arg11[%swap3A_112, %swap3A_113], %swap3A_116 {strides = array<i32>} : memref<80x128xf32, #tpu.memory_space<vmem>>, vector<1x16xf32>,
        %get3A_117 = arith.index_cast %scan3A_47 : i32 to index
        %get3A_118 = arith.constant 80 : index
        %get3A_119 = tpu.vector_load %arg11[%get3A_117, %get3A_118] {strides = array<i32>} : memref<80x128xf32, #tpu.memory_space<vmem>>, vector<1x16xf32>,
        %get3A_120 = vector.shape_cast %get3A_119 : vector<1x16xf32> to vector<16xf32>
        %get3A_121 = arith.index_cast %scan3A_47 : i32 to index
        %get3A_122 = arith.constant 80 : index
        %get3A_123 = tpu.vector_load %arg12[%get3A_121, %get3A_122] {strides = array<i32>} : memref<80x128xf32, #tpu.memory_space<vmem>>, vector<1x16xf32>,
        %get3A_124 = vector.shape_cast %get3A_123 : vector<1x16xf32> to vector<16xf32>
        %mul3A_125 = arith.mulf %get3A_120, %get3A_124 : vector<16xf32>
        %swap3A_126 = arith.index_cast %scan3A_47 : i32 to index
        %swap3A_127 = arith.constant 80 : index
        %swap3A_128 = tpu.vector_load %arg11[%swap3A_126, %swap3A_127] {strides = array<i32>} : memref<80x128xf32, #tpu.memory_space<vmem>>, vector<1x16xf32>,
        %swap3A_129 = vector.shape_cast %swap3A_128 : vector<1x16xf32> to vector<16xf32>
        %swap3A_130 = vector.shape_cast %mul3A_125 : vector<16xf32> to vector<1x16xf32>
        tpu.vector_store %arg11[%swap3A_126, %swap3A_127], %swap3A_130 {strides = array<i32>} : memref<80x128xf32, #tpu.memory_space<vmem>>, vector<1x16xf32>,
        %get3A_131 = arith.index_cast %scan3A_47 : i32 to index
        %get3A_132 = arith.constant 96 : index
        %get3A_133 = tpu.vector_load %arg11[%get3A_131, %get3A_132] {strides = array<i32>} : memref<80x128xf32, #tpu.memory_space<vmem>>, vector<1x16xf32>,
        %get3A_134 = vector.shape_cast %get3A_133 : vector<1x16xf32> to vector<16xf32>
        %get3A_135 = arith.index_cast %scan3A_47 : i32 to index
        %get3A_136 = arith.constant 96 : index
        %get3A_137 = tpu.vector_load %arg12[%get3A_135, %get3A_136] {strides = array<i32>} : memref<80x128xf32, #tpu.memory_space<vmem>>, vector<1x16xf32>,
        %get3A_138 = vector.shape_cast %get3A_137 : vector<1x16xf32> to vector<16xf32>
        %mul3A_139 = arith.mulf %get3A_134, %get3A_138 : vector<16xf32>
        %swap3A_140 = arith.index_cast %scan3A_47 : i32 to index
        %swap3A_141 = arith.constant 96 : index
        %swap3A_142 = tpu.vector_load %arg11[%swap3A_140, %swap3A_141] {strides = array<i32>} : memref<80x128xf32, #tpu.memory_space<vmem>>, vector<1x16xf32>,
        %swap3A_143 = vector.shape_cast %swap3A_142 : vector<1x16xf32> to vector<16xf32>
        %swap3A_144 = vector.shape_cast %mul3A_139 : vector<16xf32> to vector<1x16xf32>
        tpu.vector_store %arg11[%swap3A_140, %swap3A_141], %swap3A_144 {strides = array<i32>} : memref<80x128xf32, #tpu.memory_space<vmem>>, vector<1x16xf32>,
        %get3A_145 = arith.index_cast %scan3A_47 : i32 to index
        %get3A_146 = arith.constant 112 : index
        %get3A_147 = tpu.vector_load %arg11[%get3A_145, %get3A_146] {strides = array<i32>} : memref<80x128xf32, #tpu.memory_space<vmem>>, vector<1x16xf32>,
        %get3A_148 = vector.shape_cast %get3A_147 : vector<1x16xf32> to vector<16xf32>
        %get3A_149 = arith.index_cast %scan3A_47 : i32 to index
        %get3A_150 = arith.constant 112 : index
        %get3A_151 = tpu.vector_load %arg12[%get3A_149, %get3A_150] {strides = array<i32>} : memref<80x128xf32, #tpu.memory_space<vmem>>, vector<1x16xf32>,
        %get3A_152 = vector.shape_cast %get3A_151 : vector<1x16xf32> to vector<16xf32>
        %mul3A_153 = arith.mulf %get3A_148, %get3A_152 : vector<16xf32>
        %swap3A_154 = arith.index_cast %scan3A_47 : i32 to index
        %swap3A_155 = arith.constant 112 : index
        %swap3A_156 = tpu.vector_load %arg11[%swap3A_154, %swap3A_155] {strides = array<i32>} : memref<80x128xf32, #tpu.memory_space<vmem>>, vector<1x16xf32>,
        %swap3A_157 = vector.shape_cast %swap3A_156 : vector<1x16xf32> to vector<16xf32>
        %swap3A_158 = vector.shape_cast %mul3A_153 : vector<16xf32> to vector<1x16xf32>
        tpu.vector_store %arg11[%swap3A_154, %swap3A_155], %swap3A_158 {strides = array<i32>} : memref<80x128xf32, #tpu.memory_space<vmem>>, vector<1x16xf32>,
        %scan3A_159 = arith.constant 0 : i32
        scf.yield %scan3A_159 : i32
      }
      %scan3A_45 = arith.constant 80 : i32
      "tpu.region"() ({
        %run_scoped3A = tpu.sem_alloc : memref<!tpu.dma_semaphore, #tpu.memory_space<semaphore_mem>>
        %dma_start3A = arith.constant 0 : i32
        %dma_start3A_47 = arith.constant 0 : i32
        %dma_start3A_48 = tpu.memref_slice %arg14[%dma_start3A, %dma_start3A_47] : memref<10000x128xf32, #tpu.memory_space<vmem_shared>> -> memref<10000x128xf32, #tpu.memory_space<vmem_shared>>
        tpu.enqueue_indirect_dma source(%arg11 : memref<80x128xf32, #tpu.memory_space<vmem>>) target(%dma_start3A_48 : memref<10000x128xf32, #tpu.memory_space<vmem_shared>>) offsets(%arg9 : memref<80xi32, #tpu.memory_space<vmem>>) semaphore(%run_scoped3A : memref<!tpu.dma_semaphore, #tpu.memory_space<semaphore_mem>>) {add = true}
        %dma_wait3A = arith.constant 0 : i32
        %dma_wait3A_49 = arith.constant 0 : i32
        %dma_wait3A_50 = tpu.memref_slice %arg14[%dma_wait3A, %dma_wait3A_49] : memref<10000x128xf32, #tpu.memory_space<vmem_shared>> -> memref<10000x128xf32, #tpu.memory_space<vmem_shared>>
        tpu.wait_indirect_dma semaphore(%run_scoped3A : memref<!tpu.dma_semaphore, #tpu.memory_space<semaphore_mem>>) src(%arg11 : memref<80x128xf32, #tpu.memory_space<vmem>>) dst(%dma_wait3A_50 : memref<10000x128xf32, #tpu.memory_space<vmem_shared>>)
        tpu.yield
      }) : () -> ()
      %scan3A_46 = arith.constant 0 : i32
      scf.yield %scan3A_46 : i32
    }
    %scan3A_22 = arith.constant 125 : i32
    %barrier3A_23 = arith.constant 0 : index
    tpu.barrier barrier_id(%barrier3A_23)
    %scan3A_24 = arith.constant 0 : i32
    %scan3A_25 = arith.constant 0 : i32
    %scan3A_26 = arith.constant 8 : i32
    %scan3A_27 = arith.addi %scan3A_25, %scan3A_26 : i32
    %scan3A_28 = arith.constant 1 : i32
    %scan3A_29 = scf.for %scan3A_32 = %scan3A_25 to %scan3A_27 step %scan3A_28 iter_args(%scan3A_33 = %scan3A_24) -> (i32)  : i32 {
      %mul3A_34 = arith.constant 16 : i32
      %mul3A_35 = arith.muli %mul3A_34, %scan3A_32 : i32
      %add3A_36 = arith.addi %arg1, %mul3A_35 : i32
      %lt3A = arith.constant 125 : i32
      %lt3A_37 = arith.cmpi slt, %add3A_36, %lt3A : i32
      %convert_element_type3A_38 = arith.extui %lt3A_37 : i1 to i32
      %cond3A_39 = arith.constant 0 : i32
      %cond3A_40 = arith.cmpi ne, %convert_element_type3A_38, %cond3A_39 : i32
      scf.if %cond3A_40 {
        %mul3A_42 = arith.constant 80 : i32
        %mul3A_43 = arith.muli %add3A_36, %mul3A_42 : i32
        %run_scoped3A = arith.constant 0 : i32
        "tpu.region"() ({
          %run_scoped3A_44 = tpu.sem_alloc : memref<!tpu.dma_semaphore, #tpu.memory_space<semaphore_mem>>
          %dma_start3A = arith.constant 0 : i32
          %dma_start3A_45 = tpu.memref_slice %arg7[%run_scoped3A, %arg0, %mul3A_43, %dma_start3A] : memref<1x2x10000x128xf32, #tpu.memory_space<hbm>> -> memref<1x1x80x128xf32, #tpu.memory_space<hbm>>
          %dma_start3A_46 = tpu.memref_squeeze %dma_start3A_45 : memref<1x1x80x128xf32, #tpu.memory_space<hbm>> -> memref<80x128xf32, #tpu.memory_space<hbm>>
          %dma_start3A_47 = arith.constant 0 : i32
          %dma_start3A_48 = tpu.memref_slice %arg14[%mul3A_43, %dma_start3A_47] : memref<10000x128xf32, #tpu.memory_space<vmem_shared>> -> memref<80x128xf32, #tpu.memory_space<vmem_shared>>
          tpu.enqueue_dma source(%dma_start3A_48 : memref<80x128xf32, #tpu.memory_space<vmem_shared>>) target(%dma_start3A_46 : memref<80x128xf32, #tpu.memory_space<hbm>>) target_semaphore(%run_scoped3A_44 : memref<!tpu.dma_semaphore, #tpu.memory_space<semaphore_mem>>)
          %dma_wait3A = arith.constant 0 : i32
          %dma_wait3A_49 = tpu.memref_slice %arg7[%run_scoped3A, %arg0, %mul3A_43, %dma_wait3A] : memref<1x2x10000x128xf32, #tpu.memory_space<hbm>> -> memref<1x1x80x128xf32, #tpu.memory_space<hbm>>
          %dma_wait3A_50 = tpu.memref_squeeze %dma_wait3A_49 : memref<1x1x80x128xf32, #tpu.memory_space<hbm>> -> memref<80x128xf32, #tpu.memory_space<hbm>>
          %dma_wait3A_51 = arith.constant 0 : i32
          %dma_wait3A_52 = tpu.memref_slice %arg14[%mul3A_43, %dma_wait3A_51] : memref<10000x128xf32, #tpu.memory_space<vmem_shared>> -> memref<80x128xf32, #tpu.memory_space<vmem_shared>>
          tpu.wait_dma2 semaphore(%run_scoped3A_44 : memref<!tpu.dma_semaphore, #tpu.memory_space<semaphore_mem>>) src(%dma_wait3A_52 : memref<80x128xf32, #tpu.memory_space<vmem_shared>>) dst(%dma_wait3A_50 : memref<80x128xf32, #tpu.memory_space<hbm>>)
          tpu.yield
        }) : () -> ()
      } else {
      }
      %scan3A_41 = arith.constant 0 : i32
      scf.yield %scan3A_41 : i32
    }
    %scan3A_30 = arith.constant 8 : i32
    %barrier3A_31 = arith.constant 0 : index
    tpu.barrier barrier_id(%barrier3A_31)
    return
  }
}

#map = affine_map<(d0, d1) -> (0, 0)>
#map1 = affine_map<(d0, d1) -> (0)>
#map2 = affine_map<(d0, d1) -> (0, 0, 0, 0)>
module attributes {stable_mosaic.version = 14 : i64} {
  func.func @edge_pass(%arg0: i32, %arg1: i32, %arg2: memref<10000x128xf32, #tpu.memory_space<hbm>>, %arg3: memref<10000x128xf32, #tpu.memory_space<hbm>>, %arg4: memref<10000x128xf32, #tpu.memory_space<hbm>>, %arg5: memref<10000x128xf32, #tpu.memory_space<hbm>>, %arg6: memref<320000xi32, #tpu.memory_space<hbm>>, %arg7: memref<320000xi32, #tpu.memory_space<hbm>>, %arg8: memref<320000xi32, #tpu.memory_space<hbm>>, %arg9: memref<64x128xf32, #tpu.memory_space<hbm>>, %arg10: memref<4x2x10000x128xf32, #tpu.memory_space<hbm>>, %arg11: memref<80xi32, #tpu.memory_space<vmem>>, %arg12: memref<80xi32, #tpu.memory_space<vmem>>, %arg13: memref<80xi32, #tpu.memory_space<vmem>>, %arg14: memref<80x128xf32, #tpu.memory_space<vmem>>, %arg15: memref<80x128xf32, #tpu.memory_space<vmem>>, %arg16: memref<80x128xf32, #tpu.memory_space<vmem>>, %arg17: memref<10000x128xf32, #tpu.memory_space<vmem_shared>>, %arg18: memref<64x128xf32, #tpu.memory_space<vmem_shared>>) attributes {dimension_semantics = [#tpu.dimension_semantics<core_parallel>, #tpu.dimension_semantics<subcore_parallel>], iteration_bounds = array<i64: 2, 16>, scalar_prefetch = 0 : i64, scratch_operands = 8 : i64, tpu.core_type = #tpu.core_type<sc_vector_subcore>, window_params = [{transform_indices = #map}, {transform_indices = #map}, {transform_indices = #map}, {transform_indices = #map}, {transform_indices = #map1}, {transform_indices = #map1}, {transform_indices = #map1}, {transform_indices = #map}, {transform_indices = #map2}]} {
    %mul3A = arith.constant 2 : i32
    %mul3A_0 = arith.muli %arg1, %mul3A : i32
    %add3A = arith.addi %mul3A_0, %arg0 : i32
    %scan3A = arith.constant 0 : i32
    %scan3A_1 = arith.constant 0 : i32
    %scan3A_2 = arith.constant 80 : i32
    %scan3A_3 = arith.addi %scan3A_1, %scan3A_2 : i32
    %scan3A_4 = arith.constant 1 : i32
    %scan3A_5 = scf.for %scan3A_104 = %scan3A_1 to %scan3A_3 step %scan3A_4 iter_args(%scan3A_105 = %scan3A) -> (i32)  : i32 {
      %broadcast_in_dim3A = arith.constant 0.000000e+00 : f32
      %broadcast_in_dim3A_106 = vector.broadcast %broadcast_in_dim3A : f32 to vector<16xf32>
      %swap3A = arith.index_cast %scan3A_104 : i32 to index
      %swap3A_107 = arith.constant 0 : index
      %swap3A_108 = tpu.vector_load %arg16[%swap3A, %swap3A_107] {strides = array<i32>} : memref<80x128xf32, #tpu.memory_space<vmem>>, vector<1x16xf32>,
      %swap3A_109 = vector.shape_cast %swap3A_108 : vector<1x16xf32> to vector<16xf32>
      %swap3A_110 = vector.shape_cast %broadcast_in_dim3A_106 : vector<16xf32> to vector<1x16xf32>
      tpu.vector_store %arg16[%swap3A, %swap3A_107], %swap3A_110 {strides = array<i32>} : memref<80x128xf32, #tpu.memory_space<vmem>>, vector<1x16xf32>,
      %broadcast_in_dim3A_111 = arith.constant 0.000000e+00 : f32
      %broadcast_in_dim3A_112 = vector.broadcast %broadcast_in_dim3A_111 : f32 to vector<16xf32>
      %swap3A_113 = arith.index_cast %scan3A_104 : i32 to index
      %swap3A_114 = arith.constant 16 : index
      %swap3A_115 = tpu.vector_load %arg16[%swap3A_113, %swap3A_114] {strides = array<i32>} : memref<80x128xf32, #tpu.memory_space<vmem>>, vector<1x16xf32>,
      %swap3A_116 = vector.shape_cast %swap3A_115 : vector<1x16xf32> to vector<16xf32>
      %swap3A_117 = vector.shape_cast %broadcast_in_dim3A_112 : vector<16xf32> to vector<1x16xf32>
      tpu.vector_store %arg16[%swap3A_113, %swap3A_114], %swap3A_117 {strides = array<i32>} : memref<80x128xf32, #tpu.memory_space<vmem>>, vector<1x16xf32>,
      %broadcast_in_dim3A_118 = arith.constant 0.000000e+00 : f32
      %broadcast_in_dim3A_119 = vector.broadcast %broadcast_in_dim3A_118 : f32 to vector<16xf32>
      %swap3A_120 = arith.index_cast %scan3A_104 : i32 to index
      %swap3A_121 = arith.constant 32 : index
      %swap3A_122 = tpu.vector_load %arg16[%swap3A_120, %swap3A_121] {strides = array<i32>} : memref<80x128xf32, #tpu.memory_space<vmem>>, vector<1x16xf32>,
      %swap3A_123 = vector.shape_cast %swap3A_122 : vector<1x16xf32> to vector<16xf32>
      %swap3A_124 = vector.shape_cast %broadcast_in_dim3A_119 : vector<16xf32> to vector<1x16xf32>
      tpu.vector_store %arg16[%swap3A_120, %swap3A_121], %swap3A_124 {strides = array<i32>} : memref<80x128xf32, #tpu.memory_space<vmem>>, vector<1x16xf32>,
      %broadcast_in_dim3A_125 = arith.constant 0.000000e+00 : f32
      %broadcast_in_dim3A_126 = vector.broadcast %broadcast_in_dim3A_125 : f32 to vector<16xf32>
      %swap3A_127 = arith.index_cast %scan3A_104 : i32 to index
      %swap3A_128 = arith.constant 48 : index
      %swap3A_129 = tpu.vector_load %arg16[%swap3A_127, %swap3A_128] {strides = array<i32>} : memref<80x128xf32, #tpu.memory_space<vmem>>, vector<1x16xf32>,
      %swap3A_130 = vector.shape_cast %swap3A_129 : vector<1x16xf32> to vector<16xf32>
      %swap3A_131 = vector.shape_cast %broadcast_in_dim3A_126 : vector<16xf32> to vector<1x16xf32>
      tpu.vector_store %arg16[%swap3A_127, %swap3A_128], %swap3A_131 {strides = array<i32>} : memref<80x128xf32, #tpu.memory_space<vmem>>, vector<1x16xf32>,
      %broadcast_in_dim3A_132 = arith.constant 0.000000e+00 : f32
      %broadcast_in_dim3A_133 = vector.broadcast %broadcast_in_dim3A_132 : f32 to vector<16xf32>
      %swap3A_134 = arith.index_cast %scan3A_104 : i32 to index
      %swap3A_135 = arith.constant 64 : index
      %swap3A_136 = tpu.vector_load %arg16[%swap3A_134, %swap3A_135] {strides = array<i32>} : memref<80x128xf32, #tpu.memory_space<vmem>>, vector<1x16xf32>,
      %swap3A_137 = vector.shape_cast %swap3A_136 : vector<1x16xf32> to vector<16xf32>
      %swap3A_138 = vector.shape_cast %broadcast_in_dim3A_133 : vector<16xf32> to vector<1x16xf32>
      tpu.vector_store %arg16[%swap3A_134, %swap3A_135], %swap3A_138 {strides = array<i32>} : memref<80x128xf32, #tpu.memory_space<vmem>>, vector<1x16xf32>,
      %broadcast_in_dim3A_139 = arith.constant 0.000000e+00 : f32
      %broadcast_in_dim3A_140 = vector.broadcast %broadcast_in_dim3A_139 : f32 to vector<16xf32>
      %swap3A_141 = arith.index_cast %scan3A_104 : i32 to index
      %swap3A_142 = arith.constant 80 : index
      %swap3A_143 = tpu.vector_load %arg16[%swap3A_141, %swap3A_142] {strides = array<i32>} : memref<80x128xf32, #tpu.memory_space<vmem>>, vector<1x16xf32>,
      %swap3A_144 = vector.shape_cast %swap3A_143 : vector<1x16xf32> to vector<16xf32>
      %swap3A_145 = vector.shape_cast %broadcast_in_dim3A_140 : vector<16xf32> to vector<1x16xf32>
      tpu.vector_store %arg16[%swap3A_141, %swap3A_142], %swap3A_145 {strides = array<i32>} : memref<80x128xf32, #tpu.memory_space<vmem>>, vector<1x16xf32>,
      %broadcast_in_dim3A_146 = arith.constant 0.000000e+00 : f32
      %broadcast_in_dim3A_147 = vector.broadcast %broadcast_in_dim3A_146 : f32 to vector<16xf32>
      %swap3A_148 = arith.index_cast %scan3A_104 : i32 to index
      %swap3A_149 = arith.constant 96 : index
      %swap3A_150 = tpu.vector_load %arg16[%swap3A_148, %swap3A_149] {strides = array<i32>} : memref<80x128xf32, #tpu.memory_space<vmem>>, vector<1x16xf32>,
      %swap3A_151 = vector.shape_cast %swap3A_150 : vector<1x16xf32> to vector<16xf32>
      %swap3A_152 = vector.shape_cast %broadcast_in_dim3A_147 : vector<16xf32> to vector<1x16xf32>
      tpu.vector_store %arg16[%swap3A_148, %swap3A_149], %swap3A_152 {strides = array<i32>} : memref<80x128xf32, #tpu.memory_space<vmem>>, vector<1x16xf32>,
      %broadcast_in_dim3A_153 = arith.constant 0.000000e+00 : f32
      %broadcast_in_dim3A_154 = vector.broadcast %broadcast_in_dim3A_153 : f32 to vector<16xf32>
      %swap3A_155 = arith.index_cast %scan3A_104 : i32 to index
      %swap3A_156 = arith.constant 112 : index
      %swap3A_157 = tpu.vector_load %arg16[%swap3A_155, %swap3A_156] {strides = array<i32>} : memref<80x128xf32, #tpu.memory_space<vmem>>, vector<1x16xf32>,
      %swap3A_158 = vector.shape_cast %swap3A_157 : vector<1x16xf32> to vector<16xf32>
      %swap3A_159 = vector.shape_cast %broadcast_in_dim3A_154 : vector<16xf32> to vector<1x16xf32>
      tpu.vector_store %arg16[%swap3A_155, %swap3A_156], %swap3A_159 {strides = array<i32>} : memref<80x128xf32, #tpu.memory_space<vmem>>, vector<1x16xf32>,
      %scan3A_160 = arith.constant 0 : i32
      scf.yield %scan3A_160 : i32
    }
    %scan3A_6 = arith.constant 80 : i32
    %eq3A = arith.constant 0 : i32
    %eq3A_7 = arith.cmpi eq, %arg1, %eq3A : i32
    %convert_element_type3A = arith.extui %eq3A_7 : i1 to i32
    %cond3A = arith.constant 0 : i32
    %cond3A_8 = arith.cmpi ne, %convert_element_type3A, %cond3A : i32
    scf.if %cond3A_8 {
      "tpu.region"() ({
        %run_scoped3A = tpu.sem_alloc : memref<!tpu.dma_semaphore, #tpu.memory_space<semaphore_mem>>
        tpu.enqueue_dma source(%arg9 : memref<64x128xf32, #tpu.memory_space<hbm>>) target(%arg18 : memref<64x128xf32, #tpu.memory_space<vmem_shared>>) target_semaphore(%run_scoped3A : memref<!tpu.dma_semaphore, #tpu.memory_space<semaphore_mem>>)
        tpu.wait_dma2 semaphore(%run_scoped3A : memref<!tpu.dma_semaphore, #tpu.memory_space<semaphore_mem>>) src(%arg9 : memref<64x128xf32, #tpu.memory_space<hbm>>) dst(%arg18 : memref<64x128xf32, #tpu.memory_space<vmem_shared>>)
        tpu.yield
      }) : () -> ()
    } else {
    }
    %scan3A_9 = arith.constant 0 : i32
    %scan3A_10 = arith.constant 0 : i32
    %scan3A_11 = arith.constant 8 : i32
    %scan3A_12 = arith.addi %scan3A_10, %scan3A_11 : i32
    %scan3A_13 = arith.constant 1 : i32
    %scan3A_14 = scf.for %scan3A_104 = %scan3A_10 to %scan3A_12 step %scan3A_13 iter_args(%scan3A_105 = %scan3A_9) -> (i32)  : i32 {
      %mul3A_106 = arith.constant 16 : i32
      %mul3A_107 = arith.muli %mul3A_106, %scan3A_104 : i32
      %add3A_108 = arith.addi %arg1, %mul3A_107 : i32
      %lt3A = arith.constant 125 : i32
      %lt3A_109 = arith.cmpi slt, %add3A_108, %lt3A : i32
      %convert_element_type3A_110 = arith.extui %lt3A_109 : i1 to i32
      %cond3A_111 = arith.constant 0 : i32
      %cond3A_112 = arith.cmpi ne, %convert_element_type3A_110, %cond3A_111 : i32
      scf.if %cond3A_112 {
        %mul3A_114 = arith.constant 80 : i32
        %mul3A_115 = arith.muli %add3A_108, %mul3A_114 : i32
        "tpu.region"() ({
          %run_scoped3A = tpu.sem_alloc : memref<!tpu.dma_semaphore, #tpu.memory_space<semaphore_mem>>
          %dma_start3A = arith.constant 0 : i32
          %dma_start3A_116 = tpu.memref_slice %arg17[%mul3A_115, %dma_start3A] : memref<10000x128xf32, #tpu.memory_space<vmem_shared>> -> memref<80x128xf32, #tpu.memory_space<vmem_shared>>
          %dma_start3A_117 = arith.constant 0 : i32
          %dma_start3A_118 = tpu.memref_slice %arg17[%mul3A_115, %dma_start3A_117] : memref<10000x128xf32, #tpu.memory_space<vmem_shared>> -> memref<80x128xf32, #tpu.memory_space<vmem_shared>>
          tpu.enqueue_dma source(%arg16 : memref<80x128xf32, #tpu.memory_space<vmem>>) target(%dma_start3A_118 : memref<80x128xf32, #tpu.memory_space<vmem_shared>>) target_semaphore(%run_scoped3A : memref<!tpu.dma_semaphore, #tpu.memory_space<semaphore_mem>>)
          %dma_wait3A = arith.constant 0 : i32
          %dma_wait3A_119 = tpu.memref_slice %arg17[%mul3A_115, %dma_wait3A] : memref<10000x128xf32, #tpu.memory_space<vmem_shared>> -> memref<80x128xf32, #tpu.memory_space<vmem_shared>>
          %dma_wait3A_120 = arith.constant 0 : i32
          %dma_wait3A_121 = tpu.memref_slice %arg17[%mul3A_115, %dma_wait3A_120] : memref<10000x128xf32, #tpu.memory_space<vmem_shared>> -> memref<80x128xf32, #tpu.memory_space<vmem_shared>>
          tpu.wait_dma2 semaphore(%run_scoped3A : memref<!tpu.dma_semaphore, #tpu.memory_space<semaphore_mem>>) src(%arg16 : memref<80x128xf32, #tpu.memory_space<vmem>>) dst(%dma_wait3A_121 : memref<80x128xf32, #tpu.memory_space<vmem_shared>>)
          tpu.yield
        }) : () -> ()
      } else {
      }
      %scan3A_113 = arith.constant 0 : i32
      scf.yield %scan3A_113 : i32
    }
    %scan3A_15 = arith.constant 8 : i32
    %barrier3A = arith.constant 0 : index
    tpu.barrier barrier_id(%barrier3A)
    %scan3A_16 = arith.constant 0 : i32
    %scan3A_17 = arith.constant 0 : i32
    %scan3A_18 = arith.constant 125 : i32
    %scan3A_19 = arith.addi %scan3A_17, %scan3A_18 : i32
    %scan3A_20 = arith.constant 1 : i32
    %scan3A_21 = scf.for %scan3A_104 = %scan3A_17 to %scan3A_19 step %scan3A_20 iter_args(%scan3A_105 = %scan3A_16) -> (i32)  : i32 {
      %mul3A_106 = arith.constant 10000 : i32
      %mul3A_107 = arith.muli %add3A, %mul3A_106 : i32
      %mul3A_108 = arith.constant 80 : i32
      %mul3A_109 = arith.muli %scan3A_104, %mul3A_108 : i32
      %add3A_110 = arith.addi %mul3A_107, %mul3A_109 : i32
      "tpu.region"() ({
        %run_scoped3A = tpu.sem_alloc : memref<!tpu.dma_semaphore, #tpu.memory_space<semaphore_mem>>
        %dma_start3A = tpu.memref_slice %arg6[%add3A_110] : memref<320000xi32, #tpu.memory_space<hbm>> -> memref<80xi32, #tpu.memory_space<hbm>>
        %dma_start3A_119 = tpu.memref_slice %arg6[%add3A_110] : memref<320000xi32, #tpu.memory_space<hbm>> -> memref<80xi32, #tpu.memory_space<hbm>>
        tpu.enqueue_dma source(%dma_start3A_119 : memref<80xi32, #tpu.memory_space<hbm>>) target(%arg11 : memref<80xi32, #tpu.memory_space<vmem>>) target_semaphore(%run_scoped3A : memref<!tpu.dma_semaphore, #tpu.memory_space<semaphore_mem>>)
        %dma_wait3A = tpu.memref_slice %arg6[%add3A_110] : memref<320000xi32, #tpu.memory_space<hbm>> -> memref<80xi32, #tpu.memory_space<hbm>>
        %dma_wait3A_120 = tpu.memref_slice %arg6[%add3A_110] : memref<320000xi32, #tpu.memory_space<hbm>> -> memref<80xi32, #tpu.memory_space<hbm>>
        tpu.wait_dma2 semaphore(%run_scoped3A : memref<!tpu.dma_semaphore, #tpu.memory_space<semaphore_mem>>) src(%dma_wait3A_120 : memref<80xi32, #tpu.memory_space<hbm>>) dst(%arg11 : memref<80xi32, #tpu.memory_space<vmem>>)
        tpu.yield
      }) : () -> ()
      "tpu.region"() ({
        %run_scoped3A = tpu.sem_alloc : memref<!tpu.dma_semaphore, #tpu.memory_space<semaphore_mem>>
        %dma_start3A = tpu.memref_slice %arg8[%add3A_110] : memref<320000xi32, #tpu.memory_space<hbm>> -> memref<80xi32, #tpu.memory_space<hbm>>
        %dma_start3A_119 = tpu.memref_slice %arg8[%add3A_110] : memref<320000xi32, #tpu.memory_space<hbm>> -> memref<80xi32, #tpu.memory_space<hbm>>
        tpu.enqueue_dma source(%dma_start3A_119 : memref<80xi32, #tpu.memory_space<hbm>>) target(%arg13 : memref<80xi32, #tpu.memory_space<vmem>>) target_semaphore(%run_scoped3A : memref<!tpu.dma_semaphore, #tpu.memory_space<semaphore_mem>>)
        %dma_wait3A = tpu.memref_slice %arg8[%add3A_110] : memref<320000xi32, #tpu.memory_space<hbm>> -> memref<80xi32, #tpu.memory_space<hbm>>
        %dma_wait3A_120 = tpu.memref_slice %arg8[%add3A_110] : memref<320000xi32, #tpu.memory_space<hbm>> -> memref<80xi32, #tpu.memory_space<hbm>>
        tpu.wait_dma2 semaphore(%run_scoped3A : memref<!tpu.dma_semaphore, #tpu.memory_space<semaphore_mem>>) src(%dma_wait3A_120 : memref<80xi32, #tpu.memory_space<hbm>>) dst(%arg13 : memref<80xi32, #tpu.memory_space<vmem>>)
        tpu.yield
      }) : () -> ()
      "tpu.region"() ({
        %run_scoped3A = tpu.sem_alloc : memref<!tpu.dma_semaphore, #tpu.memory_space<semaphore_mem>>
        %dma_start3A = tpu.memref_slice %arg7[%add3A_110] : memref<320000xi32, #tpu.memory_space<hbm>> -> memref<80xi32, #tpu.memory_space<hbm>>
        %dma_start3A_119 = tpu.memref_slice %arg7[%add3A_110] : memref<320000xi32, #tpu.memory_space<hbm>> -> memref<80xi32, #tpu.memory_space<hbm>>
        tpu.enqueue_dma source(%dma_start3A_119 : memref<80xi32, #tpu.memory_space<hbm>>) target(%arg12 : memref<80xi32, #tpu.memory_space<vmem>>) target_semaphore(%run_scoped3A : memref<!tpu.dma_semaphore, #tpu.memory_space<semaphore_mem>>)
        %dma_wait3A = tpu.memref_slice %arg7[%add3A_110] : memref<320000xi32, #tpu.memory_space<hbm>> -> memref<80xi32, #tpu.memory_space<hbm>>
        %dma_wait3A_120 = tpu.memref_slice %arg7[%add3A_110] : memref<320000xi32, #tpu.memory_space<hbm>> -> memref<80xi32, #tpu.memory_space<hbm>>
        tpu.wait_dma2 semaphore(%run_scoped3A : memref<!tpu.dma_semaphore, #tpu.memory_space<semaphore_mem>>) src(%dma_wait3A_120 : memref<80xi32, #tpu.memory_space<hbm>>) dst(%arg12 : memref<80xi32, #tpu.memory_space<vmem>>)
        tpu.yield
      }) : () -> ()
      "tpu.region"() ({
        %run_scoped3A = tpu.sem_alloc : memref<!tpu.dma_semaphore, #tpu.memory_space<semaphore_mem>>
        %dma_start3A = arith.constant 0 : i32
        %dma_start3A_119 = arith.constant 0 : i32
        %dma_start3A_120 = tpu.memref_slice %arg2[%dma_start3A, %dma_start3A_119] : memref<10000x128xf32, #tpu.memory_space<hbm>> -> memref<10000x128xf32, #tpu.memory_space<hbm>>
        tpu.enqueue_indirect_dma source(%dma_start3A_120 : memref<10000x128xf32, #tpu.memory_space<hbm>>) target(%arg14 : memref<80x128xf32, #tpu.memory_space<vmem>>) offsets(%arg11 : memref<80xi32, #tpu.memory_space<vmem>>) semaphore(%run_scoped3A : memref<!tpu.dma_semaphore, #tpu.memory_space<semaphore_mem>>)
        %dma_wait3A = arith.constant 0 : i32
        %dma_wait3A_121 = arith.constant 0 : i32
        %dma_wait3A_122 = tpu.memref_slice %arg2[%dma_wait3A, %dma_wait3A_121] : memref<10000x128xf32, #tpu.memory_space<hbm>> -> memref<10000x128xf32, #tpu.memory_space<hbm>>
        tpu.wait_indirect_dma semaphore(%run_scoped3A : memref<!tpu.dma_semaphore, #tpu.memory_space<semaphore_mem>>) src(%dma_wait3A_122 : memref<10000x128xf32, #tpu.memory_space<hbm>>) dst(%arg14 : memref<80x128xf32, #tpu.memory_space<vmem>>)
        tpu.yield
      }) : () -> ()
      "tpu.region"() ({
        %run_scoped3A = tpu.sem_alloc : memref<!tpu.dma_semaphore, #tpu.memory_space<semaphore_mem>>
        %dma_start3A = arith.constant 0 : i32
        %dma_start3A_119 = arith.constant 0 : i32
        %dma_start3A_120 = tpu.memref_slice %arg18[%dma_start3A, %dma_start3A_119] : memref<64x128xf32, #tpu.memory_space<vmem_shared>> -> memref<64x128xf32, #tpu.memory_space<vmem_shared>>
        tpu.enqueue_indirect_dma source(%dma_start3A_120 : memref<64x128xf32, #tpu.memory_space<vmem_shared>>) target(%arg15 : memref<80x128xf32, #tpu.memory_space<vmem>>) offsets(%arg13 : memref<80xi32, #tpu.memory_space<vmem>>) semaphore(%run_scoped3A : memref<!tpu.dma_semaphore, #tpu.memory_space<semaphore_mem>>)
        %dma_wait3A = arith.constant 0 : i32
        %dma_wait3A_121 = arith.constant 0 : i32
        %dma_wait3A_122 = tpu.memref_slice %arg18[%dma_wait3A, %dma_wait3A_121] : memref<64x128xf32, #tpu.memory_space<vmem_shared>> -> memref<64x128xf32, #tpu.memory_space<vmem_shared>>
        tpu.wait_indirect_dma semaphore(%run_scoped3A : memref<!tpu.dma_semaphore, #tpu.memory_space<semaphore_mem>>) src(%dma_wait3A_122 : memref<64x128xf32, #tpu.memory_space<vmem_shared>>) dst(%arg15 : memref<80x128xf32, #tpu.memory_space<vmem>>)
        tpu.yield
      }) : () -> ()
      %scan3A_111 = arith.constant 0 : i32
      %scan3A_112 = arith.constant 0 : i32
      %scan3A_113 = arith.constant 80 : i32
      %scan3A_114 = arith.addi %scan3A_112, %scan3A_113 : i32
      %scan3A_115 = arith.constant 1 : i32
      %scan3A_116 = scf.for %scan3A_119 = %scan3A_112 to %scan3A_114 step %scan3A_115 iter_args(%scan3A_120 = %scan3A_111) -> (i32)  : i32 {
        %get3A = arith.index_cast %scan3A_119 : i32 to index
        %get3A_121 = arith.constant 0 : index
        %get3A_122 = tpu.vector_load %arg14[%get3A, %get3A_121] {strides = array<i32>} : memref<80x128xf32, #tpu.memory_space<vmem>>, vector<1x16xf32>,
        %get3A_123 = vector.shape_cast %get3A_122 : vector<1x16xf32> to vector<16xf32>
        %get3A_124 = arith.index_cast %scan3A_119 : i32 to index
        %get3A_125 = arith.constant 0 : index
        %get3A_126 = tpu.vector_load %arg15[%get3A_124, %get3A_125] {strides = array<i32>} : memref<80x128xf32, #tpu.memory_space<vmem>>, vector<1x16xf32>,
        %get3A_127 = vector.shape_cast %get3A_126 : vector<1x16xf32> to vector<16xf32>
        %mul3A_128 = arith.mulf %get3A_123, %get3A_127 : vector<16xf32>
        %swap3A = arith.index_cast %scan3A_119 : i32 to index
        %swap3A_129 = arith.constant 0 : index
        %swap3A_130 = tpu.vector_load %arg14[%swap3A, %swap3A_129] {strides = array<i32>} : memref<80x128xf32, #tpu.memory_space<vmem>>, vector<1x16xf32>,
        %swap3A_131 = vector.shape_cast %swap3A_130 : vector<1x16xf32> to vector<16xf32>
        %swap3A_132 = vector.shape_cast %mul3A_128 : vector<16xf32> to vector<1x16xf32>
        tpu.vector_store %arg14[%swap3A, %swap3A_129], %swap3A_132 {strides = array<i32>} : memref<80x128xf32, #tpu.memory_space<vmem>>, vector<1x16xf32>,
        %get3A_133 = arith.index_cast %scan3A_119 : i32 to index
        %get3A_134 = arith.constant 16 : index
        %get3A_135 = tpu.vector_load %arg14[%get3A_133, %get3A_134] {strides = array<i32>} : memref<80x128xf32, #tpu.memory_space<vmem>>, vector<1x16xf32>,
        %get3A_136 = vector.shape_cast %get3A_135 : vector<1x16xf32> to vector<16xf32>
        %get3A_137 = arith.index_cast %scan3A_119 : i32 to index
        %get3A_138 = arith.constant 16 : index
        %get3A_139 = tpu.vector_load %arg15[%get3A_137, %get3A_138] {strides = array<i32>} : memref<80x128xf32, #tpu.memory_space<vmem>>, vector<1x16xf32>,
        %get3A_140 = vector.shape_cast %get3A_139 : vector<1x16xf32> to vector<16xf32>
        %mul3A_141 = arith.mulf %get3A_136, %get3A_140 : vector<16xf32>
        %swap3A_142 = arith.index_cast %scan3A_119 : i32 to index
        %swap3A_143 = arith.constant 16 : index
        %swap3A_144 = tpu.vector_load %arg14[%swap3A_142, %swap3A_143] {strides = array<i32>} : memref<80x128xf32, #tpu.memory_space<vmem>>, vector<1x16xf32>,
        %swap3A_145 = vector.shape_cast %swap3A_144 : vector<1x16xf32> to vector<16xf32>
        %swap3A_146 = vector.shape_cast %mul3A_141 : vector<16xf32> to vector<1x16xf32>
        tpu.vector_store %arg14[%swap3A_142, %swap3A_143], %swap3A_146 {strides = array<i32>} : memref<80x128xf32, #tpu.memory_space<vmem>>, vector<1x16xf32>,
        %get3A_147 = arith.index_cast %scan3A_119 : i32 to index
        %get3A_148 = arith.constant 32 : index
        %get3A_149 = tpu.vector_load %arg14[%get3A_147, %get3A_148] {strides = array<i32>} : memref<80x128xf32, #tpu.memory_space<vmem>>, vector<1x16xf32>,
        %get3A_150 = vector.shape_cast %get3A_149 : vector<1x16xf32> to vector<16xf32>
        %get3A_151 = arith.index_cast %scan3A_119 : i32 to index
        %get3A_152 = arith.constant 32 : index
        %get3A_153 = tpu.vector_load %arg15[%get3A_151, %get3A_152] {strides = array<i32>} : memref<80x128xf32, #tpu.memory_space<vmem>>, vector<1x16xf32>,
        %get3A_154 = vector.shape_cast %get3A_153 : vector<1x16xf32> to vector<16xf32>
        %mul3A_155 = arith.mulf %get3A_150, %get3A_154 : vector<16xf32>
        %swap3A_156 = arith.index_cast %scan3A_119 : i32 to index
        %swap3A_157 = arith.constant 32 : index
        %swap3A_158 = tpu.vector_load %arg14[%swap3A_156, %swap3A_157] {strides = array<i32>} : memref<80x128xf32, #tpu.memory_space<vmem>>, vector<1x16xf32>,
        %swap3A_159 = vector.shape_cast %swap3A_158 : vector<1x16xf32> to vector<16xf32>
        %swap3A_160 = vector.shape_cast %mul3A_155 : vector<16xf32> to vector<1x16xf32>
        tpu.vector_store %arg14[%swap3A_156, %swap3A_157], %swap3A_160 {strides = array<i32>} : memref<80x128xf32, #tpu.memory_space<vmem>>, vector<1x16xf32>,
        %get3A_161 = arith.index_cast %scan3A_119 : i32 to index
        %get3A_162 = arith.constant 48 : index
        %get3A_163 = tpu.vector_load %arg14[%get3A_161, %get3A_162] {strides = array<i32>} : memref<80x128xf32, #tpu.memory_space<vmem>>, vector<1x16xf32>,
        %get3A_164 = vector.shape_cast %get3A_163 : vector<1x16xf32> to vector<16xf32>
        %get3A_165 = arith.index_cast %scan3A_119 : i32 to index
        %get3A_166 = arith.constant 48 : index
        %get3A_167 = tpu.vector_load %arg15[%get3A_165, %get3A_166] {strides = array<i32>} : memref<80x128xf32, #tpu.memory_space<vmem>>, vector<1x16xf32>,
        %get3A_168 = vector.shape_cast %get3A_167 : vector<1x16xf32> to vector<16xf32>
        %mul3A_169 = arith.mulf %get3A_164, %get3A_168 : vector<16xf32>
        %swap3A_170 = arith.index_cast %scan3A_119 : i32 to index
        %swap3A_171 = arith.constant 48 : index
        %swap3A_172 = tpu.vector_load %arg14[%swap3A_170, %swap3A_171] {strides = array<i32>} : memref<80x128xf32, #tpu.memory_space<vmem>>, vector<1x16xf32>,
        %swap3A_173 = vector.shape_cast %swap3A_172 : vector<1x16xf32> to vector<16xf32>
        %swap3A_174 = vector.shape_cast %mul3A_169 : vector<16xf32> to vector<1x16xf32>
        tpu.vector_store %arg14[%swap3A_170, %swap3A_171], %swap3A_174 {strides = array<i32>} : memref<80x128xf32, #tpu.memory_space<vmem>>, vector<1x16xf32>,
        %get3A_175 = arith.index_cast %scan3A_119 : i32 to index
        %get3A_176 = arith.constant 64 : index
        %get3A_177 = tpu.vector_load %arg14[%get3A_175, %get3A_176] {strides = array<i32>} : memref<80x128xf32, #tpu.memory_space<vmem>>, vector<1x16xf32>,
        %get3A_178 = vector.shape_cast %get3A_177 : vector<1x16xf32> to vector<16xf32>
        %get3A_179 = arith.index_cast %scan3A_119 : i32 to index
        %get3A_180 = arith.constant 64 : index
        %get3A_181 = tpu.vector_load %arg15[%get3A_179, %get3A_180] {strides = array<i32>} : memref<80x128xf32, #tpu.memory_space<vmem>>, vector<1x16xf32>,
        %get3A_182 = vector.shape_cast %get3A_181 : vector<1x16xf32> to vector<16xf32>
        %mul3A_183 = arith.mulf %get3A_178, %get3A_182 : vector<16xf32>
        %swap3A_184 = arith.index_cast %scan3A_119 : i32 to index
        %swap3A_185 = arith.constant 64 : index
        %swap3A_186 = tpu.vector_load %arg14[%swap3A_184, %swap3A_185] {strides = array<i32>} : memref<80x128xf32, #tpu.memory_space<vmem>>, vector<1x16xf32>,
        %swap3A_187 = vector.shape_cast %swap3A_186 : vector<1x16xf32> to vector<16xf32>
        %swap3A_188 = vector.shape_cast %mul3A_183 : vector<16xf32> to vector<1x16xf32>
        tpu.vector_store %arg14[%swap3A_184, %swap3A_185], %swap3A_188 {strides = array<i32>} : memref<80x128xf32, #tpu.memory_space<vmem>>, vector<1x16xf32>,
        %get3A_189 = arith.index_cast %scan3A_119 : i32 to index
        %get3A_190 = arith.constant 80 : index
        %get3A_191 = tpu.vector_load %arg14[%get3A_189, %get3A_190] {strides = array<i32>} : memref<80x128xf32, #tpu.memory_space<vmem>>, vector<1x16xf32>,
        %get3A_192 = vector.shape_cast %get3A_191 : vector<1x16xf32> to vector<16xf32>
        %get3A_193 = arith.index_cast %scan3A_119 : i32 to index
        %get3A_194 = arith.constant 80 : index
        %get3A_195 = tpu.vector_load %arg15[%get3A_193, %get3A_194] {strides = array<i32>} : memref<80x128xf32, #tpu.memory_space<vmem>>, vector<1x16xf32>,
        %get3A_196 = vector.shape_cast %get3A_195 : vector<1x16xf32> to vector<16xf32>
        %mul3A_197 = arith.mulf %get3A_192, %get3A_196 : vector<16xf32>
        %swap3A_198 = arith.index_cast %scan3A_119 : i32 to index
        %swap3A_199 = arith.constant 80 : index
        %swap3A_200 = tpu.vector_load %arg14[%swap3A_198, %swap3A_199] {strides = array<i32>} : memref<80x128xf32, #tpu.memory_space<vmem>>, vector<1x16xf32>,
        %swap3A_201 = vector.shape_cast %swap3A_200 : vector<1x16xf32> to vector<16xf32>
        %swap3A_202 = vector.shape_cast %mul3A_197 : vector<16xf32> to vector<1x16xf32>
        tpu.vector_store %arg14[%swap3A_198, %swap3A_199], %swap3A_202 {strides = array<i32>} : memref<80x128xf32, #tpu.memory_space<vmem>>, vector<1x16xf32>,
        %get3A_203 = arith.index_cast %scan3A_119 : i32 to index
        %get3A_204 = arith.constant 96 : index
        %get3A_205 = tpu.vector_load %arg14[%get3A_203, %get3A_204] {strides = array<i32>} : memref<80x128xf32, #tpu.memory_space<vmem>>, vector<1x16xf32>,
        %get3A_206 = vector.shape_cast %get3A_205 : vector<1x16xf32> to vector<16xf32>
        %get3A_207 = arith.index_cast %scan3A_119 : i32 to index
        %get3A_208 = arith.constant 96 : index
        %get3A_209 = tpu.vector_load %arg15[%get3A_207, %get3A_208] {strides = array<i32>} : memref<80x128xf32, #tpu.memory_space<vmem>>, vector<1x16xf32>,
        %get3A_210 = vector.shape_cast %get3A_209 : vector<1x16xf32> to vector<16xf32>
        %mul3A_211 = arith.mulf %get3A_206, %get3A_210 : vector<16xf32>
        %swap3A_212 = arith.index_cast %scan3A_119 : i32 to index
        %swap3A_213 = arith.constant 96 : index
        %swap3A_214 = tpu.vector_load %arg14[%swap3A_212, %swap3A_213] {strides = array<i32>} : memref<80x128xf32, #tpu.memory_space<vmem>>, vector<1x16xf32>,
        %swap3A_215 = vector.shape_cast %swap3A_214 : vector<1x16xf32> to vector<16xf32>
        %swap3A_216 = vector.shape_cast %mul3A_211 : vector<16xf32> to vector<1x16xf32>
        tpu.vector_store %arg14[%swap3A_212, %swap3A_213], %swap3A_216 {strides = array<i32>} : memref<80x128xf32, #tpu.memory_space<vmem>>, vector<1x16xf32>,
        %get3A_217 = arith.index_cast %scan3A_119 : i32 to index
        %get3A_218 = arith.constant 112 : index
        %get3A_219 = tpu.vector_load %arg14[%get3A_217, %get3A_218] {strides = array<i32>} : memref<80x128xf32, #tpu.memory_space<vmem>>, vector<1x16xf32>,
        %get3A_220 = vector.shape_cast %get3A_219 : vector<1x16xf32> to vector<16xf32>
        %get3A_221 = arith.index_cast %scan3A_119 : i32 to index
        %get3A_222 = arith.constant 112 : index
        %get3A_223 = tpu.vector_load %arg15[%get3A_221, %get3A_222] {strides = array<i32>} : memref<80x128xf32, #tpu.memory_space<vmem>>, vector<1x16xf32>,
        %get3A_224 = vector.shape_cast %get3A_223 : vector<1x16xf32> to vector<16xf32>
        %mul3A_225 = arith.mulf %get3A_220, %get3A_224 : vector<16xf32>
        %swap3A_226 = arith.index_cast %scan3A_119 : i32 to index
        %swap3A_227 = arith.constant 112 : index
        %swap3A_228 = tpu.vector_load %arg14[%swap3A_226, %swap3A_227] {strides = array<i32>} : memref<80x128xf32, #tpu.memory_space<vmem>>, vector<1x16xf32>,
        %swap3A_229 = vector.shape_cast %swap3A_228 : vector<1x16xf32> to vector<16xf32>
        %swap3A_230 = vector.shape_cast %mul3A_225 : vector<16xf32> to vector<1x16xf32>
        tpu.vector_store %arg14[%swap3A_226, %swap3A_227], %swap3A_230 {strides = array<i32>} : memref<80x128xf32, #tpu.memory_space<vmem>>, vector<1x16xf32>,
        %scan3A_231 = arith.constant 0 : i32
        scf.yield %scan3A_231 : i32
      }
      %scan3A_117 = arith.constant 80 : i32
      "tpu.region"() ({
        %run_scoped3A = tpu.sem_alloc : memref<!tpu.dma_semaphore, #tpu.memory_space<semaphore_mem>>
        %dma_start3A = arith.constant 0 : i32
        %dma_start3A_119 = arith.constant 0 : i32
        %dma_start3A_120 = tpu.memref_slice %arg17[%dma_start3A, %dma_start3A_119] : memref<10000x128xf32, #tpu.memory_space<vmem_shared>> -> memref<10000x128xf32, #tpu.memory_space<vmem_shared>>
        tpu.enqueue_indirect_dma source(%arg14 : memref<80x128xf32, #tpu.memory_space<vmem>>) target(%dma_start3A_120 : memref<10000x128xf32, #tpu.memory_space<vmem_shared>>) offsets(%arg12 : memref<80xi32, #tpu.memory_space<vmem>>) semaphore(%run_scoped3A : memref<!tpu.dma_semaphore, #tpu.memory_space<semaphore_mem>>) {add = true}
        %dma_wait3A = arith.constant 0 : i32
        %dma_wait3A_121 = arith.constant 0 : i32
        %dma_wait3A_122 = tpu.memref_slice %arg17[%dma_wait3A, %dma_wait3A_121] : memref<10000x128xf32, #tpu.memory_space<vmem_shared>> -> memref<10000x128xf32, #tpu.memory_space<vmem_shared>>
        tpu.wait_indirect_dma semaphore(%run_scoped3A : memref<!tpu.dma_semaphore, #tpu.memory_space<semaphore_mem>>) src(%arg14 : memref<80x128xf32, #tpu.memory_space<vmem>>) dst(%dma_wait3A_122 : memref<10000x128xf32, #tpu.memory_space<vmem_shared>>)
        tpu.yield
      }) : () -> ()
      %scan3A_118 = arith.constant 0 : i32
      scf.yield %scan3A_118 : i32
    }
    %scan3A_22 = arith.constant 125 : i32
    %barrier3A_23 = arith.constant 0 : index
    tpu.barrier barrier_id(%barrier3A_23)
    %scan3A_24 = arith.constant 0 : i32
    %scan3A_25 = arith.constant 0 : i32
    %scan3A_26 = arith.constant 8 : i32
    %scan3A_27 = arith.addi %scan3A_25, %scan3A_26 : i32
    %scan3A_28 = arith.constant 1 : i32
    %scan3A_29 = scf.for %scan3A_104 = %scan3A_25 to %scan3A_27 step %scan3A_28 iter_args(%scan3A_105 = %scan3A_24) -> (i32)  : i32 {
      %mul3A_106 = arith.constant 16 : i32
      %mul3A_107 = arith.muli %mul3A_106, %scan3A_104 : i32
      %add3A_108 = arith.addi %arg1, %mul3A_107 : i32
      %lt3A = arith.constant 125 : i32
      %lt3A_109 = arith.cmpi slt, %add3A_108, %lt3A : i32
      %convert_element_type3A_110 = arith.extui %lt3A_109 : i1 to i32
      %cond3A_111 = arith.constant 0 : i32
      %cond3A_112 = arith.cmpi ne, %convert_element_type3A_110, %cond3A_111 : i32
      scf.if %cond3A_112 {
        %mul3A_114 = arith.constant 80 : i32
        %mul3A_115 = arith.muli %add3A_108, %mul3A_114 : i32
        %run_scoped3A = arith.constant 0 : i32
        "tpu.region"() ({
          %run_scoped3A_116 = tpu.sem_alloc : memref<!tpu.dma_semaphore, #tpu.memory_space<semaphore_mem>>
          %dma_start3A = arith.constant 0 : i32
          %dma_start3A_117 = tpu.memref_slice %arg10[%run_scoped3A, %arg0, %mul3A_115, %dma_start3A] : memref<4x2x10000x128xf32, #tpu.memory_space<hbm>> -> memref<1x1x80x128xf32, #tpu.memory_space<hbm>>
          %dma_start3A_118 = tpu.memref_squeeze %dma_start3A_117 : memref<1x1x80x128xf32, #tpu.memory_space<hbm>> -> memref<80x128xf32, #tpu.memory_space<hbm>>
          %dma_start3A_119 = arith.constant 0 : i32
          %dma_start3A_120 = tpu.memref_slice %arg17[%mul3A_115, %dma_start3A_119] : memref<10000x128xf32, #tpu.memory_space<vmem_shared>> -> memref<80x128xf32, #tpu.memory_space<vmem_shared>>
          tpu.enqueue_dma source(%dma_start3A_120 : memref<80x128xf32, #tpu.memory_space<vmem_shared>>) target(%dma_start3A_118 : memref<80x128xf32, #tpu.memory_space<hbm>>) target_semaphore(%run_scoped3A_116 : memref<!tpu.dma_semaphore, #tpu.memory_space<semaphore_mem>>)
          %dma_wait3A = arith.constant 0 : i32
          %dma_wait3A_121 = tpu.memref_slice %arg10[%run_scoped3A, %arg0, %mul3A_115, %dma_wait3A] : memref<4x2x10000x128xf32, #tpu.memory_space<hbm>> -> memref<1x1x80x128xf32, #tpu.memory_space<hbm>>
          %dma_wait3A_122 = tpu.memref_squeeze %dma_wait3A_121 : memref<1x1x80x128xf32, #tpu.memory_space<hbm>> -> memref<80x128xf32, #tpu.memory_space<hbm>>
          %dma_wait3A_123 = arith.constant 0 : i32
          %dma_wait3A_124 = tpu.memref_slice %arg17[%mul3A_115, %dma_wait3A_123] : memref<10000x128xf32, #tpu.memory_space<vmem_shared>> -> memref<80x128xf32, #tpu.memory_space<vmem_shared>>
          tpu.wait_dma2 semaphore(%run_scoped3A_116 : memref<!tpu.dma_semaphore, #tpu.memory_space<semaphore_mem>>) src(%dma_wait3A_124 : memref<80x128xf32, #tpu.memory_space<vmem_shared>>) dst(%dma_wait3A_122 : memref<80x128xf32, #tpu.memory_space<hbm>>)
          tpu.yield
        }) : () -> ()
      } else {
      }
      %scan3A_113 = arith.constant 0 : i32
      scf.yield %scan3A_113 : i32
    }
    %scan3A_30 = arith.constant 8 : i32
    %barrier3A_31 = arith.constant 0 : index
    tpu.barrier barrier_id(%barrier3A_31)
    %scan3A_32 = arith.constant 0 : i32
    %scan3A_33 = arith.constant 0 : i32
    %scan3A_34 = arith.constant 8 : i32
    %scan3A_35 = arith.addi %scan3A_33, %scan3A_34 : i32
    %scan3A_36 = arith.constant 1 : i32
    %scan3A_37 = scf.for %scan3A_104 = %scan3A_33 to %scan3A_35 step %scan3A_36 iter_args(%scan3A_105 = %scan3A_32) -> (i32)  : i32 {
      %mul3A_106 = arith.constant 16 : i32
      %mul3A_107 = arith.muli %mul3A_106, %scan3A_104 : i32
      %add3A_108 = arith.addi %arg1, %mul3A_107 : i32
      %lt3A = arith.constant 125 : i32
      %lt3A_109 = arith.cmpi slt, %add3A_108, %lt3A : i32
      %convert_element_type3A_110 = arith.extui %lt3A_109 : i1 to i32
      %cond3A_111 = arith.constant 0 : i32
      %cond3A_112 = arith.cmpi ne, %convert_element_type3A_110, %cond3A_111 : i32
      scf.if %cond3A_112 {
        %mul3A_114 = arith.constant 80 : i32
        %mul3A_115 = arith.muli %add3A_108, %mul3A_114 : i32
        "tpu.region"() ({
          %run_scoped3A = tpu.sem_alloc : memref<!tpu.dma_semaphore, #tpu.memory_space<semaphore_mem>>
          %dma_start3A = arith.constant 0 : i32
          %dma_start3A_116 = tpu.memref_slice %arg17[%mul3A_115, %dma_start3A] : memref<10000x128xf32, #tpu.memory_space<vmem_shared>> -> memref<80x128xf32, #tpu.memory_space<vmem_shared>>
          %dma_start3A_117 = arith.constant 0 : i32
          %dma_start3A_118 = tpu.memref_slice %arg17[%mul3A_115, %dma_start3A_117] : memref<10000x128xf32, #tpu.memory_space<vmem_shared>> -> memref<80x128xf32, #tpu.memory_space<vmem_shared>>
          tpu.enqueue_dma source(%arg16 : memref<80x128xf32, #tpu.memory_space<vmem>>) target(%dma_start3A_118 : memref<80x128xf32, #tpu.memory_space<vmem_shared>>) target_semaphore(%run_scoped3A : memref<!tpu.dma_semaphore, #tpu.memory_space<semaphore_mem>>)
          %dma_wait3A = arith.constant 0 : i32
          %dma_wait3A_119 = tpu.memref_slice %arg17[%mul3A_115, %dma_wait3A] : memref<10000x128xf32, #tpu.memory_space<vmem_shared>> -> memref<80x128xf32, #tpu.memory_space<vmem_shared>>
          %dma_wait3A_120 = arith.constant 0 : i32
          %dma_wait3A_121 = tpu.memref_slice %arg17[%mul3A_115, %dma_wait3A_120] : memref<10000x128xf32, #tpu.memory_space<vmem_shared>> -> memref<80x128xf32, #tpu.memory_space<vmem_shared>>
          tpu.wait_dma2 semaphore(%run_scoped3A : memref<!tpu.dma_semaphore, #tpu.memory_space<semaphore_mem>>) src(%arg16 : memref<80x128xf32, #tpu.memory_space<vmem>>) dst(%dma_wait3A_121 : memref<80x128xf32, #tpu.memory_space<vmem_shared>>)
          tpu.yield
        }) : () -> ()
      } else {
      }
      %scan3A_113 = arith.constant 0 : i32
      scf.yield %scan3A_113 : i32
    }
    %scan3A_38 = arith.constant 8 : i32
    %barrier3A_39 = arith.constant 0 : index
    tpu.barrier barrier_id(%barrier3A_39)
    %scan3A_40 = arith.constant 0 : i32
    %scan3A_41 = arith.constant 0 : i32
    %scan3A_42 = arith.constant 125 : i32
    %scan3A_43 = arith.addi %scan3A_41, %scan3A_42 : i32
    %scan3A_44 = arith.constant 1 : i32
    %scan3A_45 = scf.for %scan3A_104 = %scan3A_41 to %scan3A_43 step %scan3A_44 iter_args(%scan3A_105 = %scan3A_40) -> (i32)  : i32 {
      %mul3A_106 = arith.constant 10000 : i32
      %mul3A_107 = arith.muli %add3A, %mul3A_106 : i32
      %mul3A_108 = arith.constant 80 : i32
      %mul3A_109 = arith.muli %scan3A_104, %mul3A_108 : i32
      %add3A_110 = arith.addi %mul3A_107, %mul3A_109 : i32
      "tpu.region"() ({
        %run_scoped3A = tpu.sem_alloc : memref<!tpu.dma_semaphore, #tpu.memory_space<semaphore_mem>>
        %dma_start3A = tpu.memref_slice %arg6[%add3A_110] : memref<320000xi32, #tpu.memory_space<hbm>> -> memref<80xi32, #tpu.memory_space<hbm>>
        %dma_start3A_119 = tpu.memref_slice %arg6[%add3A_110] : memref<320000xi32, #tpu.memory_space<hbm>> -> memref<80xi32, #tpu.memory_space<hbm>>
        tpu.enqueue_dma source(%dma_start3A_119 : memref<80xi32, #tpu.memory_space<hbm>>) target(%arg11 : memref<80xi32, #tpu.memory_space<vmem>>) target_semaphore(%run_scoped3A : memref<!tpu.dma_semaphore, #tpu.memory_space<semaphore_mem>>)
        %dma_wait3A = tpu.memref_slice %arg6[%add3A_110] : memref<320000xi32, #tpu.memory_space<hbm>> -> memref<80xi32, #tpu.memory_space<hbm>>
        %dma_wait3A_120 = tpu.memref_slice %arg6[%add3A_110] : memref<320000xi32, #tpu.memory_space<hbm>> -> memref<80xi32, #tpu.memory_space<hbm>>
        tpu.wait_dma2 semaphore(%run_scoped3A : memref<!tpu.dma_semaphore, #tpu.memory_space<semaphore_mem>>) src(%dma_wait3A_120 : memref<80xi32, #tpu.memory_space<hbm>>) dst(%arg11 : memref<80xi32, #tpu.memory_space<vmem>>)
        tpu.yield
      }) : () -> ()
      "tpu.region"() ({
        %run_scoped3A = tpu.sem_alloc : memref<!tpu.dma_semaphore, #tpu.memory_space<semaphore_mem>>
        %dma_start3A = tpu.memref_slice %arg8[%add3A_110] : memref<320000xi32, #tpu.memory_space<hbm>> -> memref<80xi32, #tpu.memory_space<hbm>>
        %dma_start3A_119 = tpu.memref_slice %arg8[%add3A_110] : memref<320000xi32, #tpu.memory_space<hbm>> -> memref<80xi32, #tpu.memory_space<hbm>>
        tpu.enqueue_dma source(%dma_start3A_119 : memref<80xi32, #tpu.memory_space<hbm>>) target(%arg13 : memref<80xi32, #tpu.memory_space<vmem>>) target_semaphore(%run_scoped3A : memref<!tpu.dma_semaphore, #tpu.memory_space<semaphore_mem>>)
        %dma_wait3A = tpu.memref_slice %arg8[%add3A_110] : memref<320000xi32, #tpu.memory_space<hbm>> -> memref<80xi32, #tpu.memory_space<hbm>>
        %dma_wait3A_120 = tpu.memref_slice %arg8[%add3A_110] : memref<320000xi32, #tpu.memory_space<hbm>> -> memref<80xi32, #tpu.memory_space<hbm>>
        tpu.wait_dma2 semaphore(%run_scoped3A : memref<!tpu.dma_semaphore, #tpu.memory_space<semaphore_mem>>) src(%dma_wait3A_120 : memref<80xi32, #tpu.memory_space<hbm>>) dst(%arg13 : memref<80xi32, #tpu.memory_space<vmem>>)
        tpu.yield
      }) : () -> ()
      "tpu.region"() ({
        %run_scoped3A = tpu.sem_alloc : memref<!tpu.dma_semaphore, #tpu.memory_space<semaphore_mem>>
        %dma_start3A = tpu.memref_slice %arg7[%add3A_110] : memref<320000xi32, #tpu.memory_space<hbm>> -> memref<80xi32, #tpu.memory_space<hbm>>
        %dma_start3A_119 = tpu.memref_slice %arg7[%add3A_110] : memref<320000xi32, #tpu.memory_space<hbm>> -> memref<80xi32, #tpu.memory_space<hbm>>
        tpu.enqueue_dma source(%dma_start3A_119 : memref<80xi32, #tpu.memory_space<hbm>>) target(%arg12 : memref<80xi32, #tpu.memory_space<vmem>>) target_semaphore(%run_scoped3A : memref<!tpu.dma_semaphore, #tpu.memory_space<semaphore_mem>>)
        %dma_wait3A = tpu.memref_slice %arg7[%add3A_110] : memref<320000xi32, #tpu.memory_space<hbm>> -> memref<80xi32, #tpu.memory_space<hbm>>
        %dma_wait3A_120 = tpu.memref_slice %arg7[%add3A_110] : memref<320000xi32, #tpu.memory_space<hbm>> -> memref<80xi32, #tpu.memory_space<hbm>>
        tpu.wait_dma2 semaphore(%run_scoped3A : memref<!tpu.dma_semaphore, #tpu.memory_space<semaphore_mem>>) src(%dma_wait3A_120 : memref<80xi32, #tpu.memory_space<hbm>>) dst(%arg12 : memref<80xi32, #tpu.memory_space<vmem>>)
        tpu.yield
      }) : () -> ()
      "tpu.region"() ({
        %run_scoped3A = tpu.sem_alloc : memref<!tpu.dma_semaphore, #tpu.memory_space<semaphore_mem>>
        %dma_start3A = arith.constant 0 : i32
        %dma_start3A_119 = arith.constant 0 : i32
        %dma_start3A_120 = tpu.memref_slice %arg3[%dma_start3A, %dma_start3A_119] : memref<10000x128xf32, #tpu.memory_space<hbm>> -> memref<10000x128xf32, #tpu.memory_space<hbm>>
        tpu.enqueue_indirect_dma source(%dma_start3A_120 : memref<10000x128xf32, #tpu.memory_space<hbm>>) target(%arg14 : memref<80x128xf32, #tpu.memory_space<vmem>>) offsets(%arg11 : memref<80xi32, #tpu.memory_space<vmem>>) semaphore(%run_scoped3A : memref<!tpu.dma_semaphore, #tpu.memory_space<semaphore_mem>>)
        %dma_wait3A = arith.constant 0 : i32
        %dma_wait3A_121 = arith.constant 0 : i32
        %dma_wait3A_122 = tpu.memref_slice %arg3[%dma_wait3A, %dma_wait3A_121] : memref<10000x128xf32, #tpu.memory_space<hbm>> -> memref<10000x128xf32, #tpu.memory_space<hbm>>
        tpu.wait_indirect_dma semaphore(%run_scoped3A : memref<!tpu.dma_semaphore, #tpu.memory_space<semaphore_mem>>) src(%dma_wait3A_122 : memref<10000x128xf32, #tpu.memory_space<hbm>>) dst(%arg14 : memref<80x128xf32, #tpu.memory_space<vmem>>)
        tpu.yield
      }) : () -> ()
      "tpu.region"() ({
        %run_scoped3A = tpu.sem_alloc : memref<!tpu.dma_semaphore, #tpu.memory_space<semaphore_mem>>
        %dma_start3A = arith.constant 0 : i32
        %dma_start3A_119 = arith.constant 0 : i32
        %dma_start3A_120 = tpu.memref_slice %arg18[%dma_start3A, %dma_start3A_119] : memref<64x128xf32, #tpu.memory_space<vmem_shared>> -> memref<64x128xf32, #tpu.memory_space<vmem_shared>>
        tpu.enqueue_indirect_dma source(%dma_start3A_120 : memref<64x128xf32, #tpu.memory_space<vmem_shared>>) target(%arg15 : memref<80x128xf32, #tpu.memory_space<vmem>>) offsets(%arg13 : memref<80xi32, #tpu.memory_space<vmem>>) semaphore(%run_scoped3A : memref<!tpu.dma_semaphore, #tpu.memory_space<semaphore_mem>>)
        %dma_wait3A = arith.constant 0 : i32
        %dma_wait3A_121 = arith.constant 0 : i32
        %dma_wait3A_122 = tpu.memref_slice %arg18[%dma_wait3A, %dma_wait3A_121] : memref<64x128xf32, #tpu.memory_space<vmem_shared>> -> memref<64x128xf32, #tpu.memory_space<vmem_shared>>
        tpu.wait_indirect_dma semaphore(%run_scoped3A : memref<!tpu.dma_semaphore, #tpu.memory_space<semaphore_mem>>) src(%dma_wait3A_122 : memref<64x128xf32, #tpu.memory_space<vmem_shared>>) dst(%arg15 : memref<80x128xf32, #tpu.memory_space<vmem>>)
        tpu.yield
      }) : () -> ()
      %scan3A_111 = arith.constant 0 : i32
      %scan3A_112 = arith.constant 0 : i32
      %scan3A_113 = arith.constant 80 : i32
      %scan3A_114 = arith.addi %scan3A_112, %scan3A_113 : i32
      %scan3A_115 = arith.constant 1 : i32
      %scan3A_116 = scf.for %scan3A_119 = %scan3A_112 to %scan3A_114 step %scan3A_115 iter_args(%scan3A_120 = %scan3A_111) -> (i32)  : i32 {
        %get3A = arith.index_cast %scan3A_119 : i32 to index
        %get3A_121 = arith.constant 0 : index
        %get3A_122 = tpu.vector_load %arg14[%get3A, %get3A_121] {strides = array<i32>} : memref<80x128xf32, #tpu.memory_space<vmem>>, vector<1x16xf32>,
        %get3A_123 = vector.shape_cast %get3A_122 : vector<1x16xf32> to vector<16xf32>
        %get3A_124 = arith.index_cast %scan3A_119 : i32 to index
        %get3A_125 = arith.constant 0 : index
        %get3A_126 = tpu.vector_load %arg15[%get3A_124, %get3A_125] {strides = array<i32>} : memref<80x128xf32, #tpu.memory_space<vmem>>, vector<1x16xf32>,
        %get3A_127 = vector.shape_cast %get3A_126 : vector<1x16xf32> to vector<16xf32>
        %mul3A_128 = arith.mulf %get3A_123, %get3A_127 : vector<16xf32>
        %swap3A = arith.index_cast %scan3A_119 : i32 to index
        %swap3A_129 = arith.constant 0 : index
        %swap3A_130 = tpu.vector_load %arg14[%swap3A, %swap3A_129] {strides = array<i32>} : memref<80x128xf32, #tpu.memory_space<vmem>>, vector<1x16xf32>,
        %swap3A_131 = vector.shape_cast %swap3A_130 : vector<1x16xf32> to vector<16xf32>
        %swap3A_132 = vector.shape_cast %mul3A_128 : vector<16xf32> to vector<1x16xf32>
        tpu.vector_store %arg14[%swap3A, %swap3A_129], %swap3A_132 {strides = array<i32>} : memref<80x128xf32, #tpu.memory_space<vmem>>, vector<1x16xf32>,
        %get3A_133 = arith.index_cast %scan3A_119 : i32 to index
        %get3A_134 = arith.constant 16 : index
        %get3A_135 = tpu.vector_load %arg14[%get3A_133, %get3A_134] {strides = array<i32>} : memref<80x128xf32, #tpu.memory_space<vmem>>, vector<1x16xf32>,
        %get3A_136 = vector.shape_cast %get3A_135 : vector<1x16xf32> to vector<16xf32>
        %get3A_137 = arith.index_cast %scan3A_119 : i32 to index
        %get3A_138 = arith.constant 16 : index
        %get3A_139 = tpu.vector_load %arg15[%get3A_137, %get3A_138] {strides = array<i32>} : memref<80x128xf32, #tpu.memory_space<vmem>>, vector<1x16xf32>,
        %get3A_140 = vector.shape_cast %get3A_139 : vector<1x16xf32> to vector<16xf32>
        %mul3A_141 = arith.mulf %get3A_136, %get3A_140 : vector<16xf32>
        %swap3A_142 = arith.index_cast %scan3A_119 : i32 to index
        %swap3A_143 = arith.constant 16 : index
        %swap3A_144 = tpu.vector_load %arg14[%swap3A_142, %swap3A_143] {strides = array<i32>} : memref<80x128xf32, #tpu.memory_space<vmem>>, vector<1x16xf32>,
        %swap3A_145 = vector.shape_cast %swap3A_144 : vector<1x16xf32> to vector<16xf32>
        %swap3A_146 = vector.shape_cast %mul3A_141 : vector<16xf32> to vector<1x16xf32>
        tpu.vector_store %arg14[%swap3A_142, %swap3A_143], %swap3A_146 {strides = array<i32>} : memref<80x128xf32, #tpu.memory_space<vmem>>, vector<1x16xf32>,
        %get3A_147 = arith.index_cast %scan3A_119 : i32 to index
        %get3A_148 = arith.constant 32 : index
        %get3A_149 = tpu.vector_load %arg14[%get3A_147, %get3A_148] {strides = array<i32>} : memref<80x128xf32, #tpu.memory_space<vmem>>, vector<1x16xf32>,
        %get3A_150 = vector.shape_cast %get3A_149 : vector<1x16xf32> to vector<16xf32>
        %get3A_151 = arith.index_cast %scan3A_119 : i32 to index
        %get3A_152 = arith.constant 32 : index
        %get3A_153 = tpu.vector_load %arg15[%get3A_151, %get3A_152] {strides = array<i32>} : memref<80x128xf32, #tpu.memory_space<vmem>>, vector<1x16xf32>,
        %get3A_154 = vector.shape_cast %get3A_153 : vector<1x16xf32> to vector<16xf32>
        %mul3A_155 = arith.mulf %get3A_150, %get3A_154 : vector<16xf32>
        %swap3A_156 = arith.index_cast %scan3A_119 : i32 to index
        %swap3A_157 = arith.constant 32 : index
        %swap3A_158 = tpu.vector_load %arg14[%swap3A_156, %swap3A_157] {strides = array<i32>} : memref<80x128xf32, #tpu.memory_space<vmem>>, vector<1x16xf32>,
        %swap3A_159 = vector.shape_cast %swap3A_158 : vector<1x16xf32> to vector<16xf32>
        %swap3A_160 = vector.shape_cast %mul3A_155 : vector<16xf32> to vector<1x16xf32>
        tpu.vector_store %arg14[%swap3A_156, %swap3A_157], %swap3A_160 {strides = array<i32>} : memref<80x128xf32, #tpu.memory_space<vmem>>, vector<1x16xf32>,
        %get3A_161 = arith.index_cast %scan3A_119 : i32 to index
        %get3A_162 = arith.constant 48 : index
        %get3A_163 = tpu.vector_load %arg14[%get3A_161, %get3A_162] {strides = array<i32>} : memref<80x128xf32, #tpu.memory_space<vmem>>, vector<1x16xf32>,
        %get3A_164 = vector.shape_cast %get3A_163 : vector<1x16xf32> to vector<16xf32>
        %get3A_165 = arith.index_cast %scan3A_119 : i32 to index
        %get3A_166 = arith.constant 48 : index
        %get3A_167 = tpu.vector_load %arg15[%get3A_165, %get3A_166] {strides = array<i32>} : memref<80x128xf32, #tpu.memory_space<vmem>>, vector<1x16xf32>,
        %get3A_168 = vector.shape_cast %get3A_167 : vector<1x16xf32> to vector<16xf32>
        %mul3A_169 = arith.mulf %get3A_164, %get3A_168 : vector<16xf32>
        %swap3A_170 = arith.index_cast %scan3A_119 : i32 to index
        %swap3A_171 = arith.constant 48 : index
        %swap3A_172 = tpu.vector_load %arg14[%swap3A_170, %swap3A_171] {strides = array<i32>} : memref<80x128xf32, #tpu.memory_space<vmem>>, vector<1x16xf32>,
        %swap3A_173 = vector.shape_cast %swap3A_172 : vector<1x16xf32> to vector<16xf32>
        %swap3A_174 = vector.shape_cast %mul3A_169 : vector<16xf32> to vector<1x16xf32>
        tpu.vector_store %arg14[%swap3A_170, %swap3A_171], %swap3A_174 {strides = array<i32>} : memref<80x128xf32, #tpu.memory_space<vmem>>, vector<1x16xf32>,
        %get3A_175 = arith.index_cast %scan3A_119 : i32 to index
        %get3A_176 = arith.constant 64 : index
        %get3A_177 = tpu.vector_load %arg14[%get3A_175, %get3A_176] {strides = array<i32>} : memref<80x128xf32, #tpu.memory_space<vmem>>, vector<1x16xf32>,
        %get3A_178 = vector.shape_cast %get3A_177 : vector<1x16xf32> to vector<16xf32>
        %get3A_179 = arith.index_cast %scan3A_119 : i32 to index
        %get3A_180 = arith.constant 64 : index
        %get3A_181 = tpu.vector_load %arg15[%get3A_179, %get3A_180] {strides = array<i32>} : memref<80x128xf32, #tpu.memory_space<vmem>>, vector<1x16xf32>,
        %get3A_182 = vector.shape_cast %get3A_181 : vector<1x16xf32> to vector<16xf32>
        %mul3A_183 = arith.mulf %get3A_178, %get3A_182 : vector<16xf32>
        %swap3A_184 = arith.index_cast %scan3A_119 : i32 to index
        %swap3A_185 = arith.constant 64 : index
        %swap3A_186 = tpu.vector_load %arg14[%swap3A_184, %swap3A_185] {strides = array<i32>} : memref<80x128xf32, #tpu.memory_space<vmem>>, vector<1x16xf32>,
        %swap3A_187 = vector.shape_cast %swap3A_186 : vector<1x16xf32> to vector<16xf32>
        %swap3A_188 = vector.shape_cast %mul3A_183 : vector<16xf32> to vector<1x16xf32>
        tpu.vector_store %arg14[%swap3A_184, %swap3A_185], %swap3A_188 {strides = array<i32>} : memref<80x128xf32, #tpu.memory_space<vmem>>, vector<1x16xf32>,
        %get3A_189 = arith.index_cast %scan3A_119 : i32 to index
        %get3A_190 = arith.constant 80 : index
        %get3A_191 = tpu.vector_load %arg14[%get3A_189, %get3A_190] {strides = array<i32>} : memref<80x128xf32, #tpu.memory_space<vmem>>, vector<1x16xf32>,
        %get3A_192 = vector.shape_cast %get3A_191 : vector<1x16xf32> to vector<16xf32>
        %get3A_193 = arith.index_cast %scan3A_119 : i32 to index
        %get3A_194 = arith.constant 80 : index
        %get3A_195 = tpu.vector_load %arg15[%get3A_193, %get3A_194] {strides = array<i32>} : memref<80x128xf32, #tpu.memory_space<vmem>>, vector<1x16xf32>,
        %get3A_196 = vector.shape_cast %get3A_195 : vector<1x16xf32> to vector<16xf32>
        %mul3A_197 = arith.mulf %get3A_192, %get3A_196 : vector<16xf32>
        %swap3A_198 = arith.index_cast %scan3A_119 : i32 to index
        %swap3A_199 = arith.constant 80 : index
        %swap3A_200 = tpu.vector_load %arg14[%swap3A_198, %swap3A_199] {strides = array<i32>} : memref<80x128xf32, #tpu.memory_space<vmem>>, vector<1x16xf32>,
        %swap3A_201 = vector.shape_cast %swap3A_200 : vector<1x16xf32> to vector<16xf32>
        %swap3A_202 = vector.shape_cast %mul3A_197 : vector<16xf32> to vector<1x16xf32>
        tpu.vector_store %arg14[%swap3A_198, %swap3A_199], %swap3A_202 {strides = array<i32>} : memref<80x128xf32, #tpu.memory_space<vmem>>, vector<1x16xf32>,
        %get3A_203 = arith.index_cast %scan3A_119 : i32 to index
        %get3A_204 = arith.constant 96 : index
        %get3A_205 = tpu.vector_load %arg14[%get3A_203, %get3A_204] {strides = array<i32>} : memref<80x128xf32, #tpu.memory_space<vmem>>, vector<1x16xf32>,
        %get3A_206 = vector.shape_cast %get3A_205 : vector<1x16xf32> to vector<16xf32>
        %get3A_207 = arith.index_cast %scan3A_119 : i32 to index
        %get3A_208 = arith.constant 96 : index
        %get3A_209 = tpu.vector_load %arg15[%get3A_207, %get3A_208] {strides = array<i32>} : memref<80x128xf32, #tpu.memory_space<vmem>>, vector<1x16xf32>,
        %get3A_210 = vector.shape_cast %get3A_209 : vector<1x16xf32> to vector<16xf32>
        %mul3A_211 = arith.mulf %get3A_206, %get3A_210 : vector<16xf32>
        %swap3A_212 = arith.index_cast %scan3A_119 : i32 to index
        %swap3A_213 = arith.constant 96 : index
        %swap3A_214 = tpu.vector_load %arg14[%swap3A_212, %swap3A_213] {strides = array<i32>} : memref<80x128xf32, #tpu.memory_space<vmem>>, vector<1x16xf32>,
        %swap3A_215 = vector.shape_cast %swap3A_214 : vector<1x16xf32> to vector<16xf32>
        %swap3A_216 = vector.shape_cast %mul3A_211 : vector<16xf32> to vector<1x16xf32>
        tpu.vector_store %arg14[%swap3A_212, %swap3A_213], %swap3A_216 {strides = array<i32>} : memref<80x128xf32, #tpu.memory_space<vmem>>, vector<1x16xf32>,
        %get3A_217 = arith.index_cast %scan3A_119 : i32 to index
        %get3A_218 = arith.constant 112 : index
        %get3A_219 = tpu.vector_load %arg14[%get3A_217, %get3A_218] {strides = array<i32>} : memref<80x128xf32, #tpu.memory_space<vmem>>, vector<1x16xf32>,
        %get3A_220 = vector.shape_cast %get3A_219 : vector<1x16xf32> to vector<16xf32>
        %get3A_221 = arith.index_cast %scan3A_119 : i32 to index
        %get3A_222 = arith.constant 112 : index
        %get3A_223 = tpu.vector_load %arg15[%get3A_221, %get3A_222] {strides = array<i32>} : memref<80x128xf32, #tpu.memory_space<vmem>>, vector<1x16xf32>,
        %get3A_224 = vector.shape_cast %get3A_223 : vector<1x16xf32> to vector<16xf32>
        %mul3A_225 = arith.mulf %get3A_220, %get3A_224 : vector<16xf32>
        %swap3A_226 = arith.index_cast %scan3A_119 : i32 to index
        %swap3A_227 = arith.constant 112 : index
        %swap3A_228 = tpu.vector_load %arg14[%swap3A_226, %swap3A_227] {strides = array<i32>} : memref<80x128xf32, #tpu.memory_space<vmem>>, vector<1x16xf32>,
        %swap3A_229 = vector.shape_cast %swap3A_228 : vector<1x16xf32> to vector<16xf32>
        %swap3A_230 = vector.shape_cast %mul3A_225 : vector<16xf32> to vector<1x16xf32>
        tpu.vector_store %arg14[%swap3A_226, %swap3A_227], %swap3A_230 {strides = array<i32>} : memref<80x128xf32, #tpu.memory_space<vmem>>, vector<1x16xf32>,
        %scan3A_231 = arith.constant 0 : i32
        scf.yield %scan3A_231 : i32
      }
      %scan3A_117 = arith.constant 80 : i32
      "tpu.region"() ({
        %run_scoped3A = tpu.sem_alloc : memref<!tpu.dma_semaphore, #tpu.memory_space<semaphore_mem>>
        %dma_start3A = arith.constant 0 : i32
        %dma_start3A_119 = arith.constant 0 : i32
        %dma_start3A_120 = tpu.memref_slice %arg17[%dma_start3A, %dma_start3A_119] : memref<10000x128xf32, #tpu.memory_space<vmem_shared>> -> memref<10000x128xf32, #tpu.memory_space<vmem_shared>>
        tpu.enqueue_indirect_dma source(%arg14 : memref<80x128xf32, #tpu.memory_space<vmem>>) target(%dma_start3A_120 : memref<10000x128xf32, #tpu.memory_space<vmem_shared>>) offsets(%arg12 : memref<80xi32, #tpu.memory_space<vmem>>) semaphore(%run_scoped3A : memref<!tpu.dma_semaphore, #tpu.memory_space<semaphore_mem>>) {add = true}
        %dma_wait3A = arith.constant 0 : i32
        %dma_wait3A_121 = arith.constant 0 : i32
        %dma_wait3A_122 = tpu.memref_slice %arg17[%dma_wait3A, %dma_wait3A_121] : memref<10000x128xf32, #tpu.memory_space<vmem_shared>> -> memref<10000x128xf32, #tpu.memory_space<vmem_shared>>
        tpu.wait_indirect_dma semaphore(%run_scoped3A : memref<!tpu.dma_semaphore, #tpu.memory_space<semaphore_mem>>) src(%arg14 : memref<80x128xf32, #tpu.memory_space<vmem>>) dst(%dma_wait3A_122 : memref<10000x128xf32, #tpu.memory_space<vmem_shared>>)
        tpu.yield
      }) : () -> ()
      %scan3A_118 = arith.constant 0 : i32
      scf.yield %scan3A_118 : i32
    }
    %scan3A_46 = arith.constant 125 : i32
    %barrier3A_47 = arith.constant 0 : index
    tpu.barrier barrier_id(%barrier3A_47)
    %scan3A_48 = arith.constant 0 : i32
    %scan3A_49 = arith.constant 0 : i32
    %scan3A_50 = arith.constant 8 : i32
    %scan3A_51 = arith.addi %scan3A_49, %scan3A_50 : i32
    %scan3A_52 = arith.constant 1 : i32
    %scan3A_53 = scf.for %scan3A_104 = %scan3A_49 to %scan3A_51 step %scan3A_52 iter_args(%scan3A_105 = %scan3A_48) -> (i32)  : i32 {
      %mul3A_106 = arith.constant 16 : i32
      %mul3A_107 = arith.muli %mul3A_106, %scan3A_104 : i32
      %add3A_108 = arith.addi %arg1, %mul3A_107 : i32
      %lt3A = arith.constant 125 : i32
      %lt3A_109 = arith.cmpi slt, %add3A_108, %lt3A : i32
      %convert_element_type3A_110 = arith.extui %lt3A_109 : i1 to i32
      %cond3A_111 = arith.constant 0 : i32
      %cond3A_112 = arith.cmpi ne, %convert_element_type3A_110, %cond3A_111 : i32
      scf.if %cond3A_112 {
        %mul3A_114 = arith.constant 80 : i32
        %mul3A_115 = arith.muli %add3A_108, %mul3A_114 : i32
        %run_scoped3A = arith.constant 1 : i32
        "tpu.region"() ({
          %run_scoped3A_116 = tpu.sem_alloc : memref<!tpu.dma_semaphore, #tpu.memory_space<semaphore_mem>>
          %dma_start3A = arith.constant 0 : i32
          %dma_start3A_117 = tpu.memref_slice %arg10[%run_scoped3A, %arg0, %mul3A_115, %dma_start3A] : memref<4x2x10000x128xf32, #tpu.memory_space<hbm>> -> memref<1x1x80x128xf32, #tpu.memory_space<hbm>>
          %dma_start3A_118 = tpu.memref_squeeze %dma_start3A_117 : memref<1x1x80x128xf32, #tpu.memory_space<hbm>> -> memref<80x128xf32, #tpu.memory_space<hbm>>
          %dma_start3A_119 = arith.constant 0 : i32
          %dma_start3A_120 = tpu.memref_slice %arg17[%mul3A_115, %dma_start3A_119] : memref<10000x128xf32, #tpu.memory_space<vmem_shared>> -> memref<80x128xf32, #tpu.memory_space<vmem_shared>>
          tpu.enqueue_dma source(%dma_start3A_120 : memref<80x128xf32, #tpu.memory_space<vmem_shared>>) target(%dma_start3A_118 : memref<80x128xf32, #tpu.memory_space<hbm>>) target_semaphore(%run_scoped3A_116 : memref<!tpu.dma_semaphore, #tpu.memory_space<semaphore_mem>>)
          %dma_wait3A = arith.constant 0 : i32
          %dma_wait3A_121 = tpu.memref_slice %arg10[%run_scoped3A, %arg0, %mul3A_115, %dma_wait3A] : memref<4x2x10000x128xf32, #tpu.memory_space<hbm>> -> memref<1x1x80x128xf32, #tpu.memory_space<hbm>>
          %dma_wait3A_122 = tpu.memref_squeeze %dma_wait3A_121 : memref<1x1x80x128xf32, #tpu.memory_space<hbm>> -> memref<80x128xf32, #tpu.memory_space<hbm>>
          %dma_wait3A_123 = arith.constant 0 : i32
          %dma_wait3A_124 = tpu.memref_slice %arg17[%mul3A_115, %dma_wait3A_123] : memref<10000x128xf32, #tpu.memory_space<vmem_shared>> -> memref<80x128xf32, #tpu.memory_space<vmem_shared>>
          tpu.wait_dma2 semaphore(%run_scoped3A_116 : memref<!tpu.dma_semaphore, #tpu.memory_space<semaphore_mem>>) src(%dma_wait3A_124 : memref<80x128xf32, #tpu.memory_space<vmem_shared>>) dst(%dma_wait3A_122 : memref<80x128xf32, #tpu.memory_space<hbm>>)
          tpu.yield
        }) : () -> ()
      } else {
      }
      %scan3A_113 = arith.constant 0 : i32
      scf.yield %scan3A_113 : i32
    }
    %scan3A_54 = arith.constant 8 : i32
    %barrier3A_55 = arith.constant 0 : index
    tpu.barrier barrier_id(%barrier3A_55)
    %scan3A_56 = arith.constant 0 : i32
    %scan3A_57 = arith.constant 0 : i32
    %scan3A_58 = arith.constant 8 : i32
    %scan3A_59 = arith.addi %scan3A_57, %scan3A_58 : i32
    %scan3A_60 = arith.constant 1 : i32
    %scan3A_61 = scf.for %scan3A_104 = %scan3A_57 to %scan3A_59 step %scan3A_60 iter_args(%scan3A_105 = %scan3A_56) -> (i32)  : i32 {
      %mul3A_106 = arith.constant 16 : i32
      %mul3A_107 = arith.muli %mul3A_106, %scan3A_104 : i32
      %add3A_108 = arith.addi %arg1, %mul3A_107 : i32
      %lt3A = arith.constant 125 : i32
      %lt3A_109 = arith.cmpi slt, %add3A_108, %lt3A : i32
      %convert_element_type3A_110 = arith.extui %lt3A_109 : i1 to i32
      %cond3A_111 = arith.constant 0 : i32
      %cond3A_112 = arith.cmpi ne, %convert_element_type3A_110, %cond3A_111 : i32
      scf.if %cond3A_112 {
        %mul3A_114 = arith.constant 80 : i32
        %mul3A_115 = arith.muli %add3A_108, %mul3A_114 : i32
        "tpu.region"() ({
          %run_scoped3A = tpu.sem_alloc : memref<!tpu.dma_semaphore, #tpu.memory_space<semaphore_mem>>
          %dma_start3A = arith.constant 0 : i32
          %dma_start3A_116 = tpu.memref_slice %arg17[%mul3A_115, %dma_start3A] : memref<10000x128xf32, #tpu.memory_space<vmem_shared>> -> memref<80x128xf32, #tpu.memory_space<vmem_shared>>
          %dma_start3A_117 = arith.constant 0 : i32
          %dma_start3A_118 = tpu.memref_slice %arg17[%mul3A_115, %dma_start3A_117] : memref<10000x128xf32, #tpu.memory_space<vmem_shared>> -> memref<80x128xf32, #tpu.memory_space<vmem_shared>>
          tpu.enqueue_dma source(%arg16 : memref<80x128xf32, #tpu.memory_space<vmem>>) target(%dma_start3A_118 : memref<80x128xf32, #tpu.memory_space<vmem_shared>>) target_semaphore(%run_scoped3A : memref<!tpu.dma_semaphore, #tpu.memory_space<semaphore_mem>>)
          %dma_wait3A = arith.constant 0 : i32
          %dma_wait3A_119 = tpu.memref_slice %arg17[%mul3A_115, %dma_wait3A] : memref<10000x128xf32, #tpu.memory_space<vmem_shared>> -> memref<80x128xf32, #tpu.memory_space<vmem_shared>>
          %dma_wait3A_120 = arith.constant 0 : i32
          %dma_wait3A_121 = tpu.memref_slice %arg17[%mul3A_115, %dma_wait3A_120] : memref<10000x128xf32, #tpu.memory_space<vmem_shared>> -> memref<80x128xf32, #tpu.memory_space<vmem_shared>>
          tpu.wait_dma2 semaphore(%run_scoped3A : memref<!tpu.dma_semaphore, #tpu.memory_space<semaphore_mem>>) src(%arg16 : memref<80x128xf32, #tpu.memory_space<vmem>>) dst(%dma_wait3A_121 : memref<80x128xf32, #tpu.memory_space<vmem_shared>>)
          tpu.yield
        }) : () -> ()
      } else {
      }
      %scan3A_113 = arith.constant 0 : i32
      scf.yield %scan3A_113 : i32
    }
    %scan3A_62 = arith.constant 8 : i32
    %barrier3A_63 = arith.constant 0 : index
    tpu.barrier barrier_id(%barrier3A_63)
    %scan3A_64 = arith.constant 0 : i32
    %scan3A_65 = arith.constant 0 : i32
    %scan3A_66 = arith.constant 125 : i32
    %scan3A_67 = arith.addi %scan3A_65, %scan3A_66 : i32
    %scan3A_68 = arith.constant 1 : i32
    %scan3A_69 = scf.for %scan3A_104 = %scan3A_65 to %scan3A_67 step %scan3A_68 iter_args(%scan3A_105 = %scan3A_64) -> (i32)  : i32 {
      %mul3A_106 = arith.constant 10000 : i32
      %mul3A_107 = arith.muli %add3A, %mul3A_106 : i32
      %mul3A_108 = arith.constant 80 : i32
      %mul3A_109 = arith.muli %scan3A_104, %mul3A_108 : i32
      %add3A_110 = arith.addi %mul3A_107, %mul3A_109 : i32
      "tpu.region"() ({
        %run_scoped3A = tpu.sem_alloc : memref<!tpu.dma_semaphore, #tpu.memory_space<semaphore_mem>>
        %dma_start3A = tpu.memref_slice %arg6[%add3A_110] : memref<320000xi32, #tpu.memory_space<hbm>> -> memref<80xi32, #tpu.memory_space<hbm>>
        %dma_start3A_119 = tpu.memref_slice %arg6[%add3A_110] : memref<320000xi32, #tpu.memory_space<hbm>> -> memref<80xi32, #tpu.memory_space<hbm>>
        tpu.enqueue_dma source(%dma_start3A_119 : memref<80xi32, #tpu.memory_space<hbm>>) target(%arg11 : memref<80xi32, #tpu.memory_space<vmem>>) target_semaphore(%run_scoped3A : memref<!tpu.dma_semaphore, #tpu.memory_space<semaphore_mem>>)
        %dma_wait3A = tpu.memref_slice %arg6[%add3A_110] : memref<320000xi32, #tpu.memory_space<hbm>> -> memref<80xi32, #tpu.memory_space<hbm>>
        %dma_wait3A_120 = tpu.memref_slice %arg6[%add3A_110] : memref<320000xi32, #tpu.memory_space<hbm>> -> memref<80xi32, #tpu.memory_space<hbm>>
        tpu.wait_dma2 semaphore(%run_scoped3A : memref<!tpu.dma_semaphore, #tpu.memory_space<semaphore_mem>>) src(%dma_wait3A_120 : memref<80xi32, #tpu.memory_space<hbm>>) dst(%arg11 : memref<80xi32, #tpu.memory_space<vmem>>)
        tpu.yield
      }) : () -> ()
      "tpu.region"() ({
        %run_scoped3A = tpu.sem_alloc : memref<!tpu.dma_semaphore, #tpu.memory_space<semaphore_mem>>
        %dma_start3A = tpu.memref_slice %arg8[%add3A_110] : memref<320000xi32, #tpu.memory_space<hbm>> -> memref<80xi32, #tpu.memory_space<hbm>>
        %dma_start3A_119 = tpu.memref_slice %arg8[%add3A_110] : memref<320000xi32, #tpu.memory_space<hbm>> -> memref<80xi32, #tpu.memory_space<hbm>>
        tpu.enqueue_dma source(%dma_start3A_119 : memref<80xi32, #tpu.memory_space<hbm>>) target(%arg13 : memref<80xi32, #tpu.memory_space<vmem>>) target_semaphore(%run_scoped3A : memref<!tpu.dma_semaphore, #tpu.memory_space<semaphore_mem>>)
        %dma_wait3A = tpu.memref_slice %arg8[%add3A_110] : memref<320000xi32, #tpu.memory_space<hbm>> -> memref<80xi32, #tpu.memory_space<hbm>>
        %dma_wait3A_120 = tpu.memref_slice %arg8[%add3A_110] : memref<320000xi32, #tpu.memory_space<hbm>> -> memref<80xi32, #tpu.memory_space<hbm>>
        tpu.wait_dma2 semaphore(%run_scoped3A : memref<!tpu.dma_semaphore, #tpu.memory_space<semaphore_mem>>) src(%dma_wait3A_120 : memref<80xi32, #tpu.memory_space<hbm>>) dst(%arg13 : memref<80xi32, #tpu.memory_space<vmem>>)
        tpu.yield
      }) : () -> ()
      "tpu.region"() ({
        %run_scoped3A = tpu.sem_alloc : memref<!tpu.dma_semaphore, #tpu.memory_space<semaphore_mem>>
        %dma_start3A = tpu.memref_slice %arg7[%add3A_110] : memref<320000xi32, #tpu.memory_space<hbm>> -> memref<80xi32, #tpu.memory_space<hbm>>
        %dma_start3A_119 = tpu.memref_slice %arg7[%add3A_110] : memref<320000xi32, #tpu.memory_space<hbm>> -> memref<80xi32, #tpu.memory_space<hbm>>
        tpu.enqueue_dma source(%dma_start3A_119 : memref<80xi32, #tpu.memory_space<hbm>>) target(%arg12 : memref<80xi32, #tpu.memory_space<vmem>>) target_semaphore(%run_scoped3A : memref<!tpu.dma_semaphore, #tpu.memory_space<semaphore_mem>>)
        %dma_wait3A = tpu.memref_slice %arg7[%add3A_110] : memref<320000xi32, #tpu.memory_space<hbm>> -> memref<80xi32, #tpu.memory_space<hbm>>
        %dma_wait3A_120 = tpu.memref_slice %arg7[%add3A_110] : memref<320000xi32, #tpu.memory_space<hbm>> -> memref<80xi32, #tpu.memory_space<hbm>>
        tpu.wait_dma2 semaphore(%run_scoped3A : memref<!tpu.dma_semaphore, #tpu.memory_space<semaphore_mem>>) src(%dma_wait3A_120 : memref<80xi32, #tpu.memory_space<hbm>>) dst(%arg12 : memref<80xi32, #tpu.memory_space<vmem>>)
        tpu.yield
      }) : () -> ()
      "tpu.region"() ({
        %run_scoped3A = tpu.sem_alloc : memref<!tpu.dma_semaphore, #tpu.memory_space<semaphore_mem>>
        %dma_start3A = arith.constant 0 : i32
        %dma_start3A_119 = arith.constant 0 : i32
        %dma_start3A_120 = tpu.memref_slice %arg4[%dma_start3A, %dma_start3A_119] : memref<10000x128xf32, #tpu.memory_space<hbm>> -> memref<10000x128xf32, #tpu.memory_space<hbm>>
        tpu.enqueue_indirect_dma source(%dma_start3A_120 : memref<10000x128xf32, #tpu.memory_space<hbm>>) target(%arg14 : memref<80x128xf32, #tpu.memory_space<vmem>>) offsets(%arg11 : memref<80xi32, #tpu.memory_space<vmem>>) semaphore(%run_scoped3A : memref<!tpu.dma_semaphore, #tpu.memory_space<semaphore_mem>>)
        %dma_wait3A = arith.constant 0 : i32
        %dma_wait3A_121 = arith.constant 0 : i32
        %dma_wait3A_122 = tpu.memref_slice %arg4[%dma_wait3A, %dma_wait3A_121] : memref<10000x128xf32, #tpu.memory_space<hbm>> -> memref<10000x128xf32, #tpu.memory_space<hbm>>
        tpu.wait_indirect_dma semaphore(%run_scoped3A : memref<!tpu.dma_semaphore, #tpu.memory_space<semaphore_mem>>) src(%dma_wait3A_122 : memref<10000x128xf32, #tpu.memory_space<hbm>>) dst(%arg14 : memref<80x128xf32, #tpu.memory_space<vmem>>)
        tpu.yield
      }) : () -> ()
      "tpu.region"() ({
        %run_scoped3A = tpu.sem_alloc : memref<!tpu.dma_semaphore, #tpu.memory_space<semaphore_mem>>
        %dma_start3A = arith.constant 0 : i32
        %dma_start3A_119 = arith.constant 0 : i32
        %dma_start3A_120 = tpu.memref_slice %arg18[%dma_start3A, %dma_start3A_119] : memref<64x128xf32, #tpu.memory_space<vmem_shared>> -> memref<64x128xf32, #tpu.memory_space<vmem_shared>>
        tpu.enqueue_indirect_dma source(%dma_start3A_120 : memref<64x128xf32, #tpu.memory_space<vmem_shared>>) target(%arg15 : memref<80x128xf32, #tpu.memory_space<vmem>>) offsets(%arg13 : memref<80xi32, #tpu.memory_space<vmem>>) semaphore(%run_scoped3A : memref<!tpu.dma_semaphore, #tpu.memory_space<semaphore_mem>>)
        %dma_wait3A = arith.constant 0 : i32
        %dma_wait3A_121 = arith.constant 0 : i32
        %dma_wait3A_122 = tpu.memref_slice %arg18[%dma_wait3A, %dma_wait3A_121] : memref<64x128xf32, #tpu.memory_space<vmem_shared>> -> memref<64x128xf32, #tpu.memory_space<vmem_shared>>
        tpu.wait_indirect_dma semaphore(%run_scoped3A : memref<!tpu.dma_semaphore, #tpu.memory_space<semaphore_mem>>) src(%dma_wait3A_122 : memref<64x128xf32, #tpu.memory_space<vmem_shared>>) dst(%arg15 : memref<80x128xf32, #tpu.memory_space<vmem>>)
        tpu.yield
      }) : () -> ()
      %scan3A_111 = arith.constant 0 : i32
      %scan3A_112 = arith.constant 0 : i32
      %scan3A_113 = arith.constant 80 : i32
      %scan3A_114 = arith.addi %scan3A_112, %scan3A_113 : i32
      %scan3A_115 = arith.constant 1 : i32
      %scan3A_116 = scf.for %scan3A_119 = %scan3A_112 to %scan3A_114 step %scan3A_115 iter_args(%scan3A_120 = %scan3A_111) -> (i32)  : i32 {
        %get3A = arith.index_cast %scan3A_119 : i32 to index
        %get3A_121 = arith.constant 0 : index
        %get3A_122 = tpu.vector_load %arg14[%get3A, %get3A_121] {strides = array<i32>} : memref<80x128xf32, #tpu.memory_space<vmem>>, vector<1x16xf32>,
        %get3A_123 = vector.shape_cast %get3A_122 : vector<1x16xf32> to vector<16xf32>
        %get3A_124 = arith.index_cast %scan3A_119 : i32 to index
        %get3A_125 = arith.constant 0 : index
        %get3A_126 = tpu.vector_load %arg15[%get3A_124, %get3A_125] {strides = array<i32>} : memref<80x128xf32, #tpu.memory_space<vmem>>, vector<1x16xf32>,
        %get3A_127 = vector.shape_cast %get3A_126 : vector<1x16xf32> to vector<16xf32>
        %mul3A_128 = arith.mulf %get3A_123, %get3A_127 : vector<16xf32>
        %swap3A = arith.index_cast %scan3A_119 : i32 to index
        %swap3A_129 = arith.constant 0 : index
        %swap3A_130 = tpu.vector_load %arg14[%swap3A, %swap3A_129] {strides = array<i32>} : memref<80x128xf32, #tpu.memory_space<vmem>>, vector<1x16xf32>,
        %swap3A_131 = vector.shape_cast %swap3A_130 : vector<1x16xf32> to vector<16xf32>
        %swap3A_132 = vector.shape_cast %mul3A_128 : vector<16xf32> to vector<1x16xf32>
        tpu.vector_store %arg14[%swap3A, %swap3A_129], %swap3A_132 {strides = array<i32>} : memref<80x128xf32, #tpu.memory_space<vmem>>, vector<1x16xf32>,
        %get3A_133 = arith.index_cast %scan3A_119 : i32 to index
        %get3A_134 = arith.constant 16 : index
        %get3A_135 = tpu.vector_load %arg14[%get3A_133, %get3A_134] {strides = array<i32>} : memref<80x128xf32, #tpu.memory_space<vmem>>, vector<1x16xf32>,
        %get3A_136 = vector.shape_cast %get3A_135 : vector<1x16xf32> to vector<16xf32>
        %get3A_137 = arith.index_cast %scan3A_119 : i32 to index
        %get3A_138 = arith.constant 16 : index
        %get3A_139 = tpu.vector_load %arg15[%get3A_137, %get3A_138] {strides = array<i32>} : memref<80x128xf32, #tpu.memory_space<vmem>>, vector<1x16xf32>,
        %get3A_140 = vector.shape_cast %get3A_139 : vector<1x16xf32> to vector<16xf32>
        %mul3A_141 = arith.mulf %get3A_136, %get3A_140 : vector<16xf32>
        %swap3A_142 = arith.index_cast %scan3A_119 : i32 to index
        %swap3A_143 = arith.constant 16 : index
        %swap3A_144 = tpu.vector_load %arg14[%swap3A_142, %swap3A_143] {strides = array<i32>} : memref<80x128xf32, #tpu.memory_space<vmem>>, vector<1x16xf32>,
        %swap3A_145 = vector.shape_cast %swap3A_144 : vector<1x16xf32> to vector<16xf32>
        %swap3A_146 = vector.shape_cast %mul3A_141 : vector<16xf32> to vector<1x16xf32>
        tpu.vector_store %arg14[%swap3A_142, %swap3A_143], %swap3A_146 {strides = array<i32>} : memref<80x128xf32, #tpu.memory_space<vmem>>, vector<1x16xf32>,
        %get3A_147 = arith.index_cast %scan3A_119 : i32 to index
        %get3A_148 = arith.constant 32 : index
        %get3A_149 = tpu.vector_load %arg14[%get3A_147, %get3A_148] {strides = array<i32>} : memref<80x128xf32, #tpu.memory_space<vmem>>, vector<1x16xf32>,
        %get3A_150 = vector.shape_cast %get3A_149 : vector<1x16xf32> to vector<16xf32>
        %get3A_151 = arith.index_cast %scan3A_119 : i32 to index
        %get3A_152 = arith.constant 32 : index
        %get3A_153 = tpu.vector_load %arg15[%get3A_151, %get3A_152] {strides = array<i32>} : memref<80x128xf32, #tpu.memory_space<vmem>>, vector<1x16xf32>,
        %get3A_154 = vector.shape_cast %get3A_153 : vector<1x16xf32> to vector<16xf32>
        %mul3A_155 = arith.mulf %get3A_150, %get3A_154 : vector<16xf32>
        %swap3A_156 = arith.index_cast %scan3A_119 : i32 to index
        %swap3A_157 = arith.constant 32 : index
        %swap3A_158 = tpu.vector_load %arg14[%swap3A_156, %swap3A_157] {strides = array<i32>} : memref<80x128xf32, #tpu.memory_space<vmem>>, vector<1x16xf32>,
        %swap3A_159 = vector.shape_cast %swap3A_158 : vector<1x16xf32> to vector<16xf32>
        %swap3A_160 = vector.shape_cast %mul3A_155 : vector<16xf32> to vector<1x16xf32>
        tpu.vector_store %arg14[%swap3A_156, %swap3A_157], %swap3A_160 {strides = array<i32>} : memref<80x128xf32, #tpu.memory_space<vmem>>, vector<1x16xf32>,
        %get3A_161 = arith.index_cast %scan3A_119 : i32 to index
        %get3A_162 = arith.constant 48 : index
        %get3A_163 = tpu.vector_load %arg14[%get3A_161, %get3A_162] {strides = array<i32>} : memref<80x128xf32, #tpu.memory_space<vmem>>, vector<1x16xf32>,
        %get3A_164 = vector.shape_cast %get3A_163 : vector<1x16xf32> to vector<16xf32>
        %get3A_165 = arith.index_cast %scan3A_119 : i32 to index
        %get3A_166 = arith.constant 48 : index
        %get3A_167 = tpu.vector_load %arg15[%get3A_165, %get3A_166] {strides = array<i32>} : memref<80x128xf32, #tpu.memory_space<vmem>>, vector<1x16xf32>,
        %get3A_168 = vector.shape_cast %get3A_167 : vector<1x16xf32> to vector<16xf32>
        %mul3A_169 = arith.mulf %get3A_164, %get3A_168 : vector<16xf32>
        %swap3A_170 = arith.index_cast %scan3A_119 : i32 to index
        %swap3A_171 = arith.constant 48 : index
        %swap3A_172 = tpu.vector_load %arg14[%swap3A_170, %swap3A_171] {strides = array<i32>} : memref<80x128xf32, #tpu.memory_space<vmem>>, vector<1x16xf32>,
        %swap3A_173 = vector.shape_cast %swap3A_172 : vector<1x16xf32> to vector<16xf32>
        %swap3A_174 = vector.shape_cast %mul3A_169 : vector<16xf32> to vector<1x16xf32>
        tpu.vector_store %arg14[%swap3A_170, %swap3A_171], %swap3A_174 {strides = array<i32>} : memref<80x128xf32, #tpu.memory_space<vmem>>, vector<1x16xf32>,
        %get3A_175 = arith.index_cast %scan3A_119 : i32 to index
        %get3A_176 = arith.constant 64 : index
        %get3A_177 = tpu.vector_load %arg14[%get3A_175, %get3A_176] {strides = array<i32>} : memref<80x128xf32, #tpu.memory_space<vmem>>, vector<1x16xf32>,
        %get3A_178 = vector.shape_cast %get3A_177 : vector<1x16xf32> to vector<16xf32>
        %get3A_179 = arith.index_cast %scan3A_119 : i32 to index
        %get3A_180 = arith.constant 64 : index
        %get3A_181 = tpu.vector_load %arg15[%get3A_179, %get3A_180] {strides = array<i32>} : memref<80x128xf32, #tpu.memory_space<vmem>>, vector<1x16xf32>,
        %get3A_182 = vector.shape_cast %get3A_181 : vector<1x16xf32> to vector<16xf32>
        %mul3A_183 = arith.mulf %get3A_178, %get3A_182 : vector<16xf32>
        %swap3A_184 = arith.index_cast %scan3A_119 : i32 to index
        %swap3A_185 = arith.constant 64 : index
        %swap3A_186 = tpu.vector_load %arg14[%swap3A_184, %swap3A_185] {strides = array<i32>} : memref<80x128xf32, #tpu.memory_space<vmem>>, vector<1x16xf32>,
        %swap3A_187 = vector.shape_cast %swap3A_186 : vector<1x16xf32> to vector<16xf32>
        %swap3A_188 = vector.shape_cast %mul3A_183 : vector<16xf32> to vector<1x16xf32>
        tpu.vector_store %arg14[%swap3A_184, %swap3A_185], %swap3A_188 {strides = array<i32>} : memref<80x128xf32, #tpu.memory_space<vmem>>, vector<1x16xf32>,
        %get3A_189 = arith.index_cast %scan3A_119 : i32 to index
        %get3A_190 = arith.constant 80 : index
        %get3A_191 = tpu.vector_load %arg14[%get3A_189, %get3A_190] {strides = array<i32>} : memref<80x128xf32, #tpu.memory_space<vmem>>, vector<1x16xf32>,
        %get3A_192 = vector.shape_cast %get3A_191 : vector<1x16xf32> to vector<16xf32>
        %get3A_193 = arith.index_cast %scan3A_119 : i32 to index
        %get3A_194 = arith.constant 80 : index
        %get3A_195 = tpu.vector_load %arg15[%get3A_193, %get3A_194] {strides = array<i32>} : memref<80x128xf32, #tpu.memory_space<vmem>>, vector<1x16xf32>,
        %get3A_196 = vector.shape_cast %get3A_195 : vector<1x16xf32> to vector<16xf32>
        %mul3A_197 = arith.mulf %get3A_192, %get3A_196 : vector<16xf32>
        %swap3A_198 = arith.index_cast %scan3A_119 : i32 to index
        %swap3A_199 = arith.constant 80 : index
        %swap3A_200 = tpu.vector_load %arg14[%swap3A_198, %swap3A_199] {strides = array<i32>} : memref<80x128xf32, #tpu.memory_space<vmem>>, vector<1x16xf32>,
        %swap3A_201 = vector.shape_cast %swap3A_200 : vector<1x16xf32> to vector<16xf32>
        %swap3A_202 = vector.shape_cast %mul3A_197 : vector<16xf32> to vector<1x16xf32>
        tpu.vector_store %arg14[%swap3A_198, %swap3A_199], %swap3A_202 {strides = array<i32>} : memref<80x128xf32, #tpu.memory_space<vmem>>, vector<1x16xf32>,
        %get3A_203 = arith.index_cast %scan3A_119 : i32 to index
        %get3A_204 = arith.constant 96 : index
        %get3A_205 = tpu.vector_load %arg14[%get3A_203, %get3A_204] {strides = array<i32>} : memref<80x128xf32, #tpu.memory_space<vmem>>, vector<1x16xf32>,
        %get3A_206 = vector.shape_cast %get3A_205 : vector<1x16xf32> to vector<16xf32>
        %get3A_207 = arith.index_cast %scan3A_119 : i32 to index
        %get3A_208 = arith.constant 96 : index
        %get3A_209 = tpu.vector_load %arg15[%get3A_207, %get3A_208] {strides = array<i32>} : memref<80x128xf32, #tpu.memory_space<vmem>>, vector<1x16xf32>,
        %get3A_210 = vector.shape_cast %get3A_209 : vector<1x16xf32> to vector<16xf32>
        %mul3A_211 = arith.mulf %get3A_206, %get3A_210 : vector<16xf32>
        %swap3A_212 = arith.index_cast %scan3A_119 : i32 to index
        %swap3A_213 = arith.constant 96 : index
        %swap3A_214 = tpu.vector_load %arg14[%swap3A_212, %swap3A_213] {strides = array<i32>} : memref<80x128xf32, #tpu.memory_space<vmem>>, vector<1x16xf32>,
        %swap3A_215 = vector.shape_cast %swap3A_214 : vector<1x16xf32> to vector<16xf32>
        %swap3A_216 = vector.shape_cast %mul3A_211 : vector<16xf32> to vector<1x16xf32>
        tpu.vector_store %arg14[%swap3A_212, %swap3A_213], %swap3A_216 {strides = array<i32>} : memref<80x128xf32, #tpu.memory_space<vmem>>, vector<1x16xf32>,
        %get3A_217 = arith.index_cast %scan3A_119 : i32 to index
        %get3A_218 = arith.constant 112 : index
        %get3A_219 = tpu.vector_load %arg14[%get3A_217, %get3A_218] {strides = array<i32>} : memref<80x128xf32, #tpu.memory_space<vmem>>, vector<1x16xf32>,
        %get3A_220 = vector.shape_cast %get3A_219 : vector<1x16xf32> to vector<16xf32>
        %get3A_221 = arith.index_cast %scan3A_119 : i32 to index
        %get3A_222 = arith.constant 112 : index
        %get3A_223 = tpu.vector_load %arg15[%get3A_221, %get3A_222] {strides = array<i32>} : memref<80x128xf32, #tpu.memory_space<vmem>>, vector<1x16xf32>,
        %get3A_224 = vector.shape_cast %get3A_223 : vector<1x16xf32> to vector<16xf32>
        %mul3A_225 = arith.mulf %get3A_220, %get3A_224 : vector<16xf32>
        %swap3A_226 = arith.index_cast %scan3A_119 : i32 to index
        %swap3A_227 = arith.constant 112 : index
        %swap3A_228 = tpu.vector_load %arg14[%swap3A_226, %swap3A_227] {strides = array<i32>} : memref<80x128xf32, #tpu.memory_space<vmem>>, vector<1x16xf32>,
        %swap3A_229 = vector.shape_cast %swap3A_228 : vector<1x16xf32> to vector<16xf32>
        %swap3A_230 = vector.shape_cast %mul3A_225 : vector<16xf32> to vector<1x16xf32>
        tpu.vector_store %arg14[%swap3A_226, %swap3A_227], %swap3A_230 {strides = array<i32>} : memref<80x128xf32, #tpu.memory_space<vmem>>, vector<1x16xf32>,
        %scan3A_231 = arith.constant 0 : i32
        scf.yield %scan3A_231 : i32
      }
      %scan3A_117 = arith.constant 80 : i32
      "tpu.region"() ({
        %run_scoped3A = tpu.sem_alloc : memref<!tpu.dma_semaphore, #tpu.memory_space<semaphore_mem>>
        %dma_start3A = arith.constant 0 : i32
        %dma_start3A_119 = arith.constant 0 : i32
        %dma_start3A_120 = tpu.memref_slice %arg17[%dma_start3A, %dma_start3A_119] : memref<10000x128xf32, #tpu.memory_space<vmem_shared>> -> memref<10000x128xf32, #tpu.memory_space<vmem_shared>>
        tpu.enqueue_indirect_dma source(%arg14 : memref<80x128xf32, #tpu.memory_space<vmem>>) target(%dma_start3A_120 : memref<10000x128xf32, #tpu.memory_space<vmem_shared>>) offsets(%arg12 : memref<80xi32, #tpu.memory_space<vmem>>) semaphore(%run_scoped3A : memref<!tpu.dma_semaphore, #tpu.memory_space<semaphore_mem>>) {add = true}
        %dma_wait3A = arith.constant 0 : i32
        %dma_wait3A_121 = arith.constant 0 : i32
        %dma_wait3A_122 = tpu.memref_slice %arg17[%dma_wait3A, %dma_wait3A_121] : memref<10000x128xf32, #tpu.memory_space<vmem_shared>> -> memref<10000x128xf32, #tpu.memory_space<vmem_shared>>
        tpu.wait_indirect_dma semaphore(%run_scoped3A : memref<!tpu.dma_semaphore, #tpu.memory_space<semaphore_mem>>) src(%arg14 : memref<80x128xf32, #tpu.memory_space<vmem>>) dst(%dma_wait3A_122 : memref<10000x128xf32, #tpu.memory_space<vmem_shared>>)
        tpu.yield
      }) : () -> ()
      %scan3A_118 = arith.constant 0 : i32
      scf.yield %scan3A_118 : i32
    }
    %scan3A_70 = arith.constant 125 : i32
    %barrier3A_71 = arith.constant 0 : index
    tpu.barrier barrier_id(%barrier3A_71)
    %scan3A_72 = arith.constant 0 : i32
    %scan3A_73 = arith.constant 0 : i32
    %scan3A_74 = arith.constant 8 : i32
    %scan3A_75 = arith.addi %scan3A_73, %scan3A_74 : i32
    %scan3A_76 = arith.constant 1 : i32
    %scan3A_77 = scf.for %scan3A_104 = %scan3A_73 to %scan3A_75 step %scan3A_76 iter_args(%scan3A_105 = %scan3A_72) -> (i32)  : i32 {
      %mul3A_106 = arith.constant 16 : i32
      %mul3A_107 = arith.muli %mul3A_106, %scan3A_104 : i32
      %add3A_108 = arith.addi %arg1, %mul3A_107 : i32
      %lt3A = arith.constant 125 : i32
      %lt3A_109 = arith.cmpi slt, %add3A_108, %lt3A : i32
      %convert_element_type3A_110 = arith.extui %lt3A_109 : i1 to i32
      %cond3A_111 = arith.constant 0 : i32
      %cond3A_112 = arith.cmpi ne, %convert_element_type3A_110, %cond3A_111 : i32
      scf.if %cond3A_112 {
        %mul3A_114 = arith.constant 80 : i32
        %mul3A_115 = arith.muli %add3A_108, %mul3A_114 : i32
        %run_scoped3A = arith.constant 2 : i32
        "tpu.region"() ({
          %run_scoped3A_116 = tpu.sem_alloc : memref<!tpu.dma_semaphore, #tpu.memory_space<semaphore_mem>>
          %dma_start3A = arith.constant 0 : i32
          %dma_start3A_117 = tpu.memref_slice %arg10[%run_scoped3A, %arg0, %mul3A_115, %dma_start3A] : memref<4x2x10000x128xf32, #tpu.memory_space<hbm>> -> memref<1x1x80x128xf32, #tpu.memory_space<hbm>>
          %dma_start3A_118 = tpu.memref_squeeze %dma_start3A_117 : memref<1x1x80x128xf32, #tpu.memory_space<hbm>> -> memref<80x128xf32, #tpu.memory_space<hbm>>
          %dma_start3A_119 = arith.constant 0 : i32
          %dma_start3A_120 = tpu.memref_slice %arg17[%mul3A_115, %dma_start3A_119] : memref<10000x128xf32, #tpu.memory_space<vmem_shared>> -> memref<80x128xf32, #tpu.memory_space<vmem_shared>>
          tpu.enqueue_dma source(%dma_start3A_120 : memref<80x128xf32, #tpu.memory_space<vmem_shared>>) target(%dma_start3A_118 : memref<80x128xf32, #tpu.memory_space<hbm>>) target_semaphore(%run_scoped3A_116 : memref<!tpu.dma_semaphore, #tpu.memory_space<semaphore_mem>>)
          %dma_wait3A = arith.constant 0 : i32
          %dma_wait3A_121 = tpu.memref_slice %arg10[%run_scoped3A, %arg0, %mul3A_115, %dma_wait3A] : memref<4x2x10000x128xf32, #tpu.memory_space<hbm>> -> memref<1x1x80x128xf32, #tpu.memory_space<hbm>>
          %dma_wait3A_122 = tpu.memref_squeeze %dma_wait3A_121 : memref<1x1x80x128xf32, #tpu.memory_space<hbm>> -> memref<80x128xf32, #tpu.memory_space<hbm>>
          %dma_wait3A_123 = arith.constant 0 : i32
          %dma_wait3A_124 = tpu.memref_slice %arg17[%mul3A_115, %dma_wait3A_123] : memref<10000x128xf32, #tpu.memory_space<vmem_shared>> -> memref<80x128xf32, #tpu.memory_space<vmem_shared>>
          tpu.wait_dma2 semaphore(%run_scoped3A_116 : memref<!tpu.dma_semaphore, #tpu.memory_space<semaphore_mem>>) src(%dma_wait3A_124 : memref<80x128xf32, #tpu.memory_space<vmem_shared>>) dst(%dma_wait3A_122 : memref<80x128xf32, #tpu.memory_space<hbm>>)
          tpu.yield
        }) : () -> ()
      } else {
      }
      %scan3A_113 = arith.constant 0 : i32
      scf.yield %scan3A_113 : i32
    }
    %scan3A_78 = arith.constant 8 : i32
    %barrier3A_79 = arith.constant 0 : index
    tpu.barrier barrier_id(%barrier3A_79)
    %scan3A_80 = arith.constant 0 : i32
    %scan3A_81 = arith.constant 0 : i32
    %scan3A_82 = arith.constant 8 : i32
    %scan3A_83 = arith.addi %scan3A_81, %scan3A_82 : i32
    %scan3A_84 = arith.constant 1 : i32
    %scan3A_85 = scf.for %scan3A_104 = %scan3A_81 to %scan3A_83 step %scan3A_84 iter_args(%scan3A_105 = %scan3A_80) -> (i32)  : i32 {
      %mul3A_106 = arith.constant 16 : i32
      %mul3A_107 = arith.muli %mul3A_106, %scan3A_104 : i32
      %add3A_108 = arith.addi %arg1, %mul3A_107 : i32
      %lt3A = arith.constant 125 : i32
      %lt3A_109 = arith.cmpi slt, %add3A_108, %lt3A : i32
      %convert_element_type3A_110 = arith.extui %lt3A_109 : i1 to i32
      %cond3A_111 = arith.constant 0 : i32
      %cond3A_112 = arith.cmpi ne, %convert_element_type3A_110, %cond3A_111 : i32
      scf.if %cond3A_112 {
        %mul3A_114 = arith.constant 80 : i32
        %mul3A_115 = arith.muli %add3A_108, %mul3A_114 : i32
        "tpu.region"() ({
          %run_scoped3A = tpu.sem_alloc : memref<!tpu.dma_semaphore, #tpu.memory_space<semaphore_mem>>
          %dma_start3A = arith.constant 0 : i32
          %dma_start3A_116 = tpu.memref_slice %arg17[%mul3A_115, %dma_start3A] : memref<10000x128xf32, #tpu.memory_space<vmem_shared>> -> memref<80x128xf32, #tpu.memory_space<vmem_shared>>
          %dma_start3A_117 = arith.constant 0 : i32
          %dma_start3A_118 = tpu.memref_slice %arg17[%mul3A_115, %dma_start3A_117] : memref<10000x128xf32, #tpu.memory_space<vmem_shared>> -> memref<80x128xf32, #tpu.memory_space<vmem_shared>>
          tpu.enqueue_dma source(%arg16 : memref<80x128xf32, #tpu.memory_space<vmem>>) target(%dma_start3A_118 : memref<80x128xf32, #tpu.memory_space<vmem_shared>>) target_semaphore(%run_scoped3A : memref<!tpu.dma_semaphore, #tpu.memory_space<semaphore_mem>>)
          %dma_wait3A = arith.constant 0 : i32
          %dma_wait3A_119 = tpu.memref_slice %arg17[%mul3A_115, %dma_wait3A] : memref<10000x128xf32, #tpu.memory_space<vmem_shared>> -> memref<80x128xf32, #tpu.memory_space<vmem_shared>>
          %dma_wait3A_120 = arith.constant 0 : i32
          %dma_wait3A_121 = tpu.memref_slice %arg17[%mul3A_115, %dma_wait3A_120] : memref<10000x128xf32, #tpu.memory_space<vmem_shared>> -> memref<80x128xf32, #tpu.memory_space<vmem_shared>>
          tpu.wait_dma2 semaphore(%run_scoped3A : memref<!tpu.dma_semaphore, #tpu.memory_space<semaphore_mem>>) src(%arg16 : memref<80x128xf32, #tpu.memory_space<vmem>>) dst(%dma_wait3A_121 : memref<80x128xf32, #tpu.memory_space<vmem_shared>>)
          tpu.yield
        }) : () -> ()
      } else {
      }
      %scan3A_113 = arith.constant 0 : i32
      scf.yield %scan3A_113 : i32
    }
    %scan3A_86 = arith.constant 8 : i32
    %barrier3A_87 = arith.constant 0 : index
    tpu.barrier barrier_id(%barrier3A_87)
    %scan3A_88 = arith.constant 0 : i32
    %scan3A_89 = arith.constant 0 : i32
    %scan3A_90 = arith.constant 125 : i32
    %scan3A_91 = arith.addi %scan3A_89, %scan3A_90 : i32
    %scan3A_92 = arith.constant 1 : i32
    %scan3A_93 = scf.for %scan3A_104 = %scan3A_89 to %scan3A_91 step %scan3A_92 iter_args(%scan3A_105 = %scan3A_88) -> (i32)  : i32 {
      %mul3A_106 = arith.constant 10000 : i32
      %mul3A_107 = arith.muli %add3A, %mul3A_106 : i32
      %mul3A_108 = arith.constant 80 : i32
      %mul3A_109 = arith.muli %scan3A_104, %mul3A_108 : i32
      %add3A_110 = arith.addi %mul3A_107, %mul3A_109 : i32
      "tpu.region"() ({
        %run_scoped3A = tpu.sem_alloc : memref<!tpu.dma_semaphore, #tpu.memory_space<semaphore_mem>>
        %dma_start3A = tpu.memref_slice %arg6[%add3A_110] : memref<320000xi32, #tpu.memory_space<hbm>> -> memref<80xi32, #tpu.memory_space<hbm>>
        %dma_start3A_119 = tpu.memref_slice %arg6[%add3A_110] : memref<320000xi32, #tpu.memory_space<hbm>> -> memref<80xi32, #tpu.memory_space<hbm>>
        tpu.enqueue_dma source(%dma_start3A_119 : memref<80xi32, #tpu.memory_space<hbm>>) target(%arg11 : memref<80xi32, #tpu.memory_space<vmem>>) target_semaphore(%run_scoped3A : memref<!tpu.dma_semaphore, #tpu.memory_space<semaphore_mem>>)
        %dma_wait3A = tpu.memref_slice %arg6[%add3A_110] : memref<320000xi32, #tpu.memory_space<hbm>> -> memref<80xi32, #tpu.memory_space<hbm>>
        %dma_wait3A_120 = tpu.memref_slice %arg6[%add3A_110] : memref<320000xi32, #tpu.memory_space<hbm>> -> memref<80xi32, #tpu.memory_space<hbm>>
        tpu.wait_dma2 semaphore(%run_scoped3A : memref<!tpu.dma_semaphore, #tpu.memory_space<semaphore_mem>>) src(%dma_wait3A_120 : memref<80xi32, #tpu.memory_space<hbm>>) dst(%arg11 : memref<80xi32, #tpu.memory_space<vmem>>)
        tpu.yield
      }) : () -> ()
      "tpu.region"() ({
        %run_scoped3A = tpu.sem_alloc : memref<!tpu.dma_semaphore, #tpu.memory_space<semaphore_mem>>
        %dma_start3A = tpu.memref_slice %arg8[%add3A_110] : memref<320000xi32, #tpu.memory_space<hbm>> -> memref<80xi32, #tpu.memory_space<hbm>>
        %dma_start3A_119 = tpu.memref_slice %arg8[%add3A_110] : memref<320000xi32, #tpu.memory_space<hbm>> -> memref<80xi32, #tpu.memory_space<hbm>>
        tpu.enqueue_dma source(%dma_start3A_119 : memref<80xi32, #tpu.memory_space<hbm>>) target(%arg13 : memref<80xi32, #tpu.memory_space<vmem>>) target_semaphore(%run_scoped3A : memref<!tpu.dma_semaphore, #tpu.memory_space<semaphore_mem>>)
        %dma_wait3A = tpu.memref_slice %arg8[%add3A_110] : memref<320000xi32, #tpu.memory_space<hbm>> -> memref<80xi32, #tpu.memory_space<hbm>>
        %dma_wait3A_120 = tpu.memref_slice %arg8[%add3A_110] : memref<320000xi32, #tpu.memory_space<hbm>> -> memref<80xi32, #tpu.memory_space<hbm>>
        tpu.wait_dma2 semaphore(%run_scoped3A : memref<!tpu.dma_semaphore, #tpu.memory_space<semaphore_mem>>) src(%dma_wait3A_120 : memref<80xi32, #tpu.memory_space<hbm>>) dst(%arg13 : memref<80xi32, #tpu.memory_space<vmem>>)
        tpu.yield
      }) : () -> ()
      "tpu.region"() ({
        %run_scoped3A = tpu.sem_alloc : memref<!tpu.dma_semaphore, #tpu.memory_space<semaphore_mem>>
        %dma_start3A = tpu.memref_slice %arg7[%add3A_110] : memref<320000xi32, #tpu.memory_space<hbm>> -> memref<80xi32, #tpu.memory_space<hbm>>
        %dma_start3A_119 = tpu.memref_slice %arg7[%add3A_110] : memref<320000xi32, #tpu.memory_space<hbm>> -> memref<80xi32, #tpu.memory_space<hbm>>
        tpu.enqueue_dma source(%dma_start3A_119 : memref<80xi32, #tpu.memory_space<hbm>>) target(%arg12 : memref<80xi32, #tpu.memory_space<vmem>>) target_semaphore(%run_scoped3A : memref<!tpu.dma_semaphore, #tpu.memory_space<semaphore_mem>>)
        %dma_wait3A = tpu.memref_slice %arg7[%add3A_110] : memref<320000xi32, #tpu.memory_space<hbm>> -> memref<80xi32, #tpu.memory_space<hbm>>
        %dma_wait3A_120 = tpu.memref_slice %arg7[%add3A_110] : memref<320000xi32, #tpu.memory_space<hbm>> -> memref<80xi32, #tpu.memory_space<hbm>>
        tpu.wait_dma2 semaphore(%run_scoped3A : memref<!tpu.dma_semaphore, #tpu.memory_space<semaphore_mem>>) src(%dma_wait3A_120 : memref<80xi32, #tpu.memory_space<hbm>>) dst(%arg12 : memref<80xi32, #tpu.memory_space<vmem>>)
        tpu.yield
      }) : () -> ()
      "tpu.region"() ({
        %run_scoped3A = tpu.sem_alloc : memref<!tpu.dma_semaphore, #tpu.memory_space<semaphore_mem>>
        %dma_start3A = arith.constant 0 : i32
        %dma_start3A_119 = arith.constant 0 : i32
        %dma_start3A_120 = tpu.memref_slice %arg5[%dma_start3A, %dma_start3A_119] : memref<10000x128xf32, #tpu.memory_space<hbm>> -> memref<10000x128xf32, #tpu.memory_space<hbm>>
        tpu.enqueue_indirect_dma source(%dma_start3A_120 : memref<10000x128xf32, #tpu.memory_space<hbm>>) target(%arg14 : memref<80x128xf32, #tpu.memory_space<vmem>>) offsets(%arg11 : memref<80xi32, #tpu.memory_space<vmem>>) semaphore(%run_scoped3A : memref<!tpu.dma_semaphore, #tpu.memory_space<semaphore_mem>>)
        %dma_wait3A = arith.constant 0 : i32
        %dma_wait3A_121 = arith.constant 0 : i32
        %dma_wait3A_122 = tpu.memref_slice %arg5[%dma_wait3A, %dma_wait3A_121] : memref<10000x128xf32, #tpu.memory_space<hbm>> -> memref<10000x128xf32, #tpu.memory_space<hbm>>
        tpu.wait_indirect_dma semaphore(%run_scoped3A : memref<!tpu.dma_semaphore, #tpu.memory_space<semaphore_mem>>) src(%dma_wait3A_122 : memref<10000x128xf32, #tpu.memory_space<hbm>>) dst(%arg14 : memref<80x128xf32, #tpu.memory_space<vmem>>)
        tpu.yield
      }) : () -> ()
      "tpu.region"() ({
        %run_scoped3A = tpu.sem_alloc : memref<!tpu.dma_semaphore, #tpu.memory_space<semaphore_mem>>
        %dma_start3A = arith.constant 0 : i32
        %dma_start3A_119 = arith.constant 0 : i32
        %dma_start3A_120 = tpu.memref_slice %arg18[%dma_start3A, %dma_start3A_119] : memref<64x128xf32, #tpu.memory_space<vmem_shared>> -> memref<64x128xf32, #tpu.memory_space<vmem_shared>>
        tpu.enqueue_indirect_dma source(%dma_start3A_120 : memref<64x128xf32, #tpu.memory_space<vmem_shared>>) target(%arg15 : memref<80x128xf32, #tpu.memory_space<vmem>>) offsets(%arg13 : memref<80xi32, #tpu.memory_space<vmem>>) semaphore(%run_scoped3A : memref<!tpu.dma_semaphore, #tpu.memory_space<semaphore_mem>>)
        %dma_wait3A = arith.constant 0 : i32
        %dma_wait3A_121 = arith.constant 0 : i32
        %dma_wait3A_122 = tpu.memref_slice %arg18[%dma_wait3A, %dma_wait3A_121] : memref<64x128xf32, #tpu.memory_space<vmem_shared>> -> memref<64x128xf32, #tpu.memory_space<vmem_shared>>
        tpu.wait_indirect_dma semaphore(%run_scoped3A : memref<!tpu.dma_semaphore, #tpu.memory_space<semaphore_mem>>) src(%dma_wait3A_122 : memref<64x128xf32, #tpu.memory_space<vmem_shared>>) dst(%arg15 : memref<80x128xf32, #tpu.memory_space<vmem>>)
        tpu.yield
      }) : () -> ()
      %scan3A_111 = arith.constant 0 : i32
      %scan3A_112 = arith.constant 0 : i32
      %scan3A_113 = arith.constant 80 : i32
      %scan3A_114 = arith.addi %scan3A_112, %scan3A_113 : i32
      %scan3A_115 = arith.constant 1 : i32
      %scan3A_116 = scf.for %scan3A_119 = %scan3A_112 to %scan3A_114 step %scan3A_115 iter_args(%scan3A_120 = %scan3A_111) -> (i32)  : i32 {
        %get3A = arith.index_cast %scan3A_119 : i32 to index
        %get3A_121 = arith.constant 0 : index
        %get3A_122 = tpu.vector_load %arg14[%get3A, %get3A_121] {strides = array<i32>} : memref<80x128xf32, #tpu.memory_space<vmem>>, vector<1x16xf32>,
        %get3A_123 = vector.shape_cast %get3A_122 : vector<1x16xf32> to vector<16xf32>
        %get3A_124 = arith.index_cast %scan3A_119 : i32 to index
        %get3A_125 = arith.constant 0 : index
        %get3A_126 = tpu.vector_load %arg15[%get3A_124, %get3A_125] {strides = array<i32>} : memref<80x128xf32, #tpu.memory_space<vmem>>, vector<1x16xf32>,
        %get3A_127 = vector.shape_cast %get3A_126 : vector<1x16xf32> to vector<16xf32>
        %mul3A_128 = arith.mulf %get3A_123, %get3A_127 : vector<16xf32>
        %swap3A = arith.index_cast %scan3A_119 : i32 to index
        %swap3A_129 = arith.constant 0 : index
        %swap3A_130 = tpu.vector_load %arg14[%swap3A, %swap3A_129] {strides = array<i32>} : memref<80x128xf32, #tpu.memory_space<vmem>>, vector<1x16xf32>,
        %swap3A_131 = vector.shape_cast %swap3A_130 : vector<1x16xf32> to vector<16xf32>
        %swap3A_132 = vector.shape_cast %mul3A_128 : vector<16xf32> to vector<1x16xf32>
        tpu.vector_store %arg14[%swap3A, %swap3A_129], %swap3A_132 {strides = array<i32>} : memref<80x128xf32, #tpu.memory_space<vmem>>, vector<1x16xf32>,
        %get3A_133 = arith.index_cast %scan3A_119 : i32 to index
        %get3A_134 = arith.constant 16 : index
        %get3A_135 = tpu.vector_load %arg14[%get3A_133, %get3A_134] {strides = array<i32>} : memref<80x128xf32, #tpu.memory_space<vmem>>, vector<1x16xf32>,
        %get3A_136 = vector.shape_cast %get3A_135 : vector<1x16xf32> to vector<16xf32>
        %get3A_137 = arith.index_cast %scan3A_119 : i32 to index
        %get3A_138 = arith.constant 16 : index
        %get3A_139 = tpu.vector_load %arg15[%get3A_137, %get3A_138] {strides = array<i32>} : memref<80x128xf32, #tpu.memory_space<vmem>>, vector<1x16xf32>,
        %get3A_140 = vector.shape_cast %get3A_139 : vector<1x16xf32> to vector<16xf32>
        %mul3A_141 = arith.mulf %get3A_136, %get3A_140 : vector<16xf32>
        %swap3A_142 = arith.index_cast %scan3A_119 : i32 to index
        %swap3A_143 = arith.constant 16 : index
        %swap3A_144 = tpu.vector_load %arg14[%swap3A_142, %swap3A_143] {strides = array<i32>} : memref<80x128xf32, #tpu.memory_space<vmem>>, vector<1x16xf32>,
        %swap3A_145 = vector.shape_cast %swap3A_144 : vector<1x16xf32> to vector<16xf32>
        %swap3A_146 = vector.shape_cast %mul3A_141 : vector<16xf32> to vector<1x16xf32>
        tpu.vector_store %arg14[%swap3A_142, %swap3A_143], %swap3A_146 {strides = array<i32>} : memref<80x128xf32, #tpu.memory_space<vmem>>, vector<1x16xf32>,
        %get3A_147 = arith.index_cast %scan3A_119 : i32 to index
        %get3A_148 = arith.constant 32 : index
        %get3A_149 = tpu.vector_load %arg14[%get3A_147, %get3A_148] {strides = array<i32>} : memref<80x128xf32, #tpu.memory_space<vmem>>, vector<1x16xf32>,
        %get3A_150 = vector.shape_cast %get3A_149 : vector<1x16xf32> to vector<16xf32>
        %get3A_151 = arith.index_cast %scan3A_119 : i32 to index
        %get3A_152 = arith.constant 32 : index
        %get3A_153 = tpu.vector_load %arg15[%get3A_151, %get3A_152] {strides = array<i32>} : memref<80x128xf32, #tpu.memory_space<vmem>>, vector<1x16xf32>,
        %get3A_154 = vector.shape_cast %get3A_153 : vector<1x16xf32> to vector<16xf32>
        %mul3A_155 = arith.mulf %get3A_150, %get3A_154 : vector<16xf32>
        %swap3A_156 = arith.index_cast %scan3A_119 : i32 to index
        %swap3A_157 = arith.constant 32 : index
        %swap3A_158 = tpu.vector_load %arg14[%swap3A_156, %swap3A_157] {strides = array<i32>} : memref<80x128xf32, #tpu.memory_space<vmem>>, vector<1x16xf32>,
        %swap3A_159 = vector.shape_cast %swap3A_158 : vector<1x16xf32> to vector<16xf32>
        %swap3A_160 = vector.shape_cast %mul3A_155 : vector<16xf32> to vector<1x16xf32>
        tpu.vector_store %arg14[%swap3A_156, %swap3A_157], %swap3A_160 {strides = array<i32>} : memref<80x128xf32, #tpu.memory_space<vmem>>, vector<1x16xf32>,
        %get3A_161 = arith.index_cast %scan3A_119 : i32 to index
        %get3A_162 = arith.constant 48 : index
        %get3A_163 = tpu.vector_load %arg14[%get3A_161, %get3A_162] {strides = array<i32>} : memref<80x128xf32, #tpu.memory_space<vmem>>, vector<1x16xf32>,
        %get3A_164 = vector.shape_cast %get3A_163 : vector<1x16xf32> to vector<16xf32>
        %get3A_165 = arith.index_cast %scan3A_119 : i32 to index
        %get3A_166 = arith.constant 48 : index
        %get3A_167 = tpu.vector_load %arg15[%get3A_165, %get3A_166] {strides = array<i32>} : memref<80x128xf32, #tpu.memory_space<vmem>>, vector<1x16xf32>,
        %get3A_168 = vector.shape_cast %get3A_167 : vector<1x16xf32> to vector<16xf32>
        %mul3A_169 = arith.mulf %get3A_164, %get3A_168 : vector<16xf32>
        %swap3A_170 = arith.index_cast %scan3A_119 : i32 to index
        %swap3A_171 = arith.constant 48 : index
        %swap3A_172 = tpu.vector_load %arg14[%swap3A_170, %swap3A_171] {strides = array<i32>} : memref<80x128xf32, #tpu.memory_space<vmem>>, vector<1x16xf32>,
        %swap3A_173 = vector.shape_cast %swap3A_172 : vector<1x16xf32> to vector<16xf32>
        %swap3A_174 = vector.shape_cast %mul3A_169 : vector<16xf32> to vector<1x16xf32>
        tpu.vector_store %arg14[%swap3A_170, %swap3A_171], %swap3A_174 {strides = array<i32>} : memref<80x128xf32, #tpu.memory_space<vmem>>, vector<1x16xf32>,
        %get3A_175 = arith.index_cast %scan3A_119 : i32 to index
        %get3A_176 = arith.constant 64 : index
        %get3A_177 = tpu.vector_load %arg14[%get3A_175, %get3A_176] {strides = array<i32>} : memref<80x128xf32, #tpu.memory_space<vmem>>, vector<1x16xf32>,
        %get3A_178 = vector.shape_cast %get3A_177 : vector<1x16xf32> to vector<16xf32>
        %get3A_179 = arith.index_cast %scan3A_119 : i32 to index
        %get3A_180 = arith.constant 64 : index
        %get3A_181 = tpu.vector_load %arg15[%get3A_179, %get3A_180] {strides = array<i32>} : memref<80x128xf32, #tpu.memory_space<vmem>>, vector<1x16xf32>,
        %get3A_182 = vector.shape_cast %get3A_181 : vector<1x16xf32> to vector<16xf32>
        %mul3A_183 = arith.mulf %get3A_178, %get3A_182 : vector<16xf32>
        %swap3A_184 = arith.index_cast %scan3A_119 : i32 to index
        %swap3A_185 = arith.constant 64 : index
        %swap3A_186 = tpu.vector_load %arg14[%swap3A_184, %swap3A_185] {strides = array<i32>} : memref<80x128xf32, #tpu.memory_space<vmem>>, vector<1x16xf32>,
        %swap3A_187 = vector.shape_cast %swap3A_186 : vector<1x16xf32> to vector<16xf32>
        %swap3A_188 = vector.shape_cast %mul3A_183 : vector<16xf32> to vector<1x16xf32>
        tpu.vector_store %arg14[%swap3A_184, %swap3A_185], %swap3A_188 {strides = array<i32>} : memref<80x128xf32, #tpu.memory_space<vmem>>, vector<1x16xf32>,
        %get3A_189 = arith.index_cast %scan3A_119 : i32 to index
        %get3A_190 = arith.constant 80 : index
        %get3A_191 = tpu.vector_load %arg14[%get3A_189, %get3A_190] {strides = array<i32>} : memref<80x128xf32, #tpu.memory_space<vmem>>, vector<1x16xf32>,
        %get3A_192 = vector.shape_cast %get3A_191 : vector<1x16xf32> to vector<16xf32>
        %get3A_193 = arith.index_cast %scan3A_119 : i32 to index
        %get3A_194 = arith.constant 80 : index
        %get3A_195 = tpu.vector_load %arg15[%get3A_193, %get3A_194] {strides = array<i32>} : memref<80x128xf32, #tpu.memory_space<vmem>>, vector<1x16xf32>,
        %get3A_196 = vector.shape_cast %get3A_195 : vector<1x16xf32> to vector<16xf32>
        %mul3A_197 = arith.mulf %get3A_192, %get3A_196 : vector<16xf32>
        %swap3A_198 = arith.index_cast %scan3A_119 : i32 to index
        %swap3A_199 = arith.constant 80 : index
        %swap3A_200 = tpu.vector_load %arg14[%swap3A_198, %swap3A_199] {strides = array<i32>} : memref<80x128xf32, #tpu.memory_space<vmem>>, vector<1x16xf32>,
        %swap3A_201 = vector.shape_cast %swap3A_200 : vector<1x16xf32> to vector<16xf32>
        %swap3A_202 = vector.shape_cast %mul3A_197 : vector<16xf32> to vector<1x16xf32>
        tpu.vector_store %arg14[%swap3A_198, %swap3A_199], %swap3A_202 {strides = array<i32>} : memref<80x128xf32, #tpu.memory_space<vmem>>, vector<1x16xf32>,
        %get3A_203 = arith.index_cast %scan3A_119 : i32 to index
        %get3A_204 = arith.constant 96 : index
        %get3A_205 = tpu.vector_load %arg14[%get3A_203, %get3A_204] {strides = array<i32>} : memref<80x128xf32, #tpu.memory_space<vmem>>, vector<1x16xf32>,
        %get3A_206 = vector.shape_cast %get3A_205 : vector<1x16xf32> to vector<16xf32>
        %get3A_207 = arith.index_cast %scan3A_119 : i32 to index
        %get3A_208 = arith.constant 96 : index
        %get3A_209 = tpu.vector_load %arg15[%get3A_207, %get3A_208] {strides = array<i32>} : memref<80x128xf32, #tpu.memory_space<vmem>>, vector<1x16xf32>,
        %get3A_210 = vector.shape_cast %get3A_209 : vector<1x16xf32> to vector<16xf32>
        %mul3A_211 = arith.mulf %get3A_206, %get3A_210 : vector<16xf32>
        %swap3A_212 = arith.index_cast %scan3A_119 : i32 to index
        %swap3A_213 = arith.constant 96 : index
        %swap3A_214 = tpu.vector_load %arg14[%swap3A_212, %swap3A_213] {strides = array<i32>} : memref<80x128xf32, #tpu.memory_space<vmem>>, vector<1x16xf32>,
        %swap3A_215 = vector.shape_cast %swap3A_214 : vector<1x16xf32> to vector<16xf32>
        %swap3A_216 = vector.shape_cast %mul3A_211 : vector<16xf32> to vector<1x16xf32>
        tpu.vector_store %arg14[%swap3A_212, %swap3A_213], %swap3A_216 {strides = array<i32>} : memref<80x128xf32, #tpu.memory_space<vmem>>, vector<1x16xf32>,
        %get3A_217 = arith.index_cast %scan3A_119 : i32 to index
        %get3A_218 = arith.constant 112 : index
        %get3A_219 = tpu.vector_load %arg14[%get3A_217, %get3A_218] {strides = array<i32>} : memref<80x128xf32, #tpu.memory_space<vmem>>, vector<1x16xf32>,
        %get3A_220 = vector.shape_cast %get3A_219 : vector<1x16xf32> to vector<16xf32>
        %get3A_221 = arith.index_cast %scan3A_119 : i32 to index
        %get3A_222 = arith.constant 112 : index
        %get3A_223 = tpu.vector_load %arg15[%get3A_221, %get3A_222] {strides = array<i32>} : memref<80x128xf32, #tpu.memory_space<vmem>>, vector<1x16xf32>,
        %get3A_224 = vector.shape_cast %get3A_223 : vector<1x16xf32> to vector<16xf32>
        %mul3A_225 = arith.mulf %get3A_220, %get3A_224 : vector<16xf32>
        %swap3A_226 = arith.index_cast %scan3A_119 : i32 to index
        %swap3A_227 = arith.constant 112 : index
        %swap3A_228 = tpu.vector_load %arg14[%swap3A_226, %swap3A_227] {strides = array<i32>} : memref<80x128xf32, #tpu.memory_space<vmem>>, vector<1x16xf32>,
        %swap3A_229 = vector.shape_cast %swap3A_228 : vector<1x16xf32> to vector<16xf32>
        %swap3A_230 = vector.shape_cast %mul3A_225 : vector<16xf32> to vector<1x16xf32>
        tpu.vector_store %arg14[%swap3A_226, %swap3A_227], %swap3A_230 {strides = array<i32>} : memref<80x128xf32, #tpu.memory_space<vmem>>, vector<1x16xf32>,
        %scan3A_231 = arith.constant 0 : i32
        scf.yield %scan3A_231 : i32
      }
      %scan3A_117 = arith.constant 80 : i32
      "tpu.region"() ({
        %run_scoped3A = tpu.sem_alloc : memref<!tpu.dma_semaphore, #tpu.memory_space<semaphore_mem>>
        %dma_start3A = arith.constant 0 : i32
        %dma_start3A_119 = arith.constant 0 : i32
        %dma_start3A_120 = tpu.memref_slice %arg17[%dma_start3A, %dma_start3A_119] : memref<10000x128xf32, #tpu.memory_space<vmem_shared>> -> memref<10000x128xf32, #tpu.memory_space<vmem_shared>>
        tpu.enqueue_indirect_dma source(%arg14 : memref<80x128xf32, #tpu.memory_space<vmem>>) target(%dma_start3A_120 : memref<10000x128xf32, #tpu.memory_space<vmem_shared>>) offsets(%arg12 : memref<80xi32, #tpu.memory_space<vmem>>) semaphore(%run_scoped3A : memref<!tpu.dma_semaphore, #tpu.memory_space<semaphore_mem>>) {add = true}
        %dma_wait3A = arith.constant 0 : i32
        %dma_wait3A_121 = arith.constant 0 : i32
        %dma_wait3A_122 = tpu.memref_slice %arg17[%dma_wait3A, %dma_wait3A_121] : memref<10000x128xf32, #tpu.memory_space<vmem_shared>> -> memref<10000x128xf32, #tpu.memory_space<vmem_shared>>
        tpu.wait_indirect_dma semaphore(%run_scoped3A : memref<!tpu.dma_semaphore, #tpu.memory_space<semaphore_mem>>) src(%arg14 : memref<80x128xf32, #tpu.memory_space<vmem>>) dst(%dma_wait3A_122 : memref<10000x128xf32, #tpu.memory_space<vmem_shared>>)
        tpu.yield
      }) : () -> ()
      %scan3A_118 = arith.constant 0 : i32
      scf.yield %scan3A_118 : i32
    }
    %scan3A_94 = arith.constant 125 : i32
    %barrier3A_95 = arith.constant 0 : index
    tpu.barrier barrier_id(%barrier3A_95)
    %scan3A_96 = arith.constant 0 : i32
    %scan3A_97 = arith.constant 0 : i32
    %scan3A_98 = arith.constant 8 : i32
    %scan3A_99 = arith.addi %scan3A_97, %scan3A_98 : i32
    %scan3A_100 = arith.constant 1 : i32
    %scan3A_101 = scf.for %scan3A_104 = %scan3A_97 to %scan3A_99 step %scan3A_100 iter_args(%scan3A_105 = %scan3A_96) -> (i32)  : i32 {
      %mul3A_106 = arith.constant 16 : i32
      %mul3A_107 = arith.muli %mul3A_106, %scan3A_104 : i32
      %add3A_108 = arith.addi %arg1, %mul3A_107 : i32
      %lt3A = arith.constant 125 : i32
      %lt3A_109 = arith.cmpi slt, %add3A_108, %lt3A : i32
      %convert_element_type3A_110 = arith.extui %lt3A_109 : i1 to i32
      %cond3A_111 = arith.constant 0 : i32
      %cond3A_112 = arith.cmpi ne, %convert_element_type3A_110, %cond3A_111 : i32
      scf.if %cond3A_112 {
        %mul3A_114 = arith.constant 80 : i32
        %mul3A_115 = arith.muli %add3A_108, %mul3A_114 : i32
        %run_scoped3A = arith.constant 3 : i32
        "tpu.region"() ({
          %run_scoped3A_116 = tpu.sem_alloc : memref<!tpu.dma_semaphore, #tpu.memory_space<semaphore_mem>>
          %dma_start3A = arith.constant 0 : i32
          %dma_start3A_117 = tpu.memref_slice %arg10[%run_scoped3A, %arg0, %mul3A_115, %dma_start3A] : memref<4x2x10000x128xf32, #tpu.memory_space<hbm>> -> memref<1x1x80x128xf32, #tpu.memory_space<hbm>>
          %dma_start3A_118 = tpu.memref_squeeze %dma_start3A_117 : memref<1x1x80x128xf32, #tpu.memory_space<hbm>> -> memref<80x128xf32, #tpu.memory_space<hbm>>
          %dma_start3A_119 = arith.constant 0 : i32
          %dma_start3A_120 = tpu.memref_slice %arg17[%mul3A_115, %dma_start3A_119] : memref<10000x128xf32, #tpu.memory_space<vmem_shared>> -> memref<80x128xf32, #tpu.memory_space<vmem_shared>>
          tpu.enqueue_dma source(%dma_start3A_120 : memref<80x128xf32, #tpu.memory_space<vmem_shared>>) target(%dma_start3A_118 : memref<80x128xf32, #tpu.memory_space<hbm>>) target_semaphore(%run_scoped3A_116 : memref<!tpu.dma_semaphore, #tpu.memory_space<semaphore_mem>>)
          %dma_wait3A = arith.constant 0 : i32
          %dma_wait3A_121 = tpu.memref_slice %arg10[%run_scoped3A, %arg0, %mul3A_115, %dma_wait3A] : memref<4x2x10000x128xf32, #tpu.memory_space<hbm>> -> memref<1x1x80x128xf32, #tpu.memory_space<hbm>>
          %dma_wait3A_122 = tpu.memref_squeeze %dma_wait3A_121 : memref<1x1x80x128xf32, #tpu.memory_space<hbm>> -> memref<80x128xf32, #tpu.memory_space<hbm>>
          %dma_wait3A_123 = arith.constant 0 : i32
          %dma_wait3A_124 = tpu.memref_slice %arg17[%mul3A_115, %dma_wait3A_123] : memref<10000x128xf32, #tpu.memory_space<vmem_shared>> -> memref<80x128xf32, #tpu.memory_space<vmem_shared>>
          tpu.wait_dma2 semaphore(%run_scoped3A_116 : memref<!tpu.dma_semaphore, #tpu.memory_space<semaphore_mem>>) src(%dma_wait3A_124 : memref<80x128xf32, #tpu.memory_space<vmem_shared>>) dst(%dma_wait3A_122 : memref<80x128xf32, #tpu.memory_space<hbm>>)
          tpu.yield
        }) : () -> ()
      } else {
      }
      %scan3A_113 = arith.constant 0 : i32
      scf.yield %scan3A_113 : i32
    }
    %scan3A_102 = arith.constant 8 : i32
    %barrier3A_103 = arith.constant 0 : index
    tpu.barrier barrier_id(%barrier3A_103)
    return
  }
}

#map = affine_map<(d0, d1) -> (0, 0)>
#map1 = affine_map<(d0, d1) -> (0)>
module attributes {stable_mosaic.version = 14 : i64} {
  func.func @_gather_x(%arg0: i32, %arg1: i32, %arg2: memref<10001x128xf32, #tpu.memory_space<hbm>>, %arg3: memref<10000xi32, #tpu.memory_space<hbm>>, %arg4: memref<10000x128xf32, #tpu.memory_space<hbm>>, %arg5: memref<80xi32, #tpu.memory_space<vmem>>, %arg6: memref<80x128xf32, #tpu.memory_space<vmem>>) attributes {dimension_semantics = [#tpu.dimension_semantics<core_parallel>, #tpu.dimension_semantics<subcore_parallel>], iteration_bounds = array<i64: 2, 16>, scalar_prefetch = 0 : i64, scratch_operands = 2 : i64, tpu.core_type = #tpu.core_type<sc_vector_subcore>, window_params = [{transform_indices = #map}, {transform_indices = #map1}, {transform_indices = #map}]} {
    %mul3A = arith.constant 2 : i32
    %mul3A_0 = arith.muli %arg1, %mul3A : i32
    %add3A = arith.addi %mul3A_0, %arg0 : i32
    %scan3A = arith.constant 0 : i32
    %scan3A_1 = arith.constant 0 : i32
    %scan3A_2 = arith.constant 4 : i32
    %scan3A_3 = arith.addi %scan3A_1, %scan3A_2 : i32
    %scan3A_4 = arith.constant 1 : i32
    %scan3A_5 = scf.for %scan3A_7 = %scan3A_1 to %scan3A_3 step %scan3A_4 iter_args(%scan3A_8 = %scan3A) -> (i32)  : i32 {
      %mul3A_9 = arith.constant 32 : i32
      %mul3A_10 = arith.muli %mul3A_9, %scan3A_7 : i32
      %add3A_11 = arith.addi %add3A, %mul3A_10 : i32
      %lt3A = arith.constant 125 : i32
      %lt3A_12 = arith.cmpi slt, %add3A_11, %lt3A : i32
      %convert_element_type3A = arith.extui %lt3A_12 : i1 to i32
      %cond3A = arith.constant 0 : i32
      %cond3A_13 = arith.cmpi ne, %convert_element_type3A, %cond3A : i32
      scf.if %cond3A_13 {
        %mul3A_15 = arith.constant 80 : i32
        %mul3A_16 = arith.muli %add3A_11, %mul3A_15 : i32
        "tpu.region"() ({
          %run_scoped3A = tpu.sem_alloc : memref<!tpu.dma_semaphore, #tpu.memory_space<semaphore_mem>>
          %dma_start3A = tpu.memref_slice %arg3[%mul3A_16] : memref<10000xi32, #tpu.memory_space<hbm>> -> memref<80xi32, #tpu.memory_space<hbm>>
          %dma_start3A_17 = tpu.memref_slice %arg3[%mul3A_16] : memref<10000xi32, #tpu.memory_space<hbm>> -> memref<80xi32, #tpu.memory_space<hbm>>
          tpu.enqueue_dma source(%dma_start3A_17 : memref<80xi32, #tpu.memory_space<hbm>>) target(%arg5 : memref<80xi32, #tpu.memory_space<vmem>>) target_semaphore(%run_scoped3A : memref<!tpu.dma_semaphore, #tpu.memory_space<semaphore_mem>>)
          %dma_wait3A = tpu.memref_slice %arg3[%mul3A_16] : memref<10000xi32, #tpu.memory_space<hbm>> -> memref<80xi32, #tpu.memory_space<hbm>>
          %dma_wait3A_18 = tpu.memref_slice %arg3[%mul3A_16] : memref<10000xi32, #tpu.memory_space<hbm>> -> memref<80xi32, #tpu.memory_space<hbm>>
          tpu.wait_dma2 semaphore(%run_scoped3A : memref<!tpu.dma_semaphore, #tpu.memory_space<semaphore_mem>>) src(%dma_wait3A_18 : memref<80xi32, #tpu.memory_space<hbm>>) dst(%arg5 : memref<80xi32, #tpu.memory_space<vmem>>)
          tpu.yield
        }) : () -> ()
        "tpu.region"() ({
          %run_scoped3A = tpu.sem_alloc : memref<!tpu.dma_semaphore, #tpu.memory_space<semaphore_mem>>
          %dma_start3A = arith.constant 0 : i32
          %dma_start3A_17 = arith.constant 0 : i32
          %dma_start3A_18 = tpu.memref_slice %arg2[%dma_start3A, %dma_start3A_17] : memref<10001x128xf32, #tpu.memory_space<hbm>> -> memref<10001x128xf32, #tpu.memory_space<hbm>>
          tpu.enqueue_indirect_dma source(%dma_start3A_18 : memref<10001x128xf32, #tpu.memory_space<hbm>>) target(%arg6 : memref<80x128xf32, #tpu.memory_space<vmem>>) offsets(%arg5 : memref<80xi32, #tpu.memory_space<vmem>>) semaphore(%run_scoped3A : memref<!tpu.dma_semaphore, #tpu.memory_space<semaphore_mem>>)
          %dma_wait3A = arith.constant 0 : i32
          %dma_wait3A_19 = arith.constant 0 : i32
          %dma_wait3A_20 = tpu.memref_slice %arg2[%dma_wait3A, %dma_wait3A_19] : memref<10001x128xf32, #tpu.memory_space<hbm>> -> memref<10001x128xf32, #tpu.memory_space<hbm>>
          tpu.wait_indirect_dma semaphore(%run_scoped3A : memref<!tpu.dma_semaphore, #tpu.memory_space<semaphore_mem>>) src(%dma_wait3A_20 : memref<10001x128xf32, #tpu.memory_space<hbm>>) dst(%arg6 : memref<80x128xf32, #tpu.memory_space<vmem>>)
          tpu.yield
        }) : () -> ()
        "tpu.region"() ({
          %run_scoped3A = tpu.sem_alloc : memref<!tpu.dma_semaphore, #tpu.memory_space<semaphore_mem>>
          %dma_start3A = arith.constant 0 : i32
          %dma_start3A_17 = tpu.memref_slice %arg4[%mul3A_16, %dma_start3A] : memref<10000x128xf32, #tpu.memory_space<hbm>> -> memref<80x128xf32, #tpu.memory_space<hbm>>
          %dma_start3A_18 = arith.constant 0 : i32
          %dma_start3A_19 = tpu.memref_slice %arg4[%mul3A_16, %dma_start3A_18] : memref<10000x128xf32, #tpu.memory_space<hbm>> -> memref<80x128xf32, #tpu.memory_space<hbm>>
          tpu.enqueue_dma source(%arg6 : memref<80x128xf32, #tpu.memory_space<vmem>>) target(%dma_start3A_19 : memref<80x128xf32, #tpu.memory_space<hbm>>) target_semaphore(%run_scoped3A : memref<!tpu.dma_semaphore, #tpu.memory_space<semaphore_mem>>)
          %dma_wait3A = arith.constant 0 : i32
          %dma_wait3A_20 = tpu.memref_slice %arg4[%mul3A_16, %dma_wait3A] : memref<10000x128xf32, #tpu.memory_space<hbm>> -> memref<80x128xf32, #tpu.memory_space<hbm>>
          %dma_wait3A_21 = arith.constant 0 : i32
          %dma_wait3A_22 = tpu.memref_slice %arg4[%mul3A_16, %dma_wait3A_21] : memref<10000x128xf32, #tpu.memory_space<hbm>> -> memref<80x128xf32, #tpu.memory_space<hbm>>
          tpu.wait_dma2 semaphore(%run_scoped3A : memref<!tpu.dma_semaphore, #tpu.memory_space<semaphore_mem>>) src(%arg6 : memref<80x128xf32, #tpu.memory_space<vmem>>) dst(%dma_wait3A_22 : memref<80x128xf32, #tpu.memory_space<hbm>>)
          tpu.yield
        }) : () -> ()
      } else {
      }
      %scan3A_14 = arith.constant 0 : i32
      scf.yield %scan3A_14 : i32
    }
    %scan3A_6 = arith.constant 4 : i32
    return
  }
}

#map = affine_map<(d0, d1) -> (0, 0)>
#map1 = affine_map<(d0, d1) -> (0)>
#map2 = affine_map<(d0, d1) -> (0, 0, 0, 0)>
module attributes {stable_mosaic.version = 14 : i64} {
  func.func @_readout(%arg0: i32, %arg1: i32, %arg2: memref<10000x128xf32, #tpu.memory_space<hbm>>, %arg3: memref<10000x128xf32, #tpu.memory_space<hbm>>, %arg4: memref<10000x128xf32, #tpu.memory_space<hbm>>, %arg5: memref<10000x128xf32, #tpu.memory_space<hbm>>, %arg6: memref<10000xi32, #tpu.memory_space<hbm>>, %arg7: memref<4x2x1024x128xf32, #tpu.memory_space<hbm>>, %arg8: memref<80xi32, #tpu.memory_space<vmem>>, %arg9: memref<80x128xf32, #tpu.memory_space<vmem>>, %arg10: memref<64x128xf32, #tpu.memory_space<vmem>>, %arg11: memref<1024x128xf32, #tpu.memory_space<vmem_shared>>) attributes {dimension_semantics = [#tpu.dimension_semantics<core_parallel>, #tpu.dimension_semantics<subcore_parallel>], iteration_bounds = array<i64: 2, 16>, scalar_prefetch = 0 : i64, scratch_operands = 4 : i64, tpu.core_type = #tpu.core_type<sc_vector_subcore>, window_params = [{transform_indices = #map}, {transform_indices = #map}, {transform_indices = #map}, {transform_indices = #map}, {transform_indices = #map1}, {transform_indices = #map2}]} {
    %mul3A = arith.constant 2 : i32
    %mul3A_0 = arith.muli %arg1, %mul3A : i32
    %add3A = arith.addi %mul3A_0, %arg0 : i32
    %scan3A = arith.constant 0 : i32
    %scan3A_1 = arith.constant 0 : i32
    %scan3A_2 = arith.constant 64 : i32
    %scan3A_3 = arith.addi %scan3A_1, %scan3A_2 : i32
    %scan3A_4 = arith.constant 1 : i32
    %scan3A_5 = scf.for %scan3A_73 = %scan3A_1 to %scan3A_3 step %scan3A_4 iter_args(%scan3A_74 = %scan3A) -> (i32)  : i32 {
      %broadcast_in_dim3A = arith.constant 0.000000e+00 : f32
      %broadcast_in_dim3A_75 = vector.broadcast %broadcast_in_dim3A : f32 to vector<16xf32>
      %swap3A = arith.index_cast %scan3A_73 : i32 to index
      %swap3A_76 = arith.constant 0 : index
      %swap3A_77 = tpu.vector_load %arg10[%swap3A, %swap3A_76] {strides = array<i32>} : memref<64x128xf32, #tpu.memory_space<vmem>>, vector<1x16xf32>,
      %swap3A_78 = vector.shape_cast %swap3A_77 : vector<1x16xf32> to vector<16xf32>
      %swap3A_79 = vector.shape_cast %broadcast_in_dim3A_75 : vector<16xf32> to vector<1x16xf32>
      tpu.vector_store %arg10[%swap3A, %swap3A_76], %swap3A_79 {strides = array<i32>} : memref<64x128xf32, #tpu.memory_space<vmem>>, vector<1x16xf32>,
      %broadcast_in_dim3A_80 = arith.constant 0.000000e+00 : f32
      %broadcast_in_dim3A_81 = vector.broadcast %broadcast_in_dim3A_80 : f32 to vector<16xf32>
      %swap3A_82 = arith.index_cast %scan3A_73 : i32 to index
      %swap3A_83 = arith.constant 16 : index
      %swap3A_84 = tpu.vector_load %arg10[%swap3A_82, %swap3A_83] {strides = array<i32>} : memref<64x128xf32, #tpu.memory_space<vmem>>, vector<1x16xf32>,
      %swap3A_85 = vector.shape_cast %swap3A_84 : vector<1x16xf32> to vector<16xf32>
      %swap3A_86 = vector.shape_cast %broadcast_in_dim3A_81 : vector<16xf32> to vector<1x16xf32>
      tpu.vector_store %arg10[%swap3A_82, %swap3A_83], %swap3A_86 {strides = array<i32>} : memref<64x128xf32, #tpu.memory_space<vmem>>, vector<1x16xf32>,
      %broadcast_in_dim3A_87 = arith.constant 0.000000e+00 : f32
      %broadcast_in_dim3A_88 = vector.broadcast %broadcast_in_dim3A_87 : f32 to vector<16xf32>
      %swap3A_89 = arith.index_cast %scan3A_73 : i32 to index
      %swap3A_90 = arith.constant 32 : index
      %swap3A_91 = tpu.vector_load %arg10[%swap3A_89, %swap3A_90] {strides = array<i32>} : memref<64x128xf32, #tpu.memory_space<vmem>>, vector<1x16xf32>,
      %swap3A_92 = vector.shape_cast %swap3A_91 : vector<1x16xf32> to vector<16xf32>
      %swap3A_93 = vector.shape_cast %broadcast_in_dim3A_88 : vector<16xf32> to vector<1x16xf32>
      tpu.vector_store %arg10[%swap3A_89, %swap3A_90], %swap3A_93 {strides = array<i32>} : memref<64x128xf32, #tpu.memory_space<vmem>>, vector<1x16xf32>,
      %broadcast_in_dim3A_94 = arith.constant 0.000000e+00 : f32
      %broadcast_in_dim3A_95 = vector.broadcast %broadcast_in_dim3A_94 : f32 to vector<16xf32>
      %swap3A_96 = arith.index_cast %scan3A_73 : i32 to index
      %swap3A_97 = arith.constant 48 : index
      %swap3A_98 = tpu.vector_load %arg10[%swap3A_96, %swap3A_97] {strides = array<i32>} : memref<64x128xf32, #tpu.memory_space<vmem>>, vector<1x16xf32>,
      %swap3A_99 = vector.shape_cast %swap3A_98 : vector<1x16xf32> to vector<16xf32>
      %swap3A_100 = vector.shape_cast %broadcast_in_dim3A_95 : vector<16xf32> to vector<1x16xf32>
      tpu.vector_store %arg10[%swap3A_96, %swap3A_97], %swap3A_100 {strides = array<i32>} : memref<64x128xf32, #tpu.memory_space<vmem>>, vector<1x16xf32>,
      %broadcast_in_dim3A_101 = arith.constant 0.000000e+00 : f32
      %broadcast_in_dim3A_102 = vector.broadcast %broadcast_in_dim3A_101 : f32 to vector<16xf32>
      %swap3A_103 = arith.index_cast %scan3A_73 : i32 to index
      %swap3A_104 = arith.constant 64 : index
      %swap3A_105 = tpu.vector_load %arg10[%swap3A_103, %swap3A_104] {strides = array<i32>} : memref<64x128xf32, #tpu.memory_space<vmem>>, vector<1x16xf32>,
      %swap3A_106 = vector.shape_cast %swap3A_105 : vector<1x16xf32> to vector<16xf32>
      %swap3A_107 = vector.shape_cast %broadcast_in_dim3A_102 : vector<16xf32> to vector<1x16xf32>
      tpu.vector_store %arg10[%swap3A_103, %swap3A_104], %swap3A_107 {strides = array<i32>} : memref<64x128xf32, #tpu.memory_space<vmem>>, vector<1x16xf32>,
      %broadcast_in_dim3A_108 = arith.constant 0.000000e+00 : f32
      %broadcast_in_dim3A_109 = vector.broadcast %broadcast_in_dim3A_108 : f32 to vector<16xf32>
      %swap3A_110 = arith.index_cast %scan3A_73 : i32 to index
      %swap3A_111 = arith.constant 80 : index
      %swap3A_112 = tpu.vector_load %arg10[%swap3A_110, %swap3A_111] {strides = array<i32>} : memref<64x128xf32, #tpu.memory_space<vmem>>, vector<1x16xf32>,
      %swap3A_113 = vector.shape_cast %swap3A_112 : vector<1x16xf32> to vector<16xf32>
      %swap3A_114 = vector.shape_cast %broadcast_in_dim3A_109 : vector<16xf32> to vector<1x16xf32>
      tpu.vector_store %arg10[%swap3A_110, %swap3A_111], %swap3A_114 {strides = array<i32>} : memref<64x128xf32, #tpu.memory_space<vmem>>, vector<1x16xf32>,
      %broadcast_in_dim3A_115 = arith.constant 0.000000e+00 : f32
      %broadcast_in_dim3A_116 = vector.broadcast %broadcast_in_dim3A_115 : f32 to vector<16xf32>
      %swap3A_117 = arith.index_cast %scan3A_73 : i32 to index
      %swap3A_118 = arith.constant 96 : index
      %swap3A_119 = tpu.vector_load %arg10[%swap3A_117, %swap3A_118] {strides = array<i32>} : memref<64x128xf32, #tpu.memory_space<vmem>>, vector<1x16xf32>,
      %swap3A_120 = vector.shape_cast %swap3A_119 : vector<1x16xf32> to vector<16xf32>
      %swap3A_121 = vector.shape_cast %broadcast_in_dim3A_116 : vector<16xf32> to vector<1x16xf32>
      tpu.vector_store %arg10[%swap3A_117, %swap3A_118], %swap3A_121 {strides = array<i32>} : memref<64x128xf32, #tpu.memory_space<vmem>>, vector<1x16xf32>,
      %broadcast_in_dim3A_122 = arith.constant 0.000000e+00 : f32
      %broadcast_in_dim3A_123 = vector.broadcast %broadcast_in_dim3A_122 : f32 to vector<16xf32>
      %swap3A_124 = arith.index_cast %scan3A_73 : i32 to index
      %swap3A_125 = arith.constant 112 : index
      %swap3A_126 = tpu.vector_load %arg10[%swap3A_124, %swap3A_125] {strides = array<i32>} : memref<64x128xf32, #tpu.memory_space<vmem>>, vector<1x16xf32>,
      %swap3A_127 = vector.shape_cast %swap3A_126 : vector<1x16xf32> to vector<16xf32>
      %swap3A_128 = vector.shape_cast %broadcast_in_dim3A_123 : vector<16xf32> to vector<1x16xf32>
      tpu.vector_store %arg10[%swap3A_124, %swap3A_125], %swap3A_128 {strides = array<i32>} : memref<64x128xf32, #tpu.memory_space<vmem>>, vector<1x16xf32>,
      %scan3A_129 = arith.constant 0 : i32
      scf.yield %scan3A_129 : i32
    }
    %scan3A_6 = arith.constant 64 : i32
    %mul3A_7 = arith.constant 64 : i32
    %mul3A_8 = arith.muli %arg1, %mul3A_7 : i32
    "tpu.region"() ({
      %run_scoped3A_73 = tpu.sem_alloc : memref<!tpu.dma_semaphore, #tpu.memory_space<semaphore_mem>>
      %dma_start3A = arith.constant 0 : i32
      %dma_start3A_74 = tpu.memref_slice %arg11[%mul3A_8, %dma_start3A] : memref<1024x128xf32, #tpu.memory_space<vmem_shared>> -> memref<64x128xf32, #tpu.memory_space<vmem_shared>>
      %dma_start3A_75 = arith.constant 0 : i32
      %dma_start3A_76 = tpu.memref_slice %arg11[%mul3A_8, %dma_start3A_75] : memref<1024x128xf32, #tpu.memory_space<vmem_shared>> -> memref<64x128xf32, #tpu.memory_space<vmem_shared>>
      tpu.enqueue_dma source(%arg10 : memref<64x128xf32, #tpu.memory_space<vmem>>) target(%dma_start3A_76 : memref<64x128xf32, #tpu.memory_space<vmem_shared>>) target_semaphore(%run_scoped3A_73 : memref<!tpu.dma_semaphore, #tpu.memory_space<semaphore_mem>>)
      %dma_wait3A = arith.constant 0 : i32
      %dma_wait3A_77 = tpu.memref_slice %arg11[%mul3A_8, %dma_wait3A] : memref<1024x128xf32, #tpu.memory_space<vmem_shared>> -> memref<64x128xf32, #tpu.memory_space<vmem_shared>>
      %dma_wait3A_78 = arith.constant 0 : i32
      %dma_wait3A_79 = tpu.memref_slice %arg11[%mul3A_8, %dma_wait3A_78] : memref<1024x128xf32, #tpu.memory_space<vmem_shared>> -> memref<64x128xf32, #tpu.memory_space<vmem_shared>>
      tpu.wait_dma2 semaphore(%run_scoped3A_73 : memref<!tpu.dma_semaphore, #tpu.memory_space<semaphore_mem>>) src(%arg10 : memref<64x128xf32, #tpu.memory_space<vmem>>) dst(%dma_wait3A_79 : memref<64x128xf32, #tpu.memory_space<vmem_shared>>)
      tpu.yield
    }) : () -> ()
    %barrier3A = arith.constant 0 : index
    tpu.barrier barrier_id(%barrier3A)
    %scan3A_9 = arith.constant 0 : i32
    %scan3A_10 = arith.constant 0 : i32
    %scan3A_11 = arith.constant 4 : i32
    %scan3A_12 = arith.addi %scan3A_10, %scan3A_11 : i32
    %scan3A_13 = arith.constant 1 : i32
    %scan3A_14 = scf.for %scan3A_73 = %scan3A_10 to %scan3A_12 step %scan3A_13 iter_args(%scan3A_74 = %scan3A_9) -> (i32)  : i32 {
      %mul3A_75 = arith.constant 32 : i32
      %mul3A_76 = arith.muli %mul3A_75, %scan3A_73 : i32
      %add3A_77 = arith.addi %add3A, %mul3A_76 : i32
      %lt3A = arith.constant 125 : i32
      %lt3A_78 = arith.cmpi slt, %add3A_77, %lt3A : i32
      %convert_element_type3A = arith.extui %lt3A_78 : i1 to i32
      %cond3A = arith.constant 0 : i32
      %cond3A_79 = arith.cmpi ne, %convert_element_type3A, %cond3A : i32
      scf.if %cond3A_79 {
        %mul3A_81 = arith.constant 80 : i32
        %mul3A_82 = arith.muli %add3A_77, %mul3A_81 : i32
        "tpu.region"() ({
          %run_scoped3A_83 = tpu.sem_alloc : memref<!tpu.dma_semaphore, #tpu.memory_space<semaphore_mem>>
          %dma_start3A = arith.constant 0 : i32
          %dma_start3A_84 = tpu.memref_slice %arg2[%mul3A_82, %dma_start3A] : memref<10000x128xf32, #tpu.memory_space<hbm>> -> memref<80x128xf32, #tpu.memory_space<hbm>>
          %dma_start3A_85 = arith.constant 0 : i32
          %dma_start3A_86 = tpu.memref_slice %arg2[%mul3A_82, %dma_start3A_85] : memref<10000x128xf32, #tpu.memory_space<hbm>> -> memref<80x128xf32, #tpu.memory_space<hbm>>
          tpu.enqueue_dma source(%dma_start3A_86 : memref<80x128xf32, #tpu.memory_space<hbm>>) target(%arg9 : memref<80x128xf32, #tpu.memory_space<vmem>>) target_semaphore(%run_scoped3A_83 : memref<!tpu.dma_semaphore, #tpu.memory_space<semaphore_mem>>)
          %dma_wait3A = arith.constant 0 : i32
          %dma_wait3A_87 = tpu.memref_slice %arg2[%mul3A_82, %dma_wait3A] : memref<10000x128xf32, #tpu.memory_space<hbm>> -> memref<80x128xf32, #tpu.memory_space<hbm>>
          %dma_wait3A_88 = arith.constant 0 : i32
          %dma_wait3A_89 = tpu.memref_slice %arg2[%mul3A_82, %dma_wait3A_88] : memref<10000x128xf32, #tpu.memory_space<hbm>> -> memref<80x128xf32, #tpu.memory_space<hbm>>
          tpu.wait_dma2 semaphore(%run_scoped3A_83 : memref<!tpu.dma_semaphore, #tpu.memory_space<semaphore_mem>>) src(%dma_wait3A_89 : memref<80x128xf32, #tpu.memory_space<hbm>>) dst(%arg9 : memref<80x128xf32, #tpu.memory_space<vmem>>)
          tpu.yield
        }) : () -> ()
        "tpu.region"() ({
          %run_scoped3A_83 = tpu.sem_alloc : memref<!tpu.dma_semaphore, #tpu.memory_space<semaphore_mem>>
          %dma_start3A = tpu.memref_slice %arg6[%mul3A_82] : memref<10000xi32, #tpu.memory_space<hbm>> -> memref<80xi32, #tpu.memory_space<hbm>>
          %dma_start3A_84 = tpu.memref_slice %arg6[%mul3A_82] : memref<10000xi32, #tpu.memory_space<hbm>> -> memref<80xi32, #tpu.memory_space<hbm>>
          tpu.enqueue_dma source(%dma_start3A_84 : memref<80xi32, #tpu.memory_space<hbm>>) target(%arg8 : memref<80xi32, #tpu.memory_space<vmem>>) target_semaphore(%run_scoped3A_83 : memref<!tpu.dma_semaphore, #tpu.memory_space<semaphore_mem>>)
          %dma_wait3A = tpu.memref_slice %arg6[%mul3A_82] : memref<10000xi32, #tpu.memory_space<hbm>> -> memref<80xi32, #tpu.memory_space<hbm>>
          %dma_wait3A_85 = tpu.memref_slice %arg6[%mul3A_82] : memref<10000xi32, #tpu.memory_space<hbm>> -> memref<80xi32, #tpu.memory_space<hbm>>
          tpu.wait_dma2 semaphore(%run_scoped3A_83 : memref<!tpu.dma_semaphore, #tpu.memory_space<semaphore_mem>>) src(%dma_wait3A_85 : memref<80xi32, #tpu.memory_space<hbm>>) dst(%arg8 : memref<80xi32, #tpu.memory_space<vmem>>)
          tpu.yield
        }) : () -> ()
        "tpu.region"() ({
          %run_scoped3A_83 = tpu.sem_alloc : memref<!tpu.dma_semaphore, #tpu.memory_space<semaphore_mem>>
          %dma_start3A = arith.constant 0 : i32
          %dma_start3A_84 = arith.constant 0 : i32
          %dma_start3A_85 = tpu.memref_slice %arg11[%dma_start3A, %dma_start3A_84] : memref<1024x128xf32, #tpu.memory_space<vmem_shared>> -> memref<1024x128xf32, #tpu.memory_space<vmem_shared>>
          tpu.enqueue_indirect_dma source(%arg9 : memref<80x128xf32, #tpu.memory_space<vmem>>) target(%dma_start3A_85 : memref<1024x128xf32, #tpu.memory_space<vmem_shared>>) offsets(%arg8 : memref<80xi32, #tpu.memory_space<vmem>>) semaphore(%run_scoped3A_83 : memref<!tpu.dma_semaphore, #tpu.memory_space<semaphore_mem>>) {add = true}
          %dma_wait3A = arith.constant 0 : i32
          %dma_wait3A_86 = arith.constant 0 : i32
          %dma_wait3A_87 = tpu.memref_slice %arg11[%dma_wait3A, %dma_wait3A_86] : memref<1024x128xf32, #tpu.memory_space<vmem_shared>> -> memref<1024x128xf32, #tpu.memory_space<vmem_shared>>
          tpu.wait_indirect_dma semaphore(%run_scoped3A_83 : memref<!tpu.dma_semaphore, #tpu.memory_space<semaphore_mem>>) src(%arg9 : memref<80x128xf32, #tpu.memory_space<vmem>>) dst(%dma_wait3A_87 : memref<1024x128xf32, #tpu.memory_space<vmem_shared>>)
          tpu.yield
        }) : () -> ()
      } else {
      }
      %scan3A_80 = arith.constant 0 : i32
      scf.yield %scan3A_80 : i32
    }
    %scan3A_15 = arith.constant 4 : i32
    %barrier3A_16 = arith.constant 0 : index
    tpu.barrier barrier_id(%barrier3A_16)
    %mul3A_17 = arith.constant 64 : i32
    %mul3A_18 = arith.muli %arg1, %mul3A_17 : i32
    %mul3A_19 = arith.constant 64 : i32
    %mul3A_20 = arith.muli %arg1, %mul3A_19 : i32
    %run_scoped3A = arith.constant 0 : i32
    "tpu.region"() ({
      %run_scoped3A_73 = tpu.sem_alloc : memref<!tpu.dma_semaphore, #tpu.memory_space<semaphore_mem>>
      %dma_start3A = arith.constant 0 : i32
      %dma_start3A_74 = tpu.memref_slice %arg7[%run_scoped3A, %arg0, %mul3A_20, %dma_start3A] : memref<4x2x1024x128xf32, #tpu.memory_space<hbm>> -> memref<1x1x64x128xf32, #tpu.memory_space<hbm>>
      %dma_start3A_75 = tpu.memref_squeeze %dma_start3A_74 : memref<1x1x64x128xf32, #tpu.memory_space<hbm>> -> memref<64x128xf32, #tpu.memory_space<hbm>>
      %dma_start3A_76 = arith.constant 0 : i32
      %dma_start3A_77 = tpu.memref_slice %arg11[%mul3A_18, %dma_start3A_76] : memref<1024x128xf32, #tpu.memory_space<vmem_shared>> -> memref<64x128xf32, #tpu.memory_space<vmem_shared>>
      tpu.enqueue_dma source(%dma_start3A_77 : memref<64x128xf32, #tpu.memory_space<vmem_shared>>) target(%dma_start3A_75 : memref<64x128xf32, #tpu.memory_space<hbm>>) target_semaphore(%run_scoped3A_73 : memref<!tpu.dma_semaphore, #tpu.memory_space<semaphore_mem>>)
      %dma_wait3A = arith.constant 0 : i32
      %dma_wait3A_78 = tpu.memref_slice %arg7[%run_scoped3A, %arg0, %mul3A_20, %dma_wait3A] : memref<4x2x1024x128xf32, #tpu.memory_space<hbm>> -> memref<1x1x64x128xf32, #tpu.memory_space<hbm>>
      %dma_wait3A_79 = tpu.memref_squeeze %dma_wait3A_78 : memref<1x1x64x128xf32, #tpu.memory_space<hbm>> -> memref<64x128xf32, #tpu.memory_space<hbm>>
      %dma_wait3A_80 = arith.constant 0 : i32
      %dma_wait3A_81 = tpu.memref_slice %arg11[%mul3A_18, %dma_wait3A_80] : memref<1024x128xf32, #tpu.memory_space<vmem_shared>> -> memref<64x128xf32, #tpu.memory_space<vmem_shared>>
      tpu.wait_dma2 semaphore(%run_scoped3A_73 : memref<!tpu.dma_semaphore, #tpu.memory_space<semaphore_mem>>) src(%dma_wait3A_81 : memref<64x128xf32, #tpu.memory_space<vmem_shared>>) dst(%dma_wait3A_79 : memref<64x128xf32, #tpu.memory_space<hbm>>)
      tpu.yield
    }) : () -> ()
    %barrier3A_21 = arith.constant 0 : index
    tpu.barrier barrier_id(%barrier3A_21)
    %mul3A_22 = arith.constant 64 : i32
    %mul3A_23 = arith.muli %arg1, %mul3A_22 : i32
    "tpu.region"() ({
      %run_scoped3A_73 = tpu.sem_alloc : memref<!tpu.dma_semaphore, #tpu.memory_space<semaphore_mem>>
      %dma_start3A = arith.constant 0 : i32
      %dma_start3A_74 = tpu.memref_slice %arg11[%mul3A_23, %dma_start3A] : memref<1024x128xf32, #tpu.memory_space<vmem_shared>> -> memref<64x128xf32, #tpu.memory_space<vmem_shared>>
      %dma_start3A_75 = arith.constant 0 : i32
      %dma_start3A_76 = tpu.memref_slice %arg11[%mul3A_23, %dma_start3A_75] : memref<1024x128xf32, #tpu.memory_space<vmem_shared>> -> memref<64x128xf32, #tpu.memory_space<vmem_shared>>
      tpu.enqueue_dma source(%arg10 : memref<64x128xf32, #tpu.memory_space<vmem>>) target(%dma_start3A_76 : memref<64x128xf32, #tpu.memory_space<vmem_shared>>) target_semaphore(%run_scoped3A_73 : memref<!tpu.dma_semaphore, #tpu.memory_space<semaphore_mem>>)
      %dma_wait3A = arith.constant 0 : i32
      %dma_wait3A_77 = tpu.memref_slice %arg11[%mul3A_23, %dma_wait3A] : memref<1024x128xf32, #tpu.memory_space<vmem_shared>> -> memref<64x128xf32, #tpu.memory_space<vmem_shared>>
      %dma_wait3A_78 = arith.constant 0 : i32
      %dma_wait3A_79 = tpu.memref_slice %arg11[%mul3A_23, %dma_wait3A_78] : memref<1024x128xf32, #tpu.memory_space<vmem_shared>> -> memref<64x128xf32, #tpu.memory_space<vmem_shared>>
      tpu.wait_dma2 semaphore(%run_scoped3A_73 : memref<!tpu.dma_semaphore, #tpu.memory_space<semaphore_mem>>) src(%arg10 : memref<64x128xf32, #tpu.memory_space<vmem>>) dst(%dma_wait3A_79 : memref<64x128xf32, #tpu.memory_space<vmem_shared>>)
      tpu.yield
    }) : () -> ()
    %barrier3A_24 = arith.constant 0 : index
    tpu.barrier barrier_id(%barrier3A_24)
    %scan3A_25 = arith.constant 0 : i32
    %scan3A_26 = arith.constant 0 : i32
    %scan3A_27 = arith.constant 4 : i32
    %scan3A_28 = arith.addi %scan3A_26, %scan3A_27 : i32
    %scan3A_29 = arith.constant 1 : i32
    %scan3A_30 = scf.for %scan3A_73 = %scan3A_26 to %scan3A_28 step %scan3A_29 iter_args(%scan3A_74 = %scan3A_25) -> (i32)  : i32 {
      %mul3A_75 = arith.constant 32 : i32
      %mul3A_76 = arith.muli %mul3A_75, %scan3A_73 : i32
      %add3A_77 = arith.addi %add3A, %mul3A_76 : i32
      %lt3A = arith.constant 125 : i32
      %lt3A_78 = arith.cmpi slt, %add3A_77, %lt3A : i32
      %convert_element_type3A = arith.extui %lt3A_78 : i1 to i32
      %cond3A = arith.constant 0 : i32
      %cond3A_79 = arith.cmpi ne, %convert_element_type3A, %cond3A : i32
      scf.if %cond3A_79 {
        %mul3A_81 = arith.constant 80 : i32
        %mul3A_82 = arith.muli %add3A_77, %mul3A_81 : i32
        "tpu.region"() ({
          %run_scoped3A_83 = tpu.sem_alloc : memref<!tpu.dma_semaphore, #tpu.memory_space<semaphore_mem>>
          %dma_start3A = arith.constant 0 : i32
          %dma_start3A_84 = tpu.memref_slice %arg3[%mul3A_82, %dma_start3A] : memref<10000x128xf32, #tpu.memory_space<hbm>> -> memref<80x128xf32, #tpu.memory_space<hbm>>
          %dma_start3A_85 = arith.constant 0 : i32
          %dma_start3A_86 = tpu.memref_slice %arg3[%mul3A_82, %dma_start3A_85] : memref<10000x128xf32, #tpu.memory_space<hbm>> -> memref<80x128xf32, #tpu.memory_space<hbm>>
          tpu.enqueue_dma source(%dma_start3A_86 : memref<80x128xf32, #tpu.memory_space<hbm>>) target(%arg9 : memref<80x128xf32, #tpu.memory_space<vmem>>) target_semaphore(%run_scoped3A_83 : memref<!tpu.dma_semaphore, #tpu.memory_space<semaphore_mem>>)
          %dma_wait3A = arith.constant 0 : i32
          %dma_wait3A_87 = tpu.memref_slice %arg3[%mul3A_82, %dma_wait3A] : memref<10000x128xf32, #tpu.memory_space<hbm>> -> memref<80x128xf32, #tpu.memory_space<hbm>>
          %dma_wait3A_88 = arith.constant 0 : i32
          %dma_wait3A_89 = tpu.memref_slice %arg3[%mul3A_82, %dma_wait3A_88] : memref<10000x128xf32, #tpu.memory_space<hbm>> -> memref<80x128xf32, #tpu.memory_space<hbm>>
          tpu.wait_dma2 semaphore(%run_scoped3A_83 : memref<!tpu.dma_semaphore, #tpu.memory_space<semaphore_mem>>) src(%dma_wait3A_89 : memref<80x128xf32, #tpu.memory_space<hbm>>) dst(%arg9 : memref<80x128xf32, #tpu.memory_space<vmem>>)
          tpu.yield
        }) : () -> ()
        "tpu.region"() ({
          %run_scoped3A_83 = tpu.sem_alloc : memref<!tpu.dma_semaphore, #tpu.memory_space<semaphore_mem>>
          %dma_start3A = tpu.memref_slice %arg6[%mul3A_82] : memref<10000xi32, #tpu.memory_space<hbm>> -> memref<80xi32, #tpu.memory_space<hbm>>
          %dma_start3A_84 = tpu.memref_slice %arg6[%mul3A_82] : memref<10000xi32, #tpu.memory_space<hbm>> -> memref<80xi32, #tpu.memory_space<hbm>>
          tpu.enqueue_dma source(%dma_start3A_84 : memref<80xi32, #tpu.memory_space<hbm>>) target(%arg8 : memref<80xi32, #tpu.memory_space<vmem>>) target_semaphore(%run_scoped3A_83 : memref<!tpu.dma_semaphore, #tpu.memory_space<semaphore_mem>>)
          %dma_wait3A = tpu.memref_slice %arg6[%mul3A_82] : memref<10000xi32, #tpu.memory_space<hbm>> -> memref<80xi32, #tpu.memory_space<hbm>>
          %dma_wait3A_85 = tpu.memref_slice %arg6[%mul3A_82] : memref<10000xi32, #tpu.memory_space<hbm>> -> memref<80xi32, #tpu.memory_space<hbm>>
          tpu.wait_dma2 semaphore(%run_scoped3A_83 : memref<!tpu.dma_semaphore, #tpu.memory_space<semaphore_mem>>) src(%dma_wait3A_85 : memref<80xi32, #tpu.memory_space<hbm>>) dst(%arg8 : memref<80xi32, #tpu.memory_space<vmem>>)
          tpu.yield
        }) : () -> ()
        "tpu.region"() ({
          %run_scoped3A_83 = tpu.sem_alloc : memref<!tpu.dma_semaphore, #tpu.memory_space<semaphore_mem>>
          %dma_start3A = arith.constant 0 : i32
          %dma_start3A_84 = arith.constant 0 : i32
          %dma_start3A_85 = tpu.memref_slice %arg11[%dma_start3A, %dma_start3A_84] : memref<1024x128xf32, #tpu.memory_space<vmem_shared>> -> memref<1024x128xf32, #tpu.memory_space<vmem_shared>>
          tpu.enqueue_indirect_dma source(%arg9 : memref<80x128xf32, #tpu.memory_space<vmem>>) target(%dma_start3A_85 : memref<1024x128xf32, #tpu.memory_space<vmem_shared>>) offsets(%arg8 : memref<80xi32, #tpu.memory_space<vmem>>) semaphore(%run_scoped3A_83 : memref<!tpu.dma_semaphore, #tpu.memory_space<semaphore_mem>>) {add = true}
          %dma_wait3A = arith.constant 0 : i32
          %dma_wait3A_86 = arith.constant 0 : i32
          %dma_wait3A_87 = tpu.memref_slice %arg11[%dma_wait3A, %dma_wait3A_86] : memref<1024x128xf32, #tpu.memory_space<vmem_shared>> -> memref<1024x128xf32, #tpu.memory_space<vmem_shared>>
          tpu.wait_indirect_dma semaphore(%run_scoped3A_83 : memref<!tpu.dma_semaphore, #tpu.memory_space<semaphore_mem>>) src(%arg9 : memref<80x128xf32, #tpu.memory_space<vmem>>) dst(%dma_wait3A_87 : memref<1024x128xf32, #tpu.memory_space<vmem_shared>>)
          tpu.yield
        }) : () -> ()
      } else {
      }
      %scan3A_80 = arith.constant 0 : i32
      scf.yield %scan3A_80 : i32
    }
    %scan3A_31 = arith.constant 4 : i32
    %barrier3A_32 = arith.constant 0 : index
    tpu.barrier barrier_id(%barrier3A_32)
    %mul3A_33 = arith.constant 64 : i32
    %mul3A_34 = arith.muli %arg1, %mul3A_33 : i32
    %mul3A_35 = arith.constant 64 : i32
    %mul3A_36 = arith.muli %arg1, %mul3A_35 : i32
    %run_scoped3A_37 = arith.constant 1 : i32
    "tpu.region"() ({
      %run_scoped3A_73 = tpu.sem_alloc : memref<!tpu.dma_semaphore, #tpu.memory_space<semaphore_mem>>
      %dma_start3A = arith.constant 0 : i32
      %dma_start3A_74 = tpu.memref_slice %arg7[%run_scoped3A_37, %arg0, %mul3A_36, %dma_start3A] : memref<4x2x1024x128xf32, #tpu.memory_space<hbm>> -> memref<1x1x64x128xf32, #tpu.memory_space<hbm>>
      %dma_start3A_75 = tpu.memref_squeeze %dma_start3A_74 : memref<1x1x64x128xf32, #tpu.memory_space<hbm>> -> memref<64x128xf32, #tpu.memory_space<hbm>>
      %dma_start3A_76 = arith.constant 0 : i32
      %dma_start3A_77 = tpu.memref_slice %arg11[%mul3A_34, %dma_start3A_76] : memref<1024x128xf32, #tpu.memory_space<vmem_shared>> -> memref<64x128xf32, #tpu.memory_space<vmem_shared>>
      tpu.enqueue_dma source(%dma_start3A_77 : memref<64x128xf32, #tpu.memory_space<vmem_shared>>) target(%dma_start3A_75 : memref<64x128xf32, #tpu.memory_space<hbm>>) target_semaphore(%run_scoped3A_73 : memref<!tpu.dma_semaphore, #tpu.memory_space<semaphore_mem>>)
      %dma_wait3A = arith.constant 0 : i32
      %dma_wait3A_78 = tpu.memref_slice %arg7[%run_scoped3A_37, %arg0, %mul3A_36, %dma_wait3A] : memref<4x2x1024x128xf32, #tpu.memory_space<hbm>> -> memref<1x1x64x128xf32, #tpu.memory_space<hbm>>
      %dma_wait3A_79 = tpu.memref_squeeze %dma_wait3A_78 : memref<1x1x64x128xf32, #tpu.memory_space<hbm>> -> memref<64x128xf32, #tpu.memory_space<hbm>>
      %dma_wait3A_80 = arith.constant 0 : i32
      %dma_wait3A_81 = tpu.memref_slice %arg11[%mul3A_34, %dma_wait3A_80] : memref<1024x128xf32, #tpu.memory_space<vmem_shared>> -> memref<64x128xf32, #tpu.memory_space<vmem_shared>>
      tpu.wait_dma2 semaphore(%run_scoped3A_73 : memref<!tpu.dma_semaphore, #tpu.memory_space<semaphore_mem>>) src(%dma_wait3A_81 : memref<64x128xf32, #tpu.memory_space<vmem_shared>>) dst(%dma_wait3A_79 : memref<64x128xf32, #tpu.memory_space<hbm>>)
      tpu.yield
    }) : () -> ()
    %barrier3A_38 = arith.constant 0 : index
    tpu.barrier barrier_id(%barrier3A_38)
    %mul3A_39 = arith.constant 64 : i32
    %mul3A_40 = arith.muli %arg1, %mul3A_39 : i32
    "tpu.region"() ({
      %run_scoped3A_73 = tpu.sem_alloc : memref<!tpu.dma_semaphore, #tpu.memory_space<semaphore_mem>>
      %dma_start3A = arith.constant 0 : i32
      %dma_start3A_74 = tpu.memref_slice %arg11[%mul3A_40, %dma_start3A] : memref<1024x128xf32, #tpu.memory_space<vmem_shared>> -> memref<64x128xf32, #tpu.memory_space<vmem_shared>>
      %dma_start3A_75 = arith.constant 0 : i32
      %dma_start3A_76 = tpu.memref_slice %arg11[%mul3A_40, %dma_start3A_75] : memref<1024x128xf32, #tpu.memory_space<vmem_shared>> -> memref<64x128xf32, #tpu.memory_space<vmem_shared>>
      tpu.enqueue_dma source(%arg10 : memref<64x128xf32, #tpu.memory_space<vmem>>) target(%dma_start3A_76 : memref<64x128xf32, #tpu.memory_space<vmem_shared>>) target_semaphore(%run_scoped3A_73 : memref<!tpu.dma_semaphore, #tpu.memory_space<semaphore_mem>>)
      %dma_wait3A = arith.constant 0 : i32
      %dma_wait3A_77 = tpu.memref_slice %arg11[%mul3A_40, %dma_wait3A] : memref<1024x128xf32, #tpu.memory_space<vmem_shared>> -> memref<64x128xf32, #tpu.memory_space<vmem_shared>>
      %dma_wait3A_78 = arith.constant 0 : i32
      %dma_wait3A_79 = tpu.memref_slice %arg11[%mul3A_40, %dma_wait3A_78] : memref<1024x128xf32, #tpu.memory_space<vmem_shared>> -> memref<64x128xf32, #tpu.memory_space<vmem_shared>>
      tpu.wait_dma2 semaphore(%run_scoped3A_73 : memref<!tpu.dma_semaphore, #tpu.memory_space<semaphore_mem>>) src(%arg10 : memref<64x128xf32, #tpu.memory_space<vmem>>) dst(%dma_wait3A_79 : memref<64x128xf32, #tpu.memory_space<vmem_shared>>)
      tpu.yield
    }) : () -> ()
    %barrier3A_41 = arith.constant 0 : index
    tpu.barrier barrier_id(%barrier3A_41)
    %scan3A_42 = arith.constant 0 : i32
    %scan3A_43 = arith.constant 0 : i32
    %scan3A_44 = arith.constant 4 : i32
    %scan3A_45 = arith.addi %scan3A_43, %scan3A_44 : i32
    %scan3A_46 = arith.constant 1 : i32
    %scan3A_47 = scf.for %scan3A_73 = %scan3A_43 to %scan3A_45 step %scan3A_46 iter_args(%scan3A_74 = %scan3A_42) -> (i32)  : i32 {
      %mul3A_75 = arith.constant 32 : i32
      %mul3A_76 = arith.muli %mul3A_75, %scan3A_73 : i32
      %add3A_77 = arith.addi %add3A, %mul3A_76 : i32
      %lt3A = arith.constant 125 : i32
      %lt3A_78 = arith.cmpi slt, %add3A_77, %lt3A : i32
      %convert_element_type3A = arith.extui %lt3A_78 : i1 to i32
      %cond3A = arith.constant 0 : i32
      %cond3A_79 = arith.cmpi ne, %convert_element_type3A, %cond3A : i32
      scf.if %cond3A_79 {
        %mul3A_81 = arith.constant 80 : i32
        %mul3A_82 = arith.muli %add3A_77, %mul3A_81 : i32
        "tpu.region"() ({
          %run_scoped3A_83 = tpu.sem_alloc : memref<!tpu.dma_semaphore, #tpu.memory_space<semaphore_mem>>
          %dma_start3A = arith.constant 0 : i32
          %dma_start3A_84 = tpu.memref_slice %arg4[%mul3A_82, %dma_start3A] : memref<10000x128xf32, #tpu.memory_space<hbm>> -> memref<80x128xf32, #tpu.memory_space<hbm>>
          %dma_start3A_85 = arith.constant 0 : i32
          %dma_start3A_86 = tpu.memref_slice %arg4[%mul3A_82, %dma_start3A_85] : memref<10000x128xf32, #tpu.memory_space<hbm>> -> memref<80x128xf32, #tpu.memory_space<hbm>>
          tpu.enqueue_dma source(%dma_start3A_86 : memref<80x128xf32, #tpu.memory_space<hbm>>) target(%arg9 : memref<80x128xf32, #tpu.memory_space<vmem>>) target_semaphore(%run_scoped3A_83 : memref<!tpu.dma_semaphore, #tpu.memory_space<semaphore_mem>>)
          %dma_wait3A = arith.constant 0 : i32
          %dma_wait3A_87 = tpu.memref_slice %arg4[%mul3A_82, %dma_wait3A] : memref<10000x128xf32, #tpu.memory_space<hbm>> -> memref<80x128xf32, #tpu.memory_space<hbm>>
          %dma_wait3A_88 = arith.constant 0 : i32
          %dma_wait3A_89 = tpu.memref_slice %arg4[%mul3A_82, %dma_wait3A_88] : memref<10000x128xf32, #tpu.memory_space<hbm>> -> memref<80x128xf32, #tpu.memory_space<hbm>>
          tpu.wait_dma2 semaphore(%run_scoped3A_83 : memref<!tpu.dma_semaphore, #tpu.memory_space<semaphore_mem>>) src(%dma_wait3A_89 : memref<80x128xf32, #tpu.memory_space<hbm>>) dst(%arg9 : memref<80x128xf32, #tpu.memory_space<vmem>>)
          tpu.yield
        }) : () -> ()
        "tpu.region"() ({
          %run_scoped3A_83 = tpu.sem_alloc : memref<!tpu.dma_semaphore, #tpu.memory_space<semaphore_mem>>
          %dma_start3A = tpu.memref_slice %arg6[%mul3A_82] : memref<10000xi32, #tpu.memory_space<hbm>> -> memref<80xi32, #tpu.memory_space<hbm>>
          %dma_start3A_84 = tpu.memref_slice %arg6[%mul3A_82] : memref<10000xi32, #tpu.memory_space<hbm>> -> memref<80xi32, #tpu.memory_space<hbm>>
          tpu.enqueue_dma source(%dma_start3A_84 : memref<80xi32, #tpu.memory_space<hbm>>) target(%arg8 : memref<80xi32, #tpu.memory_space<vmem>>) target_semaphore(%run_scoped3A_83 : memref<!tpu.dma_semaphore, #tpu.memory_space<semaphore_mem>>)
          %dma_wait3A = tpu.memref_slice %arg6[%mul3A_82] : memref<10000xi32, #tpu.memory_space<hbm>> -> memref<80xi32, #tpu.memory_space<hbm>>
          %dma_wait3A_85 = tpu.memref_slice %arg6[%mul3A_82] : memref<10000xi32, #tpu.memory_space<hbm>> -> memref<80xi32, #tpu.memory_space<hbm>>
          tpu.wait_dma2 semaphore(%run_scoped3A_83 : memref<!tpu.dma_semaphore, #tpu.memory_space<semaphore_mem>>) src(%dma_wait3A_85 : memref<80xi32, #tpu.memory_space<hbm>>) dst(%arg8 : memref<80xi32, #tpu.memory_space<vmem>>)
          tpu.yield
        }) : () -> ()
        "tpu.region"() ({
          %run_scoped3A_83 = tpu.sem_alloc : memref<!tpu.dma_semaphore, #tpu.memory_space<semaphore_mem>>
          %dma_start3A = arith.constant 0 : i32
          %dma_start3A_84 = arith.constant 0 : i32
          %dma_start3A_85 = tpu.memref_slice %arg11[%dma_start3A, %dma_start3A_84] : memref<1024x128xf32, #tpu.memory_space<vmem_shared>> -> memref<1024x128xf32, #tpu.memory_space<vmem_shared>>
          tpu.enqueue_indirect_dma source(%arg9 : memref<80x128xf32, #tpu.memory_space<vmem>>) target(%dma_start3A_85 : memref<1024x128xf32, #tpu.memory_space<vmem_shared>>) offsets(%arg8 : memref<80xi32, #tpu.memory_space<vmem>>) semaphore(%run_scoped3A_83 : memref<!tpu.dma_semaphore, #tpu.memory_space<semaphore_mem>>) {add = true}
          %dma_wait3A = arith.constant 0 : i32
          %dma_wait3A_86 = arith.constant 0 : i32
          %dma_wait3A_87 = tpu.memref_slice %arg11[%dma_wait3A, %dma_wait3A_86] : memref<1024x128xf32, #tpu.memory_space<vmem_shared>> -> memref<1024x128xf32, #tpu.memory_space<vmem_shared>>
          tpu.wait_indirect_dma semaphore(%run_scoped3A_83 : memref<!tpu.dma_semaphore, #tpu.memory_space<semaphore_mem>>) src(%arg9 : memref<80x128xf32, #tpu.memory_space<vmem>>) dst(%dma_wait3A_87 : memref<1024x128xf32, #tpu.memory_space<vmem_shared>>)
          tpu.yield
        }) : () -> ()
      } else {
      }
      %scan3A_80 = arith.constant 0 : i32
      scf.yield %scan3A_80 : i32
    }
    %scan3A_48 = arith.constant 4 : i32
    %barrier3A_49 = arith.constant 0 : index
    tpu.barrier barrier_id(%barrier3A_49)
    %mul3A_50 = arith.constant 64 : i32
    %mul3A_51 = arith.muli %arg1, %mul3A_50 : i32
    %mul3A_52 = arith.constant 64 : i32
    %mul3A_53 = arith.muli %arg1, %mul3A_52 : i32
    %run_scoped3A_54 = arith.constant 2 : i32
    "tpu.region"() ({
      %run_scoped3A_73 = tpu.sem_alloc : memref<!tpu.dma_semaphore, #tpu.memory_space<semaphore_mem>>
      %dma_start3A = arith.constant 0 : i32
      %dma_start3A_74 = tpu.memref_slice %arg7[%run_scoped3A_54, %arg0, %mul3A_53, %dma_start3A] : memref<4x2x1024x128xf32, #tpu.memory_space<hbm>> -> memref<1x1x64x128xf32, #tpu.memory_space<hbm>>
      %dma_start3A_75 = tpu.memref_squeeze %dma_start3A_74 : memref<1x1x64x128xf32, #tpu.memory_space<hbm>> -> memref<64x128xf32, #tpu.memory_space<hbm>>
      %dma_start3A_76 = arith.constant 0 : i32
      %dma_start3A_77 = tpu.memref_slice %arg11[%mul3A_51, %dma_start3A_76] : memref<1024x128xf32, #tpu.memory_space<vmem_shared>> -> memref<64x128xf32, #tpu.memory_space<vmem_shared>>
      tpu.enqueue_dma source(%dma_start3A_77 : memref<64x128xf32, #tpu.memory_space<vmem_shared>>) target(%dma_start3A_75 : memref<64x128xf32, #tpu.memory_space<hbm>>) target_semaphore(%run_scoped3A_73 : memref<!tpu.dma_semaphore, #tpu.memory_space<semaphore_mem>>)
      %dma_wait3A = arith.constant 0 : i32
      %dma_wait3A_78 = tpu.memref_slice %arg7[%run_scoped3A_54, %arg0, %mul3A_53, %dma_wait3A] : memref<4x2x1024x128xf32, #tpu.memory_space<hbm>> -> memref<1x1x64x128xf32, #tpu.memory_space<hbm>>
      %dma_wait3A_79 = tpu.memref_squeeze %dma_wait3A_78 : memref<1x1x64x128xf32, #tpu.memory_space<hbm>> -> memref<64x128xf32, #tpu.memory_space<hbm>>
      %dma_wait3A_80 = arith.constant 0 : i32
      %dma_wait3A_81 = tpu.memref_slice %arg11[%mul3A_51, %dma_wait3A_80] : memref<1024x128xf32, #tpu.memory_space<vmem_shared>> -> memref<64x128xf32, #tpu.memory_space<vmem_shared>>
      tpu.wait_dma2 semaphore(%run_scoped3A_73 : memref<!tpu.dma_semaphore, #tpu.memory_space<semaphore_mem>>) src(%dma_wait3A_81 : memref<64x128xf32, #tpu.memory_space<vmem_shared>>) dst(%dma_wait3A_79 : memref<64x128xf32, #tpu.memory_space<hbm>>)
      tpu.yield
    }) : () -> ()
    %barrier3A_55 = arith.constant 0 : index
    tpu.barrier barrier_id(%barrier3A_55)
    %mul3A_56 = arith.constant 64 : i32
    %mul3A_57 = arith.muli %arg1, %mul3A_56 : i32
    "tpu.region"() ({
      %run_scoped3A_73 = tpu.sem_alloc : memref<!tpu.dma_semaphore, #tpu.memory_space<semaphore_mem>>
      %dma_start3A = arith.constant 0 : i32
      %dma_start3A_74 = tpu.memref_slice %arg11[%mul3A_57, %dma_start3A] : memref<1024x128xf32, #tpu.memory_space<vmem_shared>> -> memref<64x128xf32, #tpu.memory_space<vmem_shared>>
      %dma_start3A_75 = arith.constant 0 : i32
      %dma_start3A_76 = tpu.memref_slice %arg11[%mul3A_57, %dma_start3A_75] : memref<1024x128xf32, #tpu.memory_space<vmem_shared>> -> memref<64x128xf32, #tpu.memory_space<vmem_shared>>
      tpu.enqueue_dma source(%arg10 : memref<64x128xf32, #tpu.memory_space<vmem>>) target(%dma_start3A_76 : memref<64x128xf32, #tpu.memory_space<vmem_shared>>) target_semaphore(%run_scoped3A_73 : memref<!tpu.dma_semaphore, #tpu.memory_space<semaphore_mem>>)
      %dma_wait3A = arith.constant 0 : i32
      %dma_wait3A_77 = tpu.memref_slice %arg11[%mul3A_57, %dma_wait3A] : memref<1024x128xf32, #tpu.memory_space<vmem_shared>> -> memref<64x128xf32, #tpu.memory_space<vmem_shared>>
      %dma_wait3A_78 = arith.constant 0 : i32
      %dma_wait3A_79 = tpu.memref_slice %arg11[%mul3A_57, %dma_wait3A_78] : memref<1024x128xf32, #tpu.memory_space<vmem_shared>> -> memref<64x128xf32, #tpu.memory_space<vmem_shared>>
      tpu.wait_dma2 semaphore(%run_scoped3A_73 : memref<!tpu.dma_semaphore, #tpu.memory_space<semaphore_mem>>) src(%arg10 : memref<64x128xf32, #tpu.memory_space<vmem>>) dst(%dma_wait3A_79 : memref<64x128xf32, #tpu.memory_space<vmem_shared>>)
      tpu.yield
    }) : () -> ()
    %barrier3A_58 = arith.constant 0 : index
    tpu.barrier barrier_id(%barrier3A_58)
    %scan3A_59 = arith.constant 0 : i32
    %scan3A_60 = arith.constant 0 : i32
    %scan3A_61 = arith.constant 4 : i32
    %scan3A_62 = arith.addi %scan3A_60, %scan3A_61 : i32
    %scan3A_63 = arith.constant 1 : i32
    %scan3A_64 = scf.for %scan3A_73 = %scan3A_60 to %scan3A_62 step %scan3A_63 iter_args(%scan3A_74 = %scan3A_59) -> (i32)  : i32 {
      %mul3A_75 = arith.constant 32 : i32
      %mul3A_76 = arith.muli %mul3A_75, %scan3A_73 : i32
      %add3A_77 = arith.addi %add3A, %mul3A_76 : i32
      %lt3A = arith.constant 125 : i32
      %lt3A_78 = arith.cmpi slt, %add3A_77, %lt3A : i32
      %convert_element_type3A = arith.extui %lt3A_78 : i1 to i32
      %cond3A = arith.constant 0 : i32
      %cond3A_79 = arith.cmpi ne, %convert_element_type3A, %cond3A : i32
      scf.if %cond3A_79 {
        %mul3A_81 = arith.constant 80 : i32
        %mul3A_82 = arith.muli %add3A_77, %mul3A_81 : i32
        "tpu.region"() ({
          %run_scoped3A_83 = tpu.sem_alloc : memref<!tpu.dma_semaphore, #tpu.memory_space<semaphore_mem>>
          %dma_start3A = arith.constant 0 : i32
          %dma_start3A_84 = tpu.memref_slice %arg5[%mul3A_82, %dma_start3A] : memref<10000x128xf32, #tpu.memory_space<hbm>> -> memref<80x128xf32, #tpu.memory_space<hbm>>
          %dma_start3A_85 = arith.constant 0 : i32
          %dma_start3A_86 = tpu.memref_slice %arg5[%mul3A_82, %dma_start3A_85] : memref<10000x128xf32, #tpu.memory_space<hbm>> -> memref<80x128xf32, #tpu.memory_space<hbm>>
          tpu.enqueue_dma source(%dma_start3A_86 : memref<80x128xf32, #tpu.memory_space<hbm>>) target(%arg9 : memref<80x128xf32, #tpu.memory_space<vmem>>) target_semaphore(%run_scoped3A_83 : memref<!tpu.dma_semaphore, #tpu.memory_space<semaphore_mem>>)
          %dma_wait3A = arith.constant 0 : i32
          %dma_wait3A_87 = tpu.memref_slice %arg5[%mul3A_82, %dma_wait3A] : memref<10000x128xf32, #tpu.memory_space<hbm>> -> memref<80x128xf32, #tpu.memory_space<hbm>>
          %dma_wait3A_88 = arith.constant 0 : i32
          %dma_wait3A_89 = tpu.memref_slice %arg5[%mul3A_82, %dma_wait3A_88] : memref<10000x128xf32, #tpu.memory_space<hbm>> -> memref<80x128xf32, #tpu.memory_space<hbm>>
          tpu.wait_dma2 semaphore(%run_scoped3A_83 : memref<!tpu.dma_semaphore, #tpu.memory_space<semaphore_mem>>) src(%dma_wait3A_89 : memref<80x128xf32, #tpu.memory_space<hbm>>) dst(%arg9 : memref<80x128xf32, #tpu.memory_space<vmem>>)
          tpu.yield
        }) : () -> ()
        "tpu.region"() ({
          %run_scoped3A_83 = tpu.sem_alloc : memref<!tpu.dma_semaphore, #tpu.memory_space<semaphore_mem>>
          %dma_start3A = tpu.memref_slice %arg6[%mul3A_82] : memref<10000xi32, #tpu.memory_space<hbm>> -> memref<80xi32, #tpu.memory_space<hbm>>
          %dma_start3A_84 = tpu.memref_slice %arg6[%mul3A_82] : memref<10000xi32, #tpu.memory_space<hbm>> -> memref<80xi32, #tpu.memory_space<hbm>>
          tpu.enqueue_dma source(%dma_start3A_84 : memref<80xi32, #tpu.memory_space<hbm>>) target(%arg8 : memref<80xi32, #tpu.memory_space<vmem>>) target_semaphore(%run_scoped3A_83 : memref<!tpu.dma_semaphore, #tpu.memory_space<semaphore_mem>>)
          %dma_wait3A = tpu.memref_slice %arg6[%mul3A_82] : memref<10000xi32, #tpu.memory_space<hbm>> -> memref<80xi32, #tpu.memory_space<hbm>>
          %dma_wait3A_85 = tpu.memref_slice %arg6[%mul3A_82] : memref<10000xi32, #tpu.memory_space<hbm>> -> memref<80xi32, #tpu.memory_space<hbm>>
          tpu.wait_dma2 semaphore(%run_scoped3A_83 : memref<!tpu.dma_semaphore, #tpu.memory_space<semaphore_mem>>) src(%dma_wait3A_85 : memref<80xi32, #tpu.memory_space<hbm>>) dst(%arg8 : memref<80xi32, #tpu.memory_space<vmem>>)
          tpu.yield
        }) : () -> ()
        "tpu.region"() ({
          %run_scoped3A_83 = tpu.sem_alloc : memref<!tpu.dma_semaphore, #tpu.memory_space<semaphore_mem>>
          %dma_start3A = arith.constant 0 : i32
          %dma_start3A_84 = arith.constant 0 : i32
          %dma_start3A_85 = tpu.memref_slice %arg11[%dma_start3A, %dma_start3A_84] : memref<1024x128xf32, #tpu.memory_space<vmem_shared>> -> memref<1024x128xf32, #tpu.memory_space<vmem_shared>>
          tpu.enqueue_indirect_dma source(%arg9 : memref<80x128xf32, #tpu.memory_space<vmem>>) target(%dma_start3A_85 : memref<1024x128xf32, #tpu.memory_space<vmem_shared>>) offsets(%arg8 : memref<80xi32, #tpu.memory_space<vmem>>) semaphore(%run_scoped3A_83 : memref<!tpu.dma_semaphore, #tpu.memory_space<semaphore_mem>>) {add = true}
          %dma_wait3A = arith.constant 0 : i32
          %dma_wait3A_86 = arith.constant 0 : i32
          %dma_wait3A_87 = tpu.memref_slice %arg11[%dma_wait3A, %dma_wait3A_86] : memref<1024x128xf32, #tpu.memory_space<vmem_shared>> -> memref<1024x128xf32, #tpu.memory_space<vmem_shared>>
          tpu.wait_indirect_dma semaphore(%run_scoped3A_83 : memref<!tpu.dma_semaphore, #tpu.memory_space<semaphore_mem>>) src(%arg9 : memref<80x128xf32, #tpu.memory_space<vmem>>) dst(%dma_wait3A_87 : memref<1024x128xf32, #tpu.memory_space<vmem_shared>>)
          tpu.yield
        }) : () -> ()
      } else {
      }
      %scan3A_80 = arith.constant 0 : i32
      scf.yield %scan3A_80 : i32
    }
    %scan3A_65 = arith.constant 4 : i32
    %barrier3A_66 = arith.constant 0 : index
    tpu.barrier barrier_id(%barrier3A_66)
    %mul3A_67 = arith.constant 64 : i32
    %mul3A_68 = arith.muli %arg1, %mul3A_67 : i32
    %mul3A_69 = arith.constant 64 : i32
    %mul3A_70 = arith.muli %arg1, %mul3A_69 : i32
    %run_scoped3A_71 = arith.constant 3 : i32
    "tpu.region"() ({
      %run_scoped3A_73 = tpu.sem_alloc : memref<!tpu.dma_semaphore, #tpu.memory_space<semaphore_mem>>
      %dma_start3A = arith.constant 0 : i32
      %dma_start3A_74 = tpu.memref_slice %arg7[%run_scoped3A_71, %arg0, %mul3A_70, %dma_start3A] : memref<4x2x1024x128xf32, #tpu.memory_space<hbm>> -> memref<1x1x64x128xf32, #tpu.memory_space<hbm>>
      %dma_start3A_75 = tpu.memref_squeeze %dma_start3A_74 : memref<1x1x64x128xf32, #tpu.memory_space<hbm>> -> memref<64x128xf32, #tpu.memory_space<hbm>>
      %dma_start3A_76 = arith.constant 0 : i32
      %dma_start3A_77 = tpu.memref_slice %arg11[%mul3A_68, %dma_start3A_76] : memref<1024x128xf32, #tpu.memory_space<vmem_shared>> -> memref<64x128xf32, #tpu.memory_space<vmem_shared>>
      tpu.enqueue_dma source(%dma_start3A_77 : memref<64x128xf32, #tpu.memory_space<vmem_shared>>) target(%dma_start3A_75 : memref<64x128xf32, #tpu.memory_space<hbm>>) target_semaphore(%run_scoped3A_73 : memref<!tpu.dma_semaphore, #tpu.memory_space<semaphore_mem>>)
      %dma_wait3A = arith.constant 0 : i32
      %dma_wait3A_78 = tpu.memref_slice %arg7[%run_scoped3A_71, %arg0, %mul3A_70, %dma_wait3A] : memref<4x2x1024x128xf32, #tpu.memory_space<hbm>> -> memref<1x1x64x128xf32, #tpu.memory_space<hbm>>
      %dma_wait3A_79 = tpu.memref_squeeze %dma_wait3A_78 : memref<1x1x64x128xf32, #tpu.memory_space<hbm>> -> memref<64x128xf32, #tpu.memory_space<hbm>>
      %dma_wait3A_80 = arith.constant 0 : i32
      %dma_wait3A_81 = tpu.memref_slice %arg11[%mul3A_68, %dma_wait3A_80] : memref<1024x128xf32, #tpu.memory_space<vmem_shared>> -> memref<64x128xf32, #tpu.memory_space<vmem_shared>>
      tpu.wait_dma2 semaphore(%run_scoped3A_73 : memref<!tpu.dma_semaphore, #tpu.memory_space<semaphore_mem>>) src(%dma_wait3A_81 : memref<64x128xf32, #tpu.memory_space<vmem_shared>>) dst(%dma_wait3A_79 : memref<64x128xf32, #tpu.memory_space<hbm>>)
      tpu.yield
    }) : () -> ()
    %barrier3A_72 = arith.constant 0 : index
    tpu.barrier barrier_id(%barrier3A_72)
    return
  }
}

module attributes {stable_mosaic.version = 14 : i64} {
  func.func @_linear_body(%arg0: i32, %arg1: memref<1x2x1000x128xf32, #tpu.memory_space<vmem>>, %arg2: memref<4x128x128xf32, #tpu.memory_space<vmem>>, %arg3: memref<4x128xf32, #tpu.memory_space<vmem>>, %arg4: memref<4x1000x128xf32, #tpu.memory_space<vmem>>) attributes {dimension_semantics = [#tpu.dimension_semantics<arbitrary>], iteration_bounds = array<i64: 10>, scalar_prefetch = 0 : i64, scratch_operands = 0 : i64, tpu.core_type = #tpu.core_type<tc>, window_params = [{transform_indices = @transform_0, window_bounds = array<i64: 1, 2, 1000, 128>}, {pipeline_mode = #tpu.pipeline_mode<synchronous>, transform_indices = @transform_1, window_bounds = array<i64: 4, 128, 128>}, {pipeline_mode = #tpu.pipeline_mode<synchronous>, transform_indices = @transform_2, window_bounds = array<i64: 4, 128>}, {transform_indices = @transform_3, window_bounds = array<i64: 4, 1000, 128>}]} {
    %get3A = arith.constant 0 : index
    %get3A_0 = arith.constant 0 : index
    %get3A_1 = arith.constant 0 : index
    %get3A_2 = arith.constant 0 : index
    %get3A_3 = vector.load %arg1[%get3A, %get3A_0, %get3A_1, %get3A_2] : memref<1x2x1000x128xf32, #tpu.memory_space<vmem>>, vector<1x1x1000x128xf32>
    %get3A_4 = vector.shape_cast %get3A_3 : vector<1x1x1000x128xf32> to vector<1000x128xf32>
    %get3A_5 = arith.constant 0 : index
    %get3A_6 = arith.constant 1 : index
    %get3A_7 = arith.constant 0 : index
    %get3A_8 = arith.constant 0 : index
    %get3A_9 = vector.load %arg1[%get3A_5, %get3A_6, %get3A_7, %get3A_8] : memref<1x2x1000x128xf32, #tpu.memory_space<vmem>>, vector<1x1x1000x128xf32>
    %get3A_10 = vector.shape_cast %get3A_9 : vector<1x1x1000x128xf32> to vector<1000x128xf32>
    %add3A = arith.addf %get3A_4, %get3A_10 : vector<1000x128xf32>
    %get3A_11 = arith.constant 0 : index
    %get3A_12 = arith.constant 0 : index
    %get3A_13 = arith.constant 0 : index
    %get3A_14 = vector.load %arg2[%get3A_11, %get3A_12, %get3A_13] : memref<4x128x128xf32, #tpu.memory_space<vmem>>, vector<1x128x128xf32>
    %get3A_15 = vector.shape_cast %get3A_14 : vector<1x128x128xf32> to vector<128x128xf32>
    %dot_general3A = arith.constant dense<0.000000e+00> : vector<1000x128xf32>
    %dot_general3A_16 = tpu.matmul %add3A, %get3A_15, %dot_general3A {dimension_numbers = #tpu.dot_dimension_numbers<[1], [0], [0], [1], [0, 0, 1, 1], [], []>, transpose_lhs_hint = false} : vector<1000x128xf32>, vector<128x128xf32>, vector<1000x128xf32> -> vector<1000x128xf32>
    %get3A_17 = arith.constant 0 : index
    %get3A_18 = arith.constant 0 : index
    %get3A_19 = vector.load %arg3[%get3A_17, %get3A_18] : memref<4x128xf32, #tpu.memory_space<vmem>>, vector<1x128xf32>
    %get3A_20 = vector.shape_cast %get3A_19 : vector<1x128xf32> to vector<128xf32>
    %broadcast_in_dim3A = vector.shape_cast %get3A_20 : vector<128xf32> to vector<1x128xf32>
    %add3A_21 = vector.broadcast %broadcast_in_dim3A : vector<1x128xf32> to vector<1000x128xf32>
    %add3A_22 = arith.addf %dot_general3A_16, %add3A_21 : vector<1000x128xf32>
    %max3A = arith.constant 0.000000e+00 : f32
    %max3A_23 = vector.broadcast %max3A : f32 to vector<1000x128xf32>
    %max3A_24 = arith.maximumf %add3A_22, %max3A_23 : vector<1000x128xf32>
    %swap3A = arith.constant 0 : index
    %swap3A_25 = arith.constant 0 : index
    %swap3A_26 = arith.constant 0 : index
    %swap3A_27 = vector.load %arg4[%swap3A, %swap3A_25, %swap3A_26] : memref<4x1000x128xf32, #tpu.memory_space<vmem>>, vector<1x1000x128xf32>
    %swap3A_28 = vector.shape_cast %swap3A_27 : vector<1x1000x128xf32> to vector<1000x128xf32>
    %swap3A_29 = vector.shape_cast %max3A_24 : vector<1000x128xf32> to vector<1x1000x128xf32>
    tpu.vector_store %arg4[%swap3A, %swap3A_25, %swap3A_26], %swap3A_29 {strides = array<i32>} : memref<4x1000x128xf32, #tpu.memory_space<vmem>>, vector<1x1000x128xf32>,
    %get3A_30 = arith.constant 0 : index
    %get3A_31 = arith.constant 0 : index
    %get3A_32 = arith.constant 0 : index
    %get3A_33 = arith.constant 0 : index
    %get3A_34 = vector.load %arg1[%get3A_30, %get3A_31, %get3A_32, %get3A_33] : memref<1x2x1000x128xf32, #tpu.memory_space<vmem>>, vector<1x1x1000x128xf32>
    %get3A_35 = vector.shape_cast %get3A_34 : vector<1x1x1000x128xf32> to vector<1000x128xf32>
    %get3A_36 = arith.constant 0 : index
    %get3A_37 = arith.constant 1 : index
    %get3A_38 = arith.constant 0 : index
    %get3A_39 = arith.constant 0 : index
    %get3A_40 = vector.load %arg1[%get3A_36, %get3A_37, %get3A_38, %get3A_39] : memref<1x2x1000x128xf32, #tpu.memory_space<vmem>>, vector<1x1x1000x128xf32>
    %get3A_41 = vector.shape_cast %get3A_40 : vector<1x1x1000x128xf32> to vector<1000x128xf32>
    %add3A_42 = arith.addf %get3A_35, %get3A_41 : vector<1000x128xf32>
    %get3A_43 = arith.constant 1 : index
    %get3A_44 = arith.constant 0 : index
    %get3A_45 = arith.constant 0 : index
    %get3A_46 = vector.load %arg2[%get3A_43, %get3A_44, %get3A_45] : memref<4x128x128xf32, #tpu.memory_space<vmem>>, vector<1x128x128xf32>
    %get3A_47 = vector.shape_cast %get3A_46 : vector<1x128x128xf32> to vector<128x128xf32>
    %dot_general3A_48 = arith.constant dense<0.000000e+00> : vector<1000x128xf32>
    %dot_general3A_49 = tpu.matmul %add3A_42, %get3A_47, %dot_general3A_48 {dimension_numbers = #tpu.dot_dimension_numbers<[1], [0], [0], [1], [0, 0, 1, 1], [], []>, transpose_lhs_hint = false} : vector<1000x128xf32>, vector<128x128xf32>, vector<1000x128xf32> -> vector<1000x128xf32>
    %get3A_50 = arith.constant 1 : index
    %get3A_51 = arith.constant 0 : index
    %get3A_52 = vector.load %arg3[%get3A_50, %get3A_51] : memref<4x128xf32, #tpu.memory_space<vmem>>, vector<1x128xf32>
    %get3A_53 = vector.shape_cast %get3A_52 : vector<1x128xf32> to vector<128xf32>
    %broadcast_in_dim3A_54 = vector.shape_cast %get3A_53 : vector<128xf32> to vector<1x128xf32>
    %add3A_55 = vector.broadcast %broadcast_in_dim3A_54 : vector<1x128xf32> to vector<1000x128xf32>
    %add3A_56 = arith.addf %dot_general3A_49, %add3A_55 : vector<1000x128xf32>
    %max3A_57 = arith.constant 0.000000e+00 : f32
    %max3A_58 = vector.broadcast %max3A_57 : f32 to vector<1000x128xf32>
    %max3A_59 = arith.maximumf %add3A_56, %max3A_58 : vector<1000x128xf32>
    %swap3A_60 = arith.constant 1 : index
    %swap3A_61 = arith.constant 0 : index
    %swap3A_62 = arith.constant 0 : index
    %swap3A_63 = vector.load %arg4[%swap3A_60, %swap3A_61, %swap3A_62] : memref<4x1000x128xf32, #tpu.memory_space<vmem>>, vector<1x1000x128xf32>
    %swap3A_64 = vector.shape_cast %swap3A_63 : vector<1x1000x128xf32> to vector<1000x128xf32>
    %swap3A_65 = vector.shape_cast %max3A_59 : vector<1000x128xf32> to vector<1x1000x128xf32>
    tpu.vector_store %arg4[%swap3A_60, %swap3A_61, %swap3A_62], %swap3A_65 {strides = array<i32>} : memref<4x1000x128xf32, #tpu.memory_space<vmem>>, vector<1x1000x128xf32>,
    %get3A_66 = arith.constant 0 : index
    %get3A_67 = arith.constant 0 : index
    %get3A_68 = arith.constant 0 : index
    %get3A_69 = arith.constant 0 : index
    %get3A_70 = vector.load %arg1[%get3A_66, %get3A_67, %get3A_68, %get3A_69] : memref<1x2x1000x128xf32, #tpu.memory_space<vmem>>, vector<1x1x1000x128xf32>
    %get3A_71 = vector.shape_cast %get3A_70 : vector<1x1x1000x128xf32> to vector<1000x128xf32>
    %get3A_72 = arith.constant 0 : index
    %get3A_73 = arith.constant 1 : index
    %get3A_74 = arith.constant 0 : index
    %get3A_75 = arith.constant 0 : index
    %get3A_76 = vector.load %arg1[%get3A_72, %get3A_73, %get3A_74, %get3A_75] : memref<1x2x1000x128xf32, #tpu.memory_space<vmem>>, vector<1x1x1000x128xf32>
    %get3A_77 = vector.shape_cast %get3A_76 : vector<1x1x1000x128xf32> to vector<1000x128xf32>
    %add3A_78 = arith.addf %get3A_71, %get3A_77 : vector<1000x128xf32>
    %get3A_79 = arith.constant 2 : index
    %get3A_80 = arith.constant 0 : index
    %get3A_81 = arith.constant 0 : index
    %get3A_82 = vector.load %arg2[%get3A_79, %get3A_80, %get3A_81] : memref<4x128x128xf32, #tpu.memory_space<vmem>>, vector<1x128x128xf32>
    %get3A_83 = vector.shape_cast %get3A_82 : vector<1x128x128xf32> to vector<128x128xf32>
    %dot_general3A_84 = arith.constant dense<0.000000e+00> : vector<1000x128xf32>
    %dot_general3A_85 = tpu.matmul %add3A_78, %get3A_83, %dot_general3A_84 {dimension_numbers = #tpu.dot_dimension_numbers<[1], [0], [0], [1], [0, 0, 1, 1], [], []>, transpose_lhs_hint = false} : vector<1000x128xf32>, vector<128x128xf32>, vector<1000x128xf32> -> vector<1000x128xf32>
    %get3A_86 = arith.constant 2 : index
    %get3A_87 = arith.constant 0 : index
    %get3A_88 = vector.load %arg3[%get3A_86, %get3A_87] : memref<4x128xf32, #tpu.memory_space<vmem>>, vector<1x128xf32>
    %get3A_89 = vector.shape_cast %get3A_88 : vector<1x128xf32> to vector<128xf32>
    %broadcast_in_dim3A_90 = vector.shape_cast %get3A_89 : vector<128xf32> to vector<1x128xf32>
    %add3A_91 = vector.broadcast %broadcast_in_dim3A_90 : vector<1x128xf32> to vector<1000x128xf32>
    %add3A_92 = arith.addf %dot_general3A_85, %add3A_91 : vector<1000x128xf32>
    %max3A_93 = arith.constant 0.000000e+00 : f32
    %max3A_94 = vector.broadcast %max3A_93 : f32 to vector<1000x128xf32>
    %max3A_95 = arith.maximumf %add3A_92, %max3A_94 : vector<1000x128xf32>
    %swap3A_96 = arith.constant 2 : index
    %swap3A_97 = arith.constant 0 : index
    %swap3A_98 = arith.constant 0 : index
    %swap3A_99 = vector.load %arg4[%swap3A_96, %swap3A_97, %swap3A_98] : memref<4x1000x128xf32, #tpu.memory_space<vmem>>, vector<1x1000x128xf32>
    %swap3A_100 = vector.shape_cast %swap3A_99 : vector<1x1000x128xf32> to vector<1000x128xf32>
    %swap3A_101 = vector.shape_cast %max3A_95 : vector<1000x128xf32> to vector<1x1000x128xf32>
    tpu.vector_store %arg4[%swap3A_96, %swap3A_97, %swap3A_98], %swap3A_101 {strides = array<i32>} : memref<4x1000x128xf32, #tpu.memory_space<vmem>>, vector<1x1000x128xf32>,
    %get3A_102 = arith.constant 0 : index
    %get3A_103 = arith.constant 0 : index
    %get3A_104 = arith.constant 0 : index
    %get3A_105 = arith.constant 0 : index
    %get3A_106 = vector.load %arg1[%get3A_102, %get3A_103, %get3A_104, %get3A_105] : memref<1x2x1000x128xf32, #tpu.memory_space<vmem>>, vector<1x1x1000x128xf32>
    %get3A_107 = vector.shape_cast %get3A_106 : vector<1x1x1000x128xf32> to vector<1000x128xf32>
    %get3A_108 = arith.constant 0 : index
    %get3A_109 = arith.constant 1 : index
    %get3A_110 = arith.constant 0 : index
    %get3A_111 = arith.constant 0 : index
    %get3A_112 = vector.load %arg1[%get3A_108, %get3A_109, %get3A_110, %get3A_111] : memref<1x2x1000x128xf32, #tpu.memory_space<vmem>>, vector<1x1x1000x128xf32>
    %get3A_113 = vector.shape_cast %get3A_112 : vector<1x1x1000x128xf32> to vector<1000x128xf32>
    %add3A_114 = arith.addf %get3A_107, %get3A_113 : vector<1000x128xf32>
    %get3A_115 = arith.constant 3 : index
    %get3A_116 = arith.constant 0 : index
    %get3A_117 = arith.constant 0 : index
    %get3A_118 = vector.load %arg2[%get3A_115, %get3A_116, %get3A_117] : memref<4x128x128xf32, #tpu.memory_space<vmem>>, vector<1x128x128xf32>
    %get3A_119 = vector.shape_cast %get3A_118 : vector<1x128x128xf32> to vector<128x128xf32>
    %dot_general3A_120 = arith.constant dense<0.000000e+00> : vector<1000x128xf32>
    %dot_general3A_121 = tpu.matmul %add3A_114, %get3A_119, %dot_general3A_120 {dimension_numbers = #tpu.dot_dimension_numbers<[1], [0], [0], [1], [0, 0, 1, 1], [], []>, transpose_lhs_hint = false} : vector<1000x128xf32>, vector<128x128xf32>, vector<1000x128xf32> -> vector<1000x128xf32>
    %get3A_122 = arith.constant 3 : index
    %get3A_123 = arith.constant 0 : index
    %get3A_124 = vector.load %arg3[%get3A_122, %get3A_123] : memref<4x128xf32, #tpu.memory_space<vmem>>, vector<1x128xf32>
    %get3A_125 = vector.shape_cast %get3A_124 : vector<1x128xf32> to vector<128xf32>
    %broadcast_in_dim3A_126 = vector.shape_cast %get3A_125 : vector<128xf32> to vector<1x128xf32>
    %add3A_127 = vector.broadcast %broadcast_in_dim3A_126 : vector<1x128xf32> to vector<1000x128xf32>
    %add3A_128 = arith.addf %dot_general3A_121, %add3A_127 : vector<1000x128xf32>
    %max3A_129 = arith.constant 0.000000e+00 : f32
    %max3A_130 = vector.broadcast %max3A_129 : f32 to vector<1000x128xf32>
    %max3A_131 = arith.maximumf %add3A_128, %max3A_130 : vector<1000x128xf32>
    %swap3A_132 = arith.constant 3 : index
    %swap3A_133 = arith.constant 0 : index
    %swap3A_134 = arith.constant 0 : index
    %swap3A_135 = vector.load %arg4[%swap3A_132, %swap3A_133, %swap3A_134] : memref<4x1000x128xf32, #tpu.memory_space<vmem>>, vector<1x1000x128xf32>
    %swap3A_136 = vector.shape_cast %swap3A_135 : vector<1x1000x128xf32> to vector<1000x128xf32>
    %swap3A_137 = vector.shape_cast %max3A_131 : vector<1000x128xf32> to vector<1x1000x128xf32>
    tpu.vector_store %arg4[%swap3A_132, %swap3A_133, %swap3A_134], %swap3A_137 {strides = array<i32>} : memref<4x1000x128xf32, #tpu.memory_space<vmem>>, vector<1x1000x128xf32>,
    return
  }
  func.func @transform_0(%arg0: i32) -> (i32, i32, i32, i32) {
    %c0_i32 = arith.constant 0 : i32
    %c0_i32_0 = arith.constant 0 : i32
    %c0_i32_1 = arith.constant 0 : i32
    %c0_i32_2 = arith.constant 0 : i32
    return %c0_i32, %c0_i32_0, %arg0, %c0_i32_1 : i32, i32, i32, i32
  }
  func.func @transform_1(%arg0: i32) -> (i32, i32, i32) {
    %c0_i32 = arith.constant 0 : i32
    %c0_i32_0 = arith.constant 0 : i32
    %c0_i32_1 = arith.constant 0 : i32
    %c0_i32_2 = arith.constant 0 : i32
    return %c0_i32, %c0_i32_0, %c0_i32_1 : i32, i32, i32
  }
  func.func @transform_2(%arg0: i32) -> (i32, i32) {
    %c0_i32 = arith.constant 0 : i32
    %c0_i32_0 = arith.constant 0 : i32
    %c0_i32_1 = arith.constant 0 : i32
    return %c0_i32, %c0_i32_0 : i32, i32
  }
  func.func @transform_3(%arg0: i32) -> (i32, i32, i32) {
    %c0_i32 = arith.constant 0 : i32
    %c0_i32_0 = arith.constant 0 : i32
    %c0_i32_1 = arith.constant 0 : i32
    return %c0_i32, %arg0, %c0_i32_0 : i32, i32, i32
  }
}

module attributes {stable_mosaic.version = 14 : i64} {
  func.func @_linear_body(%arg0: i32, %arg1: memref<4x2x1000x128xf32, #tpu.memory_space<vmem>>, %arg2: memref<4x128x128xf32, #tpu.memory_space<vmem>>, %arg3: memref<4x128xf32, #tpu.memory_space<vmem>>, %arg4: memref<4x1000x128xf32, #tpu.memory_space<vmem>>) attributes {dimension_semantics = [#tpu.dimension_semantics<arbitrary>], iteration_bounds = array<i64: 10>, scalar_prefetch = 0 : i64, scratch_operands = 0 : i64, tpu.core_type = #tpu.core_type<tc>, window_params = [{transform_indices = @transform_0, window_bounds = array<i64: 4, 2, 1000, 128>}, {pipeline_mode = #tpu.pipeline_mode<synchronous>, transform_indices = @transform_1, window_bounds = array<i64: 4, 128, 128>}, {pipeline_mode = #tpu.pipeline_mode<synchronous>, transform_indices = @transform_2, window_bounds = array<i64: 4, 128>}, {transform_indices = @transform_3, window_bounds = array<i64: 4, 1000, 128>}]} {
    %get3A = arith.constant 0 : index
    %get3A_0 = arith.constant 0 : index
    %get3A_1 = arith.constant 0 : index
    %get3A_2 = arith.constant 0 : index
    %get3A_3 = vector.load %arg1[%get3A, %get3A_0, %get3A_1, %get3A_2] : memref<4x2x1000x128xf32, #tpu.memory_space<vmem>>, vector<1x1x1000x128xf32>
    %get3A_4 = vector.shape_cast %get3A_3 : vector<1x1x1000x128xf32> to vector<1000x128xf32>
    %get3A_5 = arith.constant 0 : index
    %get3A_6 = arith.constant 1 : index
    %get3A_7 = arith.constant 0 : index
    %get3A_8 = arith.constant 0 : index
    %get3A_9 = vector.load %arg1[%get3A_5, %get3A_6, %get3A_7, %get3A_8] : memref<4x2x1000x128xf32, #tpu.memory_space<vmem>>, vector<1x1x1000x128xf32>
    %get3A_10 = vector.shape_cast %get3A_9 : vector<1x1x1000x128xf32> to vector<1000x128xf32>
    %add3A = arith.addf %get3A_4, %get3A_10 : vector<1000x128xf32>
    %get3A_11 = arith.constant 0 : index
    %get3A_12 = arith.constant 0 : index
    %get3A_13 = arith.constant 0 : index
    %get3A_14 = vector.load %arg2[%get3A_11, %get3A_12, %get3A_13] : memref<4x128x128xf32, #tpu.memory_space<vmem>>, vector<1x128x128xf32>
    %get3A_15 = vector.shape_cast %get3A_14 : vector<1x128x128xf32> to vector<128x128xf32>
    %dot_general3A = arith.constant dense<0.000000e+00> : vector<1000x128xf32>
    %dot_general3A_16 = tpu.matmul %add3A, %get3A_15, %dot_general3A {dimension_numbers = #tpu.dot_dimension_numbers<[1], [0], [0], [1], [0, 0, 1, 1], [], []>, transpose_lhs_hint = false} : vector<1000x128xf32>, vector<128x128xf32>, vector<1000x128xf32> -> vector<1000x128xf32>
    %get3A_17 = arith.constant 0 : index
    %get3A_18 = arith.constant 0 : index
    %get3A_19 = vector.load %arg3[%get3A_17, %get3A_18] : memref<4x128xf32, #tpu.memory_space<vmem>>, vector<1x128xf32>
    %get3A_20 = vector.shape_cast %get3A_19 : vector<1x128xf32> to vector<128xf32>
    %broadcast_in_dim3A = vector.shape_cast %get3A_20 : vector<128xf32> to vector<1x128xf32>
    %add3A_21 = vector.broadcast %broadcast_in_dim3A : vector<1x128xf32> to vector<1000x128xf32>
    %add3A_22 = arith.addf %dot_general3A_16, %add3A_21 : vector<1000x128xf32>
    %max3A = arith.constant 0.000000e+00 : f32
    %max3A_23 = vector.broadcast %max3A : f32 to vector<1000x128xf32>
    %max3A_24 = arith.maximumf %add3A_22, %max3A_23 : vector<1000x128xf32>
    %swap3A = arith.constant 0 : index
    %swap3A_25 = arith.constant 0 : index
    %swap3A_26 = arith.constant 0 : index
    %swap3A_27 = vector.load %arg4[%swap3A, %swap3A_25, %swap3A_26] : memref<4x1000x128xf32, #tpu.memory_space<vmem>>, vector<1x1000x128xf32>
    %swap3A_28 = vector.shape_cast %swap3A_27 : vector<1x1000x128xf32> to vector<1000x128xf32>
    %swap3A_29 = vector.shape_cast %max3A_24 : vector<1000x128xf32> to vector<1x1000x128xf32>
    tpu.vector_store %arg4[%swap3A, %swap3A_25, %swap3A_26], %swap3A_29 {strides = array<i32>} : memref<4x1000x128xf32, #tpu.memory_space<vmem>>, vector<1x1000x128xf32>,
    %get3A_30 = arith.constant 1 : index
    %get3A_31 = arith.constant 0 : index
    %get3A_32 = arith.constant 0 : index
    %get3A_33 = arith.constant 0 : index
    %get3A_34 = vector.load %arg1[%get3A_30, %get3A_31, %get3A_32, %get3A_33] : memref<4x2x1000x128xf32, #tpu.memory_space<vmem>>, vector<1x1x1000x128xf32>
    %get3A_35 = vector.shape_cast %get3A_34 : vector<1x1x1000x128xf32> to vector<1000x128xf32>
    %get3A_36 = arith.constant 1 : index
    %get3A_37 = arith.constant 1 : index
    %get3A_38 = arith.constant 0 : index
    %get3A_39 = arith.constant 0 : index
    %get3A_40 = vector.load %arg1[%get3A_36, %get3A_37, %get3A_38, %get3A_39] : memref<4x2x1000x128xf32, #tpu.memory_space<vmem>>, vector<1x1x1000x128xf32>
    %get3A_41 = vector.shape_cast %get3A_40 : vector<1x1x1000x128xf32> to vector<1000x128xf32>
    %add3A_42 = arith.addf %get3A_35, %get3A_41 : vector<1000x128xf32>
    %get3A_43 = arith.constant 1 : index
    %get3A_44 = arith.constant 0 : index
    %get3A_45 = arith.constant 0 : index
    %get3A_46 = vector.load %arg2[%get3A_43, %get3A_44, %get3A_45] : memref<4x128x128xf32, #tpu.memory_space<vmem>>, vector<1x128x128xf32>
    %get3A_47 = vector.shape_cast %get3A_46 : vector<1x128x128xf32> to vector<128x128xf32>
    %dot_general3A_48 = arith.constant dense<0.000000e+00> : vector<1000x128xf32>
    %dot_general3A_49 = tpu.matmul %add3A_42, %get3A_47, %dot_general3A_48 {dimension_numbers = #tpu.dot_dimension_numbers<[1], [0], [0], [1], [0, 0, 1, 1], [], []>, transpose_lhs_hint = false} : vector<1000x128xf32>, vector<128x128xf32>, vector<1000x128xf32> -> vector<1000x128xf32>
    %get3A_50 = arith.constant 1 : index
    %get3A_51 = arith.constant 0 : index
    %get3A_52 = vector.load %arg3[%get3A_50, %get3A_51] : memref<4x128xf32, #tpu.memory_space<vmem>>, vector<1x128xf32>
    %get3A_53 = vector.shape_cast %get3A_52 : vector<1x128xf32> to vector<128xf32>
    %broadcast_in_dim3A_54 = vector.shape_cast %get3A_53 : vector<128xf32> to vector<1x128xf32>
    %add3A_55 = vector.broadcast %broadcast_in_dim3A_54 : vector<1x128xf32> to vector<1000x128xf32>
    %add3A_56 = arith.addf %dot_general3A_49, %add3A_55 : vector<1000x128xf32>
    %max3A_57 = arith.constant 0.000000e+00 : f32
    %max3A_58 = vector.broadcast %max3A_57 : f32 to vector<1000x128xf32>
    %max3A_59 = arith.maximumf %add3A_56, %max3A_58 : vector<1000x128xf32>
    %swap3A_60 = arith.constant 1 : index
    %swap3A_61 = arith.constant 0 : index
    %swap3A_62 = arith.constant 0 : index
    %swap3A_63 = vector.load %arg4[%swap3A_60, %swap3A_61, %swap3A_62] : memref<4x1000x128xf32, #tpu.memory_space<vmem>>, vector<1x1000x128xf32>
    %swap3A_64 = vector.shape_cast %swap3A_63 : vector<1x1000x128xf32> to vector<1000x128xf32>
    %swap3A_65 = vector.shape_cast %max3A_59 : vector<1000x128xf32> to vector<1x1000x128xf32>
    tpu.vector_store %arg4[%swap3A_60, %swap3A_61, %swap3A_62], %swap3A_65 {strides = array<i32>} : memref<4x1000x128xf32, #tpu.memory_space<vmem>>, vector<1x1000x128xf32>,
    %get3A_66 = arith.constant 2 : index
    %get3A_67 = arith.constant 0 : index
    %get3A_68 = arith.constant 0 : index
    %get3A_69 = arith.constant 0 : index
    %get3A_70 = vector.load %arg1[%get3A_66, %get3A_67, %get3A_68, %get3A_69] : memref<4x2x1000x128xf32, #tpu.memory_space<vmem>>, vector<1x1x1000x128xf32>
    %get3A_71 = vector.shape_cast %get3A_70 : vector<1x1x1000x128xf32> to vector<1000x128xf32>
    %get3A_72 = arith.constant 2 : index
    %get3A_73 = arith.constant 1 : index
    %get3A_74 = arith.constant 0 : index
    %get3A_75 = arith.constant 0 : index
    %get3A_76 = vector.load %arg1[%get3A_72, %get3A_73, %get3A_74, %get3A_75] : memref<4x2x1000x128xf32, #tpu.memory_space<vmem>>, vector<1x1x1000x128xf32>
    %get3A_77 = vector.shape_cast %get3A_76 : vector<1x1x1000x128xf32> to vector<1000x128xf32>
    %add3A_78 = arith.addf %get3A_71, %get3A_77 : vector<1000x128xf32>
    %get3A_79 = arith.constant 2 : index
    %get3A_80 = arith.constant 0 : index
    %get3A_81 = arith.constant 0 : index
    %get3A_82 = vector.load %arg2[%get3A_79, %get3A_80, %get3A_81] : memref<4x128x128xf32, #tpu.memory_space<vmem>>, vector<1x128x128xf32>
    %get3A_83 = vector.shape_cast %get3A_82 : vector<1x128x128xf32> to vector<128x128xf32>
    %dot_general3A_84 = arith.constant dense<0.000000e+00> : vector<1000x128xf32>
    %dot_general3A_85 = tpu.matmul %add3A_78, %get3A_83, %dot_general3A_84 {dimension_numbers = #tpu.dot_dimension_numbers<[1], [0], [0], [1], [0, 0, 1, 1], [], []>, transpose_lhs_hint = false} : vector<1000x128xf32>, vector<128x128xf32>, vector<1000x128xf32> -> vector<1000x128xf32>
    %get3A_86 = arith.constant 2 : index
    %get3A_87 = arith.constant 0 : index
    %get3A_88 = vector.load %arg3[%get3A_86, %get3A_87] : memref<4x128xf32, #tpu.memory_space<vmem>>, vector<1x128xf32>
    %get3A_89 = vector.shape_cast %get3A_88 : vector<1x128xf32> to vector<128xf32>
    %broadcast_in_dim3A_90 = vector.shape_cast %get3A_89 : vector<128xf32> to vector<1x128xf32>
    %add3A_91 = vector.broadcast %broadcast_in_dim3A_90 : vector<1x128xf32> to vector<1000x128xf32>
    %add3A_92 = arith.addf %dot_general3A_85, %add3A_91 : vector<1000x128xf32>
    %max3A_93 = arith.constant 0.000000e+00 : f32
    %max3A_94 = vector.broadcast %max3A_93 : f32 to vector<1000x128xf32>
    %max3A_95 = arith.maximumf %add3A_92, %max3A_94 : vector<1000x128xf32>
    %swap3A_96 = arith.constant 2 : index
    %swap3A_97 = arith.constant 0 : index
    %swap3A_98 = arith.constant 0 : index
    %swap3A_99 = vector.load %arg4[%swap3A_96, %swap3A_97, %swap3A_98] : memref<4x1000x128xf32, #tpu.memory_space<vmem>>, vector<1x1000x128xf32>
    %swap3A_100 = vector.shape_cast %swap3A_99 : vector<1x1000x128xf32> to vector<1000x128xf32>
    %swap3A_101 = vector.shape_cast %max3A_95 : vector<1000x128xf32> to vector<1x1000x128xf32>
    tpu.vector_store %arg4[%swap3A_96, %swap3A_97, %swap3A_98], %swap3A_101 {strides = array<i32>} : memref<4x1000x128xf32, #tpu.memory_space<vmem>>, vector<1x1000x128xf32>,
    %get3A_102 = arith.constant 3 : index
    %get3A_103 = arith.constant 0 : index
    %get3A_104 = arith.constant 0 : index
    %get3A_105 = arith.constant 0 : index
    %get3A_106 = vector.load %arg1[%get3A_102, %get3A_103, %get3A_104, %get3A_105] : memref<4x2x1000x128xf32, #tpu.memory_space<vmem>>, vector<1x1x1000x128xf32>
    %get3A_107 = vector.shape_cast %get3A_106 : vector<1x1x1000x128xf32> to vector<1000x128xf32>
    %get3A_108 = arith.constant 3 : index
    %get3A_109 = arith.constant 1 : index
    %get3A_110 = arith.constant 0 : index
    %get3A_111 = arith.constant 0 : index
    %get3A_112 = vector.load %arg1[%get3A_108, %get3A_109, %get3A_110, %get3A_111] : memref<4x2x1000x128xf32, #tpu.memory_space<vmem>>, vector<1x1x1000x128xf32>
    %get3A_113 = vector.shape_cast %get3A_112 : vector<1x1x1000x128xf32> to vector<1000x128xf32>
    %add3A_114 = arith.addf %get3A_107, %get3A_113 : vector<1000x128xf32>
    %get3A_115 = arith.constant 3 : index
    %get3A_116 = arith.constant 0 : index
    %get3A_117 = arith.constant 0 : index
    %get3A_118 = vector.load %arg2[%get3A_115, %get3A_116, %get3A_117] : memref<4x128x128xf32, #tpu.memory_space<vmem>>, vector<1x128x128xf32>
    %get3A_119 = vector.shape_cast %get3A_118 : vector<1x128x128xf32> to vector<128x128xf32>
    %dot_general3A_120 = arith.constant dense<0.000000e+00> : vector<1000x128xf32>
    %dot_general3A_121 = tpu.matmul %add3A_114, %get3A_119, %dot_general3A_120 {dimension_numbers = #tpu.dot_dimension_numbers<[1], [0], [0], [1], [0, 0, 1, 1], [], []>, transpose_lhs_hint = false} : vector<1000x128xf32>, vector<128x128xf32>, vector<1000x128xf32> -> vector<1000x128xf32>
    %get3A_122 = arith.constant 3 : index
    %get3A_123 = arith.constant 0 : index
    %get3A_124 = vector.load %arg3[%get3A_122, %get3A_123] : memref<4x128xf32, #tpu.memory_space<vmem>>, vector<1x128xf32>
    %get3A_125 = vector.shape_cast %get3A_124 : vector<1x128xf32> to vector<128xf32>
    %broadcast_in_dim3A_126 = vector.shape_cast %get3A_125 : vector<128xf32> to vector<1x128xf32>
    %add3A_127 = vector.broadcast %broadcast_in_dim3A_126 : vector<1x128xf32> to vector<1000x128xf32>
    %add3A_128 = arith.addf %dot_general3A_121, %add3A_127 : vector<1000x128xf32>
    %max3A_129 = arith.constant 0.000000e+00 : f32
    %max3A_130 = vector.broadcast %max3A_129 : f32 to vector<1000x128xf32>
    %max3A_131 = arith.maximumf %add3A_128, %max3A_130 : vector<1000x128xf32>
    %swap3A_132 = arith.constant 3 : index
    %swap3A_133 = arith.constant 0 : index
    %swap3A_134 = arith.constant 0 : index
    %swap3A_135 = vector.load %arg4[%swap3A_132, %swap3A_133, %swap3A_134] : memref<4x1000x128xf32, #tpu.memory_space<vmem>>, vector<1x1000x128xf32>
    %swap3A_136 = vector.shape_cast %swap3A_135 : vector<1x1000x128xf32> to vector<1000x128xf32>
    %swap3A_137 = vector.shape_cast %max3A_131 : vector<1000x128xf32> to vector<1x1000x128xf32>
    tpu.vector_store %arg4[%swap3A_132, %swap3A_133, %swap3A_134], %swap3A_137 {strides = array<i32>} : memref<4x1000x128xf32, #tpu.memory_space<vmem>>, vector<1x1000x128xf32>,
    return
  }
  func.func @transform_0(%arg0: i32) -> (i32, i32, i32, i32) {
    %c0_i32 = arith.constant 0 : i32
    %c0_i32_0 = arith.constant 0 : i32
    %c0_i32_1 = arith.constant 0 : i32
    %c0_i32_2 = arith.constant 0 : i32
    return %c0_i32, %c0_i32_0, %arg0, %c0_i32_1 : i32, i32, i32, i32
  }
  func.func @transform_1(%arg0: i32) -> (i32, i32, i32) {
    %c0_i32 = arith.constant 0 : i32
    %c0_i32_0 = arith.constant 0 : i32
    %c0_i32_1 = arith.constant 0 : i32
    %c0_i32_2 = arith.constant 0 : i32
    return %c0_i32, %c0_i32_0, %c0_i32_1 : i32, i32, i32
  }
  func.func @transform_2(%arg0: i32) -> (i32, i32) {
    %c0_i32 = arith.constant 0 : i32
    %c0_i32_0 = arith.constant 0 : i32
    %c0_i32_1 = arith.constant 0 : i32
    return %c0_i32, %c0_i32_0 : i32, i32
  }
  func.func @transform_3(%arg0: i32) -> (i32, i32, i32) {
    %c0_i32 = arith.constant 0 : i32
    %c0_i32_0 = arith.constant 0 : i32
    %c0_i32_1 = arith.constant 0 : i32
    return %c0_i32, %arg0, %c0_i32_0 : i32, i32, i32
  }
}

</mosaic_0001>

<sc_bundles>
// kernel: kernel.11.cloned.1.call-start
scs
__scs_entry_jumppad:
0x0: {  	(pc) =	sbr.rel $0x88, $3  }
0x1: {  	(tag) =	ssettag $0x0;
	lr =	simm.s32 $0x1  }
0x2: {  	[smem:$0x3F99] =	sst lr;
	_ =	strace $0xD0000000  }
0x3: {  	_ = 	snop  }
0x4: {  	_ = 	snop  }
0x5: {  	_ = 	snop  }
0x6: {  	_ = 	snop  }
0x7: {  	_ = 	snop  }
__scs_overlays_trampoline_lowered:
0x8: {  	[smem:$0x3FA8] =	sst s0  }
0x9: {  	[smem:$0x3FA9] =	sst s1  }
0xa: {  	[smem:$0x3FAA] =	sst s2  }
0xb: {  	[smem:$0x3FAB] =	sst s3  }
0xc: {  	[smem:$0x3FAC] =	sst s4  }
0xd: {  	[smem:$0x3FAD] =	sst s5  }
0xe: {  	[smem:$0x3FAE] =	sst s6  }
0xf: {  	[smem:$0x3FAF] =	sst s7  }
0x10: {  	[smem:$0x3FB0] =	sst s8  }
0x11: {  	[smem:$0x3FB1] =	sst s9;
	s0 =	simm.s32 @!p0 $0x0  }
0x12: {  	s1 =	sld [smem:$0x3F97];
	s0 =	simm.s32 @p0 $0x1  }
0x13: {  	[smem:$0x3FB2] =	sst s0;
	s0 =	simm.s32 @!p1 $0x0  }
0x14: {  	s2 =	sld [smem:$0x3F96];
	s0 =	simm.s32 @p1 $0x1  }
0x15: {  	[smem:$0x3FB3] =	sst s0;
	s0 =	simm.s32 @!p2 $0x0  }
0x16: {  	s3 =	sld [smem:$0x3FDB];
	s0 =	simm.s32 @p2 $0x1  }
0x17: {  	s4 =	simm.s32 $0x1BF5;
	[smem:$0x3FB5] =	sst s0  }
0x18: {  	s0 =	sld [smem:$0x3F98];
	_ =	swait.ge [sflag:s4], $0x0  }
0x19: {  	s7 =	sld [smem:$0x3F99]  }
0x1a: {  	s8 =	sadd.s32 $0xFFFFE003, lr  }
0x1b: {  	s9 =	sadd.s32 $0xFFFFFEF7, lr;
	s5 =	simm.s32 $0xFFFFFFFF;
	p2 =	slt.u32 s8, $0xFFFFF086  }
0x1c: {  	p1 =	slt.u32 s9, $0xF7A;
	s5 =	simm.s32 @!p2 $0x0  }
0x1d: {  	s5 =	simm.s32 @p1 $0x1;
	p0 =	seq.s32 s7, s2  }
0x1e: {  	s7 =	smul.u32 @!p0 $0xF7A, s2;
	p2 =	seq.s32 @!p0 s5, $0x0  }
0x1f: {  	s9 =	smul.u32 $0xF7A, s1;
	s8 =	simm.s32 @!p0 $0x1BF5;
	p2 =	por !p2, p0  }
0x20: {  	[sflag:s8] =	ssyncset.s32 @!p0 $0xFFFFF086;
	s6 =	sadd.s32 @!p0 s3, s7;
	s7 =	simm.s32 @!p0 $0x108  }
0x21: {  	s3 =	sadd.s32 s3, s9;
	s6 =	sadd.s32 @!p0 $0x88, s6;
	s7 =	simm.s32 @p2 $0x1082  }
0x22: {  	[simem:s7], [sflag:s8] =	dma.local @!p0 [hbm:s6], $0xF7A  }
0x23: {  	s9 =	sor.u32 $0xD0000000, s2;
	s6 =	simm.s32 $0x108;
	_ =	swait.ge @!p0 [sflag:s8], $0x0  }
0x24: {  	s3 =	sadd.s32 $0x88, s3;
	s6 =	simm.s32 @!p1 $0x1082;
	[sflag:s4] =	ssyncset.s32 $0xFFFFF086  }
0x25: {  	[simem:s6], [sflag:s4] =	dma.local [hbm:s3], $0xF7A  }
0x26: {  	[smem:$0x3F99] =	sst s1;
	(tag) =	ssettag s2;
	_ =	strace s9  }
0x27: {  	s1 =	sld [smem:$0x3FA9]  }
0x28: {  	s2 =	sld [smem:$0x3FAA]  }
0x29: {  	s4 =	sld [smem:$0x3FAC]  }
0x2a: {  	p0 =	seq.s32 s5, $0x0;
	s5 =	sld [smem:$0x3FAD]  }
0x2b: {  	s6 =	sld [smem:$0x3FAE]  }
0x2c: {  	s7 =	sld [smem:$0x3FAF]  }
0x2d: {  	s3 =	simm.s32 $0x108;
	s8 =	sld [smem:$0x3FB0]  }
0x2e: {  	s3 =	simm.s32 @!p0 $0x1082;
	s9 =	sld [smem:$0x3FB1]  }
0x2f: {  	lr =	sadd.s32 s0, s3;
	s0 =	sld [smem:$0x3FA8]  }
0x30: {  	s3 =	sld [smem:$0x3FAB]  }
0x31: {  	[smem:$0x3FB4] =	sst s10  }
0x32: {  	s10 =	sld [smem:$0x3FB2];
	_ =	sdelay $0x3  }
0x33: {  	p0 =	seq.s32 s10, $0x1;
	s10 =	sld [smem:$0x3FB4];
	_ =	sdelay $0x3  }
0x34: {  	[smem:$0x3FB4] =	sst s10  }
0x35: {  	s10 =	sld [smem:$0x3FB3];
	_ =	sdelay $0x3  }
0x36: {  	p1 =	seq.s32 s10, $0x1;
	s10 =	sld [smem:$0x3FB4];
	_ =	sdelay $0x3  }
0x37: {  	[smem:$0x3FB4] =	sst s10  }
0x38: {  	s10 =	sld [smem:$0x3FB5]  }
0x39: {  	_ = 	snop;
	(pc) =	sbr.ind lr, $3  }
0x3a: {  	_ = 	snop  }
0x3b: {  	_ = 	snop  }
0x3c: {  	p2 =	seq.s32 s10, $0x1;
	s10 =	sld [smem:$0x3FB4]  }
0x3d: {  	_ =	shalt  }
0x3e: {  	_ =	shalt  }
0x3f: {  	_ =	shalt  }
0x40: {  	_ =	shalt  }
0x41: {  	_ =	shalt  }
0x42: {  	_ =	shalt  }
0x43: {  	_ =	shalt  }
0x44: {  	_ =	shalt  }
0x45: {  	_ =	shalt  }
0x46: {  	_ =	shalt  }
0x47: {  	_ =	shalt  }
0x48: {  	_ =	shalt  }
0x49: {  	_ =	shalt  }
0x4a: {  	_ =	shalt  }
0x4b: {  	_ =	shalt  }
0x4c: {  	_ =	shalt  }
0x4d: {  	_ =	shalt  }
0x4e: {  	_ =	shalt  }
0x4f: {  	_ =	shalt  }
0x50: {  	_ =	shalt  }
0x51: {  	_ =	shalt  }
0x52: {  	_ =	shalt  }
0x53: {  	_ =	shalt  }
0x54: {  	_ =	shalt  }
0x55: {  	_ =	shalt  }
0x56: {  	_ =	shalt  }
0x57: {  	_ =	shalt  }
0x58: {  	_ =	shalt  }
0x59: {  	_ =	shalt  }
0x5a: {  	_ =	shalt  }
0x5b: {  	_ =	shalt  }
0x5c: {  	_ =	shalt  }
0x5d: {  	_ =	shalt  }
0x5e: {  	_ =	shalt  }
0x5f: {  	_ =	shalt  }
0x60: {  	_ =	shalt  }
0x61: {  	_ =	shalt  }
0x62: {  	_ =	shalt  }
0x63: {  	_ =	shalt  }
0x64: {  	_ =	shalt  }
0x65: {  	_ =	shalt  }
0x66: {  	_ =	shalt  }
0x67: {  	_ =	shalt  }
0x68: {  	_ =	shalt  }
0x69: {  	_ =	shalt  }
0x6a: {  	_ =	shalt  }
0x6b: {  	_ =	shalt  }
0x6c: {  	_ =	shalt  }
0x6d: {  	_ =	shalt  }
0x6e: {  	_ =	shalt  }
0x6f: {  	_ =	shalt  }
0x70: {  	_ =	shalt  }
0x71: {  	_ =	shalt  }
0x72: {  	_ =	shalt  }
0x73: {  	_ =	shalt  }
0x74: {  	_ =	shalt  }
0x75: {  	_ =	shalt  }
0x76: {  	_ =	shalt  }
0x77: {  	_ =	shalt  }
0x78: {  	_ =	shalt  }
0x79: {  	_ =	shalt  }
0x7a: {  	_ =	shalt  }
0x7b: {  	_ =	shalt  }
0x7c: {  	_ =	shalt  }
0x7d: {  	_ =	shalt  }
0x7e: {  	_ =	shalt  }
0x7f: {  	_ =	shalt  }
0x80: {  	_ =	shalt  }
0x81: {  	_ =	shalt  }
0x82: {  	_ =	shalt  }
0x83: {  	_ =	shalt  }
0x84: {  	_ =	shalt  }
0x85: {  	_ =	shalt  }
0x86: {  	_ =	shalt  }
0x87: {  	_ =	shalt  }
.Lfunc_end0:
.L_simem_size_0:
called_computation.1_lowered:
.L_overlay_start_0:
0x88: {  	s2 =	sld [smem:$0x3FD9]  }
0x89: {  	s3 =	sld [smem:$0x3FFE];
	_ =	sdelay $0x1  }
0x8a: {  	s1 =	srdreg.scid  }
0x8b: {  	s0 =	sand.u32 $0x1, s1  }
0x8c: {  	s17 =	sshll.u32 s0, $0xA;
	s2 =	sadd.s32 s3, s2  }
0x8d: {  	s2 =	sadd.s32 s2, s17  }
0x8e: {  	[smem:$0x3FC0] =	sst s2  }
0x8f: {  	_ = 	snop  }
0x90: {  	s2 =	sld [smem:$0x3FC8]  }
0x91: {  	s18 =	sld [smem:$0x3FC3]  }
0x92: {  	s4 =	sld [smem:$0x3FD0];
	(tm) =	ssettm $0x1  }
0x93: {  	s5 =	sld [smem:$0x3FFB];
	_ =	sdelay $0x3  }
0x94: {  	_ =	strace s5  }
0x95: {  	s5 =	sld [smem:$0x3FFC];
	_ =	sdelay $0x3  }
0x96: {  	_ =	strace s5  }
0x97: {  	s5 =	sld [smem:$0x3FFD];
	_ =	sdelay $0x3  }
0x98: {  	_ =	strace s5  }
0x99: {  	_ =	strace $0x8FFFFFFF  }
0x9a: {  	s19 =	sld [smem:$0x3FDB];
	_ =	sdelay $0x1  }
0x9b: {  	s6 =	simm.s32 $_scs_section_size  }
0x9c: {  	s7 =	simm.s32 $_size__tile_overlayer_lowered;
	s8 =	simm.s32 $_tile_overlayer_lowered  }
0x9d: {  	s22 =	simm.s32 $0x1BFF;
	s21 =	sshll.u32 s8, $0x1;
	s5 =	sadd.s32 s6, s19  }
0x9e: {  	s9 =	simm.s32 $0x0;
	s20 =	sshll.u32 s7, $0x1;
	s7 =	sadd.s32 s21, s5  }
0x9f: {  	[timem:s9], [sflag:s22] =	dma.local [hbm:s7], s20  }
0xa0: {  	_ =	swait.ge [sflag:s22], s20  }
0xa1: {  	s6 =	ssub.s32 $0x0, s20;
	[sflag:s22] =	ssyncset.done $0x0  }
0xa2: {  	[sflag:s22] =	ssyncadd.s32 s6;
	_ =	sdelay $0x1  }
0xa3: {  	s23 =	simm.s32 $0x1B8B  }
0xa4: {  	_ =	swait.ge [sflag:s23], $0x1  }
0xa5: {  	[sflag:s23] =	ssyncset.done $0x0  }
0xa6: {  	s25 =	simm.s32 $0x1B8E;
	s24 =	sld [smem:$0x3FFE];
	[sflag:s23] =	ssyncadd.s32 $0xFFFFFFFF  }
0xa7: {  	s26 =	simm.s32 $execute0_lowered;
	[smem:$0x3FD2] =	sst s25  }
0xa8: {  	s7 =	sshll.u32 s26, $0x1;
	_ =	strace $0x80000049;
	[dreg:$0x1] =	wrdreg $0xFFFFFFFF  }
0xa9: {  	s28 =	simm.s32 $_size_execute0_lowered;
	s5 =	sadd.s32 s5, s7;
	[dreg:$0x0] =	wrdreg $0x0  }
0xaa: {  	s7 =	sshll.u32 s28, $0x1;
	[dreg:$0x2] =	wrdreg s5  }
0xab: {  	[dreg:$0x3] =	wrdreg s7  }
0xac: {  	[dreg:$0x4] =	wrdreg $0xC0  }
0xad: {  	_ =	task [dreg:s9], $0x5FFFF  }
0xae: {  	[dreg:$0x1] =	wrdreg $0xFFFFFFFF  }
0xaf: {  	[dreg:$0x0] =	wrdreg $0x60  }
0xb0: {  	[dreg:$0x2] =	wrdreg s24  }
0xb1: {  	[dreg:$0x3] =	wrdreg s4  }
0xb2: {  	[dreg:$0x4] =	wrdreg s18  }
0xb3: {  	[dreg:$0x5] =	wrdreg s2  }
0xb4: {  	[dreg:$0x6] =	wrdreg $0x79800  }
0xb5: {  	[dreg:$0x7] =	wrdreg $0x1B2000  }
0xb6: {  	[dreg:$0x8] =	wrdreg $0x9  }
0xb7: {  	_ =	task.clear_ibuf [dreg:s9], $0x9FFFF;
	_ =	strace $0x90000049  }
0xb8: {  	s29 =	simm.s32 $0x9;
	_ =	strace $0x8000004B  }
0xb9: {  	_ =	swait.ge [sflag:s29], $0x1  }
0xba: {  	[sflag:s29] =	ssyncadd.s32 $0xFFFFFFFF  }
0xbb: {  	_ =	strace $0x9000004B  }
0xbc: {  	_ =	sfence  }
0xbd: {  	s30 =	sld [smem:$0x0];
	_ =	sdelay $0x2  }
0xbe: {  	s31 =	sshll.u32 s1, $0xD;
	s1 =	sshrl.u32 s1, $0x2  }
0xbf: {  	s3 =	sand.u32 $0x4000, s31;
	s1 =	sadd.s32 s1, s30  }
0xc0: {  	s0 =	sor.u32 s3, s0;
	s1 =	sshll.u32 s1, $0x11  }
0xc1: {  	s0 =	sor.u32 s1, s0  }
0xc2: {  	s0 =	sadd.s32 $0x8F2B, s0  }
0xc3: {  	[sflag:s0] =	ssyncadd.remote.s32 $0x1  }
0xc4: {  	_ =	sfence.sel $0xFFFF  }
0xc5: {  	[dreg:$0x0] =	wrdreg $0xFFFFFFFF;
	(pc) =	sbr.abs _section_cstart, $3  }
0xc6: {  	[dreg:$0x1] =	wrdreg $0xFFFFFFFF  }
0xc7: {  	_ =	task.clear_ibuf [dreg:s9], $0x2FFFF;
	_ =	strace $0x9FFFFFFF  }
0xc8: {  	(tm) =	ssettm $0x7FFFFFFF  }
0xc9: {  	_ =	shalt  }
tec
execute0_lowered:
.L_overlay_start_1:
0x0: {  	(tag) =	ssettag $0x1  }
0x1: {  	s2 =	rddreg [dreg:$0x0]  }
0x2: {  	s0 =	rddreg [dreg:$0x1]  }
0x3: {  	s4 =	srdreg.scid;
	s29 =	stileid.u32  }
0x4: {  	s1 =	rddreg [dreg:$0x2];
	s4 =	sand.u32 $0x1, s4;
	s7 =	smul.u32 $0x2800, s29  }
0x5: {  	s3 =	rddreg [dreg:$0x4];
	s8 =	sor.u32 $0x10, s29;
	s5 =	smul.u32 $0x138800, s4  }
0x6: {  	s6 =	rddreg [dreg:$0x5];
	s9 =	sor.u32 $0x20, s29;
	s10 =	smul.u32 $0x2800, s8  }
0x7: {  	s30 =	simm.s32 $0x1;
	s12 =	sor.u32 $0x30, s29;
	s13 =	smul.u32 $0x2800, s9  }
0x8: {  	s31 =	simm.s32 $0x100;
	s22 =	sor.u32 $0x40, s29;
	s15 =	smul.u32 $0x2800, s12  }
0x9: {  	s23 =	sor.u32 $0x50, s29;
	s16 =	sshll.u32 s29, $0x1;
	s21 =	smul.u32 $0x2800, s22  }
0xa: {  	s24 =	sor.u32 $0x60, s29;
	s25 =	sor.u32 $0x70, s29;
	s17 =	smul.u32 $0x2800, s23  }
0xb: {  	p1 =	sne.s32 s29, $0x0;
	s11 =	ssub.s32 $0x2, s4;
	s26 =	smul.u32 $0x2800, s24  }
0xc: {  	s4 =	sor.u32 s4, s16;
	s19 =	smul.u32 $0x2800, s25;
	s14 =	sshrl.u32 s11, $0x1  }
0xd: {  	s8 =	smul.u32 $0xA000, s8;
	p0 =	sgt.u32 s25, $0x7C;
	s11 =	ssub.s32 s11, s14  }
0xe: {  	s18 =	sadd.s32 s5, s7;
	s10 =	sadd.s32 s5, s10;
	s13 =	sadd.s32 s5, s13  }
0xf: {  	s15 =	sadd.s32 s5, s15;
	s14 =	sadd.s32 s5, s21;
	s17 =	sadd.s32 s5, s17  }
0x10: {  	s16 =	sadd.s32 s5, s26;
	s5 =	sadd.s32 s5, s19;
	s19 =	sadd.s32 $0x32200, s2  }
0x11: {  	s7 =	smul.u32 $0x2710, s4;
	s20 =	sshrl.u32 s18, $0x3;
	s21 =	sshrl.u32 s10, $0x3  }
0x12: {  	s26 =	sshrl.u32 s13, $0x3;
	s15 =	sshrl.u32 s15, $0x3;
	s18 =	sshrl.u32 s14, $0x3  }
0x13: {  	s5 =	sshrl.u32 s5, $0x3;
	s10 =	smul.u32 $0xA000, s29;
	s29 =	simm.s32 $0x5180  }
0x14: {  	s4 =	sadd.s32 s19, s20;
	s13 =	sadd.s32 s19, s26;
	s20 =	sshrl.u32 s17, $0x3  }
0x15: {  	s26 =	sshrl.u32 s16, $0x3;
	s16 =	sadd.s32 s19, s5;
	[dreg:$0x7] =	wrdreg s4  }
0x16: {  	s17 =	sadd.s32 $0x1200, s2;
	s4 =	sadd.s32 s19, s21;
	[dreg:$0x9] =	wrdreg s13  }
0x17: {  	s21 =	sadd.s32 s19, s20;
	s14 =	sadd.s32 s19, s26;
	s13 =	smul.u32 $0xA000, s12  }
0x18: {  	s5 =	sshrl.u32 s10, $0x2;
	s26 =	smul.u32 $0xA000, s22;
	[dreg:$0x8] =	wrdreg s4  }
0x19: {  	s10 =	smul.u32 $0xA000, s24;
	s4 =	sadd.s32 s19, s15;
	[dreg:$0xc] =	wrdreg s21  }
0x1a: {  	s15 =	simm.s32 $0x0;
	s20 =	sadd.s32 s5, s3;
	[dreg:$0xa] =	wrdreg s4  }
0x1b: {  	s5 =	simm.s32 $0x180;
	s4 =	sadd.s32 s19, s18;
	[smem:$0x7FF] =	sst s15  }
0x1c: {  	s18 =	sadd.s32 $0x28400, s2;
	s19 =	smax.u32 s11, $0x1;
	s11 =	smul.u32 $0xA000, s9  }
0x1d: {  	s9 =	smul.u32 $0xA000, s23;
	[dreg:$0xb] =	wrdreg s4;
	s4 =	sshrl.u32 s8, $0x2  }
0x1e: {  	s8 =	sshrl.u32 s13, $0x2;
	_ =	strace $0x8000004A;
	s21 =	sadd.s32 s4, s3  }
0x1f: {  	s2 =	sshrl.u32 s11, $0x2;
	s23 =	sadd.s32 s8, s3;
	s4 =	sshrl.u32 s26, $0x2  }
0x20: {  	s11 =	smul.u32 $0xA000, s25;
	s12 =	sshrl.u32 s9, $0x2;
	s8 =	simm.s32 $0x2980  }
0x21: {  	s22 =	sadd.s32 s2, s3;
	s24 =	sadd.s32 s4, s3;
	s2 =	sshrl.u32 s10, $0x2  }
0x22: {  	s25 =	sadd.s32 s12, s3;
	s4 =	simm.s32 $0x80;
	s13 =	sshrl.u32 s11, $0x2  }
0x23: {  	v0 =	vimm.f32 $0.0e+00;
	s26 =	sadd.s32 s2, s3;
	s2 =	simm.s32 $0x50;
	s28 =	sadd.s32 s13, s3  }
.LBB2_1:
0x24: {  	s9 =	simm.s32 $0x0;
	s10 =	simm.s32 $0x200  }
.LBB2_2:
0x25: {  	p2 =	sne.s32 s10, $0x9E00;
	[tilespmem:s9+$0x51F0] =	vst v0  }
0x26: {  	[tilespmem:s9+$0x5180] =	vst v0  }
0x27: {  	[tilespmem:s9+$0x5190] =	vst v0  }
.Ltmp0:
0x28: {  	[tilespmem:s9+$0x51A0] =	vst v0;
	(pc) =	sbr.rel @p2 .LBB2_2-.Ltmp0, $4  }
0x29: {  	[tilespmem:s9+$0x51B0] =	vst v0  }
0x2a: {  	[tilespmem:s9+$0x51C0] =	vst v0  }
0x2b: {  	[tilespmem:s9+$0x51D0] =	vst v0  }
0x2c: {  	[tilespmem:s9+$0x51E0] =	vst v0;
	s9 =	sshra.s32 s10, $0x2;
	s10 =	sadd.s32 $0x200, s10  }
0x2d: {  	[tilespmem:s9+$0x51F0] =	vst v0  }
0x2e: {  	[tilespmem:s9+$0x5180] =	vst v0  }
0x2f: {  	[tilespmem:s9+$0x5190] =	vst v0  }
0x30: {  	[tilespmem:s9+$0x51A0] =	vst v0  }
0x31: {  	[tilespmem:s9+$0x51B0] =	vst v0  }
0x32: {  	[tilespmem:s9+$0x51C0] =	vst v0  }
0x33: {  	[tilespmem:s9+$0x51D0] =	vst v0  }
0x34: {  	[tilespmem:s9+$0x51E0] =	vst v0;
	s9 =	sshrl.u32 @!p1 s6, $0x3;
	s10 =	simm.s32 @!p1 $0x1C01;
	s11 =	rddreg [dreg:$0x3]  }
0x35: {  	[spmem:s9], [sflag:s10] =	dma.local @!p1 [hbm:s11], $0x400  }
0x36: {  	s9 =	simm.s32 @!p1 $0x1  }
0x37: {  	_ =	swait.ge @!p1 [sflag:s9], $0x400  }
0x38: {  	[sflag:s9] =	ssyncset.done @!p1 $0x0  }
0x39: {  	[sflag:s9] =	ssyncadd.s32 @!p1 $0xFFFFFC00  }
0x3a: {  	[spmem:s20] =	stream.linear.scatter [tilespmem:s29], [sflag:$0x1], $0x2800, $0x38;
	[tilespmem:$0x1B400] =	vst v63  }
0x3b: {  	_ =	swait.ge [sflag:s30], $0x2800  }
0x3c: {  	[sflag:s30] =	ssyncset.done $0x0  }
0x3d: {  	[sflag:s30] =	ssyncadd.s32 $0xFFFFD800  }
0x3e: {  	[spmem:s21] =	stream.linear.scatter [tilespmem:s29], [sflag:$0x1], $0x2800, $0x38;
	[tilespmem:$0x1B400] =	vst v63  }
0x3f: {  	_ =	swait.ge [sflag:s30], $0x2800  }
0x40: {  	[sflag:s30] =	ssyncset.done $0x0  }
0x41: {  	[sflag:s30] =	ssyncadd.s32 $0xFFFFD800  }
0x42: {  	[spmem:s22] =	stream.linear.scatter [tilespmem:s29], [sflag:$0x1], $0x2800, $0x38;
	[tilespmem:$0x1B400] =	vst v63  }
0x43: {  	_ =	swait.ge [sflag:s30], $0x2800  }
0x44: {  	[sflag:s30] =	ssyncset.done $0x0  }
0x45: {  	[sflag:s30] =	ssyncadd.s32 $0xFFFFD800  }
0x46: {  	[spmem:s23] =	stream.linear.scatter [tilespmem:s29], [sflag:$0x1], $0x2800, $0x38;
	[tilespmem:$0x1B400] =	vst v63  }
0x47: {  	_ =	swait.ge [sflag:s30], $0x2800  }
0x48: {  	[sflag:s30] =	ssyncset.done $0x0  }
0x49: {  	[sflag:s30] =	ssyncadd.s32 $0xFFFFD800  }
0x4a: {  	[spmem:s24] =	stream.linear.scatter [tilespmem:s29], [sflag:$0x1], $0x2800, $0x38;
	[tilespmem:$0x1B400] =	vst v63  }
0x4b: {  	_ =	swait.ge [sflag:s30], $0x2800  }
0x4c: {  	[sflag:s30] =	ssyncset.done $0x0  }
0x4d: {  	[sflag:s30] =	ssyncadd.s32 $0xFFFFD800  }
0x4e: {  	[spmem:s25] =	stream.linear.scatter [tilespmem:s29], [sflag:$0x1], $0x2800, $0x38;
	[tilespmem:$0x1B400] =	vst v63  }
0x4f: {  	_ =	swait.ge [sflag:s30], $0x2800  }
0x50: {  	[sflag:s30] =	ssyncset.done $0x0  }
0x51: {  	[sflag:s30] =	ssyncadd.s32 $0xFFFFD800  }
0x52: {  	[spmem:s26] =	stream.linear.scatter [tilespmem:s29], [sflag:$0x1], $0x2800, $0x38;
	[tilespmem:$0x1B400] =	vst v63  }
0x53: {  	_ =	swait.ge [sflag:s30], $0x2800  }
0x54: {  	[sflag:s30] =	ssyncset.done $0x0  }
0x55: {  	s9 =	simm.s32 @!p0 $0x5180;
	[sflag:s30] =	ssyncadd.s32 $0xFFFFD800  }
0x56: {  	[spmem:s28] =	stream.linear.scatter @!p0 [tilespmem:s9], [sflag:$0x1], $0x2800, $0x38;
	[tilespmem:$0x1B400] =	vst v63  }
0x57: {  	s9 =	simm.s32 @!p0 $0x1  }
0x58: {  	_ =	swait.ge @!p0 [sflag:s9], $0x2800  }
0x59: {  	[sflag:s9] =	ssyncset.done @!p0 $0x0  }
0x5a: {  	[sflag:s9] =	ssyncadd.s32 @!p0 $0xFFFFD800  }
0x5b: {  	s10 =	simm.s32 $0x0;
	s9 =	simm.s32 $0x0;
	[bflag:$0x0] =	sbarrier.arrive $0xFFFF  }
.LBB2_4:
0x5c: {  	s11 =	smul.u32 $0x50, s10;
	_ =	sdelay $0x1  }
0x5d: {  	s11 =	sadd.s32 s7, s11  }
0x5e: {  	s11 =	sshrl.u32 s11, $0x3  }
0x5f: {  	s12 =	sadd.s32 s18, s11  }
0x60: {  	[tilespmem:s9], [sflag:$0x1] =	stream.linear.gather [hbm4b:s12+s9], $0x50, $0x38;
	[tilespmem:$0x1B400] =	vst v63  }
0x61: {  	_ =	swait.ge [sflag:s30], $0x50  }
0x62: {  	[sflag:s30] =	ssyncset.done $0x0  }
0x63: {  	s13 =	sadd.s32 s1, s11;
	[sflag:s30] =	ssyncadd.s32 $0xFFFFFFB0  }
0x64: {  	[tilespmem:s31], [sflag:$0x1] =	stream.linear.gather [hbm4b:s13+s9], $0x50, $0x38;
	[tilespmem:$0x1B400] =	vst v63  }
0x65: {  	_ =	swait.ge [sflag:s30], $0x50  }
0x66: {  	[sflag:s30] =	ssyncset.done $0x0  }
0x67: {  	s11 =	sadd.s32 s0, s11;
	[sflag:s30] =	ssyncadd.s32 $0xFFFFFFB0  }
0x68: {  	[tilespmem:s4], [sflag:$0x1] =	stream.linear.gather [hbm4b:s11+s9], $0x50, $0x38;
	[tilespmem:$0x1B400] =	vst v63  }
0x69: {  	_ =	swait.ge [sflag:s30], $0x50  }
0x6a: {  	[sflag:s30] =	ssyncset.done $0x0  }
0x6b: {  	[sflag:s30] =	ssyncadd.s32 $0xFFFFFFB0  }
0x6c: {  	[tilespmem:s5], [sflag:$0x1] =	stream.indirect.gather [hbm4b:s17+s2], $0x80, s9, s2, $0xb8;
	[tilespmem:$0x1B400] =	vst v63  }
0x6d: {  	_ =	swait.ge [sflag:s30], $0x2800  }
0x6e: {  	[sflag:s30] =	ssyncset.done $0x0  }
0x6f: {  	[sflag:s30] =	ssyncadd.s32 $0xFFFFD800  }
0x70: {  	[tilespmem:s8], [sflag:$0x1] =	stream.indirect.gather [spmem:s6], $0x80, s31, s2, $0xb8;
	[tilespmem:$0x1B400] =	vst v63  }
0x71: {  	_ =	swait.ge [sflag:s30], $0x2800  }
0x72: {  	[sflag:s30] =	ssyncset.done $0x0  }
0x73: {  	s11 =	simm.s32 $0x0;
	[sflag:s30] =	ssyncadd.s32 $0xFFFFD800  }
0x74: {  	v8 =	vld [tilespmem:s11+$0x2980]  }
0x75: {  	v12 =	vld [tilespmem:s11+$0x2990]  }
0x76: {  	v6 =	vld [tilespmem:s11+$0x29A0]  }
0x77: {  	v5 =	vld [tilespmem:s11+$0x29B0]  }
0x78: {  	v4 =	vld [tilespmem:s11+$0x29C0]  }
0x79: {  	v3 =	vld [tilespmem:s11+$0x29D0]  }
0x7a: {  	v2 =	vld [tilespmem:s11+$0x29E0]  }
0x7b: {  	v1 =	vld [tilespmem:s11+$0x29F0]  }
0x7c: {  	v13 =	vld [tilespmem:s11+$0x180]  }
0x7d: {  	v14 =	vld [tilespmem:s11+$0x190]  }
0x7e: {  	v11 =	vld [tilespmem:s11+$0x1A0]  }
0x7f: {  	v10 =	vld [tilespmem:s11+$0x1B0]  }
0x80: {  	v9 =	vld [tilespmem:s11+$0x1C0]  }
0x81: {  	v7 =	vld [tilespmem:s11+$0x1D0];
	v13 =	vmul.f32 v8, v13  }
0x82: {  	s12 =	simm.s32 $0x200;
	v12 =	vmul.f32 v12, v14;
	v8 =	vld [tilespmem:s11+$0x1E0]  }
.LBB2_5:
0x83: {  	s13 =	sshra.s32 s12, $0x2;
	p2 =	sne.s32 s12, $0x9E00;
	[tilespmem:s11+$0x180] =	vst v13;
	v6 =	vmul.f32 v6, v11;
	v11 =	vld [tilespmem:s11+$0x1F0]  }
0x84: {  	v13 =	vld [tilespmem:s13+$0x2980];
	[tilespmem:s11+$0x190] =	vst v12;
	v5 =	vmul.f32 v5, v10  }
0x85: {  	v12 =	vld [tilespmem:s13+$0x2990];
	[tilespmem:s11+$0x1A0] =	vst v6;
	v4 =	vmul.f32 v4, v9  }
0x86: {  	v6 =	vld [tilespmem:s13+$0x29A0];
	[tilespmem:s11+$0x1B0] =	vst v5;
	v3 =	vmul.f32 v3, v7  }
0x87: {  	v5 =	vld [tilespmem:s13+$0x29B0];
	[tilespmem:s11+$0x1C0] =	vst v4;
	v2 =	vmul.f32 v2, v8  }
0x88: {  	v4 =	vld [tilespmem:s13+$0x29C0];
	[tilespmem:s11+$0x1D0] =	vst v3;
	v1 =	vmul.f32 v1, v11  }
0x89: {  	v3 =	vld [tilespmem:s13+$0x29D0];
	[tilespmem:s11+$0x1E0] =	vst v2  }
0x8a: {  	v2 =	vld [tilespmem:s13+$0x29E0];
	[tilespmem:s11+$0x1F0] =	vst v1;
	s11 =	smov.u32 s13  }
0x8b: {  	v1 =	vld [tilespmem:s11+$0x29F0]  }
0x8c: {  	v7 =	vld [tilespmem:s11+$0x180]  }
0x8d: {  	v8 =	vld [tilespmem:s11+$0x190]  }
.Ltmp1:
0x8e: {  	v11 =	vld [tilespmem:s11+$0x1A0];
	(pc) =	sbr.rel @p2 .LBB2_5-.Ltmp1, $4  }
0x8f: {  	v10 =	vld [tilespmem:s11+$0x1B0]  }
0x90: {  	v9 =	vld [tilespmem:s11+$0x1C0]  }
0x91: {  	v13 =	vmul.f32 v13, v7;
	v7 =	vld [tilespmem:s11+$0x1D0]  }
0x92: {  	s12 =	sadd.s32 $0x200, s12;
	v12 =	vmul.f32 v12, v8;
	v8 =	vld [tilespmem:s11+$0x1E0]  }
0x93: {  	[tilespmem:s11+$0x180] =	vst v13;
	v6 =	vmul.f32 v6, v11;
	v63 =	vld [tilespmem:s11+$0x1F0]  }
0x94: {  	[tilespmem:s11+$0x190] =	vst v12;
	v5 =	vmul.f32 v5, v10  }
0x95: {  	[tilespmem:s11+$0x1A0] =	vst v6;
	v4 =	vmul.f32 v4, v9  }
0x96: {  	[tilespmem:s11+$0x1B0] =	vst v5;
	v3 =	vmul.f32 v3, v7  }
0x97: {  	[tilespmem:s11+$0x1C0] =	vst v4;
	v2 =	vmul.f32 v2, v8  }
0x98: {  	s10 =	sadd.s32 $0x1, s10;
	[tilespmem:s11+$0x1D0] =	vst v3;
	v1 =	vmul.f32 v1, v63  }
0x99: {  	p2 =	sne.s32 s10, $0x7D;
	[tilespmem:s11+$0x1E0] =	vst v2  }
.Ltmp2:
0x9a: {  	[tilespmem:s11+$0x1F0] =	vst v1;
	(pc) =	sbr.rel @p2 .LBB2_4-.Ltmp2, $4  }
0x9b: {  	[spmem:s3] =	stream.indirect.scatter.add.f32 [tilespmem:s5], [sflag:$0x1], $0x80, s4, s2, $0xb8;
	[tilespmem:$0x1B400] =	vst v63  }
0x9c: {  	_ =	swait.ge [sflag:s30], $0x2800  }
0x9d: {  	[sflag:s30] =	ssyncset.done $0x0  }
0x9e: {  	[sflag:s30] =	ssyncadd.s32 $0xFFFFD800  }
0x9f: {  	s9 =	stileid.u32  }
0xa0: {  	[bflag:$0x0] =	sbarrier.arrive $0xFFFF;
	s9 =	sshll.u32 s9, $0x6  }
0xa1: {  	s10 =	sshrl.u32 s20, $0x3;
	s11 =	rddreg [dreg:$0x7];
	s9 =	sor.u32 $0x1C01, s9  }
0xa2: {  	[hbm:s11], [sflag:s9] =	dma.local [spmem:s10], $0x500  }
0xa3: {  	_ =	swait.ge [sflag:s30], $0x500  }
0xa4: {  	[sflag:s30] =	ssyncset.done $0x0  }
0xa5: {  	s12 =	sshrl.u32 s21, $0x3;
	s13 =	rddreg [dreg:$0x8];
	[sflag:s30] =	ssyncadd.s32 $0xFFFFFB00  }
0xa6: {  	[hbm:s13], [sflag:s9] =	dma.local [spmem:s12], $0x500  }
0xa7: {  	_ =	swait.ge [sflag:s30], $0x500  }
0xa8: {  	[sflag:s30] =	ssyncset.done $0x0  }
0xa9: {  	s12 =	sshrl.u32 s22, $0x3;
	s13 =	rddreg [dreg:$0x9];
	[sflag:s30] =	ssyncadd.s32 $0xFFFFFB00  }
0xaa: {  	[hbm:s13], [sflag:s9] =	dma.local [spmem:s12], $0x500  }
0xab: {  	_ =	swait.ge [sflag:s30], $0x500  }
0xac: {  	[sflag:s30] =	ssyncset.done $0x0  }
0xad: {  	s12 =	sshrl.u32 s23, $0x3;
	s13 =	rddreg [dreg:$0xa];
	[sflag:s30] =	ssyncadd.s32 $0xFFFFFB00  }
0xae: {  	[hbm:s13], [sflag:s9] =	dma.local [spmem:s12], $0x500  }
0xaf: {  	_ =	swait.ge [sflag:s30], $0x500  }
0xb0: {  	[sflag:s30] =	ssyncset.done $0x0  }
0xb1: {  	s12 =	sshrl.u32 s24, $0x3;
	s13 =	rddreg [dreg:$0xb];
	[sflag:s30] =	ssyncadd.s32 $0xFFFFFB00  }
0xb2: {  	[hbm:s13], [sflag:s9] =	dma.local [spmem:s12], $0x500  }
0xb3: {  	_ =	swait.ge [sflag:s30], $0x500  }
0xb4: {  	[sflag:s30] =	ssyncset.done $0x0  }
0xb5: {  	s11 =	sshrl.u32 s25, $0x3;
	s12 =	rddreg [dreg:$0xc];
	[sflag:s30] =	ssyncadd.s32 $0xFFFFFB00  }
0xb6: {  	[hbm:s12], [sflag:s9] =	dma.local [spmem:s11], $0x500  }
0xb7: {  	_ =	swait.ge [sflag:s30], $0x500  }
0xb8: {  	[sflag:s30] =	ssyncset.done $0x0  }
0xb9: {  	s13 =	sshrl.u32 s26, $0x3;
	[sflag:s30] =	ssyncadd.s32 $0xFFFFFB00  }
0xba: {  	[hbm:s14], [sflag:s9] =	dma.local [spmem:s13], $0x500  }
0xbb: {  	_ =	swait.ge [sflag:s30], $0x500  }
0xbc: {  	[sflag:s30] =	ssyncset.done $0x0  }
0xbd: {  	s15 =	sadd.s32 $0x1, s15;
	s10 =	sshrl.u32 @!p0 s28, $0x3;
	[sflag:s30] =	ssyncadd.s32 $0xFFFFFB00  }
0xbe: {  	[hbm:s16], [sflag:s9] =	dma.local @!p0 [spmem:s10], $0x500  }
0xbf: {  	p2 =	sne.s32 s15, s19;
	s9 =	simm.s32 @!p0 $0x1  }
.Ltmp3:
0xc0: {  	_ =	swait.ge @!p0 [sflag:s9], $0x500;
	(pc) =	sbr.rel @p2 .LBB2_1-.Ltmp3, $3  }
0xc1: {  	[sflag:s9] =	ssyncset.done @!p0 $0x0  }
0xc2: {  	[sflag:s9] =	ssyncadd.s32 @!p0 $0xFFFFFB00  }
0xc3: {  	[bflag:$0x0] =	sbarrier.arrive $0xFFFF;
	_ =	sdelay $0x1  }
0xc4: {  	_ =	sfence.sel $0x180000  }
0xc5: {  	[bflag:$0x0] =	sbarrier.arrive $0xFFFF  }
0xc6: {  	_ =	strace $0x9000004A  }
0xc7: {  	[bflag:$0x2] =	sbarrier.arrive $0xFFFF  }
0xc8: {  	s0 =	rddreg [dreg:$0x6]  }
0xc9: {  	s0 =	sadd.s32 @!p1 $0x100000, s0  }
0xca: {  	[sflag:s0] =	ssyncadd.tile.s32 @!p1 $0x1;
	_ =	shalt  }
.Lfunc_end2:
_tile_overlayer_lowered:
.L_overlay_start_2:
0xcb: {  	(tag) =	ssettag $0x2  }
0xcc: {  	s0 =	rddreg [dreg:$0x0];
	s2 =	stileid.u32  }
0xcd: {  	s1 =	rddreg [dreg:$0x1];
	p0 =	sne.s32 s2, $0x0  }
0xce: {  	s3 =	rddreg [dreg:$0x2];
	[bflag:$0x3] =	sbarrier.arrive $0xFFFF;
	s2 =	simm.s32 @!p0 $0x1C01  }
0xcf: {  	[timem:s3], [sflag:s2] =	dma.local @!p0 [hbm:s0], s1  }
0xd0: {  	s0 =	simm.s32 @!p0 $0x1  }
0xd1: {  	_ =	swait.ge @!p0 [sflag:s0], s1  }
0xd2: {  	s1 =	ssub.s32 @!p0 $0x0, s1;
	[sflag:s0] =	ssyncset.done @!p0 $0x0  }
0xd3: {  	[sflag:s0] =	ssyncadd.s32 @!p0 s1  }
0xd4: {  	[bflag:$0x3] =	sbarrier.arrive $0xFFFF  }
0xd5: {  	_ =	shalt  }

// kernel: kernel.14.cloned.1.call-start
scs
__scs_entry_jumppad:
0x0: {  	(pc) =	sbr.rel $0x88, $3  }
0x1: {  	(tag) =	ssettag $0x0;
	lr =	simm.s32 $0x1  }
0x2: {  	[smem:$0x3F99] =	sst lr;
	_ =	strace $0xD0000000  }
0x3: {  	_ = 	snop  }
0x4: {  	_ = 	snop  }
0x5: {  	_ = 	snop  }
0x6: {  	_ = 	snop  }
0x7: {  	_ = 	snop  }
__scs_overlays_trampoline_lowered:
0x8: {  	[smem:$0x3FA8] =	sst s0  }
0x9: {  	[smem:$0x3FA9] =	sst s1  }
0xa: {  	[smem:$0x3FAA] =	sst s2  }
0xb: {  	[smem:$0x3FAB] =	sst s3  }
0xc: {  	[smem:$0x3FAC] =	sst s4  }
0xd: {  	[smem:$0x3FAD] =	sst s5  }
0xe: {  	[smem:$0x3FAE] =	sst s6  }
0xf: {  	[smem:$0x3FAF] =	sst s7  }
0x10: {  	[smem:$0x3FB0] =	sst s8  }
0x11: {  	[smem:$0x3FB1] =	sst s9;
	s0 =	simm.s32 @!p0 $0x0  }
0x12: {  	s1 =	sld [smem:$0x3F97];
	s0 =	simm.s32 @p0 $0x1  }
0x13: {  	[smem:$0x3FB2] =	sst s0;
	s0 =	simm.s32 @!p1 $0x0  }
0x14: {  	s2 =	sld [smem:$0x3F96];
	s0 =	simm.s32 @p1 $0x1  }
0x15: {  	[smem:$0x3FB3] =	sst s0;
	s0 =	simm.s32 @!p2 $0x0  }
0x16: {  	s3 =	sld [smem:$0x3FDB];
	s0 =	simm.s32 @p2 $0x1  }
0x17: {  	s4 =	simm.s32 $0x1BF5;
	[smem:$0x3FB5] =	sst s0  }
0x18: {  	s0 =	sld [smem:$0x3F98];
	_ =	swait.ge [sflag:s4], $0x0  }
0x19: {  	s7 =	sld [smem:$0x3F99]  }
0x1a: {  	s8 =	sadd.s32 $0xFFFFE003, lr  }
0x1b: {  	s9 =	sadd.s32 $0xFFFFFEF7, lr;
	s5 =	simm.s32 $0xFFFFFFFF;
	p2 =	slt.u32 s8, $0xFFFFF086  }
0x1c: {  	p1 =	slt.u32 s9, $0xF7A;
	s5 =	simm.s32 @!p2 $0x0  }
0x1d: {  	s5 =	simm.s32 @p1 $0x1;
	p0 =	seq.s32 s7, s2  }
0x1e: {  	s7 =	smul.u32 @!p0 $0xF7A, s2;
	p2 =	seq.s32 @!p0 s5, $0x0  }
0x1f: {  	s9 =	smul.u32 $0xF7A, s1;
	s8 =	simm.s32 @!p0 $0x1BF5;
	p2 =	por !p2, p0  }
0x20: {  	[sflag:s8] =	ssyncset.s32 @!p0 $0xFFFFF086;
	s6 =	sadd.s32 @!p0 s3, s7;
	s7 =	simm.s32 @!p0 $0x108  }
0x21: {  	s3 =	sadd.s32 s3, s9;
	s6 =	sadd.s32 @!p0 $0x88, s6;
	s7 =	simm.s32 @p2 $0x1082  }
0x22: {  	[simem:s7], [sflag:s8] =	dma.local @!p0 [hbm:s6], $0xF7A  }
0x23: {  	s9 =	sor.u32 $0xD0000000, s2;
	s6 =	simm.s32 $0x108;
	_ =	swait.ge @!p0 [sflag:s8], $0x0  }
0x24: {  	s3 =	sadd.s32 $0x88, s3;
	s6 =	simm.s32 @!p1 $0x1082;
	[sflag:s4] =	ssyncset.s32 $0xFFFFF086  }
0x25: {  	[simem:s6], [sflag:s4] =	dma.local [hbm:s3], $0xF7A  }
0x26: {  	[smem:$0x3F99] =	sst s1;
	(tag) =	ssettag s2;
	_ =	strace s9  }
0x27: {  	s1 =	sld [smem:$0x3FA9]  }
0x28: {  	s2 =	sld [smem:$0x3FAA]  }
0x29: {  	s4 =	sld [smem:$0x3FAC]  }
0x2a: {  	p0 =	seq.s32 s5, $0x0;
	s5 =	sld [smem:$0x3FAD]  }
0x2b: {  	s6 =	sld [smem:$0x3FAE]  }
0x2c: {  	s7 =	sld [smem:$0x3FAF]  }
0x2d: {  	s3 =	simm.s32 $0x108;
	s8 =	sld [smem:$0x3FB0]  }
0x2e: {  	s3 =	simm.s32 @!p0 $0x1082;
	s9 =	sld [smem:$0x3FB1]  }
0x2f: {  	lr =	sadd.s32 s0, s3;
	s0 =	sld [smem:$0x3FA8]  }
0x30: {  	s3 =	sld [smem:$0x3FAB]  }
0x31: {  	[smem:$0x3FB4] =	sst s10  }
0x32: {  	s10 =	sld [smem:$0x3FB2];
	_ =	sdelay $0x3  }
0x33: {  	p0 =	seq.s32 s10, $0x1;
	s10 =	sld [smem:$0x3FB4];
	_ =	sdelay $0x3  }
0x34: {  	[smem:$0x3FB4] =	sst s10  }
0x35: {  	s10 =	sld [smem:$0x3FB3];
	_ =	sdelay $0x3  }
0x36: {  	p1 =	seq.s32 s10, $0x1;
	s10 =	sld [smem:$0x3FB4];
	_ =	sdelay $0x3  }
0x37: {  	[smem:$0x3FB4] =	sst s10  }
0x38: {  	s10 =	sld [smem:$0x3FB5]  }
0x39: {  	_ = 	snop;
	(pc) =	sbr.ind lr, $3  }
0x3a: {  	_ = 	snop  }
0x3b: {  	_ = 	snop  }
0x3c: {  	p2 =	seq.s32 s10, $0x1;
	s10 =	sld [smem:$0x3FB4]  }
0x3d: {  	_ =	shalt  }
0x3e: {  	_ =	shalt  }
0x3f: {  	_ =	shalt  }
0x40: {  	_ =	shalt  }
0x41: {  	_ =	shalt  }
0x42: {  	_ =	shalt  }
0x43: {  	_ =	shalt  }
0x44: {  	_ =	shalt  }
0x45: {  	_ =	shalt  }
0x46: {  	_ =	shalt  }
0x47: {  	_ =	shalt  }
0x48: {  	_ =	shalt  }
0x49: {  	_ =	shalt  }
0x4a: {  	_ =	shalt  }
0x4b: {  	_ =	shalt  }
0x4c: {  	_ =	shalt  }
0x4d: {  	_ =	shalt  }
0x4e: {  	_ =	shalt  }
0x4f: {  	_ =	shalt  }
0x50: {  	_ =	shalt  }
0x51: {  	_ =	shalt  }
0x52: {  	_ =	shalt  }
0x53: {  	_ =	shalt  }
0x54: {  	_ =	shalt  }
0x55: {  	_ =	shalt  }
0x56: {  	_ =	shalt  }
0x57: {  	_ =	shalt  }
0x58: {  	_ =	shalt  }
0x59: {  	_ =	shalt  }
0x5a: {  	_ =	shalt  }
0x5b: {  	_ =	shalt  }
0x5c: {  	_ =	shalt  }
0x5d: {  	_ =	shalt  }
0x5e: {  	_ =	shalt  }
0x5f: {  	_ =	shalt  }
0x60: {  	_ =	shalt  }
0x61: {  	_ =	shalt  }
0x62: {  	_ =	shalt  }
0x63: {  	_ =	shalt  }
0x64: {  	_ =	shalt  }
0x65: {  	_ =	shalt  }
0x66: {  	_ =	shalt  }
0x67: {  	_ =	shalt  }
0x68: {  	_ =	shalt  }
0x69: {  	_ =	shalt  }
0x6a: {  	_ =	shalt  }
0x6b: {  	_ =	shalt  }
0x6c: {  	_ =	shalt  }
0x6d: {  	_ =	shalt  }
0x6e: {  	_ =	shalt  }
0x6f: {  	_ =	shalt  }
0x70: {  	_ =	shalt  }
0x71: {  	_ =	shalt  }
0x72: {  	_ =	shalt  }
0x73: {  	_ =	shalt  }
0x74: {  	_ =	shalt  }
0x75: {  	_ =	shalt  }
0x76: {  	_ =	shalt  }
0x77: {  	_ =	shalt  }
0x78: {  	_ =	shalt  }
0x79: {  	_ =	shalt  }
0x7a: {  	_ =	shalt  }
0x7b: {  	_ =	shalt  }
0x7c: {  	_ =	shalt  }
0x7d: {  	_ =	shalt  }
0x7e: {  	_ =	shalt  }
0x7f: {  	_ =	shalt  }
0x80: {  	_ =	shalt  }
0x81: {  	_ =	shalt  }
0x82: {  	_ =	shalt  }
0x83: {  	_ =	shalt  }
0x84: {  	_ =	shalt  }
0x85: {  	_ =	shalt  }
0x86: {  	_ =	shalt  }
0x87: {  	_ =	shalt  }
.Lfunc_end0:
.L_simem_size_0:
called_computation.2_lowered:
.L_overlay_start_0:
0x88: {  	s2 =	sld [smem:$0x3FD9]  }
0x89: {  	s3 =	sld [smem:$0x3FFE];
	_ =	sdelay $0x1  }
0x8a: {  	s1 =	srdreg.scid  }
0x8b: {  	s0 =	sand.u32 $0x1, s1  }
0x8c: {  	s17 =	sshll.u32 s0, $0xA;
	s2 =	sadd.s32 s3, s2  }
0x8d: {  	s2 =	sadd.s32 s2, s17  }
0x8e: {  	[smem:$0x3FC0] =	sst s2  }
0x8f: {  	_ = 	snop  }
0x90: {  	s2 =	sld [smem:$0x3FC8]  }
0x91: {  	s18 =	sld [smem:$0x3FC3]  }
0x92: {  	s4 =	sld [smem:$0x3FD0];
	(tm) =	ssettm $0x1  }
0x93: {  	s5 =	sld [smem:$0x3FFB];
	_ =	sdelay $0x3  }
0x94: {  	_ =	strace s5  }
0x95: {  	s5 =	sld [smem:$0x3FFC];
	_ =	sdelay $0x3  }
0x96: {  	_ =	strace s5  }
0x97: {  	s5 =	sld [smem:$0x3FFD];
	_ =	sdelay $0x3  }
0x98: {  	_ =	strace s5  }
0x99: {  	_ =	strace $0x8FFFFFFF  }
0x9a: {  	s19 =	sld [smem:$0x3FDB];
	_ =	sdelay $0x1  }
0x9b: {  	s6 =	simm.s32 $_scs_section_size  }
0x9c: {  	s7 =	simm.s32 $_size__tile_overlayer_lowered;
	s8 =	simm.s32 $_tile_overlayer_lowered  }
0x9d: {  	s22 =	simm.s32 $0x1BFF;
	s21 =	sshll.u32 s8, $0x1;
	s5 =	sadd.s32 s6, s19  }
0x9e: {  	s9 =	simm.s32 $0x0;
	s20 =	sshll.u32 s7, $0x1;
	s7 =	sadd.s32 s21, s5  }
0x9f: {  	[timem:s9], [sflag:s22] =	dma.local [hbm:s7], s20  }
0xa0: {  	_ =	swait.ge [sflag:s22], s20  }
0xa1: {  	s6 =	ssub.s32 $0x0, s20;
	[sflag:s22] =	ssyncset.done $0x0  }
0xa2: {  	[sflag:s22] =	ssyncadd.s32 s6;
	_ =	sdelay $0x1  }
0xa3: {  	s23 =	simm.s32 $0x1B8B  }
0xa4: {  	_ =	swait.ge [sflag:s23], $0x1  }
0xa5: {  	[sflag:s23] =	ssyncset.done $0x0  }
0xa6: {  	s25 =	simm.s32 $0x1B8E;
	s24 =	sld [smem:$0x3FFE];
	[sflag:s23] =	ssyncadd.s32 $0xFFFFFFFF  }
0xa7: {  	s26 =	simm.s32 $execute0_lowered;
	[smem:$0x3FD2] =	sst s25  }
0xa8: {  	s7 =	sshll.u32 s26, $0x1;
	_ =	strace $0x8000004C;
	[dreg:$0x1] =	wrdreg $0xFFFFFFFF  }
0xa9: {  	s28 =	simm.s32 $_size_execute0_lowered;
	s5 =	sadd.s32 s5, s7;
	[dreg:$0x0] =	wrdreg $0x0  }
0xaa: {  	s7 =	sshll.u32 s28, $0x1;
	[dreg:$0x2] =	wrdreg s5  }
0xab: {  	[dreg:$0x3] =	wrdreg s7  }
0xac: {  	[dreg:$0x4] =	wrdreg $0xC0  }
0xad: {  	_ =	task [dreg:s9], $0x5FFFF  }
0xae: {  	[dreg:$0x1] =	wrdreg $0xFFFFFFFF  }
0xaf: {  	[dreg:$0x0] =	wrdreg $0x60  }
0xb0: {  	[dreg:$0x2] =	wrdreg s24  }
0xb1: {  	[dreg:$0x3] =	wrdreg s4  }
0xb2: {  	[dreg:$0x4] =	wrdreg s18  }
0xb3: {  	[dreg:$0x5] =	wrdreg s2  }
0xb4: {  	[dreg:$0x6] =	wrdreg $0x79800  }
0xb5: {  	[dreg:$0x7] =	wrdreg $0x1B2000  }
0xb6: {  	[dreg:$0x8] =	wrdreg $0x9  }
0xb7: {  	_ =	task.clear_ibuf [dreg:s9], $0x9FFFF;
	_ =	strace $0x9000004C  }
0xb8: {  	s29 =	simm.s32 $0x9;
	_ =	strace $0x8000004E  }
0xb9: {  	_ =	swait.ge [sflag:s29], $0x1  }
0xba: {  	[sflag:s29] =	ssyncadd.s32 $0xFFFFFFFF  }
0xbb: {  	_ =	strace $0x9000004E  }
0xbc: {  	_ =	sfence  }
0xbd: {  	s30 =	sld [smem:$0x0];
	_ =	sdelay $0x2  }
0xbe: {  	s31 =	sshll.u32 s1, $0xD;
	s1 =	sshrl.u32 s1, $0x2  }
0xbf: {  	s3 =	sand.u32 $0x4000, s31;
	s1 =	sadd.s32 s1, s30  }
0xc0: {  	s0 =	sor.u32 s3, s0;
	s1 =	sshll.u32 s1, $0x11  }
0xc1: {  	s0 =	sor.u32 s1, s0  }
0xc2: {  	s0 =	sadd.s32 $0x8F2B, s0  }
0xc3: {  	[sflag:s0] =	ssyncadd.remote.s32 $0x1  }
0xc4: {  	_ =	sfence.sel $0xFFFF  }
0xc5: {  	[dreg:$0x0] =	wrdreg $0xFFFFFFFF;
	(pc) =	sbr.abs _section_cstart, $3  }
0xc6: {  	[dreg:$0x1] =	wrdreg $0xFFFFFFFF  }
0xc7: {  	_ =	task.clear_ibuf [dreg:s9], $0x2FFFF;
	_ =	strace $0x9FFFFFFF  }
0xc8: {  	(tm) =	ssettm $0x7FFFFFFF  }
0xc9: {  	_ =	shalt  }
tec
execute0_lowered:
.L_overlay_start_1:
0x0: {  	(tag) =	ssettag $0x1  }
0x1: {  	s0 =	srdreg.scid  }
0x2: {  	s7 =	stileid.u32;
	s1 =	sand.u32 $0x1, s0  }
0x3: {  	s4 =	sor.u32 $0x10, s7;
	s5 =	smul.u32 $0x2800, s7;
	s24 =	sshll.u32 s7, $0x1  }
0x4: {  	s25 =	sor.u32 $0x20, s7;
	s26 =	sor.u32 $0x30, s7;
	[smem:$0x7EF] =	sst s4  }
0x5: {  	s6 =	sor.u32 $0x50, s7;
	s3 =	smul.u32 $0x138800, s1;
	[smem:$0x7F2] =	sst s25  }
0x6: {  	s8 =	sor.u32 $0x60, s7;
	s10 =	smul.u32 $0x2800, s4;
	[smem:$0x7F3] =	sst s26  }
0x7: {  	s9 =	sor.u32 $0x70, s7;
	s12 =	smul.u32 $0x2800, s26;
	[smem:$0x7F7] =	sst s6  }
0x8: {  	s0 =	ssub.s32 $0x2, s1;
	[smem:$0x7FA] =	sst s8;
	s19 =	smul.u32 $0x2800, s6  }
0x9: {  	s1 =	sor.u32 s1, s24;
	[smem:$0x7FB] =	sst s9;
	s21 =	smul.u32 $0x2800, s8  }
0xa: {  	s4 =	sor.u32 $0x40, s7;
	s24 =	smul.u32 $0x2800, s9;
	[smem:$0x7EE] =	sst s1  }
0xb: {  	s2 =	sshrl.u32 s0, $0x1;
	s1 =	smul.u32 $0x2800, s25;
	[smem:$0x7F6] =	sst s4  }
0xc: {  	s17 =	smul.u32 $0x2800, s4;
	s0 =	ssub.s32 s0, s2;
	s11 =	sadd.s32 $0x271000, s3  }
0xd: {  	s13 =	sadd.s32 $0x4E2000, s3;
	s18 =	sadd.s32 $0x753000, s3;
	s20 =	sadd.s32 s3, s5  }
0xe: {  	s22 =	sadd.s32 s3, s10;
	s25 =	sadd.s32 s3, s12;
	s28 =	sadd.s32 s3, s19  }
0xf: {  	s29 =	sadd.s32 s3, s21;
	s30 =	sadd.s32 s3, s24;
	[smem:$0x7F0] =	sst s0  }
0x10: {  	s23 =	sadd.s32 s3, s1;
	s26 =	sadd.s32 s3, s17;
	s31 =	sadd.s32 s5, s11  }
0x11: {  	s0 =	sadd.s32 s10, s11;
	s3 =	sadd.s32 s1, s11;
	s2 =	sadd.s32 s12, s11  }
0x12: {  	s4 =	sadd.s32 s17, s11;
	s6 =	sadd.s32 s19, s11;
	s9 =	sadd.s32 s21, s11  }
0x13: {  	s8 =	sadd.s32 s24, s11;
	s14 =	sadd.s32 s5, s13;
	s16 =	sadd.s32 s10, s13  }
0x14: {  	s15 =	sadd.s32 s1, s13;
	s11 =	sadd.s32 s12, s13;
	s5 =	sadd.s32 s5, s18  }
0x15: {  	s10 =	sadd.s32 s10, s18;
	s1 =	sadd.s32 s1, s18;
	[smem:$0x7E0] =	sst s11  }
0x16: {  	s12 =	sadd.s32 s12, s18;
	s11 =	sadd.s32 s17, s13;
	[smem:$0x7E7] =	sst s1  }
0x17: {  	s20 =	sshrl.u32 s20, $0x3;
	s1 =	simm.s32 $0x0;
	[smem:$0x7E1] =	sst s11  }
0x18: {  	s17 =	sadd.s32 s17, s18;
	s11 =	sadd.s32 s19, s13;
	[dreg:$0x7] =	wrdreg s1  }
0x19: {  	[smem:$0x7E2] =	sst s11;
	s11 =	sadd.s32 s21, s13;
	s13 =	sadd.s32 s24, s13  }
0x1a: {  	s19 =	sadd.s32 s19, s18;
	s1 =	sshrl.u32 s22, $0x3;
	[smem:$0x7E4] =	sst s13  }
0x1b: {  	s21 =	sadd.s32 s21, s18;
	s18 =	sadd.s32 s24, s18;
	s13 =	rddreg [dreg:$0x0]  }
0x1c: {  	s24 =	simm.s32 $0x0;
	[smem:$0x7E3] =	sst s11;
	s11 =	sadd.s32 $0x143C00, s13  }
0x1d: {  	s22 =	sshrl.u32 s23, $0x3;
	[smem:$0x7FF] =	sst s24;
	s24 =	sadd.s32 s11, s20  }
0x1e: {  	s23 =	sshrl.u32 s25, $0x3;
	s20 =	sadd.s32 s11, s1;
	[dreg:$0x8] =	wrdreg s24  }
0x1f: {  	s0 =	sshrl.u32 s0, $0x3;
	s25 =	sadd.s32 s11, s23;
	[dreg:$0x9] =	wrdreg s20  }
0x20: {  	s1 =	sshrl.u32 s26, $0x3;
	s0 =	sadd.s32 s11, s0;
	[dreg:$0xb] =	wrdreg s25  }
0x21: {  	s23 =	sshrl.u32 s28, $0x3;
	s24 =	sadd.s32 s11, s22;
	[dreg:$0x11] =	wrdreg s0  }
0x22: {  	s25 =	sadd.s32 s11, s23;
	s23 =	sshrl.u32 s31, $0x3;
	s31 =	rddreg [dreg:$0x2]  }
0x23: {  	s22 =	sadd.s32 s11, s1;
	[dreg:$0xa] =	wrdreg s24  }
0x24: {  	s8 =	sshrl.u32 s8, $0x3;
	s1 =	sshrl.u32 s30, $0x3;
	[dreg:$0xc] =	wrdreg s22  }
0x25: {  	s24 =	sshrl.u32 s29, $0x3;
	[dreg:$0xd] =	wrdreg s25;
	s22 =	sadd.s32 s11, s1  }
0x26: {  	s1 =	sshrl.u32 s4, $0x3;
	s4 =	sshrl.u32 s6, $0x3;
	s29 =	rddreg [dreg:$0x1]  }
0x27: {  	s6 =	sshrl.u32 s9, $0x3;
	s9 =	sadd.s32 s11, s8;
	[dreg:$0xf] =	wrdreg s22  }
0x28: {  	s25 =	sshrl.u32 s3, $0x3;
	[dreg:$0x17] =	wrdreg s9  }
0x29: {  	s0 =	sadd.s32 s11, s25;
	s25 =	sld [smem:$0x7E1]  }
0x2a: {  	s26 =	sadd.s32 s11, s24;
	s9 =	sshrl.u32 s10, $0x3;
	s10 =	sld [smem:$0x7E7]  }
0x2b: {  	s24 =	sadd.s32 s11, s23;
	[dreg:$0xe] =	wrdreg s26  }
0x2c: {  	[dreg:$0x10] =	wrdreg s24  }
0x2d: {  	s3 =	sadd.s32 s11, s1;
	[dreg:$0x12] =	wrdreg s0  }
0x2e: {  	[dreg:$0x14] =	wrdreg s3  }
0x2f: {  	s22 =	sshrl.u32 s15, $0x3;
	s24 =	sld [smem:$0x7E0]  }
0x30: {  	s23 =	sadd.s32 s11, s22;
	s3 =	sld [smem:$0x7E3]  }
0x31: {  	s26 =	sshrl.u32 s2, $0x3;
	[dreg:$0x1a] =	wrdreg s23  }
0x32: {  	s0 =	sadd.s32 s11, s26;
	s26 =	sld [smem:$0x7E2]  }
0x33: {  	[dreg:$0x13] =	wrdreg s0;
	s0 =	sadd.s32 s11, s4  }
0x34: {  	s14 =	sshrl.u32 s14, $0x3;
	[dreg:$0x15] =	wrdreg s0;
	s0 =	sadd.s32 s11, s6  }
0x35: {  	s20 =	sshrl.u32 s16, $0x3;
	[dreg:$0x16] =	wrdreg s0;
	s0 =	sadd.s32 s11, s14  }
0x36: {  	[dreg:$0x18] =	wrdreg s0;
	s0 =	sadd.s32 s11, s20  }
0x37: {  	[dreg:$0x19] =	wrdreg s0;
	s0 =	sshrl.u32 s24, $0x3  }
0x38: {  	s4 =	sld [smem:$0x7E4];
	s0 =	sadd.s32 s11, s0  }
0x39: {  	[dreg:$0x1b] =	wrdreg s0;
	s0 =	sshrl.u32 s25, $0x3  }
0x3a: {  	s6 =	sshrl.u32 s5, $0x3;
	s5 =	rddreg [dreg:$0x5];
	s0 =	sadd.s32 s11, s0  }
0x3b: {  	s8 =	sadd.s32 s11, s6;
	[dreg:$0x1c] =	wrdreg s0;
	s0 =	sshrl.u32 s3, $0x3  }
0x3c: {  	s1 =	sshrl.u32 s26, $0x3;
	[smem:$0x7E5] =	sst s8;
	s0 =	sadd.s32 s11, s0  }
0x3d: {  	s2 =	sadd.s32 s11, s1;
	[dreg:$0x1e] =	wrdreg s0;
	s0 =	sshrl.u32 s4, $0x3  }
0x3e: {  	[dreg:$0x1d] =	wrdreg s2;
	s0 =	sadd.s32 s11, s0  }
0x3f: {  	[dreg:$0x1f] =	wrdreg s0;
	s0 =	sadd.s32 s11, s9  }
0x40: {  	s12 =	sshrl.u32 s12, $0x3;
	[smem:$0x7E6] =	sst s0;
	s0 =	sshrl.u32 s10, $0x3  }
0x41: {  	s16 =	sshrl.u32 s21, $0x3;
	s3 =	rddreg [dreg:$0x4];
	s0 =	sadd.s32 s11, s0  }
0x42: {  	s14 =	sshrl.u32 s17, $0x3;
	[smem:$0x7E8] =	sst s0;
	s0 =	sadd.s32 s11, s12  }
0x43: {  	s15 =	sshrl.u32 s19, $0x3;
	[smem:$0x7E9] =	sst s0;
	s0 =	sadd.s32 s11, s14  }
0x44: {  	s20 =	smul.u32 $0xA000, s7;
	[smem:$0x7EA] =	sst s0;
	s0 =	sadd.s32 s11, s15  }
0x45: {  	s17 =	sshrl.u32 s18, $0x3;
	[smem:$0x7EB] =	sst s0;
	s0 =	sadd.s32 s11, s16  }
0x46: {  	s2 =	sshrl.u32 s20, $0x2;
	[smem:$0x7EC] =	sst s0;
	s0 =	sadd.s32 s11, s17  }
0x47: {  	s26 =	sadd.s32 s2, s3;
	[smem:$0x7ED] =	sst s0  }
0x48: {  	_ =	strace $0x8000004D;
	[smem:$0x7F4] =	sst s26  }
0x49: {  	s18 =	sld [smem:$0x7EE]  }
0x4a: {  	s19 =	sld [smem:$0x7EF]  }
0x4b: {  	p1 =	sne.s32 s7, $0x0;
	s21 =	sld [smem:$0x7F0]  }
0x4c: {  	s28 =	simm.s32 $0x50;
	s30 =	simm.s32 $0x180;
	s22 =	sld [smem:$0x7F2]  }
0x4d: {  	s9 =	sadd.s32 $0x11CA00, s13;
	s24 =	sld [smem:$0x7F3];
	s8 =	smul.u32 $0x2710, s18  }
0x4e: {  	s10 =	sadd.s32 $0xF5800, s13;
	s16 =	sld [smem:$0x7F7];
	s0 =	smul.u32 $0xA000, s19  }
0x4f: {  	s12 =	sadd.s32 $0x1200, s13;
	s20 =	sld [smem:$0x7FA];
	s23 =	smul.u32 $0xA000, s22  }
0x50: {  	s11 =	sadd.s32 $0xCE600, s13;
	s2 =	sld [smem:$0x7F6];
	s25 =	smul.u32 $0xA000, s24  }
0x51: {  	s1 =	smax.u32 s21, $0x1;
	s17 =	smul.u32 $0xA000, s16;
	s22 =	sld [smem:$0x7FB]  }
0x52: {  	s13 =	sadd.s32 $0x28400, s13;
	s21 =	smul.u32 $0xA000, s20;
	[smem:$0x7F1] =	sst s1  }
0x53: {  	s0 =	sshrl.u32 s0, $0x2;
	s14 =	sshrl.u32 s23, $0x2;
	s15 =	sshrl.u32 s25, $0x2  }
0x54: {  	s24 =	sshrl.u32 s17, $0x2;
	s0 =	sadd.s32 s0, s3;
	s18 =	sadd.s32 s14, s3  }
0x55: {  	s19 =	sadd.s32 s15, s3;
	p0 =	sgt.u32 s22, $0x7C;
	s23 =	smul.u32 $0xA000, s22  }
0x56: {  	s6 =	sadd.s32 s24, s3;
	s24 =	simm.s32 $0x1;
	[smem:$0x7F5] =	sst s0  }
0x57: {  	s0 =	smul.u32 $0xA000, s2;
	[smem:$0x7F8] =	sst s18;
	s2 =	sshrl.u32 s21, $0x2  }
0x58: {  	[smem:$0x7F9] =	sst s19;
	s25 =	sadd.s32 s2, s3;
	s26 =	sshrl.u32 s23, $0x2  }
0x59: {  	s23 =	simm.s32 $0x5180;
	s0 =	sshrl.u32 s0, $0x2;
	[smem:$0x7FD] =	sst s25  }
0x5a: {  	s14 =	sadd.s32 s26, s3;
	s25 =	simm.s32 $0x100;
	s0 =	sadd.s32 s0, s3  }
0x5b: {  	v0 =	vimm.f32 $0.0e+00;
	s26 =	simm.s32 $0x80;
	[smem:$0x7FC] =	sst s0;
	s0 =	simm.s32 $0x2980  }
.LBB2_1:
0x5c: {  	s2 =	simm.s32 $0x0;
	s4 =	simm.s32 $0x200  }
.LBB2_2:
0x5d: {  	p2 =	sne.s32 s4, $0x9E00;
	[tilespmem:s2+$0x51F0] =	vst v0  }
0x5e: {  	[tilespmem:s2+$0x5180] =	vst v0  }
0x5f: {  	[tilespmem:s2+$0x5190] =	vst v0  }
.Ltmp0:
0x60: {  	[tilespmem:s2+$0x51A0] =	vst v0;
	(pc) =	sbr.rel @p2 .LBB2_2-.Ltmp0, $4  }
0x61: {  	[tilespmem:s2+$0x51B0] =	vst v0  }
0x62: {  	[tilespmem:s2+$0x51C0] =	vst v0  }
0x63: {  	[tilespmem:s2+$0x51D0] =	vst v0  }
0x64: {  	[tilespmem:s2+$0x51E0] =	vst v0;
	s2 =	sshra.s32 s4, $0x2;
	s4 =	sadd.s32 $0x200, s4  }
0x65: {  	[tilespmem:s2+$0x51F0] =	vst v0  }
0x66: {  	[tilespmem:s2+$0x5180] =	vst v0  }
0x67: {  	[tilespmem:s2+$0x5190] =	vst v0  }
0x68: {  	[tilespmem:s2+$0x51A0] =	vst v0  }
0x69: {  	[tilespmem:s2+$0x51B0] =	vst v0  }
0x6a: {  	[tilespmem:s2+$0x51C0] =	vst v0  }
0x6b: {  	[tilespmem:s2+$0x51D0] =	vst v0  }
0x6c: {  	[tilespmem:s2+$0x51E0] =	vst v0;
	s2 =	sshrl.u32 @!p1 s5, $0x3;
	s4 =	simm.s32 @!p1 $0x1C01;
	s1 =	rddreg [dreg:$0x3]  }
0x6d: {  	[spmem:s2], [sflag:s4] =	dma.local @!p1 [hbm:s1], $0x400  }
0x6e: {  	s2 =	simm.s32 @!p1 $0x1  }
0x6f: {  	_ =	swait.ge @!p1 [sflag:s2], $0x400  }
0x70: {  	s17 =	sld [smem:$0x7F4]  }
0x71: {  	[sflag:s2] =	ssyncset.done @!p1 $0x0  }
0x72: {  	[sflag:s2] =	ssyncadd.s32 @!p1 $0xFFFFFC00  }
0x73: {  	[spmem:s17] =	stream.linear.scatter [tilespmem:s23], [sflag:$0x1], $0x2800, $0x38;
	[tilespmem:$0x1B400] =	vst v63  }
0x74: {  	_ =	swait.ge [sflag:s24], $0x2800  }
0x75: {  	s18 =	sld [smem:$0x7F5]  }
0x76: {  	[sflag:s24] =	ssyncset.done $0x0  }
0x77: {  	[sflag:s24] =	ssyncadd.s32 $0xFFFFD800  }
0x78: {  	[spmem:s18] =	stream.linear.scatter [tilespmem:s23], [sflag:$0x1], $0x2800, $0x38;
	[tilespmem:$0x1B400] =	vst v63  }
0x79: {  	_ =	swait.ge [sflag:s24], $0x2800  }
0x7a: {  	s19 =	sld [smem:$0x7F8]  }
0x7b: {  	[sflag:s24] =	ssyncset.done $0x0  }
0x7c: {  	[sflag:s24] =	ssyncadd.s32 $0xFFFFD800  }
0x7d: {  	[spmem:s19] =	stream.linear.scatter [tilespmem:s23], [sflag:$0x1], $0x2800, $0x38;
	[tilespmem:$0x1B400] =	vst v63  }
0x7e: {  	_ =	swait.ge [sflag:s24], $0x2800  }
0x7f: {  	s20 =	sld [smem:$0x7F9]  }
0x80: {  	[sflag:s24] =	ssyncset.done $0x0  }
0x81: {  	[sflag:s24] =	ssyncadd.s32 $0xFFFFD800  }
0x82: {  	[spmem:s20] =	stream.linear.scatter [tilespmem:s23], [sflag:$0x1], $0x2800, $0x38;
	[tilespmem:$0x1B400] =	vst v63  }
0x83: {  	_ =	swait.ge [sflag:s24], $0x2800  }
0x84: {  	s21 =	sld [smem:$0x7FC]  }
0x85: {  	[sflag:s24] =	ssyncset.done $0x0  }
0x86: {  	[sflag:s24] =	ssyncadd.s32 $0xFFFFD800  }
0x87: {  	[spmem:s21] =	stream.linear.scatter [tilespmem:s23], [sflag:$0x1], $0x2800, $0x38;
	[tilespmem:$0x1B400] =	vst v63  }
0x88: {  	_ =	swait.ge [sflag:s24], $0x2800  }
0x89: {  	[sflag:s24] =	ssyncset.done $0x0  }
0x8a: {  	[sflag:s24] =	ssyncadd.s32 $0xFFFFD800  }
0x8b: {  	[spmem:s6] =	stream.linear.scatter [tilespmem:s23], [sflag:$0x1], $0x2800, $0x38;
	[tilespmem:$0x1B400] =	vst v63  }
0x8c: {  	_ =	swait.ge [sflag:s24], $0x2800  }
0x8d: {  	s22 =	sld [smem:$0x7FD]  }
0x8e: {  	[sflag:s24] =	ssyncset.done $0x0  }
0x8f: {  	[sflag:s24] =	ssyncadd.s32 $0xFFFFD800  }
0x90: {  	[spmem:s22] =	stream.linear.scatter [tilespmem:s23], [sflag:$0x1], $0x2800, $0x38;
	[tilespmem:$0x1B400] =	vst v63  }
0x91: {  	_ =	swait.ge [sflag:s24], $0x2800  }
0x92: {  	[sflag:s24] =	ssyncset.done $0x0  }
0x93: {  	s2 =	simm.s32 @!p0 $0x5180;
	[sflag:s24] =	ssyncadd.s32 $0xFFFFD800  }
0x94: {  	[spmem:s14] =	stream.linear.scatter @!p0 [tilespmem:s2], [sflag:$0x1], $0x2800, $0x38;
	[tilespmem:$0x1B400] =	vst v63  }
0x95: {  	s2 =	simm.s32 @!p0 $0x1  }
0x96: {  	_ =	swait.ge @!p0 [sflag:s2], $0x2800  }
0x97: {  	[sflag:s2] =	ssyncset.done @!p0 $0x0  }
0x98: {  	s16 =	smov.u32 s6;
	s4 =	simm.s32 $0x0;
	[sflag:s2] =	ssyncadd.s32 @!p0 $0xFFFFD800  }
0x99: {  	s18 =	smov.u32 s14;
	s2 =	simm.s32 $0x0;
	[bflag:$0x0] =	sbarrier.arrive $0xFFFF  }
.LBB2_4:
0x9a: {  	s6 =	smul.u32 $0x50, s4;
	_ =	sdelay $0x1  }
0x9b: {  	s6 =	sadd.s32 s8, s6  }
0x9c: {  	s6 =	sshrl.u32 s6, $0x3  }
0x9d: {  	s7 =	sadd.s32 s13, s6  }
0x9e: {  	[tilespmem:s2], [sflag:$0x1] =	stream.linear.gather [hbm4b:s7+s2], $0x50, $0x38;
	[tilespmem:$0x1B400] =	vst v63  }
0x9f: {  	_ =	swait.ge [sflag:s24], $0x50  }
0xa0: {  	[sflag:s24] =	ssyncset.done $0x0  }
0xa1: {  	s22 =	sadd.s32 s31, s6;
	[sflag:s24] =	ssyncadd.s32 $0xFFFFFFB0  }
0xa2: {  	[tilespmem:s25], [sflag:$0x1] =	stream.linear.gather [hbm4b:s22+s2], $0x50, $0x38;
	[tilespmem:$0x1B400] =	vst v63  }
0xa3: {  	_ =	swait.ge [sflag:s24], $0x50  }
0xa4: {  	[sflag:s24] =	ssyncset.done $0x0  }
0xa5: {  	s6 =	sadd.s32 s29, s6;
	[sflag:s24] =	ssyncadd.s32 $0xFFFFFFB0  }
0xa6: {  	[tilespmem:s26], [sflag:$0x1] =	stream.linear.gather [hbm4b:s6+s2], $0x50, $0x38;
	[tilespmem:$0x1B400] =	vst v63  }
0xa7: {  	_ =	swait.ge [sflag:s24], $0x50  }
0xa8: {  	[sflag:s24] =	ssyncset.done $0x0  }
0xa9: {  	[sflag:s24] =	ssyncadd.s32 $0xFFFFFFB0  }
0xaa: {  	[tilespmem:s30], [sflag:$0x1] =	stream.indirect.gather [hbm4b:s9+s28], $0x80, s2, s28, $0xb8;
	[tilespmem:$0x1B400] =	vst v63  }
0xab: {  	_ =	swait.ge [sflag:s24], $0x2800  }
0xac: {  	[sflag:s24] =	ssyncset.done $0x0  }
0xad: {  	[sflag:s24] =	ssyncadd.s32 $0xFFFFD800  }
0xae: {  	[tilespmem:s0], [sflag:$0x1] =	stream.indirect.gather [spmem:s5], $0x80, s25, s28, $0xb8;
	[tilespmem:$0x1B400] =	vst v63  }
0xaf: {  	_ =	swait.ge [sflag:s24], $0x2800  }
0xb0: {  	[sflag:s24] =	ssyncset.done $0x0  }
0xb1: {  	s6 =	simm.s32 $0x0;
	[sflag:s24] =	ssyncadd.s32 $0xFFFFD800  }
0xb2: {  	v8 =	vld [tilespmem:s6+$0x2980]  }
0xb3: {  	v12 =	vld [tilespmem:s6+$0x2990]  }
0xb4: {  	v6 =	vld [tilespmem:s6+$0x29A0]  }
0xb5: {  	v5 =	vld [tilespmem:s6+$0x29B0]  }
0xb6: {  	v4 =	vld [tilespmem:s6+$0x29C0]  }
0xb7: {  	v3 =	vld [tilespmem:s6+$0x29D0]  }
0xb8: {  	v2 =	vld [tilespmem:s6+$0x29E0]  }
0xb9: {  	v1 =	vld [tilespmem:s6+$0x29F0]  }
0xba: {  	v13 =	vld [tilespmem:s6+$0x180]  }
0xbb: {  	v14 =	vld [tilespmem:s6+$0x190]  }
0xbc: {  	v11 =	vld [tilespmem:s6+$0x1A0]  }
0xbd: {  	v10 =	vld [tilespmem:s6+$0x1B0]  }
0xbe: {  	v9 =	vld [tilespmem:s6+$0x1C0]  }
0xbf: {  	v7 =	vld [tilespmem:s6+$0x1D0];
	v13 =	vmul.f32 v8, v13  }
0xc0: {  	s7 =	simm.s32 $0x200;
	v12 =	vmul.f32 v12, v14;
	v8 =	vld [tilespmem:s6+$0x1E0]  }
.LBB2_5:
0xc1: {  	s14 =	sshra.s32 s7, $0x2;
	p2 =	sne.s32 s7, $0x9E00;
	[tilespmem:s6+$0x180] =	vst v13;
	v6 =	vmul.f32 v6, v11;
	v11 =	vld [tilespmem:s6+$0x1F0]  }
0xc2: {  	v13 =	vld [tilespmem:s14+$0x2980];
	[tilespmem:s6+$0x190] =	vst v12;
	v5 =	vmul.f32 v5, v10  }
0xc3: {  	v12 =	vld [tilespmem:s14+$0x2990];
	[tilespmem:s6+$0x1A0] =	vst v6;
	v4 =	vmul.f32 v4, v9  }
0xc4: {  	v6 =	vld [tilespmem:s14+$0x29A0];
	[tilespmem:s6+$0x1B0] =	vst v5;
	v3 =	vmul.f32 v3, v7  }
0xc5: {  	v5 =	vld [tilespmem:s14+$0x29B0];
	[tilespmem:s6+$0x1C0] =	vst v4;
	v2 =	vmul.f32 v2, v8  }
0xc6: {  	v4 =	vld [tilespmem:s14+$0x29C0];
	[tilespmem:s6+$0x1D0] =	vst v3;
	v1 =	vmul.f32 v1, v11  }
0xc7: {  	v3 =	vld [tilespmem:s14+$0x29D0];
	[tilespmem:s6+$0x1E0] =	vst v2  }
0xc8: {  	v2 =	vld [tilespmem:s14+$0x29E0];
	[tilespmem:s6+$0x1F0] =	vst v1;
	s6 =	smov.u32 s14  }
0xc9: {  	v1 =	vld [tilespmem:s6+$0x29F0]  }
0xca: {  	v7 =	vld [tilespmem:s6+$0x180]  }
0xcb: {  	v8 =	vld [tilespmem:s6+$0x190]  }
.Ltmp1:
0xcc: {  	v11 =	vld [tilespmem:s6+$0x1A0];
	(pc) =	sbr.rel @p2 .LBB2_5-.Ltmp1, $4  }
0xcd: {  	v10 =	vld [tilespmem:s6+$0x1B0]  }
0xce: {  	v9 =	vld [tilespmem:s6+$0x1C0]  }
0xcf: {  	v13 =	vmul.f32 v13, v7;
	v7 =	vld [tilespmem:s6+$0x1D0]  }
0xd0: {  	s7 =	sadd.s32 $0x200, s7;
	v12 =	vmul.f32 v12, v8;
	v8 =	vld [tilespmem:s6+$0x1E0]  }
0xd1: {  	[tilespmem:s6+$0x180] =	vst v13;
	v6 =	vmul.f32 v6, v11;
	v63 =	vld [tilespmem:s6+$0x1F0]  }
0xd2: {  	[tilespmem:s6+$0x190] =	vst v12;
	v5 =	vmul.f32 v5, v10  }
0xd3: {  	[tilespmem:s6+$0x1A0] =	vst v6;
	v4 =	vmul.f32 v4, v9  }
0xd4: {  	[tilespmem:s6+$0x1B0] =	vst v5;
	v3 =	vmul.f32 v3, v7  }
0xd5: {  	[tilespmem:s6+$0x1C0] =	vst v4;
	v2 =	vmul.f32 v2, v8  }
0xd6: {  	s4 =	sadd.s32 $0x1, s4;
	[tilespmem:s6+$0x1D0] =	vst v3;
	v1 =	vmul.f32 v1, v63  }
0xd7: {  	p2 =	sne.s32 s4, $0x7D;
	[tilespmem:s6+$0x1E0] =	vst v2  }
.Ltmp2:
0xd8: {  	[tilespmem:s6+$0x1F0] =	vst v1;
	(pc) =	sbr.rel @p2 .LBB2_4-.Ltmp2, $4  }
0xd9: {  	[spmem:s3] =	stream.indirect.scatter.add.f32 [tilespmem:s30], [sflag:$0x1], $0x80, s26, s28, $0xb8;
	[tilespmem:$0x1B400] =	vst v63  }
0xda: {  	_ =	swait.ge [sflag:s24], $0x2800  }
0xdb: {  	[sflag:s24] =	ssyncset.done $0x0  }
0xdc: {  	[sflag:s24] =	ssyncadd.s32 $0xFFFFD800  }
0xdd: {  	[bflag:$0x0] =	sbarrier.arrive $0xFFFF  }
0xde: {  	s20 =	sld [smem:$0x7F4];
	_ =	sdelay $0x1  }
0xdf: {  	s1 =	stileid.u32  }
0xe0: {  	s2 =	sshll.u32 s1, $0x6;
	s17 =	rddreg [dreg:$0x8];
	s4 =	sshrl.u32 s20, $0x3  }
0xe1: {  	s2 =	sor.u32 $0x1C01, s2;
	[smem:$0x7DB] =	sst s4  }
0xe2: {  	[hbm:s17], [sflag:s2] =	dma.local [spmem:s4], $0x500  }
0xe3: {  	_ =	swait.ge [sflag:s24], $0x500  }
0xe4: {  	s21 =	sld [smem:$0x7F5];
	_ =	sdelay $0x1  }
0xe5: {  	[sflag:s24] =	ssyncset.done $0x0  }
0xe6: {  	s22 =	rddreg [dreg:$0x9];
	[sflag:s24] =	ssyncadd.s32 $0xFFFFFB00;
	s19 =	sshrl.u32 s21, $0x3  }
0xe7: {  	[hbm:s22], [sflag:s2] =	dma.local [spmem:s19], $0x500  }
0xe8: {  	_ =	swait.ge [sflag:s24], $0x500  }
0xe9: {  	s22 =	sld [smem:$0x7F8];
	_ =	sdelay $0x1  }
0xea: {  	[sflag:s24] =	ssyncset.done $0x0  }
0xeb: {  	s6 =	rddreg [dreg:$0xa];
	[sflag:s24] =	ssyncadd.s32 $0xFFFFFB00;
	s1 =	sshrl.u32 s22, $0x3  }
0xec: {  	[hbm:s6], [sflag:s2] =	dma.local [spmem:s1], $0x500  }
0xed: {  	_ =	swait.ge [sflag:s24], $0x500  }
0xee: {  	s4 =	sld [smem:$0x7F9];
	_ =	sdelay $0x1  }
0xef: {  	[sflag:s24] =	ssyncset.done $0x0  }
0xf0: {  	s14 =	rddreg [dreg:$0xb];
	[sflag:s24] =	ssyncadd.s32 $0xFFFFFB00;
	s6 =	sshrl.u32 s4, $0x3  }
0xf1: {  	[hbm:s14], [sflag:s2] =	dma.local [spmem:s6], $0x500  }
0xf2: {  	_ =	swait.ge [sflag:s24], $0x500  }
0xf3: {  	s15 =	smov.u32 s6;
	s6 =	sld [smem:$0x7FC];
	_ =	sdelay $0x1  }
0xf4: {  	s7 =	smov.u32 s19  }
0xf5: {  	[sflag:s24] =	ssyncset.done $0x0;
	s19 =	rddreg [dreg:$0xc];
	s14 =	sshrl.u32 s6, $0x3  }
0xf6: {  	[sflag:s24] =	ssyncadd.s32 $0xFFFFFB00;
	[smem:$0x7DC] =	sst s14  }
0xf7: {  	[hbm:s19], [sflag:s2] =	dma.local [spmem:s14], $0x500  }
0xf8: {  	s17 =	smov.u32 s1;
	_ =	swait.ge [sflag:s24], $0x500  }
0xf9: {  	s1 =	sshrl.u32 s16, $0x3;
	[sflag:s24] =	ssyncset.done $0x0;
	s19 =	rddreg [dreg:$0xd]  }
0xfa: {  	[smem:$0x7DD] =	sst s1;
	[sflag:s24] =	ssyncadd.s32 $0xFFFFFB00  }
0xfb: {  	[hbm:s19], [sflag:s2] =	dma.local [spmem:s1], $0x500  }
0xfc: {  	_ =	swait.ge [sflag:s24], $0x500  }
0xfd: {  	s14 =	sld [smem:$0x7FD];
	_ =	sdelay $0x2  }
0xfe: {  	[sflag:s24] =	ssyncset.done $0x0;
	s1 =	rddreg [dreg:$0xe];
	s19 =	sshrl.u32 s14, $0x3  }
0xff: {  	[sflag:s24] =	ssyncadd.s32 $0xFFFFFB00;
	[smem:$0x7DE] =	sst s19  }
0x100: {  	[hbm:s1], [sflag:s2] =	dma.local [spmem:s19], $0x500  }
0x101: {  	_ =	swait.ge [sflag:s24], $0x500  }
0x102: {  	s19 =	sshrl.u32 @!p0 s18, $0x3;
	[sflag:s24] =	ssyncset.done $0x0;
	s1 =	rddreg [dreg:$0xf]  }
0x103: {  	[smem:$0x7DF] =	sst s19;
	[sflag:s24] =	ssyncadd.s32 $0xFFFFFB00  }
0x104: {  	[hbm:s1], [sflag:s2] =	dma.local @!p0 [spmem:s19], $0x500  }
0x105: {  	s19 =	simm.s32 @!p0 $0x1  }
0x106: {  	_ =	swait.ge @!p0 [sflag:s19], $0x500  }
0x107: {  	[sflag:s19] =	ssyncset.done @!p0 $0x0  }
0x108: {  	[sflag:s19] =	ssyncadd.s32 @!p0 $0xFFFFFB00  }
0x109: {  	[bflag:$0x0] =	sbarrier.arrive $0xFFFF  }
0x10a: {  	[spmem:s20] =	stream.linear.scatter [tilespmem:s23], [sflag:$0x1], $0x2800, $0x38;
	[tilespmem:$0x1B400] =	vst v63  }
0x10b: {  	_ =	swait.ge [sflag:s24], $0x2800  }
0x10c: {  	[sflag:s24] =	ssyncset.done $0x0  }
0x10d: {  	[sflag:s24] =	ssyncadd.s32 $0xFFFFD800  }
0x10e: {  	[spmem:s21] =	stream.linear.scatter [tilespmem:s23], [sflag:$0x1], $0x2800, $0x38;
	[tilespmem:$0x1B400] =	vst v63  }
0x10f: {  	_ =	swait.ge [sflag:s24], $0x2800  }
0x110: {  	[sflag:s24] =	ssyncset.done $0x0  }
0x111: {  	[sflag:s24] =	ssyncadd.s32 $0xFFFFD800  }
0x112: {  	[spmem:s22] =	stream.linear.scatter [tilespmem:s23], [sflag:$0x1], $0x2800, $0x38;
	[tilespmem:$0x1B400] =	vst v63  }
0x113: {  	_ =	swait.ge [sflag:s24], $0x2800  }
0x114: {  	[sflag:s24] =	ssyncset.done $0x0  }
0x115: {  	[sflag:s24] =	ssyncadd.s32 $0xFFFFD800  }
0x116: {  	[spmem:s4] =	stream.linear.scatter [tilespmem:s23], [sflag:$0x1], $0x2800, $0x38;
	[tilespmem:$0x1B400] =	vst v63  }
0x117: {  	_ =	swait.ge [sflag:s24], $0x2800  }
0x118: {  	[sflag:s24] =	ssyncset.done $0x0  }
0x119: {  	[sflag:s24] =	ssyncadd.s32 $0xFFFFD800  }
0x11a: {  	[spmem:s6] =	stream.linear.scatter [tilespmem:s23], [sflag:$0x1], $0x2800, $0x38;
	[tilespmem:$0x1B400] =	vst v63  }
0x11b: {  	_ =	swait.ge [sflag:s24], $0x2800  }
0x11c: {  	[sflag:s24] =	ssyncset.done $0x0  }
0x11d: {  	[sflag:s24] =	ssyncadd.s32 $0xFFFFD800  }
0x11e: {  	[spmem:s16] =	stream.linear.scatter [tilespmem:s23], [sflag:$0x1], $0x2800, $0x38;
	[tilespmem:$0x1B400] =	vst v63  }
0x11f: {  	_ =	swait.ge [sflag:s24], $0x2800  }
0x120: {  	[sflag:s24] =	ssyncset.done $0x0  }
0x121: {  	[sflag:s24] =	ssyncadd.s32 $0xFFFFD800  }
0x122: {  	[spmem:s14] =	stream.linear.scatter [tilespmem:s23], [sflag:$0x1], $0x2800, $0x38;
	[tilespmem:$0x1B400] =	vst v63  }
0x123: {  	_ =	swait.ge [sflag:s24], $0x2800  }
0x124: {  	[sflag:s24] =	ssyncset.done $0x0  }
0x125: {  	s20 =	simm.s32 @!p0 $0x5180;
	[sflag:s24] =	ssyncadd.s32 $0xFFFFD800  }
0x126: {  	[spmem:s18] =	stream.linear.scatter @!p0 [tilespmem:s20], [sflag:$0x1], $0x2800, $0x38;
	[tilespmem:$0x1B400] =	vst v63  }
0x127: {  	_ =	swait.ge @!p0 [sflag:s19], $0x2800  }
0x128: {  	[sflag:s19] =	ssyncset.done @!p0 $0x0  }
0x129: {  	s6 =	smov.u32 s16;
	s14 =	smov.u32 s18;
	[sflag:s19] =	ssyncadd.s32 @!p0 $0xFFFFD800  }
0x12a: {  	s20 =	simm.s32 $0x0;
	s19 =	simm.s32 $0x0;
	[bflag:$0x0] =	sbarrier.arrive $0xFFFF  }
.LBB2_8:
0x12b: {  	s21 =	smul.u32 $0x50, s20;
	_ =	sdelay $0x1  }
0x12c: {  	s21 =	sadd.s32 s8, s21  }
0x12d: {  	s21 =	sshrl.u32 s21, $0x3  }
0x12e: {  	s22 =	sadd.s32 s13, s21  }
0x12f: {  	[tilespmem:s19], [sflag:$0x1] =	stream.linear.gather [hbm4b:s22+s19], $0x50, $0x38;
	[tilespmem:$0x1B400] =	vst v63  }
0x130: {  	_ =	swait.ge [sflag:s24], $0x50  }
0x131: {  	[sflag:s24] =	ssyncset.done $0x0  }
0x132: {  	s18 =	sadd.s32 s31, s21;
	[sflag:s24] =	ssyncadd.s32 $0xFFFFFFB0  }
0x133: {  	[tilespmem:s25], [sflag:$0x1] =	stream.linear.gather [hbm4b:s18+s19], $0x50, $0x38;
	[tilespmem:$0x1B400] =	vst v63  }
0x134: {  	_ =	swait.ge [sflag:s24], $0x50  }
0x135: {  	[sflag:s24] =	ssyncset.done $0x0  }
0x136: {  	s21 =	sadd.s32 s29, s21;
	[sflag:s24] =	ssyncadd.s32 $0xFFFFFFB0  }
0x137: {  	[tilespmem:s26], [sflag:$0x1] =	stream.linear.gather [hbm4b:s21+s19], $0x50, $0x38;
	[tilespmem:$0x1B400] =	vst v63  }
0x138: {  	_ =	swait.ge [sflag:s24], $0x50  }
0x139: {  	[sflag:s24] =	ssyncset.done $0x0  }
0x13a: {  	[sflag:s24] =	ssyncadd.s32 $0xFFFFFFB0  }
0x13b: {  	[tilespmem:s30], [sflag:$0x1] =	stream.indirect.gather [hbm4b:s10+s28], $0x80, s19, s28, $0xb8;
	[tilespmem:$0x1B400] =	vst v63  }
0x13c: {  	_ =	swait.ge [sflag:s24], $0x2800  }
0x13d: {  	[sflag:s24] =	ssyncset.done $0x0  }
0x13e: {  	[sflag:s24] =	ssyncadd.s32 $0xFFFFD800  }
0x13f: {  	[tilespmem:s0], [sflag:$0x1] =	stream.indirect.gather [spmem:s5], $0x80, s25, s28, $0xb8;
	[tilespmem:$0x1B400] =	vst v63  }
0x140: {  	_ =	swait.ge [sflag:s24], $0x2800  }
0x141: {  	[sflag:s24] =	ssyncset.done $0x0  }
0x142: {  	s21 =	simm.s32 $0x0;
	[sflag:s24] =	ssyncadd.s32 $0xFFFFD800  }
0x143: {  	v8 =	vld [tilespmem:s21+$0x2980]  }
0x144: {  	v12 =	vld [tilespmem:s21+$0x2990]  }
0x145: {  	v6 =	vld [tilespmem:s21+$0x29A0]  }
0x146: {  	v5 =	vld [tilespmem:s21+$0x29B0]  }
0x147: {  	v4 =	vld [tilespmem:s21+$0x29C0]  }
0x148: {  	v3 =	vld [tilespmem:s21+$0x29D0]  }
0x149: {  	v2 =	vld [tilespmem:s21+$0x29E0]  }
0x14a: {  	v1 =	vld [tilespmem:s21+$0x29F0]  }
0x14b: {  	v13 =	vld [tilespmem:s21+$0x180]  }
0x14c: {  	v14 =	vld [tilespmem:s21+$0x190]  }
0x14d: {  	v11 =	vld [tilespmem:s21+$0x1A0]  }
0x14e: {  	v10 =	vld [tilespmem:s21+$0x1B0]  }
0x14f: {  	v9 =	vld [tilespmem:s21+$0x1C0]  }
0x150: {  	v7 =	vld [tilespmem:s21+$0x1D0];
	v13 =	vmul.f32 v8, v13  }
0x151: {  	s22 =	simm.s32 $0x200;
	v12 =	vmul.f32 v12, v14;
	v8 =	vld [tilespmem:s21+$0x1E0]  }
.LBB2_9:
0x152: {  	s1 =	sshra.s32 s22, $0x2;
	p2 =	sne.s32 s22, $0x9E00;
	[tilespmem:s21+$0x180] =	vst v13;
	v6 =	vmul.f32 v6, v11;
	v11 =	vld [tilespmem:s21+$0x1F0]  }
0x153: {  	v13 =	vld [tilespmem:s1+$0x2980];
	[tilespmem:s21+$0x190] =	vst v12;
	v5 =	vmul.f32 v5, v10  }
0x154: {  	v12 =	vld [tilespmem:s1+$0x2990];
	[tilespmem:s21+$0x1A0] =	vst v6;
	v4 =	vmul.f32 v4, v9  }
0x155: {  	v6 =	vld [tilespmem:s1+$0x29A0];
	[tilespmem:s21+$0x1B0] =	vst v5;
	v3 =	vmul.f32 v3, v7  }
0x156: {  	v5 =	vld [tilespmem:s1+$0x29B0];
	[tilespmem:s21+$0x1C0] =	vst v4;
	v2 =	vmul.f32 v2, v8  }
0x157: {  	v4 =	vld [tilespmem:s1+$0x29C0];
	[tilespmem:s21+$0x1D0] =	vst v3;
	v1 =	vmul.f32 v1, v11  }
0x158: {  	v3 =	vld [tilespmem:s1+$0x29D0];
	[tilespmem:s21+$0x1E0] =	vst v2  }
0x159: {  	v2 =	vld [tilespmem:s1+$0x29E0];
	[tilespmem:s21+$0x1F0] =	vst v1;
	s21 =	smov.u32 s1  }
0x15a: {  	v1 =	vld [tilespmem:s21+$0x29F0]  }
0x15b: {  	v7 =	vld [tilespmem:s21+$0x180]  }
0x15c: {  	v8 =	vld [tilespmem:s21+$0x190]  }
.Ltmp3:
0x15d: {  	v11 =	vld [tilespmem:s21+$0x1A0];
	(pc) =	sbr.rel @p2 .LBB2_9-.Ltmp3, $4  }
0x15e: {  	v10 =	vld [tilespmem:s21+$0x1B0]  }
0x15f: {  	v9 =	vld [tilespmem:s21+$0x1C0]  }
0x160: {  	v13 =	vmul.f32 v13, v7;
	v7 =	vld [tilespmem:s21+$0x1D0]  }
0x161: {  	s22 =	sadd.s32 $0x200, s22;
	v12 =	vmul.f32 v12, v8;
	v8 =	vld [tilespmem:s21+$0x1E0]  }
0x162: {  	[tilespmem:s21+$0x180] =	vst v13;
	v6 =	vmul.f32 v6, v11;
	v63 =	vld [tilespmem:s21+$0x1F0]  }
0x163: {  	[tilespmem:s21+$0x190] =	vst v12;
	v5 =	vmul.f32 v5, v10  }
0x164: {  	[tilespmem:s21+$0x1A0] =	vst v6;
	v4 =	vmul.f32 v4, v9  }
0x165: {  	[tilespmem:s21+$0x1B0] =	vst v5;
	v3 =	vmul.f32 v3, v7  }
0x166: {  	[tilespmem:s21+$0x1C0] =	vst v4;
	v2 =	vmul.f32 v2, v8  }
0x167: {  	s20 =	sadd.s32 $0x1, s20;
	[tilespmem:s21+$0x1D0] =	vst v3;
	v1 =	vmul.f32 v1, v63  }
0x168: {  	p2 =	sne.s32 s20, $0x7D;
	[tilespmem:s21+$0x1E0] =	vst v2  }
.Ltmp4:
0x169: {  	[tilespmem:s21+$0x1F0] =	vst v1;
	(pc) =	sbr.rel @p2 .LBB2_8-.Ltmp4, $4  }
0x16a: {  	[spmem:s3] =	stream.indirect.scatter.add.f32 [tilespmem:s30], [sflag:$0x1], $0x80, s26, s28, $0xb8;
	[tilespmem:$0x1B400] =	vst v63  }
0x16b: {  	_ =	swait.ge [sflag:s24], $0x2800  }
0x16c: {  	[sflag:s24] =	ssyncset.done $0x0  }
0x16d: {  	[sflag:s24] =	ssyncadd.s32 $0xFFFFD800  }
0x16e: {  	[bflag:$0x0] =	sbarrier.arrive $0xFFFF  }
0x16f: {  	s16 =	sld [smem:$0x7DB];
	_ =	sdelay $0x1  }
0x170: {  	s1 =	rddreg [dreg:$0x10]  }
0x171: {  	[hbm:s1], [sflag:s2] =	dma.local [spmem:s16], $0x500  }
0x172: {  	_ =	swait.ge [sflag:s24], $0x500  }
0x173: {  	[sflag:s24] =	ssyncset.done $0x0  }
0x174: {  	s20 =	rddreg [dreg:$0x11];
	[sflag:s24] =	ssyncadd.s32 $0xFFFFFB00  }
0x175: {  	[hbm:s20], [sflag:s2] =	dma.local [spmem:s7], $0x500  }
0x176: {  	_ =	swait.ge [sflag:s24], $0x500  }
0x177: {  	[sflag:s24] =	ssyncset.done $0x0  }
0x178: {  	s21 =	rddreg [dreg:$0x12];
	[sflag:s24] =	ssyncadd.s32 $0xFFFFFB00  }
0x179: {  	[hbm:s21], [sflag:s2] =	dma.local [spmem:s17], $0x500  }
0x17a: {  	_ =	swait.ge [sflag:s24], $0x500  }
0x17b: {  	[sflag:s24] =	ssyncset.done $0x0  }
0x17c: {  	s22 =	rddreg [dreg:$0x13];
	[sflag:s24] =	ssyncadd.s32 $0xFFFFFB00  }
0x17d: {  	[hbm:s22], [sflag:s2] =	dma.local [spmem:s15], $0x500  }
0x17e: {  	_ =	swait.ge [sflag:s24], $0x500  }
0x17f: {  	s18 =	sld [smem:$0x7DC]  }
0x180: {  	[sflag:s24] =	ssyncset.done $0x0  }
0x181: {  	s4 =	rddreg [dreg:$0x14];
	[sflag:s24] =	ssyncadd.s32 $0xFFFFFB00  }
0x182: {  	[hbm:s4], [sflag:s2] =	dma.local [spmem:s18], $0x500  }
0x183: {  	_ =	swait.ge [sflag:s24], $0x500  }
0x184: {  	s4 =	sld [smem:$0x7DD]  }
0x185: {  	[sflag:s24] =	ssyncset.done $0x0  }
0x186: {  	s19 =	rddreg [dreg:$0x15];
	[sflag:s24] =	ssyncadd.s32 $0xFFFFFB00  }
0x187: {  	[hbm:s19], [sflag:s2] =	dma.local [spmem:s4], $0x500  }
0x188: {  	_ =	swait.ge [sflag:s24], $0x500  }
0x189: {  	s21 =	sld [smem:$0x7DE]  }
0x18a: {  	[sflag:s24] =	ssyncset.done $0x0  }
0x18b: {  	s20 =	rddreg [dreg:$0x16];
	[sflag:s24] =	ssyncadd.s32 $0xFFFFFB00  }
0x18c: {  	[hbm:s20], [sflag:s2] =	dma.local [spmem:s21], $0x500  }
0x18d: {  	_ =	swait.ge [sflag:s24], $0x500  }
0x18e: {  	s4 =	sld [smem:$0x7DF]  }
0x18f: {  	[sflag:s24] =	ssyncset.done $0x0  }
0x190: {  	s1 =	rddreg [dreg:$0x17];
	[sflag:s24] =	ssyncadd.s32 $0xFFFFFB00  }
0x191: {  	[hbm:s1], [sflag:s2] =	dma.local @!p0 [spmem:s4], $0x500  }
0x192: {  	s1 =	simm.s32 @!p0 $0x1  }
0x193: {  	_ =	swait.ge @!p0 [sflag:s1], $0x500  }
0x194: {  	[sflag:s1] =	ssyncset.done @!p0 $0x0  }
0x195: {  	[sflag:s1] =	ssyncadd.s32 @!p0 $0xFFFFFB00  }
0x196: {  	[bflag:$0x0] =	sbarrier.arrive $0xFFFF  }
0x197: {  	s19 =	sld [smem:$0x7F4];
	_ =	sdelay $0x2  }
0x198: {  	[spmem:s19] =	stream.linear.scatter [tilespmem:s23], [sflag:$0x1], $0x2800, $0x38;
	[tilespmem:$0x1B400] =	vst v63  }
0x199: {  	_ =	swait.ge [sflag:s24], $0x2800  }
0x19a: {  	s22 =	sld [smem:$0x7F5]  }
0x19b: {  	[sflag:s24] =	ssyncset.done $0x0  }
0x19c: {  	[sflag:s24] =	ssyncadd.s32 $0xFFFFD800  }
0x19d: {  	[spmem:s22] =	stream.linear.scatter [tilespmem:s23], [sflag:$0x1], $0x2800, $0x38;
	[tilespmem:$0x1B400] =	vst v63  }
0x19e: {  	_ =	swait.ge [sflag:s24], $0x2800  }
0x19f: {  	s4 =	sld [smem:$0x7F8]  }
0x1a0: {  	[sflag:s24] =	ssyncset.done $0x0  }
0x1a1: {  	[sflag:s24] =	ssyncadd.s32 $0xFFFFD800  }
0x1a2: {  	[spmem:s4] =	stream.linear.scatter [tilespmem:s23], [sflag:$0x1], $0x2800, $0x38;
	[tilespmem:$0x1B400] =	vst v63  }
0x1a3: {  	_ =	swait.ge [sflag:s24], $0x2800  }
0x1a4: {  	s20 =	sld [smem:$0x7F9]  }
0x1a5: {  	[sflag:s24] =	ssyncset.done $0x0  }
0x1a6: {  	[sflag:s24] =	ssyncadd.s32 $0xFFFFD800  }
0x1a7: {  	[spmem:s20] =	stream.linear.scatter [tilespmem:s23], [sflag:$0x1], $0x2800, $0x38;
	[tilespmem:$0x1B400] =	vst v63  }
0x1a8: {  	_ =	swait.ge [sflag:s24], $0x2800  }
0x1a9: {  	s21 =	sld [smem:$0x7FC]  }
0x1aa: {  	[sflag:s24] =	ssyncset.done $0x0  }
0x1ab: {  	[sflag:s24] =	ssyncadd.s32 $0xFFFFD800  }
0x1ac: {  	[spmem:s21] =	stream.linear.scatter [tilespmem:s23], [sflag:$0x1], $0x2800, $0x38;
	[tilespmem:$0x1B400] =	vst v63  }
0x1ad: {  	_ =	swait.ge [sflag:s24], $0x2800  }
0x1ae: {  	[sflag:s24] =	ssyncset.done $0x0  }
0x1af: {  	[sflag:s24] =	ssyncadd.s32 $0xFFFFD800  }
0x1b0: {  	[spmem:s6] =	stream.linear.scatter [tilespmem:s23], [sflag:$0x1], $0x2800, $0x38;
	[tilespmem:$0x1B400] =	vst v63  }
0x1b1: {  	_ =	swait.ge [sflag:s24], $0x2800  }
0x1b2: {  	s22 =	sld [smem:$0x7FD]  }
0x1b3: {  	[sflag:s24] =	ssyncset.done $0x0  }
0x1b4: {  	[sflag:s24] =	ssyncadd.s32 $0xFFFFD800  }
0x1b5: {  	[spmem:s22] =	stream.linear.scatter [tilespmem:s23], [sflag:$0x1], $0x2800, $0x38;
	[tilespmem:$0x1B400] =	vst v63  }
0x1b6: {  	_ =	swait.ge [sflag:s24], $0x2800  }
0x1b7: {  	[sflag:s24] =	ssyncset.done $0x0  }
0x1b8: {  	s19 =	simm.s32 @!p0 $0x5180;
	[sflag:s24] =	ssyncadd.s32 $0xFFFFD800  }
0x1b9: {  	[spmem:s14] =	stream.linear.scatter @!p0 [tilespmem:s19], [sflag:$0x1], $0x2800, $0x38;
	[tilespmem:$0x1B400] =	vst v63  }
0x1ba: {  	_ =	swait.ge @!p0 [sflag:s1], $0x2800  }
0x1bb: {  	[sflag:s1] =	ssyncset.done @!p0 $0x0  }
0x1bc: {  	[sflag:s1] =	ssyncadd.s32 @!p0 $0xFFFFD800  }
0x1bd: {  	s20 =	simm.s32 $0x0;
	s19 =	simm.s32 $0x0;
	[bflag:$0x0] =	sbarrier.arrive $0xFFFF  }
.LBB2_12:
0x1be: {  	s1 =	smul.u32 $0x50, s20;
	_ =	sdelay $0x1  }
0x1bf: {  	s1 =	sadd.s32 s8, s1  }
0x1c0: {  	s1 =	sshrl.u32 s1, $0x3  }
0x1c1: {  	s21 =	sadd.s32 s13, s1  }
0x1c2: {  	[tilespmem:s19], [sflag:$0x1] =	stream.linear.gather [hbm4b:s21+s19], $0x50, $0x38;
	[tilespmem:$0x1B400] =	vst v63  }
0x1c3: {  	_ =	swait.ge [sflag:s24], $0x50  }
0x1c4: {  	[sflag:s24] =	ssyncset.done $0x0  }
0x1c5: {  	s22 =	sadd.s32 s31, s1;
	[sflag:s24] =	ssyncadd.s32 $0xFFFFFFB0  }
0x1c6: {  	[tilespmem:s25], [sflag:$0x1] =	stream.linear.gather [hbm4b:s22+s19], $0x50, $0x38;
	[tilespmem:$0x1B400] =	vst v63  }
0x1c7: {  	_ =	swait.ge [sflag:s24], $0x50  }
0x1c8: {  	[sflag:s24] =	ssyncset.done $0x0  }
0x1c9: {  	s1 =	sadd.s32 s29, s1;
	[sflag:s24] =	ssyncadd.s32 $0xFFFFFFB0  }
0x1ca: {  	[tilespmem:s26], [sflag:$0x1] =	stream.linear.gather [hbm4b:s1+s19], $0x50, $0x38;
	[tilespmem:$0x1B400] =	vst v63  }
0x1cb: {  	_ =	swait.ge [sflag:s24], $0x50  }
0x1cc: {  	[sflag:s24] =	ssyncset.done $0x0  }
0x1cd: {  	[sflag:s24] =	ssyncadd.s32 $0xFFFFFFB0  }
0x1ce: {  	[tilespmem:s30], [sflag:$0x1] =	stream.indirect.gather [hbm4b:s11+s28], $0x80, s19, s28, $0xb8;
	[tilespmem:$0x1B400] =	vst v63  }
0x1cf: {  	_ =	swait.ge [sflag:s24], $0x2800  }
0x1d0: {  	[sflag:s24] =	ssyncset.done $0x0  }
0x1d1: {  	[sflag:s24] =	ssyncadd.s32 $0xFFFFD800  }
0x1d2: {  	[tilespmem:s0], [sflag:$0x1] =	stream.indirect.gather [spmem:s5], $0x80, s25, s28, $0xb8;
	[tilespmem:$0x1B400] =	vst v63  }
0x1d3: {  	_ =	swait.ge [sflag:s24], $0x2800  }
0x1d4: {  	[sflag:s24] =	ssyncset.done $0x0  }
0x1d5: {  	s21 =	simm.s32 $0x0;
	[sflag:s24] =	ssyncadd.s32 $0xFFFFD800  }
0x1d6: {  	v8 =	vld [tilespmem:s21+$0x2980]  }
0x1d7: {  	v12 =	vld [tilespmem:s21+$0x2990]  }
0x1d8: {  	v6 =	vld [tilespmem:s21+$0x29A0]  }
0x1d9: {  	v5 =	vld [tilespmem:s21+$0x29B0]  }
0x1da: {  	v4 =	vld [tilespmem:s21+$0x29C0]  }
0x1db: {  	v3 =	vld [tilespmem:s21+$0x29D0]  }
0x1dc: {  	v2 =	vld [tilespmem:s21+$0x29E0]  }
0x1dd: {  	v1 =	vld [tilespmem:s21+$0x29F0]  }
0x1de: {  	v13 =	vld [tilespmem:s21+$0x180]  }
0x1df: {  	v14 =	vld [tilespmem:s21+$0x190]  }
0x1e0: {  	v11 =	vld [tilespmem:s21+$0x1A0]  }
0x1e1: {  	v10 =	vld [tilespmem:s21+$0x1B0]  }
0x1e2: {  	v9 =	vld [tilespmem:s21+$0x1C0]  }
0x1e3: {  	v7 =	vld [tilespmem:s21+$0x1D0];
	v13 =	vmul.f32 v8, v13  }
0x1e4: {  	s22 =	simm.s32 $0x200;
	v12 =	vmul.f32 v12, v14;
	v8 =	vld [tilespmem:s21+$0x1E0]  }
.LBB2_13:
0x1e5: {  	s1 =	sshra.s32 s22, $0x2;
	p2 =	sne.s32 s22, $0x9E00;
	[tilespmem:s21+$0x180] =	vst v13;
	v6 =	vmul.f32 v6, v11;
	v11 =	vld [tilespmem:s21+$0x1F0]  }
0x1e6: {  	v13 =	vld [tilespmem:s1+$0x2980];
	[tilespmem:s21+$0x190] =	vst v12;
	v5 =	vmul.f32 v5, v10  }
0x1e7: {  	v12 =	vld [tilespmem:s1+$0x2990];
	[tilespmem:s21+$0x1A0] =	vst v6;
	v4 =	vmul.f32 v4, v9  }
0x1e8: {  	v6 =	vld [tilespmem:s1+$0x29A0];
	[tilespmem:s21+$0x1B0] =	vst v5;
	v3 =	vmul.f32 v3, v7  }
0x1e9: {  	v5 =	vld [tilespmem:s1+$0x29B0];
	[tilespmem:s21+$0x1C0] =	vst v4;
	v2 =	vmul.f32 v2, v8  }
0x1ea: {  	v4 =	vld [tilespmem:s1+$0x29C0];
	[tilespmem:s21+$0x1D0] =	vst v3;
	v1 =	vmul.f32 v1, v11  }
0x1eb: {  	v3 =	vld [tilespmem:s1+$0x29D0];
	[tilespmem:s21+$0x1E0] =	vst v2  }
0x1ec: {  	v2 =	vld [tilespmem:s1+$0x29E0];
	[tilespmem:s21+$0x1F0] =	vst v1;
	s21 =	smov.u32 s1  }
0x1ed: {  	v1 =	vld [tilespmem:s21+$0x29F0]  }
0x1ee: {  	v7 =	vld [tilespmem:s21+$0x180]  }
0x1ef: {  	v8 =	vld [tilespmem:s21+$0x190]  }
.Ltmp5:
0x1f0: {  	v11 =	vld [tilespmem:s21+$0x1A0];
	(pc) =	sbr.rel @p2 .LBB2_13-.Ltmp5, $4  }
0x1f1: {  	v10 =	vld [tilespmem:s21+$0x1B0]  }
0x1f2: {  	v9 =	vld [tilespmem:s21+$0x1C0]  }
0x1f3: {  	v13 =	vmul.f32 v13, v7;
	v7 =	vld [tilespmem:s21+$0x1D0]  }
0x1f4: {  	s22 =	sadd.s32 $0x200, s22;
	v12 =	vmul.f32 v12, v8;
	v8 =	vld [tilespmem:s21+$0x1E0]  }
0x1f5: {  	[tilespmem:s21+$0x180] =	vst v13;
	v6 =	vmul.f32 v6, v11;
	v63 =	vld [tilespmem:s21+$0x1F0]  }
0x1f6: {  	[tilespmem:s21+$0x190] =	vst v12;
	v5 =	vmul.f32 v5, v10  }
0x1f7: {  	[tilespmem:s21+$0x1A0] =	vst v6;
	v4 =	vmul.f32 v4, v9  }
0x1f8: {  	[tilespmem:s21+$0x1B0] =	vst v5;
	v3 =	vmul.f32 v3, v7  }
0x1f9: {  	[tilespmem:s21+$0x1C0] =	vst v4;
	v2 =	vmul.f32 v2, v8  }
0x1fa: {  	s20 =	sadd.s32 $0x1, s20;
	[tilespmem:s21+$0x1D0] =	vst v3;
	v1 =	vmul.f32 v1, v63  }
0x1fb: {  	p2 =	sne.s32 s20, $0x7D;
	[tilespmem:s21+$0x1E0] =	vst v2  }
.Ltmp6:
0x1fc: {  	[tilespmem:s21+$0x1F0] =	vst v1;
	(pc) =	sbr.rel @p2 .LBB2_12-.Ltmp6, $4  }
0x1fd: {  	[spmem:s3] =	stream.indirect.scatter.add.f32 [tilespmem:s30], [sflag:$0x1], $0x80, s26, s28, $0xb8;
	[tilespmem:$0x1B400] =	vst v63  }
0x1fe: {  	_ =	swait.ge [sflag:s24], $0x2800  }
0x1ff: {  	[sflag:s24] =	ssyncset.done $0x0  }
0x200: {  	[sflag:s24] =	ssyncadd.s32 $0xFFFFD800  }
0x201: {  	[bflag:$0x0] =	sbarrier.arrive $0xFFFF  }
0x202: {  	s1 =	rddreg [dreg:$0x18]  }
0x203: {  	[hbm:s1], [sflag:s2] =	dma.local [spmem:s16], $0x500  }
0x204: {  	_ =	swait.ge [sflag:s24], $0x500  }
0x205: {  	[sflag:s24] =	ssyncset.done $0x0  }
0x206: {  	s20 =	rddreg [dreg:$0x19];
	[sflag:s24] =	ssyncadd.s32 $0xFFFFFB00  }
0x207: {  	[hbm:s20], [sflag:s2] =	dma.local [spmem:s7], $0x500  }
0x208: {  	_ =	swait.ge [sflag:s24], $0x500  }
0x209: {  	[sflag:s24] =	ssyncset.done $0x0  }
0x20a: {  	s21 =	rddreg [dreg:$0x1a];
	[sflag:s24] =	ssyncadd.s32 $0xFFFFFB00  }
0x20b: {  	[hbm:s21], [sflag:s2] =	dma.local [spmem:s17], $0x500  }
0x20c: {  	_ =	swait.ge [sflag:s24], $0x500  }
0x20d: {  	[sflag:s24] =	ssyncset.done $0x0  }
0x20e: {  	s22 =	rddreg [dreg:$0x1b];
	[sflag:s24] =	ssyncadd.s32 $0xFFFFFB00  }
0x20f: {  	[hbm:s22], [sflag:s2] =	dma.local [spmem:s15], $0x500  }
0x210: {  	_ =	swait.ge [sflag:s24], $0x500  }
0x211: {  	[sflag:s24] =	ssyncset.done $0x0  }
0x212: {  	s4 =	rddreg [dreg:$0x1c];
	[sflag:s24] =	ssyncadd.s32 $0xFFFFFB00  }
0x213: {  	[hbm:s4], [sflag:s2] =	dma.local [spmem:s18], $0x500  }
0x214: {  	_ =	swait.ge [sflag:s24], $0x500  }
0x215: {  	s4 =	sld [smem:$0x7DD]  }
0x216: {  	[sflag:s24] =	ssyncset.done $0x0  }
0x217: {  	s19 =	rddreg [dreg:$0x1d];
	[sflag:s24] =	ssyncadd.s32 $0xFFFFFB00  }
0x218: {  	[hbm:s19], [sflag:s2] =	dma.local [spmem:s4], $0x500  }
0x219: {  	_ =	swait.ge [sflag:s24], $0x500  }
0x21a: {  	s21 =	sld [smem:$0x7DE]  }
0x21b: {  	[sflag:s24] =	ssyncset.done $0x0  }
0x21c: {  	s20 =	rddreg [dreg:$0x1e];
	[sflag:s24] =	ssyncadd.s32 $0xFFFFFB00  }
0x21d: {  	[hbm:s20], [sflag:s2] =	dma.local [spmem:s21], $0x500  }
0x21e: {  	_ =	swait.ge [sflag:s24], $0x500  }
0x21f: {  	s4 =	sld [smem:$0x7DF]  }
0x220: {  	[sflag:s24] =	ssyncset.done $0x0  }
0x221: {  	s1 =	rddreg [dreg:$0x1f];
	[sflag:s24] =	ssyncadd.s32 $0xFFFFFB00  }
0x222: {  	[hbm:s1], [sflag:s2] =	dma.local @!p0 [spmem:s4], $0x500  }
0x223: {  	s1 =	simm.s32 @!p0 $0x1  }
0x224: {  	_ =	swait.ge @!p0 [sflag:s1], $0x500  }
0x225: {  	[sflag:s1] =	ssyncset.done @!p0 $0x0  }
0x226: {  	[sflag:s1] =	ssyncadd.s32 @!p0 $0xFFFFFB00  }
0x227: {  	[bflag:$0x0] =	sbarrier.arrive $0xFFFF  }
0x228: {  	s19 =	sld [smem:$0x7F4];
	_ =	sdelay $0x2  }
0x229: {  	[spmem:s19] =	stream.linear.scatter [tilespmem:s23], [sflag:$0x1], $0x2800, $0x38;
	[tilespmem:$0x1B400] =	vst v63  }
0x22a: {  	_ =	swait.ge [sflag:s24], $0x2800  }
0x22b: {  	s22 =	sld [smem:$0x7F5]  }
0x22c: {  	[sflag:s24] =	ssyncset.done $0x0  }
0x22d: {  	[sflag:s24] =	ssyncadd.s32 $0xFFFFD800  }
0x22e: {  	[spmem:s22] =	stream.linear.scatter [tilespmem:s23], [sflag:$0x1], $0x2800, $0x38;
	[tilespmem:$0x1B400] =	vst v63  }
0x22f: {  	_ =	swait.ge [sflag:s24], $0x2800  }
0x230: {  	s4 =	sld [smem:$0x7F8]  }
0x231: {  	[sflag:s24] =	ssyncset.done $0x0  }
0x232: {  	[sflag:s24] =	ssyncadd.s32 $0xFFFFD800  }
0x233: {  	[spmem:s4] =	stream.linear.scatter [tilespmem:s23], [sflag:$0x1], $0x2800, $0x38;
	[tilespmem:$0x1B400] =	vst v63  }
0x234: {  	_ =	swait.ge [sflag:s24], $0x2800  }
0x235: {  	s20 =	sld [smem:$0x7F9]  }
0x236: {  	[sflag:s24] =	ssyncset.done $0x0  }
0x237: {  	[sflag:s24] =	ssyncadd.s32 $0xFFFFD800  }
0x238: {  	[spmem:s20] =	stream.linear.scatter [tilespmem:s23], [sflag:$0x1], $0x2800, $0x38;
	[tilespmem:$0x1B400] =	vst v63  }
0x239: {  	_ =	swait.ge [sflag:s24], $0x2800  }
0x23a: {  	s21 =	sld [smem:$0x7FC]  }
0x23b: {  	[sflag:s24] =	ssyncset.done $0x0  }
0x23c: {  	[sflag:s24] =	ssyncadd.s32 $0xFFFFD800  }
0x23d: {  	[spmem:s21] =	stream.linear.scatter [tilespmem:s23], [sflag:$0x1], $0x2800, $0x38;
	[tilespmem:$0x1B400] =	vst v63  }
0x23e: {  	_ =	swait.ge [sflag:s24], $0x2800  }
0x23f: {  	[sflag:s24] =	ssyncset.done $0x0  }
0x240: {  	[sflag:s24] =	ssyncadd.s32 $0xFFFFD800  }
0x241: {  	[spmem:s6] =	stream.linear.scatter [tilespmem:s23], [sflag:$0x1], $0x2800, $0x38;
	[tilespmem:$0x1B400] =	vst v63  }
0x242: {  	_ =	swait.ge [sflag:s24], $0x2800  }
0x243: {  	s22 =	sld [smem:$0x7FD]  }
0x244: {  	[sflag:s24] =	ssyncset.done $0x0  }
0x245: {  	[sflag:s24] =	ssyncadd.s32 $0xFFFFD800  }
0x246: {  	[spmem:s22] =	stream.linear.scatter [tilespmem:s23], [sflag:$0x1], $0x2800, $0x38;
	[tilespmem:$0x1B400] =	vst v63  }
0x247: {  	_ =	swait.ge [sflag:s24], $0x2800  }
0x248: {  	[sflag:s24] =	ssyncset.done $0x0  }
0x249: {  	s19 =	simm.s32 @!p0 $0x5180;
	[sflag:s24] =	ssyncadd.s32 $0xFFFFD800  }
0x24a: {  	[spmem:s14] =	stream.linear.scatter @!p0 [tilespmem:s19], [sflag:$0x1], $0x2800, $0x38;
	[tilespmem:$0x1B400] =	vst v63  }
0x24b: {  	_ =	swait.ge @!p0 [sflag:s1], $0x2800  }
0x24c: {  	[sflag:s1] =	ssyncset.done @!p0 $0x0  }
0x24d: {  	[sflag:s1] =	ssyncadd.s32 @!p0 $0xFFFFD800  }
0x24e: {  	s20 =	simm.s32 $0x0;
	s19 =	simm.s32 $0x0;
	[bflag:$0x0] =	sbarrier.arrive $0xFFFF  }
.LBB2_16:
0x24f: {  	s1 =	smul.u32 $0x50, s20;
	_ =	sdelay $0x1  }
0x250: {  	s1 =	sadd.s32 s8, s1  }
0x251: {  	s1 =	sshrl.u32 s1, $0x3  }
0x252: {  	s21 =	sadd.s32 s13, s1  }
0x253: {  	[tilespmem:s19], [sflag:$0x1] =	stream.linear.gather [hbm4b:s21+s19], $0x50, $0x38;
	[tilespmem:$0x1B400] =	vst v63  }
0x254: {  	_ =	swait.ge [sflag:s24], $0x50  }
0x255: {  	[sflag:s24] =	ssyncset.done $0x0  }
0x256: {  	s22 =	sadd.s32 s31, s1;
	[sflag:s24] =	ssyncadd.s32 $0xFFFFFFB0  }
0x257: {  	[tilespmem:s25], [sflag:$0x1] =	stream.linear.gather [hbm4b:s22+s19], $0x50, $0x38;
	[tilespmem:$0x1B400] =	vst v63  }
0x258: {  	_ =	swait.ge [sflag:s24], $0x50  }
0x259: {  	[sflag:s24] =	ssyncset.done $0x0  }
0x25a: {  	s1 =	sadd.s32 s29, s1;
	[sflag:s24] =	ssyncadd.s32 $0xFFFFFFB0  }
0x25b: {  	[tilespmem:s26], [sflag:$0x1] =	stream.linear.gather [hbm4b:s1+s19], $0x50, $0x38;
	[tilespmem:$0x1B400] =	vst v63  }
0x25c: {  	_ =	swait.ge [sflag:s24], $0x50  }
0x25d: {  	[sflag:s24] =	ssyncset.done $0x0  }
0x25e: {  	[sflag:s24] =	ssyncadd.s32 $0xFFFFFFB0  }
0x25f: {  	[tilespmem:s30], [sflag:$0x1] =	stream.indirect.gather [hbm4b:s12+s28], $0x80, s19, s28, $0xb8;
	[tilespmem:$0x1B400] =	vst v63  }
0x260: {  	_ =	swait.ge [sflag:s24], $0x2800  }
0x261: {  	[sflag:s24] =	ssyncset.done $0x0  }
0x262: {  	[sflag:s24] =	ssyncadd.s32 $0xFFFFD800  }
0x263: {  	[tilespmem:s0], [sflag:$0x1] =	stream.indirect.gather [spmem:s5], $0x80, s25, s28, $0xb8;
	[tilespmem:$0x1B400] =	vst v63  }
0x264: {  	_ =	swait.ge [sflag:s24], $0x2800  }
0x265: {  	[sflag:s24] =	ssyncset.done $0x0  }
0x266: {  	s21 =	simm.s32 $0x0;
	[sflag:s24] =	ssyncadd.s32 $0xFFFFD800  }
0x267: {  	v8 =	vld [tilespmem:s21+$0x2980]  }
0x268: {  	v12 =	vld [tilespmem:s21+$0x2990]  }
0x269: {  	v6 =	vld [tilespmem:s21+$0x29A0]  }
0x26a: {  	v5 =	vld [tilespmem:s21+$0x29B0]  }
0x26b: {  	v4 =	vld [tilespmem:s21+$0x29C0]  }
0x26c: {  	v3 =	vld [tilespmem:s21+$0x29D0]  }
0x26d: {  	v2 =	vld [tilespmem:s21+$0x29E0]  }
0x26e: {  	v1 =	vld [tilespmem:s21+$0x29F0]  }
0x26f: {  	v13 =	vld [tilespmem:s21+$0x180]  }
0x270: {  	v14 =	vld [tilespmem:s21+$0x190]  }
0x271: {  	v11 =	vld [tilespmem:s21+$0x1A0]  }
0x272: {  	v10 =	vld [tilespmem:s21+$0x1B0]  }
0x273: {  	v9 =	vld [tilespmem:s21+$0x1C0]  }
0x274: {  	v7 =	vld [tilespmem:s21+$0x1D0];
	v13 =	vmul.f32 v8, v13  }
0x275: {  	s22 =	simm.s32 $0x200;
	v12 =	vmul.f32 v12, v14;
	v8 =	vld [tilespmem:s21+$0x1E0]  }
.LBB2_17:
0x276: {  	s1 =	sshra.s32 s22, $0x2;
	p2 =	sne.s32 s22, $0x9E00;
	[tilespmem:s21+$0x180] =	vst v13;
	v6 =	vmul.f32 v6, v11;
	v11 =	vld [tilespmem:s21+$0x1F0]  }
0x277: {  	v13 =	vld [tilespmem:s1+$0x2980];
	[tilespmem:s21+$0x190] =	vst v12;
	v5 =	vmul.f32 v5, v10  }
0x278: {  	v12 =	vld [tilespmem:s1+$0x2990];
	[tilespmem:s21+$0x1A0] =	vst v6;
	v4 =	vmul.f32 v4, v9  }
0x279: {  	v6 =	vld [tilespmem:s1+$0x29A0];
	[tilespmem:s21+$0x1B0] =	vst v5;
	v3 =	vmul.f32 v3, v7  }
0x27a: {  	v5 =	vld [tilespmem:s1+$0x29B0];
	[tilespmem:s21+$0x1C0] =	vst v4;
	v2 =	vmul.f32 v2, v8  }
0x27b: {  	v4 =	vld [tilespmem:s1+$0x29C0];
	[tilespmem:s21+$0x1D0] =	vst v3;
	v1 =	vmul.f32 v1, v11  }
0x27c: {  	v3 =	vld [tilespmem:s1+$0x29D0];
	[tilespmem:s21+$0x1E0] =	vst v2  }
0x27d: {  	v2 =	vld [tilespmem:s1+$0x29E0];
	[tilespmem:s21+$0x1F0] =	vst v1;
	s21 =	smov.u32 s1  }
0x27e: {  	v1 =	vld [tilespmem:s21+$0x29F0]  }
0x27f: {  	v7 =	vld [tilespmem:s21+$0x180]  }
0x280: {  	v8 =	vld [tilespmem:s21+$0x190]  }
.Ltmp7:
0x281: {  	v11 =	vld [tilespmem:s21+$0x1A0];
	(pc) =	sbr.rel @p2 .LBB2_17-.Ltmp7, $4  }
0x282: {  	v10 =	vld [tilespmem:s21+$0x1B0]  }
0x283: {  	v9 =	vld [tilespmem:s21+$0x1C0]  }
0x284: {  	v13 =	vmul.f32 v13, v7;
	v7 =	vld [tilespmem:s21+$0x1D0]  }
0x285: {  	s22 =	sadd.s32 $0x200, s22;
	v12 =	vmul.f32 v12, v8;
	v8 =	vld [tilespmem:s21+$0x1E0]  }
0x286: {  	[tilespmem:s21+$0x180] =	vst v13;
	v6 =	vmul.f32 v6, v11;
	v63 =	vld [tilespmem:s21+$0x1F0]  }
0x287: {  	[tilespmem:s21+$0x190] =	vst v12;
	v5 =	vmul.f32 v5, v10  }
0x288: {  	[tilespmem:s21+$0x1A0] =	vst v6;
	v4 =	vmul.f32 v4, v9  }
0x289: {  	[tilespmem:s21+$0x1B0] =	vst v5;
	v3 =	vmul.f32 v3, v7  }
0x28a: {  	[tilespmem:s21+$0x1C0] =	vst v4;
	v2 =	vmul.f32 v2, v8  }
0x28b: {  	s20 =	sadd.s32 $0x1, s20;
	[tilespmem:s21+$0x1D0] =	vst v3;
	v1 =	vmul.f32 v1, v63  }
0x28c: {  	p2 =	sne.s32 s20, $0x7D;
	[tilespmem:s21+$0x1E0] =	vst v2  }
.Ltmp8:
0x28d: {  	[tilespmem:s21+$0x1F0] =	vst v1;
	(pc) =	sbr.rel @p2 .LBB2_16-.Ltmp8, $4  }
0x28e: {  	[spmem:s3] =	stream.indirect.scatter.add.f32 [tilespmem:s30], [sflag:$0x1], $0x80, s26, s28, $0xb8;
	[tilespmem:$0x1B400] =	vst v63  }
0x28f: {  	_ =	swait.ge [sflag:s24], $0x2800  }
0x290: {  	[sflag:s24] =	ssyncset.done $0x0  }
0x291: {  	[sflag:s24] =	ssyncadd.s32 $0xFFFFD800  }
0x292: {  	[bflag:$0x0] =	sbarrier.arrive $0xFFFF  }
0x293: {  	s1 =	sld [smem:$0x7E5];
	_ =	sdelay $0x2  }
0x294: {  	[hbm:s1], [sflag:s2] =	dma.local [spmem:s16], $0x500  }
0x295: {  	_ =	swait.ge [sflag:s24], $0x500  }
0x296: {  	s4 =	sld [smem:$0x7E6]  }
0x297: {  	[sflag:s24] =	ssyncset.done $0x0  }
0x298: {  	[sflag:s24] =	ssyncadd.s32 $0xFFFFFB00  }
0x299: {  	[hbm:s4], [sflag:s2] =	dma.local [spmem:s7], $0x500  }
0x29a: {  	_ =	swait.ge [sflag:s24], $0x500  }
0x29b: {  	s7 =	sld [smem:$0x7E8]  }
0x29c: {  	[sflag:s24] =	ssyncset.done $0x0  }
0x29d: {  	[sflag:s24] =	ssyncadd.s32 $0xFFFFFB00  }
0x29e: {  	[hbm:s7], [sflag:s2] =	dma.local [spmem:s17], $0x500  }
0x29f: {  	_ =	swait.ge [sflag:s24], $0x500  }
0x2a0: {  	s16 =	sld [smem:$0x7E9]  }
0x2a1: {  	[sflag:s24] =	ssyncset.done $0x0  }
0x2a2: {  	[sflag:s24] =	ssyncadd.s32 $0xFFFFFB00  }
0x2a3: {  	[hbm:s16], [sflag:s2] =	dma.local [spmem:s15], $0x500  }
0x2a4: {  	_ =	swait.ge [sflag:s24], $0x500  }
0x2a5: {  	s17 =	sld [smem:$0x7EA]  }
0x2a6: {  	[sflag:s24] =	ssyncset.done $0x0  }
0x2a7: {  	[sflag:s24] =	ssyncadd.s32 $0xFFFFFB00  }
0x2a8: {  	[hbm:s17], [sflag:s2] =	dma.local [spmem:s18], $0x500  }
0x2a9: {  	_ =	swait.ge [sflag:s24], $0x500  }
0x2aa: {  	s18 =	sld [smem:$0x7EB]  }
0x2ab: {  	s4 =	sld [smem:$0x7DD]  }
0x2ac: {  	[sflag:s24] =	ssyncset.done $0x0  }
0x2ad: {  	[sflag:s24] =	ssyncadd.s32 $0xFFFFFB00  }
0x2ae: {  	[hbm:s18], [sflag:s2] =	dma.local [spmem:s4], $0x500  }
0x2af: {  	_ =	swait.ge [sflag:s24], $0x500  }
0x2b0: {  	s19 =	sld [smem:$0x7EC]  }
0x2b1: {  	s20 =	sld [smem:$0x7DE]  }
0x2b2: {  	[sflag:s24] =	ssyncset.done $0x0  }
0x2b3: {  	[sflag:s24] =	ssyncadd.s32 $0xFFFFFB00  }
0x2b4: {  	[hbm:s19], [sflag:s2] =	dma.local [spmem:s20], $0x500  }
0x2b5: {  	_ =	swait.ge [sflag:s24], $0x500  }
0x2b6: {  	s1 =	sld [smem:$0x7ED]  }
0x2b7: {  	s4 =	sld [smem:$0x7DF]  }
0x2b8: {  	[sflag:s24] =	ssyncset.done $0x0  }
0x2b9: {  	[sflag:s24] =	ssyncadd.s32 $0xFFFFFB00  }
0x2ba: {  	[hbm:s1], [sflag:s2] =	dma.local @!p0 [spmem:s4], $0x500  }
0x2bb: {  	s1 =	simm.s32 @!p0 $0x1  }
0x2bc: {  	_ =	swait.ge @!p0 [sflag:s1], $0x500  }
0x2bd: {  	s22 =	sld [smem:$0x7F1]  }
0x2be: {  	s21 =	rddreg [dreg:$0x7]  }
0x2bf: {  	s2 =	sadd.s32 $0x1, s21  }
0x2c0: {  	p2 =	sne.s32 s2, s22  }
.Ltmp9:
0x2c1: {  	_ = 	snop;
	(pc) =	sbr.rel @p2 .LBB2_1-.Ltmp9, $3  }
0x2c2: {  	[sflag:s1] =	ssyncset.done @!p0 $0x0  }
0x2c3: {  	[sflag:s1] =	ssyncadd.s32 @!p0 $0xFFFFFB00;
	[dreg:$0x7] =	wrdreg s2  }
0x2c4: {  	[bflag:$0x0] =	sbarrier.arrive $0xFFFF;
	_ =	sdelay $0x1  }
0x2c5: {  	_ =	sfence.sel $0x180000  }
0x2c6: {  	[bflag:$0x0] =	sbarrier.arrive $0xFFFF  }
0x2c7: {  	_ =	strace $0x9000004D  }
0x2c8: {  	[bflag:$0x2] =	sbarrier.arrive $0xFFFF  }
0x2c9: {  	s0 =	rddreg [dreg:$0x6]  }
0x2ca: {  	s0 =	sadd.s32 @!p1 $0x100000, s0  }
0x2cb: {  	[sflag:s0] =	ssyncadd.tile.s32 @!p1 $0x1;
	_ =	shalt  }
.Lfunc_end2:
_tile_overlayer_lowered:
.L_overlay_start_2:
0x2cc: {  	(tag) =	ssettag $0x2  }
0x2cd: {  	s0 =	rddreg [dreg:$0x0];
	s2 =	stileid.u32  }
0x2ce: {  	s1 =	rddreg [dreg:$0x1];
	p0 =	sne.s32 s2, $0x0  }
0x2cf: {  	s3 =	rddreg [dreg:$0x2];
	[bflag:$0x3] =	sbarrier.arrive $0xFFFF;
	s2 =	simm.s32 @!p0 $0x1C01  }
0x2d0: {  	[timem:s3], [sflag:s2] =	dma.local @!p0 [hbm:s0], s1  }
0x2d1: {  	s0 =	simm.s32 @!p0 $0x1  }
0x2d2: {  	_ =	swait.ge @!p0 [sflag:s0], s1  }
0x2d3: {  	s1 =	ssub.s32 @!p0 $0x0, s1;
	[sflag:s0] =	ssyncset.done @!p0 $0x0  }
0x2d4: {  	[sflag:s0] =	ssyncadd.s32 @!p0 s1  }
0x2d5: {  	[bflag:$0x3] =	sbarrier.arrive $0xFFFF  }
0x2d6: {  	_ =	shalt  }

// kernel: kernel.17.cloned.1.call-start
scs
__scs_entry_jumppad:
0x0: {  	(pc) =	sbr.rel $0x88, $3  }
0x1: {  	(tag) =	ssettag $0x0;
	lr =	simm.s32 $0x1  }
0x2: {  	[smem:$0x3F99] =	sst lr;
	_ =	strace $0xD0000000  }
0x3: {  	_ = 	snop  }
0x4: {  	_ = 	snop  }
0x5: {  	_ = 	snop  }
0x6: {  	_ = 	snop  }
0x7: {  	_ = 	snop  }
__scs_overlays_trampoline_lowered:
0x8: {  	[smem:$0x3FA8] =	sst s0  }
0x9: {  	[smem:$0x3FA9] =	sst s1  }
0xa: {  	[smem:$0x3FAA] =	sst s2  }
0xb: {  	[smem:$0x3FAB] =	sst s3  }
0xc: {  	[smem:$0x3FAC] =	sst s4  }
0xd: {  	[smem:$0x3FAD] =	sst s5  }
0xe: {  	[smem:$0x3FAE] =	sst s6  }
0xf: {  	[smem:$0x3FAF] =	sst s7  }
0x10: {  	[smem:$0x3FB0] =	sst s8  }
0x11: {  	[smem:$0x3FB1] =	sst s9;
	s0 =	simm.s32 @!p0 $0x0  }
0x12: {  	s1 =	sld [smem:$0x3F97];
	s0 =	simm.s32 @p0 $0x1  }
0x13: {  	[smem:$0x3FB2] =	sst s0;
	s0 =	simm.s32 @!p1 $0x0  }
0x14: {  	s2 =	sld [smem:$0x3F96];
	s0 =	simm.s32 @p1 $0x1  }
0x15: {  	[smem:$0x3FB3] =	sst s0;
	s0 =	simm.s32 @!p2 $0x0  }
0x16: {  	s3 =	sld [smem:$0x3FDB];
	s0 =	simm.s32 @p2 $0x1  }
0x17: {  	s4 =	simm.s32 $0x1BF5;
	[smem:$0x3FB5] =	sst s0  }
0x18: {  	s0 =	sld [smem:$0x3F98];
	_ =	swait.ge [sflag:s4], $0x0  }
0x19: {  	s7 =	sld [smem:$0x3F99]  }
0x1a: {  	s8 =	sadd.s32 $0xFFFFE003, lr  }
0x1b: {  	s9 =	sadd.s32 $0xFFFFFEF7, lr;
	s5 =	simm.s32 $0xFFFFFFFF;
	p2 =	slt.u32 s8, $0xFFFFF086  }
0x1c: {  	p1 =	slt.u32 s9, $0xF7A;
	s5 =	simm.s32 @!p2 $0x0  }
0x1d: {  	s5 =	simm.s32 @p1 $0x1;
	p0 =	seq.s32 s7, s2  }
0x1e: {  	s7 =	smul.u32 @!p0 $0xF7A, s2;
	p2 =	seq.s32 @!p0 s5, $0x0  }
0x1f: {  	s9 =	smul.u32 $0xF7A, s1;
	s8 =	simm.s32 @!p0 $0x1BF5;
	p2 =	por !p2, p0  }
0x20: {  	[sflag:s8] =	ssyncset.s32 @!p0 $0xFFFFF086;
	s6 =	sadd.s32 @!p0 s3, s7;
	s7 =	simm.s32 @!p0 $0x108  }
0x21: {  	s3 =	sadd.s32 s3, s9;
	s6 =	sadd.s32 @!p0 $0x88, s6;
	s7 =	simm.s32 @p2 $0x1082  }
0x22: {  	[simem:s7], [sflag:s8] =	dma.local @!p0 [hbm:s6], $0xF7A  }
0x23: {  	s9 =	sor.u32 $0xD0000000, s2;
	s6 =	simm.s32 $0x108;
	_ =	swait.ge @!p0 [sflag:s8], $0x0  }
0x24: {  	s3 =	sadd.s32 $0x88, s3;
	s6 =	simm.s32 @!p1 $0x1082;
	[sflag:s4] =	ssyncset.s32 $0xFFFFF086  }
0x25: {  	[simem:s6], [sflag:s4] =	dma.local [hbm:s3], $0xF7A  }
0x26: {  	[smem:$0x3F99] =	sst s1;
	(tag) =	ssettag s2;
	_ =	strace s9  }
0x27: {  	s1 =	sld [smem:$0x3FA9]  }
0x28: {  	s2 =	sld [smem:$0x3FAA]  }
0x29: {  	s4 =	sld [smem:$0x3FAC]  }
0x2a: {  	p0 =	seq.s32 s5, $0x0;
	s5 =	sld [smem:$0x3FAD]  }
0x2b: {  	s6 =	sld [smem:$0x3FAE]  }
0x2c: {  	s7 =	sld [smem:$0x3FAF]  }
0x2d: {  	s3 =	simm.s32 $0x108;
	s8 =	sld [smem:$0x3FB0]  }
0x2e: {  	s3 =	simm.s32 @!p0 $0x1082;
	s9 =	sld [smem:$0x3FB1]  }
0x2f: {  	lr =	sadd.s32 s0, s3;
	s0 =	sld [smem:$0x3FA8]  }
0x30: {  	s3 =	sld [smem:$0x3FAB]  }
0x31: {  	[smem:$0x3FB4] =	sst s10  }
0x32: {  	s10 =	sld [smem:$0x3FB2];
	_ =	sdelay $0x3  }
0x33: {  	p0 =	seq.s32 s10, $0x1;
	s10 =	sld [smem:$0x3FB4];
	_ =	sdelay $0x3  }
0x34: {  	[smem:$0x3FB4] =	sst s10  }
0x35: {  	s10 =	sld [smem:$0x3FB3];
	_ =	sdelay $0x3  }
0x36: {  	p1 =	seq.s32 s10, $0x1;
	s10 =	sld [smem:$0x3FB4];
	_ =	sdelay $0x3  }
0x37: {  	[smem:$0x3FB4] =	sst s10  }
0x38: {  	s10 =	sld [smem:$0x3FB5]  }
0x39: {  	_ = 	snop;
	(pc) =	sbr.ind lr, $3  }
0x3a: {  	_ = 	snop  }
0x3b: {  	_ = 	snop  }
0x3c: {  	p2 =	seq.s32 s10, $0x1;
	s10 =	sld [smem:$0x3FB4]  }
0x3d: {  	_ =	shalt  }
0x3e: {  	_ =	shalt  }
0x3f: {  	_ =	shalt  }
0x40: {  	_ =	shalt  }
0x41: {  	_ =	shalt  }
0x42: {  	_ =	shalt  }
0x43: {  	_ =	shalt  }
0x44: {  	_ =	shalt  }
0x45: {  	_ =	shalt  }
0x46: {  	_ =	shalt  }
0x47: {  	_ =	shalt  }
0x48: {  	_ =	shalt  }
0x49: {  	_ =	shalt  }
0x4a: {  	_ =	shalt  }
0x4b: {  	_ =	shalt  }
0x4c: {  	_ =	shalt  }
0x4d: {  	_ =	shalt  }
0x4e: {  	_ =	shalt  }
0x4f: {  	_ =	shalt  }
0x50: {  	_ =	shalt  }
0x51: {  	_ =	shalt  }
0x52: {  	_ =	shalt  }
0x53: {  	_ =	shalt  }
0x54: {  	_ =	shalt  }
0x55: {  	_ =	shalt  }
0x56: {  	_ =	shalt  }
0x57: {  	_ =	shalt  }
0x58: {  	_ =	shalt  }
0x59: {  	_ =	shalt  }
0x5a: {  	_ =	shalt  }
0x5b: {  	_ =	shalt  }
0x5c: {  	_ =	shalt  }
0x5d: {  	_ =	shalt  }
0x5e: {  	_ =	shalt  }
0x5f: {  	_ =	shalt  }
0x60: {  	_ =	shalt  }
0x61: {  	_ =	shalt  }
0x62: {  	_ =	shalt  }
0x63: {  	_ =	shalt  }
0x64: {  	_ =	shalt  }
0x65: {  	_ =	shalt  }
0x66: {  	_ =	shalt  }
0x67: {  	_ =	shalt  }
0x68: {  	_ =	shalt  }
0x69: {  	_ =	shalt  }
0x6a: {  	_ =	shalt  }
0x6b: {  	_ =	shalt  }
0x6c: {  	_ =	shalt  }
0x6d: {  	_ =	shalt  }
0x6e: {  	_ =	shalt  }
0x6f: {  	_ =	shalt  }
0x70: {  	_ =	shalt  }
0x71: {  	_ =	shalt  }
0x72: {  	_ =	shalt  }
0x73: {  	_ =	shalt  }
0x74: {  	_ =	shalt  }
0x75: {  	_ =	shalt  }
0x76: {  	_ =	shalt  }
0x77: {  	_ =	shalt  }
0x78: {  	_ =	shalt  }
0x79: {  	_ =	shalt  }
0x7a: {  	_ =	shalt  }
0x7b: {  	_ =	shalt  }
0x7c: {  	_ =	shalt  }
0x7d: {  	_ =	shalt  }
0x7e: {  	_ =	shalt  }
0x7f: {  	_ =	shalt  }
0x80: {  	_ =	shalt  }
0x81: {  	_ =	shalt  }
0x82: {  	_ =	shalt  }
0x83: {  	_ =	shalt  }
0x84: {  	_ =	shalt  }
0x85: {  	_ =	shalt  }
0x86: {  	_ =	shalt  }
0x87: {  	_ =	shalt  }
.Lfunc_end0:
.L_simem_size_0:
called_computation.3_lowered:
.L_overlay_start_0:
0x88: {  	s2 =	sld [smem:$0x3FD9]  }
0x89: {  	s3 =	sld [smem:$0x3FFE];
	_ =	sdelay $0x1  }
0x8a: {  	s1 =	srdreg.scid  }
0x8b: {  	s0 =	sand.u32 $0x1, s1  }
0x8c: {  	s17 =	sshll.u32 s0, $0xA;
	s2 =	sadd.s32 s3, s2  }
0x8d: {  	s2 =	sadd.s32 s2, s17  }
0x8e: {  	[smem:$0x3FC0] =	sst s2  }
0x8f: {  	_ = 	snop  }
0x90: {  	s2 =	sld [smem:$0x3FC2];
	(tm) =	ssettm $0x1  }
0x91: {  	s18 =	sld [smem:$0x3FFB];
	_ =	sdelay $0x3  }
0x92: {  	_ =	strace s18  }
0x93: {  	s3 =	sld [smem:$0x3FFC];
	_ =	sdelay $0x3  }
0x94: {  	_ =	strace s3  }
0x95: {  	s3 =	sld [smem:$0x3FFD];
	_ =	sdelay $0x3  }
0x96: {  	_ =	strace s3  }
0x97: {  	_ =	strace $0x8FFFFFFF  }
0x98: {  	s19 =	sld [smem:$0x3FDB];
	_ =	sdelay $0x1  }
0x99: {  	s4 =	simm.s32 $_scs_section_size  }
0x9a: {  	s5 =	simm.s32 $_size__tile_overlayer_lowered;
	s6 =	simm.s32 $_tile_overlayer_lowered  }
0x9b: {  	s22 =	simm.s32 $0x1BFF;
	s21 =	sshll.u32 s6, $0x1;
	s3 =	sadd.s32 s4, s19  }
0x9c: {  	s7 =	simm.s32 $0x0;
	s20 =	sshll.u32 s5, $0x1;
	s5 =	sadd.s32 s21, s3  }
0x9d: {  	[timem:s7], [sflag:s22] =	dma.local [hbm:s5], s20  }
0x9e: {  	_ =	swait.ge [sflag:s22], s20  }
0x9f: {  	s4 =	ssub.s32 $0x0, s20;
	[sflag:s22] =	ssyncset.done $0x0  }
0xa0: {  	[sflag:s22] =	ssyncadd.s32 s4;
	_ =	sdelay $0x1  }
0xa1: {  	s23 =	simm.s32 $0x1B8B  }
0xa2: {  	_ =	swait.ge [sflag:s23], $0x1  }
0xa3: {  	[sflag:s23] =	ssyncset.done $0x0  }
0xa4: {  	s25 =	simm.s32 $0x1B8E;
	s24 =	sld [smem:$0x3FFE];
	[sflag:s23] =	ssyncadd.s32 $0xFFFFFFFF  }
0xa5: {  	s26 =	simm.s32 $execute0_lowered;
	[smem:$0x3FD2] =	sst s25  }
0xa6: {  	s5 =	sshll.u32 s26, $0x1;
	_ =	strace $0x8000004F;
	[dreg:$0x1] =	wrdreg $0xFFFFFFFF  }
0xa7: {  	s28 =	simm.s32 $_size_execute0_lowered;
	s3 =	sadd.s32 s3, s5;
	[dreg:$0x0] =	wrdreg $0x0  }
0xa8: {  	s5 =	sshll.u32 s28, $0x1;
	[dreg:$0x2] =	wrdreg s3  }
0xa9: {  	[dreg:$0x3] =	wrdreg s5  }
0xaa: {  	[dreg:$0x4] =	wrdreg $0xC0  }
0xab: {  	_ =	task [dreg:s7], $0x5FFFF  }
0xac: {  	[dreg:$0x1] =	wrdreg $0xFFFFFFFF  }
0xad: {  	[dreg:$0x0] =	wrdreg $0x60  }
0xae: {  	[dreg:$0x2] =	wrdreg s24  }
0xaf: {  	[dreg:$0x3] =	wrdreg s2  }
0xb0: {  	[dreg:$0x4] =	wrdreg $0x48800  }
0xb1: {  	[dreg:$0x5] =	wrdreg $0x9  }
0xb2: {  	_ =	task.clear_ibuf [dreg:s7], $0x6FFFF;
	_ =	strace $0x9000004F  }
0xb3: {  	s29 =	simm.s32 $0x9;
	_ =	strace $0x80000051  }
0xb4: {  	_ =	swait.ge [sflag:s29], $0x1  }
0xb5: {  	[sflag:s29] =	ssyncadd.s32 $0xFFFFFFFF  }
0xb6: {  	_ =	strace $0x90000051  }
0xb7: {  	_ =	sfence  }
0xb8: {  	s30 =	sld [smem:$0x0];
	_ =	sdelay $0x2  }
0xb9: {  	s31 =	sshll.u32 s1, $0xD;
	s1 =	sshrl.u32 s1, $0x2  }
0xba: {  	s3 =	sand.u32 $0x4000, s31;
	s1 =	sadd.s32 s1, s30  }
0xbb: {  	s0 =	sor.u32 s3, s0;
	s1 =	sshll.u32 s1, $0x11  }
0xbc: {  	s0 =	sor.u32 s1, s0  }
0xbd: {  	s0 =	sadd.s32 $0x8F2B, s0  }
0xbe: {  	[sflag:s0] =	ssyncadd.remote.s32 $0x1  }
0xbf: {  	_ =	sfence.sel $0xFFFF  }
0xc0: {  	[dreg:$0x0] =	wrdreg $0xFFFFFFFF;
	(pc) =	sbr.abs _section_cstart, $3  }
0xc1: {  	[dreg:$0x1] =	wrdreg $0xFFFFFFFF  }
0xc2: {  	_ =	task.clear_ibuf [dreg:s7], $0x2FFFF;
	_ =	strace $0x9FFFFFFF  }
0xc3: {  	(tm) =	ssettm $0x7FFFFFFF  }
tec
execute0_lowered:
.L_overlay_start_1:
0x0: {  	(tag) =	ssettag $0x1  }
0x1: {  	s0 =	rddreg [dreg:$0x0]  }
0x2: {  	s3 =	srdreg.scid;
	s24 =	stileid.u32  }
0x3: {  	s2 =	rddreg [dreg:$0x1];
	s3 =	sand.u32 $0x1, s3;
	s4 =	sshll.u32 s24, $0x1  }
0x4: {  	s1 =	simm.s32 $0x0;
	s31 =	simm.s32 $0x2880;
	s4 =	sor.u32 s3, s4  }
0x5: {  	[smem:$0x7FF] =	sst s1;
	s6 =	sadd.s32 $0x76800, s0;
	s11 =	smul.u32 $0x500, s4  }
0x6: {  	s8 =	sadd.s32 $0x4F600, s0;
	s9 =	smul.u32 $0xA, s4;
	s12 =	sor.u32 $0x20, s4  }
0x7: {  	s10 =	sadd.s32 $0x28400, s0;
	s5 =	sshll.u32 s24, $0xA;
	s14 =	smul.u32 $0x500, s12  }
0x8: {  	s13 =	sadd.s32 $0x1200, s0;
	s19 =	sor.u32 $0x40, s4;
	s18 =	smul.u32 $0xA, s12  }
0x9: {  	s7 =	sshll.u32 s3, $0xE;
	s3 =	ssub.s32 $0x2, s3;
	s15 =	smul.u32 $0x500, s19  }
0xa: {  	s5 =	sor.u32 s5, s7;
	s4 =	sor.u32 $0x60, s4;
	s12 =	smul.u32 $0xA, s19  }
0xb: {  	s20 =	sshrl.u32 s3, $0x1;
	s0 =	sadd.s32 s5, s0;
	s23 =	smul.u32 $0x500, s4  }
0xc: {  	s17 =	ssub.s32 s3, s20;
	s25 =	smul.u32 $0xA, s4;
	p0 =	sgt.u32 s4, $0x7C  }
0xd: {  	s4 =	simm.s32 $0x50;
	s21 =	sadd.s32 s6, s11;
	s3 =	sadd.s32 s2, s9  }
0xe: {  	s16 =	sadd.s32 s8, s11;
	s28 =	sadd.s32 $0xADA00, s0;
	[dreg:$0x4] =	wrdreg s21  }
0xf: {  	s29 =	sadd.s32 $0xB5A00, s0;
	s22 =	sadd.s32 s6, s14;
	[dreg:$0x8] =	wrdreg s16  }
0x10: {  	s30 =	smax.u32 s17, $0x1;
	s26 =	sadd.s32 s6, s15;
	[dreg:$0x5] =	wrdreg s22  }
0x11: {  	s17 =	simm.s32 $0x1;
	s6 =	sadd.s32 s6, s23;
	[dreg:$0x6] =	wrdreg s26  }
0x12: {  	s5 =	sadd.s32 s2, s18;
	s18 =	sadd.s32 s8, s14;
	[dreg:$0x7] =	wrdreg s6  }
0x13: {  	s7 =	sadd.s32 s2, s12;
	s19 =	sadd.s32 s8, s15;
	[dreg:$0x9] =	wrdreg s18  }
0x14: {  	s9 =	sadd.s32 s2, s25;
	s20 =	sadd.s32 s8, s23;
	[dreg:$0xa] =	wrdreg s19  }
0x15: {  	s21 =	sadd.s32 s10, s11;
	s25 =	sadd.s32 s10, s15;
	[dreg:$0xb] =	wrdreg s20  }
0x16: {  	s2 =	simm.s32 $0x2;
	[dreg:$0xc] =	wrdreg s21;
	s22 =	sadd.s32 s10, s14  }
0x17: {  	[dreg:$0xe] =	wrdreg s25;
	s18 =	sadd.s32 s10, s23;
	s19 =	sadd.s32 s13, s11  }
0x18: {  	s20 =	sadd.s32 s13, s14;
	s21 =	rddreg [dreg:$0x2];
	s23 =	sadd.s32 s13, s23  }
0x19: {  	s26 =	sshll.u32 s24, $0xD;
	s25 =	sadd.s32 $0x9DA00, s0;
	s6 =	simm.s32 $0x0  }
0x1a: {  	[dreg:$0xd] =	wrdreg s22;
	s22 =	sadd.s32 s13, s15;
	s24 =	sadd.s32 s26, s21  }
0x1b: {  	v0 =	vimm.f32 $0.0e+00;
	s26 =	sadd.s32 $0xA5A00, s0;
	s0 =	simm.s32 $0x80;
	_ =	strace $0x80000050  }
.LBB2_1:
0x1c: {  	s8 =	simm.s32 $0x0;
	s10 =	simm.s32 $0x200  }
.LBB2_2:
0x1d: {  	p1 =	sne.s32 s10, $0x7E00;
	[tilespmem:s8+$0x28F0] =	vst v0  }
0x1e: {  	[tilespmem:s8+$0x2880] =	vst v0  }
0x1f: {  	[tilespmem:s8+$0x2890] =	vst v0  }
.Ltmp0:
0x20: {  	[tilespmem:s8+$0x28A0] =	vst v0;
	(pc) =	sbr.rel @p1 .LBB2_2-.Ltmp0, $4  }
0x21: {  	[tilespmem:s8+$0x28B0] =	vst v0  }
0x22: {  	[tilespmem:s8+$0x28C0] =	vst v0  }
0x23: {  	[tilespmem:s8+$0x28D0] =	vst v0  }
0x24: {  	[tilespmem:s8+$0x28E0] =	vst v0;
	s8 =	sshra.s32 s10, $0x2;
	s10 =	sadd.s32 $0x200, s10  }
0x25: {  	[tilespmem:s8+$0x28F0] =	vst v0  }
0x26: {  	[tilespmem:s8+$0x2880] =	vst v0  }
0x27: {  	[tilespmem:s8+$0x2890] =	vst v0  }
0x28: {  	[tilespmem:s8+$0x28A0] =	vst v0  }
0x29: {  	[tilespmem:s8+$0x28B0] =	vst v0  }
0x2a: {  	[tilespmem:s8+$0x28C0] =	vst v0  }
0x2b: {  	[tilespmem:s8+$0x28D0] =	vst v0  }
0x2c: {  	[tilespmem:s8+$0x28E0] =	vst v0  }
0x2d: {  	[spmem:s24] =	stream.linear.scatter [tilespmem:s31], [sflag:$0x1], $0x2000, $0x38;
	[tilespmem:$0x6880] =	vst v63  }
0x2e: {  	_ =	swait.ge [sflag:s17], $0x2000  }
0x2f: {  	[sflag:s17] =	ssyncset.done $0x0  }
0x30: {  	[sflag:s17] =	ssyncadd.s32 $0xFFFFE000  }
0x31: {  	[bflag:$0x0] =	sbarrier.arrive $0xFFFF  }
0x32: {  	s14 =	rddreg [dreg:$0x4]  }
0x33: {  	[tilespmem:s0], [sflag:$0x2] =	stream.linear.gather [hbm4b:s14+s1], $0x2800, $0x38;
	[tilespmem:$0x6880] =	vst v63  }
0x34: {  	_ =	swait.ge [sflag:s2], $0x2800  }
0x35: {  	[sflag:s2] =	ssyncset.done $0x0  }
0x36: {  	[sflag:s2] =	ssyncadd.s32 $0xFFFFD800  }
0x37: {  	[tilespmem:s1], [sflag:$0x2] =	stream.linear.gather [hbm4b:s3+s1], $0x50, $0x38;
	[tilespmem:$0x6880] =	vst v63  }
0x38: {  	_ =	swait.ge [sflag:s2], $0x50  }
0x39: {  	[sflag:s2] =	ssyncset.done $0x0  }
0x3a: {  	[sflag:s2] =	ssyncadd.s32 $0xFFFFFFB0  }
0x3b: {  	[spmem:s21] =	stream.indirect.scatter.add.f32 [tilespmem:s0], [sflag:$0x1], $0x80, s1, s4, $0xb8;
	[tilespmem:$0x6880] =	vst v63  }
0x3c: {  	_ =	swait.ge [sflag:s17], $0x2800  }
0x3d: {  	[sflag:s17] =	ssyncset.done $0x0  }
0x3e: {  	s15 =	rddreg [dreg:$0x5];
	[sflag:s17] =	ssyncadd.s32 $0xFFFFD800  }
0x3f: {  	[tilespmem:s0], [sflag:$0x2] =	stream.linear.gather [hbm4b:s15+s1], $0x2800, $0x38;
	[tilespmem:$0x6880] =	vst v63  }
0x40: {  	_ =	swait.ge [sflag:s2], $0x2800  }
0x41: {  	[sflag:s2] =	ssyncset.done $0x0  }
0x42: {  	[sflag:s2] =	ssyncadd.s32 $0xFFFFD800  }
0x43: {  	[tilespmem:s1], [sflag:$0x2] =	stream.linear.gather [hbm4b:s5+s1], $0x50, $0x38;
	[tilespmem:$0x6880] =	vst v63  }
0x44: {  	_ =	swait.ge [sflag:s2], $0x50  }
0x45: {  	[sflag:s2] =	ssyncset.done $0x0  }
0x46: {  	[sflag:s2] =	ssyncadd.s32 $0xFFFFFFB0  }
0x47: {  	[spmem:s21] =	stream.indirect.scatter.add.f32 [tilespmem:s0], [sflag:$0x1], $0x80, s1, s4, $0xb8;
	[tilespmem:$0x6880] =	vst v63  }
0x48: {  	_ =	swait.ge [sflag:s17], $0x2800  }
0x49: {  	[sflag:s17] =	ssyncset.done $0x0  }
0x4a: {  	s16 =	rddreg [dreg:$0x6];
	[sflag:s17] =	ssyncadd.s32 $0xFFFFD800  }
0x4b: {  	[tilespmem:s0], [sflag:$0x2] =	stream.linear.gather [hbm4b:s16+s1], $0x2800, $0x38;
	[tilespmem:$0x6880] =	vst v63  }
0x4c: {  	_ =	swait.ge [sflag:s2], $0x2800  }
0x4d: {  	[sflag:s2] =	ssyncset.done $0x0  }
0x4e: {  	[sflag:s2] =	ssyncadd.s32 $0xFFFFD800  }
0x4f: {  	[tilespmem:s1], [sflag:$0x2] =	stream.linear.gather [hbm4b:s7+s1], $0x50, $0x38;
	[tilespmem:$0x6880] =	vst v63  }
0x50: {  	_ =	swait.ge [sflag:s2], $0x50  }
0x51: {  	[sflag:s2] =	ssyncset.done $0x0  }
0x52: {  	[sflag:s2] =	ssyncadd.s32 $0xFFFFFFB0  }
0x53: {  	[spmem:s21] =	stream.indirect.scatter.add.f32 [tilespmem:s0], [sflag:$0x1], $0x80, s1, s4, $0xb8;
	[tilespmem:$0x6880] =	vst v63  }
0x54: {  	_ =	swait.ge [sflag:s17], $0x2800  }
0x55: {  	s8 =	simm.s32 @!p0 $0x0;
	[sflag:s17] =	ssyncset.done $0x0  }
0x56: {  	s10 =	simm.s32 @!p0 $0x80;
	s11 =	rddreg [dreg:$0x7];
	[sflag:s17] =	ssyncadd.s32 $0xFFFFD800  }
0x57: {  	[tilespmem:s10], [sflag:$0x2] =	stream.linear.gather @!p0 [hbm4b:s11+s8], $0x2800, $0x38;
	[tilespmem:$0x6880] =	vst v63  }
0x58: {  	s11 =	simm.s32 @!p0 $0x2  }
0x59: {  	_ =	swait.ge @!p0 [sflag:s11], $0x2800  }
0x5a: {  	[sflag:s11] =	ssyncset.done @!p0 $0x0  }
0x5b: {  	[sflag:s11] =	ssyncadd.s32 @!p0 $0xFFFFD800  }
0x5c: {  	[tilespmem:s8], [sflag:$0x2] =	stream.linear.gather @!p0 [hbm4b:s9+s8], $0x50, $0x38;
	[tilespmem:$0x6880] =	vst v63  }
0x5d: {  	_ =	swait.ge @!p0 [sflag:s11], $0x50  }
0x5e: {  	[sflag:s11] =	ssyncset.done @!p0 $0x0  }
0x5f: {  	s13 =	simm.s32 @!p0 $0x50;
	s12 =	simm.s32 @!p0 $0x1;
	[sflag:s11] =	ssyncadd.s32 @!p0 $0xFFFFFFB0  }
0x60: {  	[spmem:s21] =	stream.indirect.scatter.add.f32 @!p0 [tilespmem:s10], [sflag:$0x1], $0x80, s8, s13, $0xb8;
	[tilespmem:$0x6880] =	vst v63  }
0x61: {  	_ =	swait.ge @!p0 [sflag:s12], $0x2800  }
0x62: {  	s14 =	stileid.u32;
	[sflag:s12] =	ssyncset.done @!p0 $0x0  }
0x63: {  	s14 =	sshll.u32 s14, $0x6;
	[sflag:s12] =	ssyncadd.s32 @!p0 $0xFFFFD800  }
0x64: {  	s14 =	sor.u32 $0x1C01, s14;
	s15 =	sshrl.u32 s24, $0x3;
	[bflag:$0x0] =	sbarrier.arrive $0xFFFF  }
0x65: {  	[hbm:s25], [sflag:s14] =	dma.local [spmem:s15], $0x400  }
0x66: {  	_ =	swait.ge [sflag:s17], $0x400  }
0x67: {  	[sflag:s17] =	ssyncset.done $0x0  }
0x68: {  	[sflag:s17] =	ssyncadd.s32 $0xFFFFFC00  }
0x69: {  	[bflag:$0x0] =	sbarrier.arrive $0xFFFF  }
0x6a: {  	[spmem:s24] =	stream.linear.scatter [tilespmem:s31], [sflag:$0x1], $0x2000, $0x38;
	[tilespmem:$0x6880] =	vst v63  }
0x6b: {  	_ =	swait.ge [sflag:s17], $0x2000  }
0x6c: {  	[sflag:s17] =	ssyncset.done $0x0  }
0x6d: {  	[sflag:s17] =	ssyncadd.s32 $0xFFFFE000  }
0x6e: {  	[bflag:$0x0] =	sbarrier.arrive $0xFFFF  }
0x6f: {  	s16 =	rddreg [dreg:$0x8]  }
0x70: {  	[tilespmem:s0], [sflag:$0x2] =	stream.linear.gather [hbm4b:s16+s1], $0x2800, $0x38;
	[tilespmem:$0x6880] =	vst v63  }
0x71: {  	_ =	swait.ge [sflag:s2], $0x2800  }
0x72: {  	[sflag:s2] =	ssyncset.done $0x0  }
0x73: {  	[sflag:s2] =	ssyncadd.s32 $0xFFFFD800  }
0x74: {  	[tilespmem:s1], [sflag:$0x2] =	stream.linear.gather [hbm4b:s3+s1], $0x50, $0x38;
	[tilespmem:$0x6880] =	vst v63  }
0x75: {  	_ =	swait.ge [sflag:s2], $0x50  }
0x76: {  	[sflag:s2] =	ssyncset.done $0x0  }
0x77: {  	[sflag:s2] =	ssyncadd.s32 $0xFFFFFFB0  }
0x78: {  	[spmem:s21] =	stream.indirect.scatter.add.f32 [tilespmem:s0], [sflag:$0x1], $0x80, s1, s4, $0xb8;
	[tilespmem:$0x6880] =	vst v63  }
0x79: {  	_ =	swait.ge [sflag:s17], $0x2800  }
0x7a: {  	[sflag:s17] =	ssyncset.done $0x0  }
0x7b: {  	s16 =	rddreg [dreg:$0x9];
	[sflag:s17] =	ssyncadd.s32 $0xFFFFD800  }
0x7c: {  	[tilespmem:s0], [sflag:$0x2] =	stream.linear.gather [hbm4b:s16+s1], $0x2800, $0x38;
	[tilespmem:$0x6880] =	vst v63  }
0x7d: {  	_ =	swait.ge [sflag:s2], $0x2800  }
0x7e: {  	[sflag:s2] =	ssyncset.done $0x0  }
0x7f: {  	[sflag:s2] =	ssyncadd.s32 $0xFFFFD800  }
0x80: {  	[tilespmem:s1], [sflag:$0x2] =	stream.linear.gather [hbm4b:s5+s1], $0x50, $0x38;
	[tilespmem:$0x6880] =	vst v63  }
0x81: {  	_ =	swait.ge [sflag:s2], $0x50  }
0x82: {  	[sflag:s2] =	ssyncset.done $0x0  }
0x83: {  	[sflag:s2] =	ssyncadd.s32 $0xFFFFFFB0  }
0x84: {  	[spmem:s21] =	stream.indirect.scatter.add.f32 [tilespmem:s0], [sflag:$0x1], $0x80, s1, s4, $0xb8;
	[tilespmem:$0x6880] =	vst v63  }
0x85: {  	_ =	swait.ge [sflag:s17], $0x2800  }
0x86: {  	[sflag:s17] =	ssyncset.done $0x0  }
0x87: {  	s16 =	rddreg [dreg:$0xa];
	[sflag:s17] =	ssyncadd.s32 $0xFFFFD800  }
0x88: {  	[tilespmem:s0], [sflag:$0x2] =	stream.linear.gather [hbm4b:s16+s1], $0x2800, $0x38;
	[tilespmem:$0x6880] =	vst v63  }
0x89: {  	_ =	swait.ge [sflag:s2], $0x2800  }
0x8a: {  	[sflag:s2] =	ssyncset.done $0x0  }
0x8b: {  	[sflag:s2] =	ssyncadd.s32 $0xFFFFD800  }
0x8c: {  	[tilespmem:s1], [sflag:$0x2] =	stream.linear.gather [hbm4b:s7+s1], $0x50, $0x38;
	[tilespmem:$0x6880] =	vst v63  }
0x8d: {  	_ =	swait.ge [sflag:s2], $0x50  }
0x8e: {  	[sflag:s2] =	ssyncset.done $0x0  }
0x8f: {  	[sflag:s2] =	ssyncadd.s32 $0xFFFFFFB0  }
0x90: {  	[spmem:s21] =	stream.indirect.scatter.add.f32 [tilespmem:s0], [sflag:$0x1], $0x80, s1, s4, $0xb8;
	[tilespmem:$0x6880] =	vst v63  }
0x91: {  	_ =	swait.ge [sflag:s17], $0x2800  }
0x92: {  	[sflag:s17] =	ssyncset.done $0x0  }
0x93: {  	s16 =	rddreg [dreg:$0xb];
	[sflag:s17] =	ssyncadd.s32 $0xFFFFD800  }
0x94: {  	[tilespmem:s10], [sflag:$0x2] =	stream.linear.gather @!p0 [hbm4b:s16+s8], $0x2800, $0x38;
	[tilespmem:$0x6880] =	vst v63  }
0x95: {  	_ =	swait.ge @!p0 [sflag:s11], $0x2800  }
0x96: {  	[sflag:s11] =	ssyncset.done @!p0 $0x0  }
0x97: {  	[sflag:s11] =	ssyncadd.s32 @!p0 $0xFFFFD800  }
0x98: {  	[tilespmem:s8], [sflag:$0x2] =	stream.linear.gather @!p0 [hbm4b:s9+s8], $0x50, $0x38;
	[tilespmem:$0x6880] =	vst v63  }
0x99: {  	_ =	swait.ge @!p0 [sflag:s11], $0x50  }
0x9a: {  	[sflag:s11] =	ssyncset.done @!p0 $0x0  }
0x9b: {  	[sflag:s11] =	ssyncadd.s32 @!p0 $0xFFFFFFB0  }
0x9c: {  	[spmem:s21] =	stream.indirect.scatter.add.f32 @!p0 [tilespmem:s10], [sflag:$0x1], $0x80, s8, s13, $0xb8;
	[tilespmem:$0x6880] =	vst v63  }
0x9d: {  	_ =	swait.ge @!p0 [sflag:s12], $0x2800  }
0x9e: {  	[sflag:s12] =	ssyncset.done @!p0 $0x0  }
0x9f: {  	[sflag:s12] =	ssyncadd.s32 @!p0 $0xFFFFD800  }
0xa0: {  	[bflag:$0x0] =	sbarrier.arrive $0xFFFF  }
0xa1: {  	[hbm:s26], [sflag:s14] =	dma.local [spmem:s15], $0x400  }
0xa2: {  	_ =	swait.ge [sflag:s17], $0x400  }
0xa3: {  	[sflag:s17] =	ssyncset.done $0x0  }
0xa4: {  	[sflag:s17] =	ssyncadd.s32 $0xFFFFFC00  }
0xa5: {  	[bflag:$0x0] =	sbarrier.arrive $0xFFFF  }
0xa6: {  	[spmem:s24] =	stream.linear.scatter [tilespmem:s31], [sflag:$0x1], $0x2000, $0x38;
	[tilespmem:$0x6880] =	vst v63  }
0xa7: {  	_ =	swait.ge [sflag:s17], $0x2000  }
0xa8: {  	[sflag:s17] =	ssyncset.done $0x0  }
0xa9: {  	[sflag:s17] =	ssyncadd.s32 $0xFFFFE000  }
0xaa: {  	[bflag:$0x0] =	sbarrier.arrive $0xFFFF  }
0xab: {  	s16 =	rddreg [dreg:$0xc]  }
0xac: {  	[tilespmem:s0], [sflag:$0x2] =	stream.linear.gather [hbm4b:s16+s1], $0x2800, $0x38;
	[tilespmem:$0x6880] =	vst v63  }
0xad: {  	_ =	swait.ge [sflag:s2], $0x2800  }
0xae: {  	[sflag:s2] =	ssyncset.done $0x0  }
0xaf: {  	[sflag:s2] =	ssyncadd.s32 $0xFFFFD800  }
0xb0: {  	[tilespmem:s1], [sflag:$0x2] =	stream.linear.gather [hbm4b:s3+s1], $0x50, $0x38;
	[tilespmem:$0x6880] =	vst v63  }
0xb1: {  	_ =	swait.ge [sflag:s2], $0x50  }
0xb2: {  	[sflag:s2] =	ssyncset.done $0x0  }
0xb3: {  	[sflag:s2] =	ssyncadd.s32 $0xFFFFFFB0  }
0xb4: {  	[spmem:s21] =	stream.indirect.scatter.add.f32 [tilespmem:s0], [sflag:$0x1], $0x80, s1, s4, $0xb8;
	[tilespmem:$0x6880] =	vst v63  }
0xb5: {  	_ =	swait.ge [sflag:s17], $0x2800  }
0xb6: {  	[sflag:s17] =	ssyncset.done $0x0  }
0xb7: {  	s16 =	rddreg [dreg:$0xd];
	[sflag:s17] =	ssyncadd.s32 $0xFFFFD800  }
0xb8: {  	[tilespmem:s0], [sflag:$0x2] =	stream.linear.gather [hbm4b:s16+s1], $0x2800, $0x38;
	[tilespmem:$0x6880] =	vst v63  }
0xb9: {  	_ =	swait.ge [sflag:s2], $0x2800  }
0xba: {  	[sflag:s2] =	ssyncset.done $0x0  }
0xbb: {  	[sflag:s2] =	ssyncadd.s32 $0xFFFFD800  }
0xbc: {  	[tilespmem:s1], [sflag:$0x2] =	stream.linear.gather [hbm4b:s5+s1], $0x50, $0x38;
	[tilespmem:$0x6880] =	vst v63  }
0xbd: {  	_ =	swait.ge [sflag:s2], $0x50  }
0xbe: {  	[sflag:s2] =	ssyncset.done $0x0  }
0xbf: {  	[sflag:s2] =	ssyncadd.s32 $0xFFFFFFB0  }
0xc0: {  	[spmem:s21] =	stream.indirect.scatter.add.f32 [tilespmem:s0], [sflag:$0x1], $0x80, s1, s4, $0xb8;
	[tilespmem:$0x6880] =	vst v63  }
0xc1: {  	_ =	swait.ge [sflag:s17], $0x2800  }
0xc2: {  	[sflag:s17] =	ssyncset.done $0x0  }
0xc3: {  	s16 =	rddreg [dreg:$0xe];
	[sflag:s17] =	ssyncadd.s32 $0xFFFFD800  }
0xc4: {  	[tilespmem:s0], [sflag:$0x2] =	stream.linear.gather [hbm4b:s16+s1], $0x2800, $0x38;
	[tilespmem:$0x6880] =	vst v63  }
0xc5: {  	_ =	swait.ge [sflag:s2], $0x2800  }
0xc6: {  	[sflag:s2] =	ssyncset.done $0x0  }
0xc7: {  	[sflag:s2] =	ssyncadd.s32 $0xFFFFD800  }
0xc8: {  	[tilespmem:s1], [sflag:$0x2] =	stream.linear.gather [hbm4b:s7+s1], $0x50, $0x38;
	[tilespmem:$0x6880] =	vst v63  }
0xc9: {  	_ =	swait.ge [sflag:s2], $0x50  }
0xca: {  	[sflag:s2] =	ssyncset.done $0x0  }
0xcb: {  	[sflag:s2] =	ssyncadd.s32 $0xFFFFFFB0  }
0xcc: {  	[spmem:s21] =	stream.indirect.scatter.add.f32 [tilespmem:s0], [sflag:$0x1], $0x80, s1, s4, $0xb8;
	[tilespmem:$0x6880] =	vst v63  }
0xcd: {  	_ =	swait.ge [sflag:s17], $0x2800  }
0xce: {  	[sflag:s17] =	ssyncset.done $0x0  }
0xcf: {  	[sflag:s17] =	ssyncadd.s32 $0xFFFFD800  }
0xd0: {  	[tilespmem:s10], [sflag:$0x2] =	stream.linear.gather @!p0 [hbm4b:s18+s8], $0x2800, $0x38;
	[tilespmem:$0x6880] =	vst v63  }
0xd1: {  	_ =	swait.ge @!p0 [sflag:s11], $0x2800  }
0xd2: {  	[sflag:s11] =	ssyncset.done @!p0 $0x0  }
0xd3: {  	[sflag:s11] =	ssyncadd.s32 @!p0 $0xFFFFD800  }
0xd4: {  	[tilespmem:s8], [sflag:$0x2] =	stream.linear.gather @!p0 [hbm4b:s9+s8], $0x50, $0x38;
	[tilespmem:$0x6880] =	vst v63  }
0xd5: {  	_ =	swait.ge @!p0 [sflag:s11], $0x50  }
0xd6: {  	[sflag:s11] =	ssyncset.done @!p0 $0x0  }
0xd7: {  	[sflag:s11] =	ssyncadd.s32 @!p0 $0xFFFFFFB0  }
0xd8: {  	[spmem:s21] =	stream.indirect.scatter.add.f32 @!p0 [tilespmem:s10], [sflag:$0x1], $0x80, s8, s13, $0xb8;
	[tilespmem:$0x6880] =	vst v63  }
0xd9: {  	_ =	swait.ge @!p0 [sflag:s12], $0x2800  }
0xda: {  	[sflag:s12] =	ssyncset.done @!p0 $0x0  }
0xdb: {  	[sflag:s12] =	ssyncadd.s32 @!p0 $0xFFFFD800  }
0xdc: {  	[bflag:$0x0] =	sbarrier.arrive $0xFFFF  }
0xdd: {  	[hbm:s28], [sflag:s14] =	dma.local [spmem:s15], $0x400  }
0xde: {  	_ =	swait.ge [sflag:s17], $0x400  }
0xdf: {  	[sflag:s17] =	ssyncset.done $0x0  }
0xe0: {  	[sflag:s17] =	ssyncadd.s32 $0xFFFFFC00  }
0xe1: {  	[bflag:$0x0] =	sbarrier.arrive $0xFFFF  }
0xe2: {  	[spmem:s24] =	stream.linear.scatter [tilespmem:s31], [sflag:$0x1], $0x2000, $0x38;
	[tilespmem:$0x6880] =	vst v63  }
0xe3: {  	_ =	swait.ge [sflag:s17], $0x2000  }
0xe4: {  	[sflag:s17] =	ssyncset.done $0x0  }
0xe5: {  	[sflag:s17] =	ssyncadd.s32 $0xFFFFE000  }
0xe6: {  	[bflag:$0x0] =	sbarrier.arrive $0xFFFF  }
0xe7: {  	[tilespmem:s0], [sflag:$0x2] =	stream.linear.gather [hbm4b:s19+s1], $0x2800, $0x38;
	[tilespmem:$0x6880] =	vst v63  }
0xe8: {  	_ =	swait.ge [sflag:s2], $0x2800  }
0xe9: {  	[sflag:s2] =	ssyncset.done $0x0  }
0xea: {  	[sflag:s2] =	ssyncadd.s32 $0xFFFFD800  }
0xeb: {  	[tilespmem:s1], [sflag:$0x2] =	stream.linear.gather [hbm4b:s3+s1], $0x50, $0x38;
	[tilespmem:$0x6880] =	vst v63  }
0xec: {  	_ =	swait.ge [sflag:s2], $0x50  }
0xed: {  	[sflag:s2] =	ssyncset.done $0x0  }
0xee: {  	[sflag:s2] =	ssyncadd.s32 $0xFFFFFFB0  }
0xef: {  	[spmem:s21] =	stream.indirect.scatter.add.f32 [tilespmem:s0], [sflag:$0x1], $0x80, s1, s4, $0xb8;
	[tilespmem:$0x6880] =	vst v63  }
0xf0: {  	_ =	swait.ge [sflag:s17], $0x2800  }
0xf1: {  	[sflag:s17] =	ssyncset.done $0x0  }
0xf2: {  	[sflag:s17] =	ssyncadd.s32 $0xFFFFD800  }
0xf3: {  	[tilespmem:s0], [sflag:$0x2] =	stream.linear.gather [hbm4b:s20+s1], $0x2800, $0x38;
	[tilespmem:$0x6880] =	vst v63  }
0xf4: {  	_ =	swait.ge [sflag:s2], $0x2800  }
0xf5: {  	[sflag:s2] =	ssyncset.done $0x0  }
0xf6: {  	[sflag:s2] =	ssyncadd.s32 $0xFFFFD800  }
0xf7: {  	[tilespmem:s1], [sflag:$0x2] =	stream.linear.gather [hbm4b:s5+s1], $0x50, $0x38;
	[tilespmem:$0x6880] =	vst v63  }
0xf8: {  	_ =	swait.ge [sflag:s2], $0x50  }
0xf9: {  	[sflag:s2] =	ssyncset.done $0x0  }
0xfa: {  	[sflag:s2] =	ssyncadd.s32 $0xFFFFFFB0  }
0xfb: {  	[spmem:s21] =	stream.indirect.scatter.add.f32 [tilespmem:s0], [sflag:$0x1], $0x80, s1, s4, $0xb8;
	[tilespmem:$0x6880] =	vst v63  }
0xfc: {  	_ =	swait.ge [sflag:s17], $0x2800  }
0xfd: {  	[sflag:s17] =	ssyncset.done $0x0  }
0xfe: {  	[sflag:s17] =	ssyncadd.s32 $0xFFFFD800  }
0xff: {  	[tilespmem:s0], [sflag:$0x2] =	stream.linear.gather [hbm4b:s22+s1], $0x2800, $0x38;
	[tilespmem:$0x6880] =	vst v63  }
0x100: {  	_ =	swait.ge [sflag:s2], $0x2800  }
0x101: {  	[sflag:s2] =	ssyncset.done $0x0  }
0x102: {  	[sflag:s2] =	ssyncadd.s32 $0xFFFFD800  }
0x103: {  	[tilespmem:s1], [sflag:$0x2] =	stream.linear.gather [hbm4b:s7+s1], $0x50, $0x38;
	[tilespmem:$0x6880] =	vst v63  }
0x104: {  	_ =	swait.ge [sflag:s2], $0x50  }
0x105: {  	[sflag:s2] =	ssyncset.done $0x0  }
0x106: {  	[sflag:s2] =	ssyncadd.s32 $0xFFFFFFB0  }
0x107: {  	[spmem:s21] =	stream.indirect.scatter.add.f32 [tilespmem:s0], [sflag:$0x1], $0x80, s1, s4, $0xb8;
	[tilespmem:$0x6880] =	vst v63  }
0x108: {  	_ =	swait.ge [sflag:s17], $0x2800  }
0x109: {  	[sflag:s17] =	ssyncset.done $0x0  }
0x10a: {  	[sflag:s17] =	ssyncadd.s32 $0xFFFFD800  }
0x10b: {  	[tilespmem:s10], [sflag:$0x2] =	stream.linear.gather @!p0 [hbm4b:s23+s8], $0x2800, $0x38;
	[tilespmem:$0x6880] =	vst v63  }
0x10c: {  	_ =	swait.ge @!p0 [sflag:s11], $0x2800  }
0x10d: {  	[sflag:s11] =	ssyncset.done @!p0 $0x0  }
0x10e: {  	[sflag:s11] =	ssyncadd.s32 @!p0 $0xFFFFD800  }
0x10f: {  	[tilespmem:s8], [sflag:$0x2] =	stream.linear.gather @!p0 [hbm4b:s9+s8], $0x50, $0x38;
	[tilespmem:$0x6880] =	vst v63  }
0x110: {  	_ =	swait.ge @!p0 [sflag:s11], $0x50  }
0x111: {  	[sflag:s11] =	ssyncset.done @!p0 $0x0  }
0x112: {  	[sflag:s11] =	ssyncadd.s32 @!p0 $0xFFFFFFB0  }
0x113: {  	[spmem:s21] =	stream.indirect.scatter.add.f32 @!p0 [tilespmem:s10], [sflag:$0x1], $0x80, s8, s13, $0xb8;
	[tilespmem:$0x6880] =	vst v63  }
0x114: {  	_ =	swait.ge @!p0 [sflag:s12], $0x2800  }
0x115: {  	[sflag:s12] =	ssyncset.done @!p0 $0x0  }
0x116: {  	s6 =	sadd.s32 $0x1, s6;
	[sflag:s12] =	ssyncadd.s32 @!p0 $0xFFFFD800  }
0x117: {  	p1 =	sne.s32 s6, s30;
	[bflag:$0x0] =	sbarrier.arrive $0xFFFF  }
0x118: {  	[hbm:s29], [sflag:s14] =	dma.local [spmem:s15], $0x400  }
.Ltmp1:
0x119: {  	_ =	swait.ge [sflag:s17], $0x400;
	(pc) =	sbr.rel @p1 .LBB2_1-.Ltmp1, $3  }
0x11a: {  	[sflag:s17] =	ssyncset.done $0x0  }
0x11b: {  	[sflag:s17] =	ssyncadd.s32 $0xFFFFFC00  }
0x11c: {  	[bflag:$0x0] =	sbarrier.arrive $0xFFFF;
	_ =	sdelay $0x1  }
0x11d: {  	_ =	sfence.sel $0x180000  }
0x11e: {  	[bflag:$0x0] =	sbarrier.arrive $0xFFFF  }
0x11f: {  	_ =	strace $0x90000050  }
0x120: {  	s0 =	stileid.u32;
	[bflag:$0x2] =	sbarrier.arrive $0xFFFF  }
0x121: {  	p0 =	sne.s32 s0, $0x0;
	s0 =	rddreg [dreg:$0x3]  }
0x122: {  	s0 =	sadd.s32 @!p0 $0x100000, s0  }
0x123: {  	[sflag:s0] =	ssyncadd.tile.s32 @!p0 $0x1;
	_ =	shalt  }
.Lfunc_end2:
_tile_overlayer_lowered:
.L_overlay_start_2:
0x124: {  	(tag) =	ssettag $0x2  }
0x125: {  	s0 =	rddreg [dreg:$0x0];
	s2 =	stileid.u32  }
0x126: {  	s1 =	rddreg [dreg:$0x1];
	p0 =	sne.s32 s2, $0x0  }
0x127: {  	s3 =	rddreg [dreg:$0x2];
	[bflag:$0x3] =	sbarrier.arrive $0xFFFF;
	s2 =	simm.s32 @!p0 $0x1C01  }
0x128: {  	[timem:s3], [sflag:s2] =	dma.local @!p0 [hbm:s0], s1  }
0x129: {  	s0 =	simm.s32 @!p0 $0x1  }
0x12a: {  	_ =	swait.ge @!p0 [sflag:s0], s1  }
0x12b: {  	s1 =	ssub.s32 @!p0 $0x0, s1;
	[sflag:s0] =	ssyncset.done @!p0 $0x0  }
0x12c: {  	[sflag:s0] =	ssyncadd.s32 @!p0 s1  }
0x12d: {  	[bflag:$0x3] =	sbarrier.arrive $0xFFFF  }
0x12e: {  	_ =	shalt  }

// kernel: kernel.8.cloned.1.call-start
scs
__scs_entry_jumppad:
0x0: {  	(pc) =	sbr.rel $0x88, $3  }
0x1: {  	(tag) =	ssettag $0x0;
	lr =	simm.s32 $0x1  }
0x2: {  	[smem:$0x3F99] =	sst lr;
	_ =	strace $0xD0000000  }
0x3: {  	_ = 	snop  }
0x4: {  	_ = 	snop  }
0x5: {  	_ = 	snop  }
0x6: {  	_ = 	snop  }
0x7: {  	_ = 	snop  }
__scs_overlays_trampoline_lowered:
0x8: {  	[smem:$0x3FA8] =	sst s0  }
0x9: {  	[smem:$0x3FA9] =	sst s1  }
0xa: {  	[smem:$0x3FAA] =	sst s2  }
0xb: {  	[smem:$0x3FAB] =	sst s3  }
0xc: {  	[smem:$0x3FAC] =	sst s4  }
0xd: {  	[smem:$0x3FAD] =	sst s5  }
0xe: {  	[smem:$0x3FAE] =	sst s6  }
0xf: {  	[smem:$0x3FAF] =	sst s7  }
0x10: {  	[smem:$0x3FB0] =	sst s8  }
0x11: {  	[smem:$0x3FB1] =	sst s9;
	s0 =	simm.s32 @!p0 $0x0  }
0x12: {  	s1 =	sld [smem:$0x3F97];
	s0 =	simm.s32 @p0 $0x1  }
0x13: {  	[smem:$0x3FB2] =	sst s0;
	s0 =	simm.s32 @!p1 $0x0  }
0x14: {  	s2 =	sld [smem:$0x3F96];
	s0 =	simm.s32 @p1 $0x1  }
0x15: {  	[smem:$0x3FB3] =	sst s0;
	s0 =	simm.s32 @!p2 $0x0  }
0x16: {  	s3 =	sld [smem:$0x3FDB];
	s0 =	simm.s32 @p2 $0x1  }
0x17: {  	s4 =	simm.s32 $0x1BF5;
	[smem:$0x3FB5] =	sst s0  }
0x18: {  	s0 =	sld [smem:$0x3F98];
	_ =	swait.ge [sflag:s4], $0x0  }
0x19: {  	s7 =	sld [smem:$0x3F99]  }
0x1a: {  	s8 =	sadd.s32 $0xFFFFE003, lr  }
0x1b: {  	s9 =	sadd.s32 $0xFFFFFEF7, lr;
	s5 =	simm.s32 $0xFFFFFFFF;
	p2 =	slt.u32 s8, $0xFFFFF086  }
0x1c: {  	p1 =	slt.u32 s9, $0xF7A;
	s5 =	simm.s32 @!p2 $0x0  }
0x1d: {  	s5 =	simm.s32 @p1 $0x1;
	p0 =	seq.s32 s7, s2  }
0x1e: {  	s7 =	smul.u32 @!p0 $0xF7A, s2;
	p2 =	seq.s32 @!p0 s5, $0x0  }
0x1f: {  	s9 =	smul.u32 $0xF7A, s1;
	s8 =	simm.s32 @!p0 $0x1BF5;
	p2 =	por !p2, p0  }
0x20: {  	[sflag:s8] =	ssyncset.s32 @!p0 $0xFFFFF086;
	s6 =	sadd.s32 @!p0 s3, s7;
	s7 =	simm.s32 @!p0 $0x108  }
0x21: {  	s3 =	sadd.s32 s3, s9;
	s6 =	sadd.s32 @!p0 $0x88, s6;
	s7 =	simm.s32 @p2 $0x1082  }
0x22: {  	[simem:s7], [sflag:s8] =	dma.local @!p0 [hbm:s6], $0xF7A  }
0x23: {  	s9 =	sor.u32 $0xD0000000, s2;
	s6 =	simm.s32 $0x108;
	_ =	swait.ge @!p0 [sflag:s8], $0x0  }
0x24: {  	s3 =	sadd.s32 $0x88, s3;
	s6 =	simm.s32 @!p1 $0x1082;
	[sflag:s4] =	ssyncset.s32 $0xFFFFF086  }
0x25: {  	[simem:s6], [sflag:s4] =	dma.local [hbm:s3], $0xF7A  }
0x26: {  	[smem:$0x3F99] =	sst s1;
	(tag) =	ssettag s2;
	_ =	strace s9  }
0x27: {  	s1 =	sld [smem:$0x3FA9]  }
0x28: {  	s2 =	sld [smem:$0x3FAA]  }
0x29: {  	s4 =	sld [smem:$0x3FAC]  }
0x2a: {  	p0 =	seq.s32 s5, $0x0;
	s5 =	sld [smem:$0x3FAD]  }
0x2b: {  	s6 =	sld [smem:$0x3FAE]  }
0x2c: {  	s7 =	sld [smem:$0x3FAF]  }
0x2d: {  	s3 =	simm.s32 $0x108;
	s8 =	sld [smem:$0x3FB0]  }
0x2e: {  	s3 =	simm.s32 @!p0 $0x1082;
	s9 =	sld [smem:$0x3FB1]  }
0x2f: {  	lr =	sadd.s32 s0, s3;
	s0 =	sld [smem:$0x3FA8]  }
0x30: {  	s3 =	sld [smem:$0x3FAB]  }
0x31: {  	[smem:$0x3FB4] =	sst s10  }
0x32: {  	s10 =	sld [smem:$0x3FB2];
	_ =	sdelay $0x3  }
0x33: {  	p0 =	seq.s32 s10, $0x1;
	s10 =	sld [smem:$0x3FB4];
	_ =	sdelay $0x3  }
0x34: {  	[smem:$0x3FB4] =	sst s10  }
0x35: {  	s10 =	sld [smem:$0x3FB3];
	_ =	sdelay $0x3  }
0x36: {  	p1 =	seq.s32 s10, $0x1;
	s10 =	sld [smem:$0x3FB4];
	_ =	sdelay $0x3  }
0x37: {  	[smem:$0x3FB4] =	sst s10  }
0x38: {  	s10 =	sld [smem:$0x3FB5]  }
0x39: {  	_ = 	snop;
	(pc) =	sbr.ind lr, $3  }
0x3a: {  	_ = 	snop  }
0x3b: {  	_ = 	snop  }
0x3c: {  	p2 =	seq.s32 s10, $0x1;
	s10 =	sld [smem:$0x3FB4]  }
0x3d: {  	_ =	shalt  }
0x3e: {  	_ =	shalt  }
0x3f: {  	_ =	shalt  }
0x40: {  	_ =	shalt  }
0x41: {  	_ =	shalt  }
0x42: {  	_ =	shalt  }
0x43: {  	_ =	shalt  }
0x44: {  	_ =	shalt  }
0x45: {  	_ =	shalt  }
0x46: {  	_ =	shalt  }
0x47: {  	_ =	shalt  }
0x48: {  	_ =	shalt  }
0x49: {  	_ =	shalt  }
0x4a: {  	_ =	shalt  }
0x4b: {  	_ =	shalt  }
0x4c: {  	_ =	shalt  }
0x4d: {  	_ =	shalt  }
0x4e: {  	_ =	shalt  }
0x4f: {  	_ =	shalt  }
0x50: {  	_ =	shalt  }
0x51: {  	_ =	shalt  }
0x52: {  	_ =	shalt  }
0x53: {  	_ =	shalt  }
0x54: {  	_ =	shalt  }
0x55: {  	_ =	shalt  }
0x56: {  	_ =	shalt  }
0x57: {  	_ =	shalt  }
0x58: {  	_ =	shalt  }
0x59: {  	_ =	shalt  }
0x5a: {  	_ =	shalt  }
0x5b: {  	_ =	shalt  }
0x5c: {  	_ =	shalt  }
0x5d: {  	_ =	shalt  }
0x5e: {  	_ =	shalt  }
0x5f: {  	_ =	shalt  }
0x60: {  	_ =	shalt  }
0x61: {  	_ =	shalt  }
0x62: {  	_ =	shalt  }
0x63: {  	_ =	shalt  }
0x64: {  	_ =	shalt  }
0x65: {  	_ =	shalt  }
0x66: {  	_ =	shalt  }
0x67: {  	_ =	shalt  }
0x68: {  	_ =	shalt  }
0x69: {  	_ =	shalt  }
0x6a: {  	_ =	shalt  }
0x6b: {  	_ =	shalt  }
0x6c: {  	_ =	shalt  }
0x6d: {  	_ =	shalt  }
0x6e: {  	_ =	shalt  }
0x6f: {  	_ =	shalt  }
0x70: {  	_ =	shalt  }
0x71: {  	_ =	shalt  }
0x72: {  	_ =	shalt  }
0x73: {  	_ =	shalt  }
0x74: {  	_ =	shalt  }
0x75: {  	_ =	shalt  }
0x76: {  	_ =	shalt  }
0x77: {  	_ =	shalt  }
0x78: {  	_ =	shalt  }
0x79: {  	_ =	shalt  }
0x7a: {  	_ =	shalt  }
0x7b: {  	_ =	shalt  }
0x7c: {  	_ =	shalt  }
0x7d: {  	_ =	shalt  }
0x7e: {  	_ =	shalt  }
0x7f: {  	_ =	shalt  }
0x80: {  	_ =	shalt  }
0x81: {  	_ =	shalt  }
0x82: {  	_ =	shalt  }
0x83: {  	_ =	shalt  }
0x84: {  	_ =	shalt  }
0x85: {  	_ =	shalt  }
0x86: {  	_ =	shalt  }
0x87: {  	_ =	shalt  }
.Lfunc_end0:
.L_simem_size_0:
called_computation_lowered:
.L_overlay_start_0:
0x88: {  	s2 =	sld [smem:$0x3FD9]  }
0x89: {  	s3 =	sld [smem:$0x3FFE];
	_ =	sdelay $0x1  }
0x8a: {  	s1 =	srdreg.scid  }
0x8b: {  	s0 =	sand.u32 $0x1, s1  }
0x8c: {  	s17 =	sshll.u32 s0, $0xA;
	s2 =	sadd.s32 s3, s2  }
0x8d: {  	s2 =	sadd.s32 s2, s17  }
0x8e: {  	[smem:$0x3FC0] =	sst s2  }
0x8f: {  	_ = 	snop  }
0x90: {  	s2 =	sld [smem:$0x3FC9]  }
0x91: {  	s18 =	sld [smem:$0x3FC5];
	(tm) =	ssettm $0x1  }
0x92: {  	s4 =	sld [smem:$0x3FFB];
	_ =	sdelay $0x3  }
0x93: {  	_ =	strace s4  }
0x94: {  	s4 =	sld [smem:$0x3FFC];
	_ =	sdelay $0x3  }
0x95: {  	_ =	strace s4  }
0x96: {  	s4 =	sld [smem:$0x3FFD];
	_ =	sdelay $0x3  }
0x97: {  	_ =	strace s4  }
0x98: {  	_ =	strace $0x8FFFFFFF  }
0x99: {  	s19 =	sld [smem:$0x3FDB];
	_ =	sdelay $0x1  }
0x9a: {  	s5 =	simm.s32 $_scs_section_size  }
0x9b: {  	s6 =	simm.s32 $_size__tile_overlayer_lowered;
	s7 =	simm.s32 $_tile_overlayer_lowered  }
0x9c: {  	s22 =	simm.s32 $0x1BFF;
	s21 =	sshll.u32 s7, $0x1;
	s4 =	sadd.s32 s5, s19  }
0x9d: {  	s8 =	simm.s32 $0x0;
	s20 =	sshll.u32 s6, $0x1;
	s6 =	sadd.s32 s21, s4  }
0x9e: {  	[timem:s8], [sflag:s22] =	dma.local [hbm:s6], s20  }
0x9f: {  	_ =	swait.ge [sflag:s22], s20  }
0xa0: {  	s5 =	ssub.s32 $0x0, s20;
	[sflag:s22] =	ssyncset.done $0x0  }
0xa1: {  	[sflag:s22] =	ssyncadd.s32 s5;
	_ =	sdelay $0x1  }
0xa2: {  	s23 =	simm.s32 $0x1B8B  }
0xa3: {  	_ =	swait.ge [sflag:s23], $0x1  }
0xa4: {  	[sflag:s23] =	ssyncset.done $0x0  }
0xa5: {  	s25 =	simm.s32 $0x1B8E;
	s24 =	sld [smem:$0x3FFE];
	[sflag:s23] =	ssyncadd.s32 $0xFFFFFFFF  }
0xa6: {  	s26 =	simm.s32 $execute0_lowered;
	[smem:$0x3FD2] =	sst s25  }
0xa7: {  	s6 =	sshll.u32 s26, $0x1;
	_ =	strace $0x80000046;
	[dreg:$0x1] =	wrdreg $0xFFFFFFFF  }
0xa8: {  	s28 =	simm.s32 $_size_execute0_lowered;
	s4 =	sadd.s32 s4, s6;
	[dreg:$0x0] =	wrdreg $0x0  }
0xa9: {  	s6 =	sshll.u32 s28, $0x1;
	[dreg:$0x2] =	wrdreg s4  }
0xaa: {  	[dreg:$0x3] =	wrdreg s6  }
0xab: {  	[dreg:$0x4] =	wrdreg $0xC0  }
0xac: {  	_ =	task [dreg:s8], $0x5FFFF  }
0xad: {  	[dreg:$0x1] =	wrdreg $0xFFFFFFFF  }
0xae: {  	[dreg:$0x0] =	wrdreg $0x60  }
0xaf: {  	[dreg:$0x2] =	wrdreg s2  }
0xb0: {  	[dreg:$0x3] =	wrdreg s18  }
0xb1: {  	[dreg:$0x4] =	wrdreg s24  }
0xb2: {  	[dreg:$0x5] =	wrdreg $0x9  }
0xb3: {  	_ =	task.clear_ibuf [dreg:s8], $0x6FFFF;
	_ =	strace $0x90000046  }
0xb4: {  	s29 =	simm.s32 $0x9;
	_ =	strace $0x80000048  }
0xb5: {  	_ =	swait.ge [sflag:s29], $0x1  }
0xb6: {  	[sflag:s29] =	ssyncadd.s32 $0xFFFFFFFF  }
0xb7: {  	_ =	strace $0x90000048  }
0xb8: {  	_ =	sfence  }
0xb9: {  	s30 =	sld [smem:$0x0];
	_ =	sdelay $0x2  }
0xba: {  	s31 =	sshll.u32 s1, $0xD;
	s1 =	sshrl.u32 s1, $0x2  }
0xbb: {  	s3 =	sand.u32 $0x4000, s31;
	s1 =	sadd.s32 s1, s30  }
0xbc: {  	s0 =	sor.u32 s3, s0;
	s1 =	sshll.u32 s1, $0x11  }
0xbd: {  	s0 =	sor.u32 s1, s0  }
0xbe: {  	s0 =	sadd.s32 $0x8F2B, s0  }
0xbf: {  	[sflag:s0] =	ssyncadd.remote.s32 $0x1  }
0xc0: {  	_ =	sfence.sel $0xFFFF  }
0xc1: {  	[dreg:$0x0] =	wrdreg $0xFFFFFFFF;
	(pc) =	sbr.abs _section_cstart, $3  }
0xc2: {  	[dreg:$0x1] =	wrdreg $0xFFFFFFFF  }
0xc3: {  	_ =	task.clear_ibuf [dreg:s8], $0x2FFFF;
	_ =	strace $0x9FFFFFFF  }
0xc4: {  	(tm) =	ssettm $0x7FFFFFFF  }
0xc5: {  	_ =	shalt  }
tec
execute0_lowered:
.L_overlay_start_1:
0x0: {  	(tag) =	ssettag $0x1  }
0x1: {  	s1 =	srdreg.scid;
	s0 =	stileid.u32  }
0x2: {  	s2 =	rddreg [dreg:$0x0];
	s17 =	sand.u32 $0x1, s1;
	s30 =	sshll.u32 s0, $0x1  }
0x3: {  	s14 =	rddreg [dreg:$0x1];
	s13 =	sor.u32 s17, s30  }
0x4: {  	s8 =	rddreg [dreg:$0x2];
	s3 =	simm.s32 $0x0;
	s4 =	smul.u32 $0xA, s13  }
0x5: {  	s5 =	simm.s32 $0x2;
	[smem:$0x7FF] =	sst s3  }
0x6: {  	s1 =	rddreg [dreg:$0x3];
	_ =	strace $0x80000047;
	s4 =	sadd.s32 s14, s4  }
0x7: {  	[tilespmem:s3], [sflag:$0x2] =	stream.linear.gather [hbm4b:s4+s3], $0x50, $0x38;
	[tilespmem:$0x2880] =	vst v63  }
0x8: {  	_ =	swait.ge [sflag:s5], $0x50  }
0x9: {  	[sflag:s5] =	ssyncset.done $0x0  }
0xa: {  	s6 =	simm.s32 $0x50;
	s7 =	simm.s32 $0x80;
	[sflag:s5] =	ssyncadd.s32 $0xFFFFFFB0  }
0xb: {  	[tilespmem:s7], [sflag:$0x2] =	stream.indirect.gather [hbm4b:s2+s6], $0x80, s3, s6, $0xb8;
	[tilespmem:$0x2880] =	vst v63  }
0xc: {  	s9 =	smul.u32 $0x500, s13;
	_ =	swait.ge [sflag:s5], $0x2800  }
0xd: {  	s19 =	sadd.s32 $0x1200, s8;
	s11 =	sor.u32 $0x20, s13;
	[sflag:s5] =	ssyncset.done $0x0  }
0xe: {  	s8 =	sadd.s32 s19, s9;
	s9 =	simm.s32 $0x1;
	[sflag:s5] =	ssyncadd.s32 $0xFFFFD800  }
0xf: {  	[hbm4b:s8+s3] =	stream.linear.scatter [tilespmem:s7], [sflag:$0x1], $0x2800, $0x38;
	[tilespmem:$0x2880] =	vst v63  }
0x10: {  	s10 =	smul.u32 $0xA, s11;
	_ =	swait.ge [sflag:s9], $0x2800  }
0x11: {  	[sflag:s9] =	ssyncset.done $0x0  }
0x12: {  	s10 =	sadd.s32 s14, s10;
	[sflag:s9] =	ssyncadd.s32 $0xFFFFD800  }
0x13: {  	[tilespmem:s3], [sflag:$0x2] =	stream.linear.gather [hbm4b:s10+s3], $0x50, $0x38;
	[tilespmem:$0x2880] =	vst v63  }
0x14: {  	_ =	swait.ge [sflag:s5], $0x50  }
0x15: {  	[sflag:s5] =	ssyncset.done $0x0  }
0x16: {  	[sflag:s5] =	ssyncadd.s32 $0xFFFFFFB0  }
0x17: {  	[tilespmem:s7], [sflag:$0x2] =	stream.indirect.gather [hbm4b:s2+s6], $0x80, s3, s6, $0xb8;
	[tilespmem:$0x2880] =	vst v63  }
0x18: {  	s11 =	smul.u32 $0x500, s11;
	_ =	swait.ge [sflag:s5], $0x2800  }
0x19: {  	[sflag:s5] =	ssyncset.done $0x0  }
0x1a: {  	s15 =	sor.u32 $0x40, s13;
	s11 =	sadd.s32 s19, s11;
	[sflag:s5] =	ssyncadd.s32 $0xFFFFD800  }
0x1b: {  	[hbm4b:s11+s3] =	stream.linear.scatter [tilespmem:s7], [sflag:$0x1], $0x2800, $0x38;
	[tilespmem:$0x2880] =	vst v63  }
0x1c: {  	s12 =	smul.u32 $0xA, s15;
	_ =	swait.ge [sflag:s9], $0x2800  }
0x1d: {  	[sflag:s9] =	ssyncset.done $0x0  }
0x1e: {  	s12 =	sadd.s32 s14, s12;
	[sflag:s9] =	ssyncadd.s32 $0xFFFFD800  }
0x1f: {  	[tilespmem:s3], [sflag:$0x2] =	stream.linear.gather [hbm4b:s12+s3], $0x50, $0x38;
	[tilespmem:$0x2880] =	vst v63  }
0x20: {  	_ =	swait.ge [sflag:s5], $0x50  }
0x21: {  	[sflag:s5] =	ssyncset.done $0x0  }
0x22: {  	[sflag:s5] =	ssyncadd.s32 $0xFFFFFFB0  }
0x23: {  	[tilespmem:s7], [sflag:$0x2] =	stream.indirect.gather [hbm4b:s2+s6], $0x80, s3, s6, $0xb8;
	[tilespmem:$0x2880] =	vst v63  }
0x24: {  	s15 =	smul.u32 $0x500, s15;
	_ =	swait.ge [sflag:s5], $0x2800  }
0x25: {  	s20 =	ssub.s32 $0x2, s17;
	[sflag:s5] =	ssyncset.done $0x0  }
0x26: {  	s18 =	sor.u32 $0x60, s13;
	s13 =	sadd.s32 s19, s15;
	[sflag:s5] =	ssyncadd.s32 $0xFFFFD800  }
0x27: {  	[hbm4b:s13+s3] =	stream.linear.scatter [tilespmem:s7], [sflag:$0x1], $0x2800, $0x38;
	[tilespmem:$0x2880] =	vst v63  }
0x28: {  	s31 =	smul.u32 $0xA, s18;
	p0 =	sgt.u32 s18, $0x7C;
	_ =	swait.ge [sflag:s9], $0x2800  }
0x29: {  	s21 =	sshrl.u32 s20, $0x1;
	s16 =	simm.s32 @!p0 $0x2;
	[sflag:s9] =	ssyncset.done $0x0  }
0x2a: {  	s14 =	sadd.s32 s14, s31;
	s15 =	simm.s32 @!p0 $0x0;
	[sflag:s9] =	ssyncadd.s32 $0xFFFFD800  }
0x2b: {  	[tilespmem:s15], [sflag:$0x2] =	stream.linear.gather @!p0 [hbm4b:s14+s15], $0x50, $0x38;
	[tilespmem:$0x2880] =	vst v63  }
0x2c: {  	s22 =	smul.u32 $0x500, s18;
	s20 =	ssub.s32 s20, s21;
	_ =	swait.ge @!p0 [sflag:s16], $0x50  }
0x2d: {  	s17 =	simm.s32 @!p0 $0x50;
	s21 =	smax.u32 s20, $0x1;
	[sflag:s16] =	ssyncset.done @!p0 $0x0  }
0x2e: {  	s18 =	simm.s32 @!p0 $0x80;
	s21 =	sadd.s32 $0xFFFFFFFF, s21;
	[sflag:s16] =	ssyncadd.s32 @!p0 $0xFFFFFFB0  }
0x2f: {  	[tilespmem:s18], [sflag:$0x2] =	stream.indirect.gather @!p0 [hbm4b:s2+s17], $0x80, s15, s17, $0xb8;
	[tilespmem:$0x2880] =	vst v63  }
0x30: {  	p1 =	sne.s32 s21, $0x0;
	_ =	swait.ge @!p0 [sflag:s16], $0x2800  }
.Ltmp0:
0x31: {  	[sflag:s16] =	ssyncset.done @!p0 $0x0;
	(pc) =	sbr.rel @!p1 .LBB2_2-.Ltmp0, $4  }
0x32: {  	s20 =	sadd.s32 s19, s22;
	s19 =	simm.s32 @!p0 $0x1;
	[sflag:s16] =	ssyncadd.s32 @!p0 $0xFFFFD800  }
0x33: {  	[hbm4b:s20+s15] =	stream.linear.scatter @!p0 [tilespmem:s18], [sflag:$0x1], $0x2800, $0x38;
	[tilespmem:$0x2880] =	vst v63  }
0x34: {  	_ =	swait.ge @!p0 [sflag:s19], $0x2800  }
0x35: {  	[sflag:s19] =	ssyncset.done @!p0 $0x0  }
.LBB2_1:
0x36: {  	s21 =	sadd.s32 $0xFFFFFFFF, s21;
	[sflag:s19] =	ssyncadd.s32 @!p0 $0xFFFFD800  }
0x37: {  	[tilespmem:s3], [sflag:$0x2] =	stream.linear.gather [hbm4b:s4+s3], $0x50, $0x38;
	[tilespmem:$0x2880] =	vst v63  }
0x38: {  	p1 =	sne.s32 s21, $0x0;
	_ =	swait.ge [sflag:s5], $0x50  }
0x39: {  	[sflag:s5] =	ssyncset.done $0x0  }
0x3a: {  	[sflag:s5] =	ssyncadd.s32 $0xFFFFFFB0  }
0x3b: {  	[tilespmem:s7], [sflag:$0x2] =	stream.indirect.gather [hbm4b:s2+s6], $0x80, s3, s6, $0xb8;
	[tilespmem:$0x2880] =	vst v63  }
0x3c: {  	_ =	swait.ge [sflag:s5], $0x2800  }
0x3d: {  	[sflag:s5] =	ssyncset.done $0x0  }
0x3e: {  	[sflag:s5] =	ssyncadd.s32 $0xFFFFD800  }
0x3f: {  	[hbm4b:s8+s3] =	stream.linear.scatter [tilespmem:s7], [sflag:$0x1], $0x2800, $0x38;
	[tilespmem:$0x2880] =	vst v63  }
0x40: {  	_ =	swait.ge [sflag:s9], $0x2800  }
0x41: {  	[sflag:s9] =	ssyncset.done $0x0  }
0x42: {  	[sflag:s9] =	ssyncadd.s32 $0xFFFFD800  }
0x43: {  	[tilespmem:s3], [sflag:$0x2] =	stream.linear.gather [hbm4b:s10+s3], $0x50, $0x38;
	[tilespmem:$0x2880] =	vst v63  }
0x44: {  	_ =	swait.ge [sflag:s5], $0x50  }
0x45: {  	[sflag:s5] =	ssyncset.done $0x0  }
0x46: {  	[sflag:s5] =	ssyncadd.s32 $0xFFFFFFB0  }
0x47: {  	[tilespmem:s7], [sflag:$0x2] =	stream.indirect.gather [hbm4b:s2+s6], $0x80, s3, s6, $0xb8;
	[tilespmem:$0x2880] =	vst v63  }
0x48: {  	_ =	swait.ge [sflag:s5], $0x2800  }
0x49: {  	[sflag:s5] =	ssyncset.done $0x0  }
0x4a: {  	[sflag:s5] =	ssyncadd.s32 $0xFFFFD800  }
0x4b: {  	[hbm4b:s11+s3] =	stream.linear.scatter [tilespmem:s7], [sflag:$0x1], $0x2800, $0x38;
	[tilespmem:$0x2880] =	vst v63  }
0x4c: {  	_ =	swait.ge [sflag:s9], $0x2800  }
0x4d: {  	[sflag:s9] =	ssyncset.done $0x0  }
0x4e: {  	[sflag:s9] =	ssyncadd.s32 $0xFFFFD800  }
0x4f: {  	[tilespmem:s3], [sflag:$0x2] =	stream.linear.gather [hbm4b:s12+s3], $0x50, $0x38;
	[tilespmem:$0x2880] =	vst v63  }
0x50: {  	_ =	swait.ge [sflag:s5], $0x50  }
0x51: {  	[sflag:s5] =	ssyncset.done $0x0  }
0x52: {  	[sflag:s5] =	ssyncadd.s32 $0xFFFFFFB0  }
0x53: {  	[tilespmem:s7], [sflag:$0x2] =	stream.indirect.gather [hbm4b:s2+s6], $0x80, s3, s6, $0xb8;
	[tilespmem:$0x2880] =	vst v63  }
0x54: {  	_ =	swait.ge [sflag:s5], $0x2800  }
0x55: {  	[sflag:s5] =	ssyncset.done $0x0  }
0x56: {  	[sflag:s5] =	ssyncadd.s32 $0xFFFFD800  }
0x57: {  	[hbm4b:s13+s3] =	stream.linear.scatter [tilespmem:s7], [sflag:$0x1], $0x2800, $0x38;
	[tilespmem:$0x2880] =	vst v63  }
0x58: {  	_ =	swait.ge [sflag:s9], $0x2800  }
0x59: {  	[sflag:s9] =	ssyncset.done $0x0  }
0x5a: {  	[sflag:s9] =	ssyncadd.s32 $0xFFFFD800  }
0x5b: {  	[tilespmem:s15], [sflag:$0x2] =	stream.linear.gather @!p0 [hbm4b:s14+s15], $0x50, $0x38;
	[tilespmem:$0x2880] =	vst v63  }
0x5c: {  	_ =	swait.ge @!p0 [sflag:s16], $0x50  }
0x5d: {  	[sflag:s16] =	ssyncset.done @!p0 $0x0  }
0x5e: {  	[sflag:s16] =	ssyncadd.s32 @!p0 $0xFFFFFFB0  }
0x5f: {  	[tilespmem:s18], [sflag:$0x2] =	stream.indirect.gather @!p0 [hbm4b:s2+s17], $0x80, s15, s17, $0xb8;
	[tilespmem:$0x2880] =	vst v63  }
0x60: {  	_ =	swait.ge @!p0 [sflag:s16], $0x2800  }
.Ltmp1:
0x61: {  	[sflag:s16] =	ssyncset.done @!p0 $0x0;
	(pc) =	sbr.rel @p1 .LBB2_1-.Ltmp1, $4  }
0x62: {  	[sflag:s16] =	ssyncadd.s32 @!p0 $0xFFFFD800  }
0x63: {  	[hbm4b:s20+s15] =	stream.linear.scatter @!p0 [tilespmem:s18], [sflag:$0x1], $0x2800, $0x38;
	[tilespmem:$0x2880] =	vst v63  }
0x64: {  	_ =	swait.ge @!p0 [sflag:s19], $0x2800  }
0x65: {  	[sflag:s19] =	ssyncset.done @!p0 $0x0  }
.LBB2_2:
0x66: {  	[sflag:s19] =	ssyncadd.s32 @!p0 $0xFFFFD800  }
0x67: {  	_ =	sfence.sel $0x180000  }
0x68: {  	[bflag:$0x0] =	sbarrier.arrive $0xFFFF  }
0x69: {  	p0 =	sne.s32 s0, $0x0;
	_ =	strace $0x90000047  }
0x6a: {  	s0 =	sadd.s32 @!p0 $0x100000, s1;
	[bflag:$0x2] =	sbarrier.arrive $0xFFFF  }
0x6b: {  	[sflag:s0] =	ssyncadd.tile.s32 @!p0 $0x1;
	_ =	shalt  }
.Lfunc_end2:
_tile_overlayer_lowered:
.L_overlay_start_2:
0x6c: {  	(tag) =	ssettag $0x2  }
0x6d: {  	s0 =	rddreg [dreg:$0x0];
	s2 =	stileid.u32  }
0x6e: {  	s1 =	rddreg [dreg:$0x1];
	p0 =	sne.s32 s2, $0x0  }
0x6f: {  	s3 =	rddreg [dreg:$0x2];
	[bflag:$0x3] =	sbarrier.arrive $0xFFFF;
	s2 =	simm.s32 @!p0 $0x1C01  }
0x70: {  	[timem:s3], [sflag:s2] =	dma.local @!p0 [hbm:s0], s1  }
0x71: {  	s0 =	simm.s32 @!p0 $0x1  }
0x72: {  	_ =	swait.ge @!p0 [sflag:s0], s1  }
0x73: {  	s1 =	ssub.s32 @!p0 $0x0, s1;
	[sflag:s0] =	ssyncset.done @!p0 $0x0  }
0x74: {  	[sflag:s0] =	ssyncadd.s32 @!p0 s1  }
0x75: {  	[bflag:$0x3] =	sbarrier.arrive $0xFFFF  }
0x76: {  	_ =	shalt  }

</sc_bundles>
